<compile_context>
chip_gen: v7x
topology: tpu7x:2x2x1
jax: 0.10.2.dev20260603
libtpu: 0.0.44.dev20260713+nightly
codegen_flags: <defaults>
</compile_context>

<pallas_src>
import functools

import numpy as np
import jax
import jax.numpy as jnp
from jax import lax
from jax.experimental import pallas as pl
from jax.experimental.pallas import tpu as pltpu
from jax.experimental.pallas import tpu_sc as plsc

_TINY = np.float32(np.finfo(np.float32).tiny)
_BIG = np.int32(2**30)
_K1 = 0
_K2 = 42
_KX = _K1 ^ _K2 ^ 0x1BD11BDA
_KS = (_K1, _K2, _KX)
_ROTS = ((13, 15, 26, 6), (17, 29, 16, 24))


def _rotl(x, r):
    return (x << r) | lax.shift_right_logical(x, 32 - r)


def _threefry_bits(cnt):
    x1 = cnt + np.int32(_KS[1])
    x0 = x1
    x1 = _rotl(x1, 13) ^ x0
    for r in _ROTS[0][1:]:
        x0 = x0 + x1
        x1 = _rotl(x1, r) ^ x0
    x0 = x0 + np.int32(_KS[1])
    x1 = x1 + np.int32(_KS[2] + 1)
    for i in range(1, 5):
        for r in _ROTS[i % 2]:
            x0 = x0 + x1
            x1 = _rotl(x1, r) ^ x0
        x0 = x0 + np.int32(_KS[(i + 1) % 3])
        x1 = x1 + np.int32(_KS[(i + 2) % 3] + i + 1)
    return x0 ^ x1


def _sample_body(x_ref, w2_ref, row_ref, off_ref, rmax_ref, ridx_ref, *,
                 nb, ns_pairs, batch, num_blocks):
    k = pl.program_id(0)
    xb = x_ref[...].astype(jnp.bfloat16)
    w2 = w2_ref[...]
    acqt = lax.dot_general(w2, xb, (((1,), (1,)), ((), ())),
                           preferred_element_type=jnp.float32)
    m = jnp.mean(acqt, axis=1, keepdims=True)
    d = acqt - m
    var = jnp.sum(d * d, axis=1, keepdims=True) * np.float32(1.0 / (batch - 1))
    std = jnp.sqrt(var)
    stdg = jnp.where(std >= np.float32(1e-9), std, np.float32(1.0))
    lt = d / stdg
    lt2 = jnp.concatenate([lt, lt], axis=1)
    row = lax.broadcasted_iota(jnp.int32, (nb, 128), 0)
    lane = lax.broadcasted_iota(jnp.int32, (nb, 128), 1)
    n_idx = k * nb + row
    cnt0 = (lax.shift_right_logical(lane, 6) << 21) + ((lane & 63) << 15) + n_idx

    first = k == 0
    for sp in range(ns_pairs):
        cnt = cnt0 + np.int32(sp << 22)
        bits = _threefry_bits(cnt)
        fb = lax.shift_right_logical(bits, 9) | np.int32(0x3F800000)
        f = lax.bitcast_convert_type(fb, jnp.float32)
        u = jnp.maximum(_TINY, f - np.float32(1.0))
        g = -jnp.log(-jnp.log(u))
        v = lt2 + g
        bmax = jnp.max(v, axis=0, keepdims=True)[0]
        cand = jnp.where(v == bmax[None], n_idx, _BIG)
        barg = jnp.min(cand, axis=0, keepdims=True)[0]
        prev_m = rmax_ref[sp, :]
        prev_i = ridx_ref[sp, :]
        take = first | (bmax > prev_m)
        rmax_ref[sp, :] = jnp.where(take, bmax, prev_m)
        ridx_ref[sp, :] = jnp.where(take, barg, prev_i)

    @pl.when(k == num_blocks - 1)
    def _emit():
        nsel = ridx_ref[...]
        lane = lax.broadcasted_iota(jnp.int32, nsel.shape, 1)
        flat = nsel + ((lane & 63) << 15)
        row_ref[...] = lax.shift_right_logical(flat, 3)
        off_ref[...] = flat & 7


def _compute_flat_idx(X, w, num_samples):
    batch, n_total, dd = X.shape
    nb = 128
    ns_pairs = num_samples // 2
    k_blocks = n_total // nb
    colg = lax.broadcasted_iota(jnp.int32, (nb, nb * dd), 1) // dd
    rowj = lax.broadcasted_iota(jnp.int32, (nb, nb * dd), 0)
    w2 = jnp.where(colg == rowj, jnp.tile(w, nb)[None, :], 0.0)
    w2 = w2.astype(jnp.bfloat16)
    x2 = X.reshape(batch, n_total * dd)
    row, off = pl.pallas_call(
        functools.partial(_sample_body, nb=nb, ns_pairs=ns_pairs, batch=batch,
                          num_blocks=k_blocks),
        grid=(k_blocks,),
        in_specs=[
            pl.BlockSpec((batch, nb * dd), lambda k: (0, k)),
            pl.BlockSpec((nb, nb * dd), lambda k: (0, 0)),
        ],
        out_specs=[
            pl.BlockSpec((ns_pairs, 128), lambda k: (0, 0)),
            pl.BlockSpec((ns_pairs, 128), lambda k: (0, 0)),
        ],
        out_shape=[
            jax.ShapeDtypeStruct((ns_pairs, 128), jnp.int32),
            jax.ShapeDtypeStruct((ns_pairs, 128), jnp.int32),
        ],
        scratch_shapes=[
            pltpu.VMEM((ns_pairs, 128), jnp.float32),
            pltpu.VMEM((ns_pairs, 128), jnp.int32),
        ],
        compiler_params=pltpu.CompilerParams(
            dimension_semantics=("arbitrary",)),
    )(x2, w2)
    return row, off


def _extract_body(rows_ref, off_ref, out_ref):
    rows = rows_ref[...]
    off = off_ref[...]
    acc = jnp.zeros(out_ref.shape, jnp.float32)
    for o in range(8):
        seg = rows[:, o * 16:(o + 1) * 16]
        acc = jnp.where(off == o, seg, acc)
    out_ref[...] = acc


def _sc_gather(table, idx):
    info = plsc.get_sparse_core_info()
    n_workers = info.num_cores * info.num_subcores
    b_total = idx.shape[0]
    d = table.shape[1]
    b_per_w = b_total // n_workers
    mesh = plsc.VectorSubcoreMesh(core_axis_name="c", subcore_axis_name="s")

    @functools.partial(
        pl.kernel, mesh=mesh,
        out_type=jax.ShapeDtypeStruct((b_total, d), jnp.float32),
        scratch_types=[
            pltpu.VMEM((b_per_w,), jnp.int32),
            pltpu.VMEM((b_per_w, d), jnp.float32),
            pltpu.SemaphoreType.DMA,
        ],
    )
    def gk(table_hbm, idx_hbm, out_hbm, idx_v, rows_v, sem):
        wid = lax.axis_index("s") * info.num_cores + lax.axis_index("c")
        base = wid * b_per_w
        pltpu.sync_copy(idx_hbm.at[pl.ds(base, b_per_w)], idx_v)
        pltpu.async_copy(table_hbm.at[idx_v], rows_v, sem).wait()
        pltpu.sync_copy(rows_v, out_hbm.at[pl.ds(base, b_per_w)])

    return gk(table, idx)


_NUM_SAMPLES = 32


def kernel(X, w, num_samples):
    batch, n_total, dd = X.shape
    del num_samples
    num_samples = _NUM_SAMPLES
    ns_pairs = num_samples // 2
    row, off = _compute_flat_idx(X, w, num_samples)
    total = batch * num_samples
    table = X.reshape(batch * n_total * dd // 128, 128)
    rows2 = _sc_gather(table, row.reshape(total))
    out16 = pl.pallas_call(
        _extract_body,
        out_shape=jax.ShapeDtypeStruct((total, dd), jnp.float32),
    )(rows2, off.reshape(total, 1))
    out = out16.reshape(ns_pairs, 2, batch, dd).transpose(2, 0, 1, 3)
    return out.reshape(batch, num_samples, dd)

# --- scband reference (transcript-rebuilt; emitter-appended) ---
"""Pipeline reference for scband-boltzmann-sampling-12764642803989 (READ-ONLY COPY).

The authoritative reference and input builder live on the scoring server;
editing this copy changes nothing except your own understanding.
"""

import jax, jax.numpy as jnp
import numpy as np

ETA = 1.0

NUM_SAMPLES = 32


def _standardize(Y):
    # botorch.utils.transforms.standardize: zero mean / unit variance along dim=-2
    stddim = -1 if Y.ndim < 2 else -2
    Y_std = jnp.std(Y, axis=stddim, keepdims=True, ddof=1)
    Y_std = jnp.where(Y_std >= 1e-9, Y_std, jnp.ones_like(Y_std))
    return (Y - jnp.mean(Y, axis=stddim, keepdims=True)) / Y_std


def setup_inputs(seed: int = 0) -> dict:
    key = jax.random.key(seed)
    k1, k2 = jax.random.split(key)
    X = jax.random.normal(k1, (64, 32768, 16), dtype=jnp.float32)
    # learned parameter of the (linear) acquisition function acq(x) = <x, w>
    w = jax.random.normal(k2, (16,), dtype=jnp.float32)
    return {"X": X, "w": w, "num_samples": 32}


def reference(X, w, num_samples):
    batch = X.shape[0]
    # X_eval = X.permute(-2, *range(X.ndim - 2), -1).unsqueeze(-2) -> [N, batch, 1, d]
    X_eval = jnp.expand_dims(jnp.transpose(X, (1, 0, 2)), -2)
    # acq_func evaluated pointwise on each q=1 batch: [N, batch]
    acqval = jnp.squeeze(X_eval @ w[:, None], axis=(-2, -1))
    # acqval.permute(*range(1, X.ndim - 1), 0) -> [batch, N]
    acqval = jnp.transpose(acqval, (1, 0))
    # weights = exp(eta * standardize(acqval)); multinomial(weights) == categorical(log weights)
    logits = ETA * _standardize(acqval)
    skey = jax.random.key(42)
    # batched multinomial with replacement: [batch, num_samples]
    idcs = jnp.transpose(
        jax.random.categorical(skey, logits, axis=-1, shape=(NUM_SAMPLES, batch)),
        (1, 0),
    )
    idcs = idcs + (num_samples - num_samples)
    # gather(X, -2, idcs.unsqueeze(-1).expand(..., d)) -> [batch, num_samples, d]
    out = jnp.take_along_axis(X, idcs[:, :, None], axis=-2)
    return out

if __name__ == "__main__":
    import jax
    _d = setup_inputs()
    print(jax.jit(kernel)(*tuple(_d.values())))

</pallas_src>

<mosaic_0001>
#map = affine_map<(d0, d1) -> (0, 0)>
#map1 = affine_map<(d0, d1) -> (0)>
module attributes {stable_mosaic.version = 14 : i64} {
  func.func @gk(%arg0: i32, %arg1: i32, %arg2: memref<262144x128xf32, #tpu.memory_space<hbm>>, %arg3: memref<2048xi32, #tpu.memory_space<hbm>>, %arg4: memref<2048x128xf32, #tpu.memory_space<hbm>>, %arg5: memref<64xi32, #tpu.memory_space<vmem>>, %arg6: memref<64x128xf32, #tpu.memory_space<vmem>>, %arg7: memref<!tpu.dma_semaphore, #tpu.memory_space<semaphore_mem>>) attributes {dimension_semantics = [#tpu.dimension_semantics<core_parallel>, #tpu.dimension_semantics<subcore_parallel>], iteration_bounds = array<i64: 2, 16>, scalar_prefetch = 0 : i64, scratch_operands = 3 : i64, tpu.core_type = #tpu.core_type<sc_vector_subcore>, window_params = [{transform_indices = #map}, {transform_indices = #map1}, {transform_indices = #map}]} {
    %mul3A = arith.constant 2 : i32
    %mul3A_0 = arith.muli %arg1, %mul3A : i32
    %add3A = arith.addi %mul3A_0, %arg0 : i32
    %mul3A_1 = arith.constant 64 : i32
    %mul3A_2 = arith.muli %add3A, %mul3A_1 : i32
    "tpu.region"() ({
      %run_scoped3A = tpu.sem_alloc : memref<!tpu.dma_semaphore, #tpu.memory_space<semaphore_mem>>
      %dma_start3A_7 = tpu.memref_slice %arg3[%mul3A_2] : memref<2048xi32, #tpu.memory_space<hbm>> -> memref<64xi32, #tpu.memory_space<hbm>>
      %dma_start3A_8 = tpu.memref_slice %arg3[%mul3A_2] : memref<2048xi32, #tpu.memory_space<hbm>> -> memref<64xi32, #tpu.memory_space<hbm>>
      tpu.enqueue_dma source(%dma_start3A_8 : memref<64xi32, #tpu.memory_space<hbm>>) target(%arg5 : memref<64xi32, #tpu.memory_space<vmem>>) target_semaphore(%run_scoped3A : memref<!tpu.dma_semaphore, #tpu.memory_space<semaphore_mem>>)
      %dma_wait3A_9 = tpu.memref_slice %arg3[%mul3A_2] : memref<2048xi32, #tpu.memory_space<hbm>> -> memref<64xi32, #tpu.memory_space<hbm>>
      %dma_wait3A_10 = tpu.memref_slice %arg3[%mul3A_2] : memref<2048xi32, #tpu.memory_space<hbm>> -> memref<64xi32, #tpu.memory_space<hbm>>
      tpu.wait_dma2 semaphore(%run_scoped3A : memref<!tpu.dma_semaphore, #tpu.memory_space<semaphore_mem>>) src(%dma_wait3A_10 : memref<64xi32, #tpu.memory_space<hbm>>) dst(%arg5 : memref<64xi32, #tpu.memory_space<vmem>>)
      tpu.yield
    }) : () -> ()
    %dma_start3A = arith.constant 0 : i32
    %dma_start3A_3 = arith.constant 0 : i32
    %dma_start3A_4 = tpu.memref_slice %arg2[%dma_start3A, %dma_start3A_3] : memref<262144x128xf32, #tpu.memory_space<hbm>> -> memref<262144x128xf32, #tpu.memory_space<hbm>>
    tpu.enqueue_indirect_dma source(%dma_start3A_4 : memref<262144x128xf32, #tpu.memory_space<hbm>>) target(%arg6 : memref<64x128xf32, #tpu.memory_space<vmem>>) offsets(%arg5 : memref<64xi32, #tpu.memory_space<vmem>>) semaphore(%arg7 : memref<!tpu.dma_semaphore, #tpu.memory_space<semaphore_mem>>)
    %dma_wait3A = arith.constant 0 : i32
    %dma_wait3A_5 = arith.constant 0 : i32
    %dma_wait3A_6 = tpu.memref_slice %arg2[%dma_wait3A, %dma_wait3A_5] : memref<262144x128xf32, #tpu.memory_space<hbm>> -> memref<262144x128xf32, #tpu.memory_space<hbm>>
    tpu.wait_indirect_dma semaphore(%arg7 : memref<!tpu.dma_semaphore, #tpu.memory_space<semaphore_mem>>) src(%dma_wait3A_6 : memref<262144x128xf32, #tpu.memory_space<hbm>>) dst(%arg6 : memref<64x128xf32, #tpu.memory_space<vmem>>)
    "tpu.region"() ({
      %run_scoped3A = tpu.sem_alloc : memref<!tpu.dma_semaphore, #tpu.memory_space<semaphore_mem>>
      %dma_start3A_7 = arith.constant 0 : i32
      %dma_start3A_8 = tpu.memref_slice %arg4[%mul3A_2, %dma_start3A_7] : memref<2048x128xf32, #tpu.memory_space<hbm>> -> memref<64x128xf32, #tpu.memory_space<hbm>>
      %dma_start3A_9 = arith.constant 0 : i32
      %dma_start3A_10 = tpu.memref_slice %arg4[%mul3A_2, %dma_start3A_9] : memref<2048x128xf32, #tpu.memory_space<hbm>> -> memref<64x128xf32, #tpu.memory_space<hbm>>
      tpu.enqueue_dma source(%arg6 : memref<64x128xf32, #tpu.memory_space<vmem>>) target(%dma_start3A_10 : memref<64x128xf32, #tpu.memory_space<hbm>>) target_semaphore(%run_scoped3A : memref<!tpu.dma_semaphore, #tpu.memory_space<semaphore_mem>>)
      %dma_wait3A_11 = arith.constant 0 : i32
      %dma_wait3A_12 = tpu.memref_slice %arg4[%mul3A_2, %dma_wait3A_11] : memref<2048x128xf32, #tpu.memory_space<hbm>> -> memref<64x128xf32, #tpu.memory_space<hbm>>
      %dma_wait3A_13 = arith.constant 0 : i32
      %dma_wait3A_14 = tpu.memref_slice %arg4[%mul3A_2, %dma_wait3A_13] : memref<2048x128xf32, #tpu.memory_space<hbm>> -> memref<64x128xf32, #tpu.memory_space<hbm>>
      tpu.wait_dma2 semaphore(%run_scoped3A : memref<!tpu.dma_semaphore, #tpu.memory_space<semaphore_mem>>) src(%arg6 : memref<64x128xf32, #tpu.memory_space<vmem>>) dst(%dma_wait3A_14 : memref<64x128xf32, #tpu.memory_space<hbm>>)
      tpu.yield
    }) : () -> ()
    return
  }
}

module attributes {stable_mosaic.version = 14 : i64} {
  func.func @_sample_body(%arg0: i32, %arg1: memref<64x2048xf32, #tpu.memory_space<vmem>>, %arg2: memref<128x2048xbf16, #tpu.memory_space<vmem>>, %arg3: memref<16x128xi32, #tpu.memory_space<vmem>>, %arg4: memref<16x128xi32, #tpu.memory_space<vmem>>, %arg5: memref<16x128xf32, #tpu.memory_space<vmem>>, %arg6: memref<16x128xi32, #tpu.memory_space<vmem>>) attributes {dimension_semantics = [#tpu.dimension_semantics<arbitrary>], iteration_bounds = array<i64: 256>, scalar_prefetch = 0 : i64, scratch_operands = 2 : i64, tpu.core_type = #tpu.core_type<tc>, window_params = [{transform_indices = @transform_0, window_bounds = array<i64: 64, 2048>}, {pipeline_mode = #tpu.pipeline_mode<synchronous>, transform_indices = @transform_1, window_bounds = array<i64: 128, 2048>}, {pipeline_mode = #tpu.pipeline_mode<synchronous>, transform_indices = @transform_2, window_bounds = array<i64: 16, 128>}, {pipeline_mode = #tpu.pipeline_mode<synchronous>, transform_indices = @transform_3, window_bounds = array<i64: 16, 128>}]} {
    %get3A = arith.constant 0 : index
    %get3A_0 = arith.constant 0 : index
    %get3A_1 = vector.load %arg1[%get3A, %get3A_0] : memref<64x2048xf32, #tpu.memory_space<vmem>>, vector<64x2048xf32>
    %convert_element_type3A = arith.truncf %get3A_1 : vector<64x2048xf32> to vector<64x2048xbf16>
    %get3A_2 = arith.constant 0 : index
    %get3A_3 = arith.constant 0 : index
    %get3A_4 = vector.load %arg2[%get3A_2, %get3A_3] : memref<128x2048xbf16, #tpu.memory_space<vmem>>, vector<128x2048xbf16>
    %dot_general3A = arith.constant dense<0.000000e+00> : vector<128x64xf32>
    %dot_general3A_5 = tpu.matmul %get3A_4, %convert_element_type3A, %dot_general3A {dimension_numbers = #tpu.dot_dimension_numbers<[1], [1], [0], [0], [0, 0, 1, 0], [], []>, transpose_lhs_hint = false} : vector<128x2048xbf16>, vector<64x2048xbf16>, vector<128x64xf32> -> vector<128x64xf32>
    %reduce_sum3A = arith.constant dense<0.000000e+00> : vector<128xf32>
    %reduce_sum3A_6 = vector.multi_reduction <add>, %dot_general3A_5, %reduce_sum3A [1] : vector<128x64xf32> to vector<128xf32>
    %broadcast_in_dim3A = vector.shape_cast %reduce_sum3A_6 : vector<128xf32> to vector<128x1xf32>
    %div3A = arith.constant 6.400000e+01 : f32
    %div3A_7 = vector.broadcast %div3A : f32 to vector<128x1xf32>
    %div3A_8 = arith.divf %broadcast_in_dim3A, %div3A_7 : vector<128x1xf32>
    %sub3A = vector.broadcast %div3A_8 : vector<128x1xf32> to vector<128x64xf32>
    %sub3A_9 = arith.subf %dot_general3A_5, %sub3A : vector<128x64xf32>
    %mul3A = arith.mulf %sub3A_9, %sub3A_9 : vector<128x64xf32>
    %reduce_sum3A_10 = arith.constant dense<0.000000e+00> : vector<128xf32>
    %reduce_sum3A_11 = vector.multi_reduction <add>, %mul3A, %reduce_sum3A_10 [1] : vector<128x64xf32> to vector<128xf32>
    %broadcast_in_dim3A_12 = vector.shape_cast %reduce_sum3A_11 : vector<128xf32> to vector<128x1xf32>
    %mul3A_13 = arith.constant 0.0158730168 : f32
    %mul3A_14 = vector.broadcast %mul3A_13 : f32 to vector<128x1xf32>
    %mul3A_15 = arith.mulf %broadcast_in_dim3A_12, %mul3A_14 : vector<128x1xf32>
    %sqrt3A = math.sqrt %mul3A_15 : vector<128x1xf32>
    %ge3A = arith.constant 9.99999971E-10 : f32
    %ge3A_16 = vector.broadcast %ge3A : f32 to vector<128x1xf32>
    %ge3A_17 = arith.cmpf oge, %sqrt3A, %ge3A_16 : vector<128x1xf32>
    %jit3A = arith.constant 1.000000e+00 : f32
    %broadcast_in_dim3A_18 = vector.broadcast %jit3A : f32 to vector<128x1xf32>
    %select_n3A = arith.select %ge3A_17, %sqrt3A, %broadcast_in_dim3A_18 : vector<128x1xi1>, vector<128x1xf32>
    %div3A_19 = vector.broadcast %select_n3A : vector<128x1xf32> to vector<128x64xf32>
    %div3A_20 = arith.divf %sub3A_9, %div3A_19 : vector<128x64xf32>
    %concatenate3A = tpu.concatenate %div3A_20, %div3A_20 in 1 : vector<128x64xf32>, vector<128x64xf32> -> vector<128x128xf32>
    %iota3A = tpu.iota {dimensions = array<i32: 0>} : vector<128x128xi32>
    %iota3A_21 = tpu.iota {dimensions = array<i32: 1>} : vector<128x128xi32>
    %mul3A_22 = arith.constant 128 : i32
    %mul3A_23 = arith.muli %arg0, %mul3A_22 : i32
    %add3A = vector.broadcast %mul3A_23 : i32 to vector<128x128xi32>
    %add3A_24 = arith.addi %add3A, %iota3A : vector<128x128xi32>
    %shift_right_logical3A = arith.constant 6 : i32
    %shift_right_logical3A_25 = vector.broadcast %shift_right_logical3A : i32 to vector<128x128xi32>
    %shift_right_logical3A_26 = arith.shrui %iota3A_21, %shift_right_logical3A_25 : vector<128x128xi32>
    %shift_left3A = arith.constant 21 : i32
    %shift_left3A_27 = vector.broadcast %shift_left3A : i32 to vector<128x128xi32>
    %shift_left3A_28 = arith.shli %shift_right_logical3A_26, %shift_left3A_27 : vector<128x128xi32>
    %and3A = arith.constant 63 : i32
    %and3A_29 = vector.broadcast %and3A : i32 to vector<128x128xi32>
    %and3A_30 = arith.andi %iota3A_21, %and3A_29 : vector<128x128xi32>
    %shift_left3A_31 = arith.constant 15 : i32
    %shift_left3A_32 = vector.broadcast %shift_left3A_31 : i32 to vector<128x128xi32>
    %shift_left3A_33 = arith.shli %and3A_30, %shift_left3A_32 : vector<128x128xi32>
    %add3A_34 = arith.addi %shift_left3A_28, %shift_left3A_33 : vector<128x128xi32>
    %add3A_35 = arith.addi %add3A_34, %add3A_24 : vector<128x128xi32>
    %eq3A = arith.constant 0 : i32
    %eq3A_36 = arith.cmpi eq, %arg0, %eq3A : i32
    %add3A_37 = arith.constant 0 : i32
    %add3A_38 = vector.broadcast %add3A_37 : i32 to vector<128x128xi32>
    %add3A_39 = arith.addi %add3A_35, %add3A_38 : vector<128x128xi32>
    %add3A_40 = arith.constant 42 : i32
    %add3A_41 = vector.broadcast %add3A_40 : i32 to vector<128x128xi32>
    %add3A_42 = arith.addi %add3A_39, %add3A_41 : vector<128x128xi32>
    %shift_left3A_43 = arith.constant 13 : i32
    %shift_left3A_44 = vector.broadcast %shift_left3A_43 : i32 to vector<128x128xi32>
    %shift_left3A_45 = arith.shli %add3A_42, %shift_left3A_44 : vector<128x128xi32>
    %shift_right_logical3A_46 = arith.constant 19 : i32
    %shift_right_logical3A_47 = vector.broadcast %shift_right_logical3A_46 : i32 to vector<128x128xi32>
    %shift_right_logical3A_48 = arith.shrui %add3A_42, %shift_right_logical3A_47 : vector<128x128xi32>
    %or3A = arith.ori %shift_left3A_45, %shift_right_logical3A_48 : vector<128x128xi32>
    %xor3A = arith.xori %or3A, %add3A_42 : vector<128x128xi32>
    %add3A_49 = arith.addi %add3A_42, %xor3A : vector<128x128xi32>
    %shift_left3A_50 = arith.constant 15 : i32
    %shift_left3A_51 = vector.broadcast %shift_left3A_50 : i32 to vector<128x128xi32>
    %shift_left3A_52 = arith.shli %xor3A, %shift_left3A_51 : vector<128x128xi32>
    %shift_right_logical3A_53 = arith.constant 17 : i32
    %shift_right_logical3A_54 = vector.broadcast %shift_right_logical3A_53 : i32 to vector<128x128xi32>
    %shift_right_logical3A_55 = arith.shrui %xor3A, %shift_right_logical3A_54 : vector<128x128xi32>
    %or3A_56 = arith.ori %shift_left3A_52, %shift_right_logical3A_55 : vector<128x128xi32>
    %xor3A_57 = arith.xori %or3A_56, %add3A_49 : vector<128x128xi32>
    %add3A_58 = arith.addi %add3A_49, %xor3A_57 : vector<128x128xi32>
    %shift_left3A_59 = arith.constant 26 : i32
    %shift_left3A_60 = vector.broadcast %shift_left3A_59 : i32 to vector<128x128xi32>
    %shift_left3A_61 = arith.shli %xor3A_57, %shift_left3A_60 : vector<128x128xi32>
    %shift_right_logical3A_62 = arith.constant 6 : i32
    %shift_right_logical3A_63 = vector.broadcast %shift_right_logical3A_62 : i32 to vector<128x128xi32>
    %shift_right_logical3A_64 = arith.shrui %xor3A_57, %shift_right_logical3A_63 : vector<128x128xi32>
    %or3A_65 = arith.ori %shift_left3A_61, %shift_right_logical3A_64 : vector<128x128xi32>
    %xor3A_66 = arith.xori %or3A_65, %add3A_58 : vector<128x128xi32>
    %add3A_67 = arith.addi %add3A_58, %xor3A_66 : vector<128x128xi32>
    %shift_left3A_68 = arith.constant 6 : i32
    %shift_left3A_69 = vector.broadcast %shift_left3A_68 : i32 to vector<128x128xi32>
    %shift_left3A_70 = arith.shli %xor3A_66, %shift_left3A_69 : vector<128x128xi32>
    %shift_right_logical3A_71 = arith.constant 26 : i32
    %shift_right_logical3A_72 = vector.broadcast %shift_right_logical3A_71 : i32 to vector<128x128xi32>
    %shift_right_logical3A_73 = arith.shrui %xor3A_66, %shift_right_logical3A_72 : vector<128x128xi32>
    %or3A_74 = arith.ori %shift_left3A_70, %shift_right_logical3A_73 : vector<128x128xi32>
    %xor3A_75 = arith.xori %or3A_74, %add3A_67 : vector<128x128xi32>
    %add3A_76 = arith.constant 42 : i32
    %add3A_77 = vector.broadcast %add3A_76 : i32 to vector<128x128xi32>
    %add3A_78 = arith.addi %add3A_67, %add3A_77 : vector<128x128xi32>
    %add3A_79 = arith.constant 466689009 : i32
    %add3A_80 = vector.broadcast %add3A_79 : i32 to vector<128x128xi32>
    %add3A_81 = arith.addi %xor3A_75, %add3A_80 : vector<128x128xi32>
    %add3A_82 = arith.addi %add3A_78, %add3A_81 : vector<128x128xi32>
    %shift_left3A_83 = arith.constant 17 : i32
    %shift_left3A_84 = vector.broadcast %shift_left3A_83 : i32 to vector<128x128xi32>
    %shift_left3A_85 = arith.shli %add3A_81, %shift_left3A_84 : vector<128x128xi32>
    %shift_right_logical3A_86 = arith.constant 15 : i32
    %shift_right_logical3A_87 = vector.broadcast %shift_right_logical3A_86 : i32 to vector<128x128xi32>
    %shift_right_logical3A_88 = arith.shrui %add3A_81, %shift_right_logical3A_87 : vector<128x128xi32>
    %or3A_89 = arith.ori %shift_left3A_85, %shift_right_logical3A_88 : vector<128x128xi32>
    %xor3A_90 = arith.xori %or3A_89, %add3A_82 : vector<128x128xi32>
    %add3A_91 = arith.addi %add3A_82, %xor3A_90 : vector<128x128xi32>
    %shift_left3A_92 = arith.constant 29 : i32
    %shift_left3A_93 = vector.broadcast %shift_left3A_92 : i32 to vector<128x128xi32>
    %shift_left3A_94 = arith.shli %xor3A_90, %shift_left3A_93 : vector<128x128xi32>
    %shift_right_logical3A_95 = arith.constant 3 : i32
    %shift_right_logical3A_96 = vector.broadcast %shift_right_logical3A_95 : i32 to vector<128x128xi32>
    %shift_right_logical3A_97 = arith.shrui %xor3A_90, %shift_right_logical3A_96 : vector<128x128xi32>
    %or3A_98 = arith.ori %shift_left3A_94, %shift_right_logical3A_97 : vector<128x128xi32>
    %xor3A_99 = arith.xori %or3A_98, %add3A_91 : vector<128x128xi32>
    %add3A_100 = arith.addi %add3A_91, %xor3A_99 : vector<128x128xi32>
    %shift_left3A_101 = arith.constant 16 : i32
    %shift_left3A_102 = vector.broadcast %shift_left3A_101 : i32 to vector<128x128xi32>
    %shift_left3A_103 = arith.shli %xor3A_99, %shift_left3A_102 : vector<128x128xi32>
    %shift_right_logical3A_104 = arith.constant 16 : i32
    %shift_right_logical3A_105 = vector.broadcast %shift_right_logical3A_104 : i32 to vector<128x128xi32>
    %shift_right_logical3A_106 = arith.shrui %xor3A_99, %shift_right_logical3A_105 : vector<128x128xi32>
    %or3A_107 = arith.ori %shift_left3A_103, %shift_right_logical3A_106 : vector<128x128xi32>
    %xor3A_108 = arith.xori %or3A_107, %add3A_100 : vector<128x128xi32>
    %add3A_109 = arith.addi %add3A_100, %xor3A_108 : vector<128x128xi32>
    %shift_left3A_110 = arith.constant 24 : i32
    %shift_left3A_111 = vector.broadcast %shift_left3A_110 : i32 to vector<128x128xi32>
    %shift_left3A_112 = arith.shli %xor3A_108, %shift_left3A_111 : vector<128x128xi32>
    %shift_right_logical3A_113 = arith.constant 8 : i32
    %shift_right_logical3A_114 = vector.broadcast %shift_right_logical3A_113 : i32 to vector<128x128xi32>
    %shift_right_logical3A_115 = arith.shrui %xor3A_108, %shift_right_logical3A_114 : vector<128x128xi32>
    %or3A_116 = arith.ori %shift_left3A_112, %shift_right_logical3A_115 : vector<128x128xi32>
    %xor3A_117 = arith.xori %or3A_116, %add3A_109 : vector<128x128xi32>
    %add3A_118 = arith.constant 466689008 : i32
    %add3A_119 = vector.broadcast %add3A_118 : i32 to vector<128x128xi32>
    %add3A_120 = arith.addi %add3A_109, %add3A_119 : vector<128x128xi32>
    %add3A_121 = arith.constant 2 : i32
    %add3A_122 = vector.broadcast %add3A_121 : i32 to vector<128x128xi32>
    %add3A_123 = arith.addi %xor3A_117, %add3A_122 : vector<128x128xi32>
    %add3A_124 = arith.addi %add3A_120, %add3A_123 : vector<128x128xi32>
    %shift_left3A_125 = arith.constant 13 : i32
    %shift_left3A_126 = vector.broadcast %shift_left3A_125 : i32 to vector<128x128xi32>
    %shift_left3A_127 = arith.shli %add3A_123, %shift_left3A_126 : vector<128x128xi32>
    %shift_right_logical3A_128 = arith.constant 19 : i32
    %shift_right_logical3A_129 = vector.broadcast %shift_right_logical3A_128 : i32 to vector<128x128xi32>
    %shift_right_logical3A_130 = arith.shrui %add3A_123, %shift_right_logical3A_129 : vector<128x128xi32>
    %or3A_131 = arith.ori %shift_left3A_127, %shift_right_logical3A_130 : vector<128x128xi32>
    %xor3A_132 = arith.xori %or3A_131, %add3A_124 : vector<128x128xi32>
    %add3A_133 = arith.addi %add3A_124, %xor3A_132 : vector<128x128xi32>
    %shift_left3A_134 = arith.constant 15 : i32
    %shift_left3A_135 = vector.broadcast %shift_left3A_134 : i32 to vector<128x128xi32>
    %shift_left3A_136 = arith.shli %xor3A_132, %shift_left3A_135 : vector<128x128xi32>
    %shift_right_logical3A_137 = arith.constant 17 : i32
    %shift_right_logical3A_138 = vector.broadcast %shift_right_logical3A_137 : i32 to vector<128x128xi32>
    %shift_right_logical3A_139 = arith.shrui %xor3A_132, %shift_right_logical3A_138 : vector<128x128xi32>
    %or3A_140 = arith.ori %shift_left3A_136, %shift_right_logical3A_139 : vector<128x128xi32>
    %xor3A_141 = arith.xori %or3A_140, %add3A_133 : vector<128x128xi32>
    %add3A_142 = arith.addi %add3A_133, %xor3A_141 : vector<128x128xi32>
    %shift_left3A_143 = arith.constant 26 : i32
    %shift_left3A_144 = vector.broadcast %shift_left3A_143 : i32 to vector<128x128xi32>
    %shift_left3A_145 = arith.shli %xor3A_141, %shift_left3A_144 : vector<128x128xi32>
    %shift_right_logical3A_146 = arith.constant 6 : i32
    %shift_right_logical3A_147 = vector.broadcast %shift_right_logical3A_146 : i32 to vector<128x128xi32>
    %shift_right_logical3A_148 = arith.shrui %xor3A_141, %shift_right_logical3A_147 : vector<128x128xi32>
    %or3A_149 = arith.ori %shift_left3A_145, %shift_right_logical3A_148 : vector<128x128xi32>
    %xor3A_150 = arith.xori %or3A_149, %add3A_142 : vector<128x128xi32>
    %add3A_151 = arith.addi %add3A_142, %xor3A_150 : vector<128x128xi32>
    %shift_left3A_152 = arith.constant 6 : i32
    %shift_left3A_153 = vector.broadcast %shift_left3A_152 : i32 to vector<128x128xi32>
    %shift_left3A_154 = arith.shli %xor3A_150, %shift_left3A_153 : vector<128x128xi32>
    %shift_right_logical3A_155 = arith.constant 26 : i32
    %shift_right_logical3A_156 = vector.broadcast %shift_right_logical3A_155 : i32 to vector<128x128xi32>
    %shift_right_logical3A_157 = arith.shrui %xor3A_150, %shift_right_logical3A_156 : vector<128x128xi32>
    %or3A_158 = arith.ori %shift_left3A_154, %shift_right_logical3A_157 : vector<128x128xi32>
    %xor3A_159 = arith.xori %or3A_158, %add3A_151 : vector<128x128xi32>
    %add3A_160 = arith.constant 0 : i32
    %add3A_161 = vector.broadcast %add3A_160 : i32 to vector<128x128xi32>
    %add3A_162 = arith.addi %add3A_151, %add3A_161 : vector<128x128xi32>
    %add3A_163 = arith.constant 45 : i32
    %add3A_164 = vector.broadcast %add3A_163 : i32 to vector<128x128xi32>
    %add3A_165 = arith.addi %xor3A_159, %add3A_164 : vector<128x128xi32>
    %add3A_166 = arith.addi %add3A_162, %add3A_165 : vector<128x128xi32>
    %shift_left3A_167 = arith.constant 17 : i32
    %shift_left3A_168 = vector.broadcast %shift_left3A_167 : i32 to vector<128x128xi32>
    %shift_left3A_169 = arith.shli %add3A_165, %shift_left3A_168 : vector<128x128xi32>
    %shift_right_logical3A_170 = arith.constant 15 : i32
    %shift_right_logical3A_171 = vector.broadcast %shift_right_logical3A_170 : i32 to vector<128x128xi32>
    %shift_right_logical3A_172 = arith.shrui %add3A_165, %shift_right_logical3A_171 : vector<128x128xi32>
    %or3A_173 = arith.ori %shift_left3A_169, %shift_right_logical3A_172 : vector<128x128xi32>
    %xor3A_174 = arith.xori %or3A_173, %add3A_166 : vector<128x128xi32>
    %add3A_175 = arith.addi %add3A_166, %xor3A_174 : vector<128x128xi32>
    %shift_left3A_176 = arith.constant 29 : i32
    %shift_left3A_177 = vector.broadcast %shift_left3A_176 : i32 to vector<128x128xi32>
    %shift_left3A_178 = arith.shli %xor3A_174, %shift_left3A_177 : vector<128x128xi32>
    %shift_right_logical3A_179 = arith.constant 3 : i32
    %shift_right_logical3A_180 = vector.broadcast %shift_right_logical3A_179 : i32 to vector<128x128xi32>
    %shift_right_logical3A_181 = arith.shrui %xor3A_174, %shift_right_logical3A_180 : vector<128x128xi32>
    %or3A_182 = arith.ori %shift_left3A_178, %shift_right_logical3A_181 : vector<128x128xi32>
    %xor3A_183 = arith.xori %or3A_182, %add3A_175 : vector<128x128xi32>
    %add3A_184 = arith.addi %add3A_175, %xor3A_183 : vector<128x128xi32>
    %shift_left3A_185 = arith.constant 16 : i32
    %shift_left3A_186 = vector.broadcast %shift_left3A_185 : i32 to vector<128x128xi32>
    %shift_left3A_187 = arith.shli %xor3A_183, %shift_left3A_186 : vector<128x128xi32>
    %shift_right_logical3A_188 = arith.constant 16 : i32
    %shift_right_logical3A_189 = vector.broadcast %shift_right_logical3A_188 : i32 to vector<128x128xi32>
    %shift_right_logical3A_190 = arith.shrui %xor3A_183, %shift_right_logical3A_189 : vector<128x128xi32>
    %or3A_191 = arith.ori %shift_left3A_187, %shift_right_logical3A_190 : vector<128x128xi32>
    %xor3A_192 = arith.xori %or3A_191, %add3A_184 : vector<128x128xi32>
    %add3A_193 = arith.addi %add3A_184, %xor3A_192 : vector<128x128xi32>
    %shift_left3A_194 = arith.constant 24 : i32
    %shift_left3A_195 = vector.broadcast %shift_left3A_194 : i32 to vector<128x128xi32>
    %shift_left3A_196 = arith.shli %xor3A_192, %shift_left3A_195 : vector<128x128xi32>
    %shift_right_logical3A_197 = arith.constant 8 : i32
    %shift_right_logical3A_198 = vector.broadcast %shift_right_logical3A_197 : i32 to vector<128x128xi32>
    %shift_right_logical3A_199 = arith.shrui %xor3A_192, %shift_right_logical3A_198 : vector<128x128xi32>
    %or3A_200 = arith.ori %shift_left3A_196, %shift_right_logical3A_199 : vector<128x128xi32>
    %xor3A_201 = arith.xori %or3A_200, %add3A_193 : vector<128x128xi32>
    %add3A_202 = arith.constant 42 : i32
    %add3A_203 = vector.broadcast %add3A_202 : i32 to vector<128x128xi32>
    %add3A_204 = arith.addi %add3A_193, %add3A_203 : vector<128x128xi32>
    %add3A_205 = arith.constant 466689012 : i32
    %add3A_206 = vector.broadcast %add3A_205 : i32 to vector<128x128xi32>
    %add3A_207 = arith.addi %xor3A_201, %add3A_206 : vector<128x128xi32>
    %add3A_208 = arith.addi %add3A_204, %add3A_207 : vector<128x128xi32>
    %shift_left3A_209 = arith.constant 13 : i32
    %shift_left3A_210 = vector.broadcast %shift_left3A_209 : i32 to vector<128x128xi32>
    %shift_left3A_211 = arith.shli %add3A_207, %shift_left3A_210 : vector<128x128xi32>
    %shift_right_logical3A_212 = arith.constant 19 : i32
    %shift_right_logical3A_213 = vector.broadcast %shift_right_logical3A_212 : i32 to vector<128x128xi32>
    %shift_right_logical3A_214 = arith.shrui %add3A_207, %shift_right_logical3A_213 : vector<128x128xi32>
    %or3A_215 = arith.ori %shift_left3A_211, %shift_right_logical3A_214 : vector<128x128xi32>
    %xor3A_216 = arith.xori %or3A_215, %add3A_208 : vector<128x128xi32>
    %add3A_217 = arith.addi %add3A_208, %xor3A_216 : vector<128x128xi32>
    %shift_left3A_218 = arith.constant 15 : i32
    %shift_left3A_219 = vector.broadcast %shift_left3A_218 : i32 to vector<128x128xi32>
    %shift_left3A_220 = arith.shli %xor3A_216, %shift_left3A_219 : vector<128x128xi32>
    %shift_right_logical3A_221 = arith.constant 17 : i32
    %shift_right_logical3A_222 = vector.broadcast %shift_right_logical3A_221 : i32 to vector<128x128xi32>
    %shift_right_logical3A_223 = arith.shrui %xor3A_216, %shift_right_logical3A_222 : vector<128x128xi32>
    %or3A_224 = arith.ori %shift_left3A_220, %shift_right_logical3A_223 : vector<128x128xi32>
    %xor3A_225 = arith.xori %or3A_224, %add3A_217 : vector<128x128xi32>
    %add3A_226 = arith.addi %add3A_217, %xor3A_225 : vector<128x128xi32>
    %shift_left3A_227 = arith.constant 26 : i32
    %shift_left3A_228 = vector.broadcast %shift_left3A_227 : i32 to vector<128x128xi32>
    %shift_left3A_229 = arith.shli %xor3A_225, %shift_left3A_228 : vector<128x128xi32>
    %shift_right_logical3A_230 = arith.constant 6 : i32
    %shift_right_logical3A_231 = vector.broadcast %shift_right_logical3A_230 : i32 to vector<128x128xi32>
    %shift_right_logical3A_232 = arith.shrui %xor3A_225, %shift_right_logical3A_231 : vector<128x128xi32>
    %or3A_233 = arith.ori %shift_left3A_229, %shift_right_logical3A_232 : vector<128x128xi32>
    %xor3A_234 = arith.xori %or3A_233, %add3A_226 : vector<128x128xi32>
    %add3A_235 = arith.addi %add3A_226, %xor3A_234 : vector<128x128xi32>
    %shift_left3A_236 = arith.constant 6 : i32
    %shift_left3A_237 = vector.broadcast %shift_left3A_236 : i32 to vector<128x128xi32>
    %shift_left3A_238 = arith.shli %xor3A_234, %shift_left3A_237 : vector<128x128xi32>
    %shift_right_logical3A_239 = arith.constant 26 : i32
    %shift_right_logical3A_240 = vector.broadcast %shift_right_logical3A_239 : i32 to vector<128x128xi32>
    %shift_right_logical3A_241 = arith.shrui %xor3A_234, %shift_right_logical3A_240 : vector<128x128xi32>
    %or3A_242 = arith.ori %shift_left3A_238, %shift_right_logical3A_241 : vector<128x128xi32>
    %xor3A_243 = arith.xori %or3A_242, %add3A_235 : vector<128x128xi32>
    %add3A_244 = arith.constant 466689008 : i32
    %add3A_245 = vector.broadcast %add3A_244 : i32 to vector<128x128xi32>
    %add3A_246 = arith.addi %add3A_235, %add3A_245 : vector<128x128xi32>
    %add3A_247 = arith.constant 5 : i32
    %add3A_248 = vector.broadcast %add3A_247 : i32 to vector<128x128xi32>
    %add3A_249 = arith.addi %xor3A_243, %add3A_248 : vector<128x128xi32>
    %xor3A_250 = arith.xori %add3A_246, %add3A_249 : vector<128x128xi32>
    %shift_right_logical3A_251 = arith.constant 9 : i32
    %shift_right_logical3A_252 = vector.broadcast %shift_right_logical3A_251 : i32 to vector<128x128xi32>
    %shift_right_logical3A_253 = arith.shrui %xor3A_250, %shift_right_logical3A_252 : vector<128x128xi32>
    %or3A_254 = arith.constant 1065353216 : i32
    %or3A_255 = vector.broadcast %or3A_254 : i32 to vector<128x128xi32>
    %or3A_256 = arith.ori %shift_right_logical3A_253, %or3A_255 : vector<128x128xi32>
    %bitcast_convert_type3A = tpu.bitcast %or3A_256 : vector<128x128xi32> -> vector<128x128xf32>
    %sub3A_257 = arith.constant 1.000000e+00 : f32
    %sub3A_258 = vector.broadcast %sub3A_257 : f32 to vector<128x128xf32>
    %sub3A_259 = arith.subf %bitcast_convert_type3A, %sub3A_258 : vector<128x128xf32>
    %max3A = arith.constant 1.17549435E-38 : f32
    %max3A_260 = vector.broadcast %max3A : f32 to vector<128x128xf32>
    %max3A_261 = arith.maximumf %max3A_260, %sub3A_259 : vector<128x128xf32>
    %log3A = math.log %max3A_261 : vector<128x128xf32>
    %neg3A = arith.constant 0.000000e+00 : f32
    %neg3A_262 = vector.broadcast %neg3A : f32 to vector<128x128xf32>
    %neg3A_263 = arith.subf %neg3A_262, %log3A : vector<128x128xf32>
    %log3A_264 = math.log %neg3A_263 : vector<128x128xf32>
    %neg3A_265 = arith.constant 0.000000e+00 : f32
    %neg3A_266 = vector.broadcast %neg3A_265 : f32 to vector<128x128xf32>
    %neg3A_267 = arith.subf %neg3A_266, %log3A_264 : vector<128x128xf32>
    %add3A_268 = arith.addf %concatenate3A, %neg3A_267 : vector<128x128xf32>
    %reduce_max3A = arith.constant dense<0xFF800000> : vector<128xf32>
    %reduce_max3A_269 = vector.multi_reduction <maximumf>, %add3A_268, %reduce_max3A [0] : vector<128x128xf32> to vector<128xf32>
    %broadcast_in_dim3A_270 = vector.shape_cast %reduce_max3A_269 : vector<128xf32> to vector<1x128xf32>
    %squeeze3A = vector.shape_cast %broadcast_in_dim3A_270 : vector<1x128xf32> to vector<128xf32>
    %broadcast_in_dim3A_271 = vector.shape_cast %squeeze3A : vector<128xf32> to vector<1x128xf32>
    %eq3A_272 = vector.broadcast %broadcast_in_dim3A_271 : vector<1x128xf32> to vector<128x128xf32>
    %eq3A_273 = arith.cmpf oeq, %add3A_268, %eq3A_272 : vector<128x128xf32>
    %jit3A_274 = arith.constant 1073741824 : i32
    %broadcast_in_dim3A_275 = vector.broadcast %jit3A_274 : i32 to vector<128x128xi32>
    %select_n3A_276 = arith.select %eq3A_273, %add3A_24, %broadcast_in_dim3A_275 : vector<128x128xi1>, vector<128x128xi32>
    %reduce_min3A = arith.constant dense<2147483647> : vector<128xi32>
    %reduce_min3A_277 = vector.multi_reduction <minsi>, %select_n3A_276, %reduce_min3A [0] : vector<128x128xi32> to vector<128xi32>
    %broadcast_in_dim3A_278 = vector.shape_cast %reduce_min3A_277 : vector<128xi32> to vector<1x128xi32>
    %squeeze3A_279 = vector.shape_cast %broadcast_in_dim3A_278 : vector<1x128xi32> to vector<128xi32>
    %get3A_280 = arith.constant 0 : index
    %get3A_281 = arith.constant 0 : index
    %get3A_282 = vector.load %arg5[%get3A_280, %get3A_281] : memref<16x128xf32, #tpu.memory_space<vmem>>, vector<1x128xf32>
    %get3A_283 = vector.shape_cast %get3A_282 : vector<1x128xf32> to vector<128xf32>
    %get3A_284 = arith.constant 0 : index
    %get3A_285 = arith.constant 0 : index
    %get3A_286 = vector.load %arg6[%get3A_284, %get3A_285] : memref<16x128xi32, #tpu.memory_space<vmem>>, vector<1x128xi32>
    %get3A_287 = vector.shape_cast %get3A_286 : vector<1x128xi32> to vector<128xi32>
    %gt3A = arith.cmpf ogt, %squeeze3A, %get3A_283 : vector<128xf32>
    %or3A_288 = vector.broadcast %eq3A_36 : i1 to vector<128xi1>
    %or3A_289 = arith.ori %or3A_288, %gt3A : vector<128xi1>
    %select_n3A_290 = arith.select %or3A_289, %squeeze3A, %get3A_283 : vector<128xi1>, vector<128xf32>
    %swap3A = arith.constant 0 : index
    %swap3A_291 = arith.constant 0 : index
    %swap3A_292 = vector.load %arg5[%swap3A, %swap3A_291] : memref<16x128xf32, #tpu.memory_space<vmem>>, vector<1x128xf32>
    %swap3A_293 = vector.shape_cast %swap3A_292 : vector<1x128xf32> to vector<128xf32>
    %swap3A_294 = vector.shape_cast %select_n3A_290 : vector<128xf32> to vector<1x128xf32>
    tpu.vector_store %arg5[%swap3A, %swap3A_291], %swap3A_294 {strides = array<i32>} : memref<16x128xf32, #tpu.memory_space<vmem>>, vector<1x128xf32>,
    %select_n3A_295 = arith.select %or3A_289, %squeeze3A_279, %get3A_287 : vector<128xi1>, vector<128xi32>
    %swap3A_296 = arith.constant 0 : index
    %swap3A_297 = arith.constant 0 : index
    %swap3A_298 = vector.load %arg6[%swap3A_296, %swap3A_297] : memref<16x128xi32, #tpu.memory_space<vmem>>, vector<1x128xi32>
    %swap3A_299 = vector.shape_cast %swap3A_298 : vector<1x128xi32> to vector<128xi32>
    %swap3A_300 = vector.shape_cast %select_n3A_295 : vector<128xi32> to vector<1x128xi32>
    tpu.vector_store %arg6[%swap3A_296, %swap3A_297], %swap3A_300 {strides = array<i32>} : memref<16x128xi32, #tpu.memory_space<vmem>>, vector<1x128xi32>,
    %add3A_301 = arith.constant 4194304 : i32
    %add3A_302 = vector.broadcast %add3A_301 : i32 to vector<128x128xi32>
    %add3A_303 = arith.addi %add3A_35, %add3A_302 : vector<128x128xi32>
    %add3A_304 = arith.constant 42 : i32
    %add3A_305 = vector.broadcast %add3A_304 : i32 to vector<128x128xi32>
    %add3A_306 = arith.addi %add3A_303, %add3A_305 : vector<128x128xi32>
    %shift_left3A_307 = arith.constant 13 : i32
    %shift_left3A_308 = vector.broadcast %shift_left3A_307 : i32 to vector<128x128xi32>
    %shift_left3A_309 = arith.shli %add3A_306, %shift_left3A_308 : vector<128x128xi32>
    %shift_right_logical3A_310 = arith.constant 19 : i32
    %shift_right_logical3A_311 = vector.broadcast %shift_right_logical3A_310 : i32 to vector<128x128xi32>
    %shift_right_logical3A_312 = arith.shrui %add3A_306, %shift_right_logical3A_311 : vector<128x128xi32>
    %or3A_313 = arith.ori %shift_left3A_309, %shift_right_logical3A_312 : vector<128x128xi32>
    %xor3A_314 = arith.xori %or3A_313, %add3A_306 : vector<128x128xi32>
    %add3A_315 = arith.addi %add3A_306, %xor3A_314 : vector<128x128xi32>
    %shift_left3A_316 = arith.constant 15 : i32
    %shift_left3A_317 = vector.broadcast %shift_left3A_316 : i32 to vector<128x128xi32>
    %shift_left3A_318 = arith.shli %xor3A_314, %shift_left3A_317 : vector<128x128xi32>
    %shift_right_logical3A_319 = arith.constant 17 : i32
    %shift_right_logical3A_320 = vector.broadcast %shift_right_logical3A_319 : i32 to vector<128x128xi32>
    %shift_right_logical3A_321 = arith.shrui %xor3A_314, %shift_right_logical3A_320 : vector<128x128xi32>
    %or3A_322 = arith.ori %shift_left3A_318, %shift_right_logical3A_321 : vector<128x128xi32>
    %xor3A_323 = arith.xori %or3A_322, %add3A_315 : vector<128x128xi32>
    %add3A_324 = arith.addi %add3A_315, %xor3A_323 : vector<128x128xi32>
    %shift_left3A_325 = arith.constant 26 : i32
    %shift_left3A_326 = vector.broadcast %shift_left3A_325 : i32 to vector<128x128xi32>
    %shift_left3A_327 = arith.shli %xor3A_323, %shift_left3A_326 : vector<128x128xi32>
    %shift_right_logical3A_328 = arith.constant 6 : i32
    %shift_right_logical3A_329 = vector.broadcast %shift_right_logical3A_328 : i32 to vector<128x128xi32>
    %shift_right_logical3A_330 = arith.shrui %xor3A_323, %shift_right_logical3A_329 : vector<128x128xi32>
    %or3A_331 = arith.ori %shift_left3A_327, %shift_right_logical3A_330 : vector<128x128xi32>
    %xor3A_332 = arith.xori %or3A_331, %add3A_324 : vector<128x128xi32>
    %add3A_333 = arith.addi %add3A_324, %xor3A_332 : vector<128x128xi32>
    %shift_left3A_334 = arith.constant 6 : i32
    %shift_left3A_335 = vector.broadcast %shift_left3A_334 : i32 to vector<128x128xi32>
    %shift_left3A_336 = arith.shli %xor3A_332, %shift_left3A_335 : vector<128x128xi32>
    %shift_right_logical3A_337 = arith.constant 26 : i32
    %shift_right_logical3A_338 = vector.broadcast %shift_right_logical3A_337 : i32 to vector<128x128xi32>
    %shift_right_logical3A_339 = arith.shrui %xor3A_332, %shift_right_logical3A_338 : vector<128x128xi32>
    %or3A_340 = arith.ori %shift_left3A_336, %shift_right_logical3A_339 : vector<128x128xi32>
    %xor3A_341 = arith.xori %or3A_340, %add3A_333 : vector<128x128xi32>
    %add3A_342 = arith.constant 42 : i32
    %add3A_343 = vector.broadcast %add3A_342 : i32 to vector<128x128xi32>
    %add3A_344 = arith.addi %add3A_333, %add3A_343 : vector<128x128xi32>
    %add3A_345 = arith.constant 466689009 : i32
    %add3A_346 = vector.broadcast %add3A_345 : i32 to vector<128x128xi32>
    %add3A_347 = arith.addi %xor3A_341, %add3A_346 : vector<128x128xi32>
    %add3A_348 = arith.addi %add3A_344, %add3A_347 : vector<128x128xi32>
    %shift_left3A_349 = arith.constant 17 : i32
    %shift_left3A_350 = vector.broadcast %shift_left3A_349 : i32 to vector<128x128xi32>
    %shift_left3A_351 = arith.shli %add3A_347, %shift_left3A_350 : vector<128x128xi32>
    %shift_right_logical3A_352 = arith.constant 15 : i32
    %shift_right_logical3A_353 = vector.broadcast %shift_right_logical3A_352 : i32 to vector<128x128xi32>
    %shift_right_logical3A_354 = arith.shrui %add3A_347, %shift_right_logical3A_353 : vector<128x128xi32>
    %or3A_355 = arith.ori %shift_left3A_351, %shift_right_logical3A_354 : vector<128x128xi32>
    %xor3A_356 = arith.xori %or3A_355, %add3A_348 : vector<128x128xi32>
    %add3A_357 = arith.addi %add3A_348, %xor3A_356 : vector<128x128xi32>
    %shift_left3A_358 = arith.constant 29 : i32
    %shift_left3A_359 = vector.broadcast %shift_left3A_358 : i32 to vector<128x128xi32>
    %shift_left3A_360 = arith.shli %xor3A_356, %shift_left3A_359 : vector<128x128xi32>
    %shift_right_logical3A_361 = arith.constant 3 : i32
    %shift_right_logical3A_362 = vector.broadcast %shift_right_logical3A_361 : i32 to vector<128x128xi32>
    %shift_right_logical3A_363 = arith.shrui %xor3A_356, %shift_right_logical3A_362 : vector<128x128xi32>
    %or3A_364 = arith.ori %shift_left3A_360, %shift_right_logical3A_363 : vector<128x128xi32>
    %xor3A_365 = arith.xori %or3A_364, %add3A_357 : vector<128x128xi32>
    %add3A_366 = arith.addi %add3A_357, %xor3A_365 : vector<128x128xi32>
    %shift_left3A_367 = arith.constant 16 : i32
    %shift_left3A_368 = vector.broadcast %shift_left3A_367 : i32 to vector<128x128xi32>
    %shift_left3A_369 = arith.shli %xor3A_365, %shift_left3A_368 : vector<128x128xi32>
    %shift_right_logical3A_370 = arith.constant 16 : i32
    %shift_right_logical3A_371 = vector.broadcast %shift_right_logical3A_370 : i32 to vector<128x128xi32>
    %shift_right_logical3A_372 = arith.shrui %xor3A_365, %shift_right_logical3A_371 : vector<128x128xi32>
    %or3A_373 = arith.ori %shift_left3A_369, %shift_right_logical3A_372 : vector<128x128xi32>
    %xor3A_374 = arith.xori %or3A_373, %add3A_366 : vector<128x128xi32>
    %add3A_375 = arith.addi %add3A_366, %xor3A_374 : vector<128x128xi32>
    %shift_left3A_376 = arith.constant 24 : i32
    %shift_left3A_377 = vector.broadcast %shift_left3A_376 : i32 to vector<128x128xi32>
    %shift_left3A_378 = arith.shli %xor3A_374, %shift_left3A_377 : vector<128x128xi32>
    %shift_right_logical3A_379 = arith.constant 8 : i32
    %shift_right_logical3A_380 = vector.broadcast %shift_right_logical3A_379 : i32 to vector<128x128xi32>
    %shift_right_logical3A_381 = arith.shrui %xor3A_374, %shift_right_logical3A_380 : vector<128x128xi32>
    %or3A_382 = arith.ori %shift_left3A_378, %shift_right_logical3A_381 : vector<128x128xi32>
    %xor3A_383 = arith.xori %or3A_382, %add3A_375 : vector<128x128xi32>
    %add3A_384 = arith.constant 466689008 : i32
    %add3A_385 = vector.broadcast %add3A_384 : i32 to vector<128x128xi32>
    %add3A_386 = arith.addi %add3A_375, %add3A_385 : vector<128x128xi32>
    %add3A_387 = arith.constant 2 : i32
    %add3A_388 = vector.broadcast %add3A_387 : i32 to vector<128x128xi32>
    %add3A_389 = arith.addi %xor3A_383, %add3A_388 : vector<128x128xi32>
    %add3A_390 = arith.addi %add3A_386, %add3A_389 : vector<128x128xi32>
    %shift_left3A_391 = arith.constant 13 : i32
    %shift_left3A_392 = vector.broadcast %shift_left3A_391 : i32 to vector<128x128xi32>
    %shift_left3A_393 = arith.shli %add3A_389, %shift_left3A_392 : vector<128x128xi32>
    %shift_right_logical3A_394 = arith.constant 19 : i32
    %shift_right_logical3A_395 = vector.broadcast %shift_right_logical3A_394 : i32 to vector<128x128xi32>
    %shift_right_logical3A_396 = arith.shrui %add3A_389, %shift_right_logical3A_395 : vector<128x128xi32>
    %or3A_397 = arith.ori %shift_left3A_393, %shift_right_logical3A_396 : vector<128x128xi32>
    %xor3A_398 = arith.xori %or3A_397, %add3A_390 : vector<128x128xi32>
    %add3A_399 = arith.addi %add3A_390, %xor3A_398 : vector<128x128xi32>
    %shift_left3A_400 = arith.constant 15 : i32
    %shift_left3A_401 = vector.broadcast %shift_left3A_400 : i32 to vector<128x128xi32>
    %shift_left3A_402 = arith.shli %xor3A_398, %shift_left3A_401 : vector<128x128xi32>
    %shift_right_logical3A_403 = arith.constant 17 : i32
    %shift_right_logical3A_404 = vector.broadcast %shift_right_logical3A_403 : i32 to vector<128x128xi32>
    %shift_right_logical3A_405 = arith.shrui %xor3A_398, %shift_right_logical3A_404 : vector<128x128xi32>
    %or3A_406 = arith.ori %shift_left3A_402, %shift_right_logical3A_405 : vector<128x128xi32>
    %xor3A_407 = arith.xori %or3A_406, %add3A_399 : vector<128x128xi32>
    %add3A_408 = arith.addi %add3A_399, %xor3A_407 : vector<128x128xi32>
    %shift_left3A_409 = arith.constant 26 : i32
    %shift_left3A_410 = vector.broadcast %shift_left3A_409 : i32 to vector<128x128xi32>
    %shift_left3A_411 = arith.shli %xor3A_407, %shift_left3A_410 : vector<128x128xi32>
    %shift_right_logical3A_412 = arith.constant 6 : i32
    %shift_right_logical3A_413 = vector.broadcast %shift_right_logical3A_412 : i32 to vector<128x128xi32>
    %shift_right_logical3A_414 = arith.shrui %xor3A_407, %shift_right_logical3A_413 : vector<128x128xi32>
    %or3A_415 = arith.ori %shift_left3A_411, %shift_right_logical3A_414 : vector<128x128xi32>
    %xor3A_416 = arith.xori %or3A_415, %add3A_408 : vector<128x128xi32>
    %add3A_417 = arith.addi %add3A_408, %xor3A_416 : vector<128x128xi32>
    %shift_left3A_418 = arith.constant 6 : i32
    %shift_left3A_419 = vector.broadcast %shift_left3A_418 : i32 to vector<128x128xi32>
    %shift_left3A_420 = arith.shli %xor3A_416, %shift_left3A_419 : vector<128x128xi32>
    %shift_right_logical3A_421 = arith.constant 26 : i32
    %shift_right_logical3A_422 = vector.broadcast %shift_right_logical3A_421 : i32 to vector<128x128xi32>
    %shift_right_logical3A_423 = arith.shrui %xor3A_416, %shift_right_logical3A_422 : vector<128x128xi32>
    %or3A_424 = arith.ori %shift_left3A_420, %shift_right_logical3A_423 : vector<128x128xi32>
    %xor3A_425 = arith.xori %or3A_424, %add3A_417 : vector<128x128xi32>
    %add3A_426 = arith.constant 0 : i32
    %add3A_427 = vector.broadcast %add3A_426 : i32 to vector<128x128xi32>
    %add3A_428 = arith.addi %add3A_417, %add3A_427 : vector<128x128xi32>
    %add3A_429 = arith.constant 45 : i32
    %add3A_430 = vector.broadcast %add3A_429 : i32 to vector<128x128xi32>
    %add3A_431 = arith.addi %xor3A_425, %add3A_430 : vector<128x128xi32>
    %add3A_432 = arith.addi %add3A_428, %add3A_431 : vector<128x128xi32>
    %shift_left3A_433 = arith.constant 17 : i32
    %shift_left3A_434 = vector.broadcast %shift_left3A_433 : i32 to vector<128x128xi32>
    %shift_left3A_435 = arith.shli %add3A_431, %shift_left3A_434 : vector<128x128xi32>
    %shift_right_logical3A_436 = arith.constant 15 : i32
    %shift_right_logical3A_437 = vector.broadcast %shift_right_logical3A_436 : i32 to vector<128x128xi32>
    %shift_right_logical3A_438 = arith.shrui %add3A_431, %shift_right_logical3A_437 : vector<128x128xi32>
    %or3A_439 = arith.ori %shift_left3A_435, %shift_right_logical3A_438 : vector<128x128xi32>
    %xor3A_440 = arith.xori %or3A_439, %add3A_432 : vector<128x128xi32>
    %add3A_441 = arith.addi %add3A_432, %xor3A_440 : vector<128x128xi32>
    %shift_left3A_442 = arith.constant 29 : i32
    %shift_left3A_443 = vector.broadcast %shift_left3A_442 : i32 to vector<128x128xi32>
    %shift_left3A_444 = arith.shli %xor3A_440, %shift_left3A_443 : vector<128x128xi32>
    %shift_right_logical3A_445 = arith.constant 3 : i32
    %shift_right_logical3A_446 = vector.broadcast %shift_right_logical3A_445 : i32 to vector<128x128xi32>
    %shift_right_logical3A_447 = arith.shrui %xor3A_440, %shift_right_logical3A_446 : vector<128x128xi32>
    %or3A_448 = arith.ori %shift_left3A_444, %shift_right_logical3A_447 : vector<128x128xi32>
    %xor3A_449 = arith.xori %or3A_448, %add3A_441 : vector<128x128xi32>
    %add3A_450 = arith.addi %add3A_441, %xor3A_449 : vector<128x128xi32>
    %shift_left3A_451 = arith.constant 16 : i32
    %shift_left3A_452 = vector.broadcast %shift_left3A_451 : i32 to vector<128x128xi32>
    %shift_left3A_453 = arith.shli %xor3A_449, %shift_left3A_452 : vector<128x128xi32>
    %shift_right_logical3A_454 = arith.constant 16 : i32
    %shift_right_logical3A_455 = vector.broadcast %shift_right_logical3A_454 : i32 to vector<128x128xi32>
    %shift_right_logical3A_456 = arith.shrui %xor3A_449, %shift_right_logical3A_455 : vector<128x128xi32>
    %or3A_457 = arith.ori %shift_left3A_453, %shift_right_logical3A_456 : vector<128x128xi32>
    %xor3A_458 = arith.xori %or3A_457, %add3A_450 : vector<128x128xi32>
    %add3A_459 = arith.addi %add3A_450, %xor3A_458 : vector<128x128xi32>
    %shift_left3A_460 = arith.constant 24 : i32
    %shift_left3A_461 = vector.broadcast %shift_left3A_460 : i32 to vector<128x128xi32>
    %shift_left3A_462 = arith.shli %xor3A_458, %shift_left3A_461 : vector<128x128xi32>
    %shift_right_logical3A_463 = arith.constant 8 : i32
    %shift_right_logical3A_464 = vector.broadcast %shift_right_logical3A_463 : i32 to vector<128x128xi32>
    %shift_right_logical3A_465 = arith.shrui %xor3A_458, %shift_right_logical3A_464 : vector<128x128xi32>
    %or3A_466 = arith.ori %shift_left3A_462, %shift_right_logical3A_465 : vector<128x128xi32>
    %xor3A_467 = arith.xori %or3A_466, %add3A_459 : vector<128x128xi32>
    %add3A_468 = arith.constant 42 : i32
    %add3A_469 = vector.broadcast %add3A_468 : i32 to vector<128x128xi32>
    %add3A_470 = arith.addi %add3A_459, %add3A_469 : vector<128x128xi32>
    %add3A_471 = arith.constant 466689012 : i32
    %add3A_472 = vector.broadcast %add3A_471 : i32 to vector<128x128xi32>
    %add3A_473 = arith.addi %xor3A_467, %add3A_472 : vector<128x128xi32>
    %add3A_474 = arith.addi %add3A_470, %add3A_473 : vector<128x128xi32>
    %shift_left3A_475 = arith.constant 13 : i32
    %shift_left3A_476 = vector.broadcast %shift_left3A_475 : i32 to vector<128x128xi32>
    %shift_left3A_477 = arith.shli %add3A_473, %shift_left3A_476 : vector<128x128xi32>
    %shift_right_logical3A_478 = arith.constant 19 : i32
    %shift_right_logical3A_479 = vector.broadcast %shift_right_logical3A_478 : i32 to vector<128x128xi32>
    %shift_right_logical3A_480 = arith.shrui %add3A_473, %shift_right_logical3A_479 : vector<128x128xi32>
    %or3A_481 = arith.ori %shift_left3A_477, %shift_right_logical3A_480 : vector<128x128xi32>
    %xor3A_482 = arith.xori %or3A_481, %add3A_474 : vector<128x128xi32>
    %add3A_483 = arith.addi %add3A_474, %xor3A_482 : vector<128x128xi32>
    %shift_left3A_484 = arith.constant 15 : i32
    %shift_left3A_485 = vector.broadcast %shift_left3A_484 : i32 to vector<128x128xi32>
    %shift_left3A_486 = arith.shli %xor3A_482, %shift_left3A_485 : vector<128x128xi32>
    %shift_right_logical3A_487 = arith.constant 17 : i32
    %shift_right_logical3A_488 = vector.broadcast %shift_right_logical3A_487 : i32 to vector<128x128xi32>
    %shift_right_logical3A_489 = arith.shrui %xor3A_482, %shift_right_logical3A_488 : vector<128x128xi32>
    %or3A_490 = arith.ori %shift_left3A_486, %shift_right_logical3A_489 : vector<128x128xi32>
    %xor3A_491 = arith.xori %or3A_490, %add3A_483 : vector<128x128xi32>
    %add3A_492 = arith.addi %add3A_483, %xor3A_491 : vector<128x128xi32>
    %shift_left3A_493 = arith.constant 26 : i32
    %shift_left3A_494 = vector.broadcast %shift_left3A_493 : i32 to vector<128x128xi32>
    %shift_left3A_495 = arith.shli %xor3A_491, %shift_left3A_494 : vector<128x128xi32>
    %shift_right_logical3A_496 = arith.constant 6 : i32
    %shift_right_logical3A_497 = vector.broadcast %shift_right_logical3A_496 : i32 to vector<128x128xi32>
    %shift_right_logical3A_498 = arith.shrui %xor3A_491, %shift_right_logical3A_497 : vector<128x128xi32>
    %or3A_499 = arith.ori %shift_left3A_495, %shift_right_logical3A_498 : vector<128x128xi32>
    %xor3A_500 = arith.xori %or3A_499, %add3A_492 : vector<128x128xi32>
    %add3A_501 = arith.addi %add3A_492, %xor3A_500 : vector<128x128xi32>
    %shift_left3A_502 = arith.constant 6 : i32
    %shift_left3A_503 = vector.broadcast %shift_left3A_502 : i32 to vector<128x128xi32>
    %shift_left3A_504 = arith.shli %xor3A_500, %shift_left3A_503 : vector<128x128xi32>
    %shift_right_logical3A_505 = arith.constant 26 : i32
    %shift_right_logical3A_506 = vector.broadcast %shift_right_logical3A_505 : i32 to vector<128x128xi32>
    %shift_right_logical3A_507 = arith.shrui %xor3A_500, %shift_right_logical3A_506 : vector<128x128xi32>
    %or3A_508 = arith.ori %shift_left3A_504, %shift_right_logical3A_507 : vector<128x128xi32>
    %xor3A_509 = arith.xori %or3A_508, %add3A_501 : vector<128x128xi32>
    %add3A_510 = arith.constant 466689008 : i32
    %add3A_511 = vector.broadcast %add3A_510 : i32 to vector<128x128xi32>
    %add3A_512 = arith.addi %add3A_501, %add3A_511 : vector<128x128xi32>
    %add3A_513 = arith.constant 5 : i32
    %add3A_514 = vector.broadcast %add3A_513 : i32 to vector<128x128xi32>
    %add3A_515 = arith.addi %xor3A_509, %add3A_514 : vector<128x128xi32>
    %xor3A_516 = arith.xori %add3A_512, %add3A_515 : vector<128x128xi32>
    %shift_right_logical3A_517 = arith.constant 9 : i32
    %shift_right_logical3A_518 = vector.broadcast %shift_right_logical3A_517 : i32 to vector<128x128xi32>
    %shift_right_logical3A_519 = arith.shrui %xor3A_516, %shift_right_logical3A_518 : vector<128x128xi32>
    %or3A_520 = arith.constant 1065353216 : i32
    %or3A_521 = vector.broadcast %or3A_520 : i32 to vector<128x128xi32>
    %or3A_522 = arith.ori %shift_right_logical3A_519, %or3A_521 : vector<128x128xi32>
    %bitcast_convert_type3A_523 = tpu.bitcast %or3A_522 : vector<128x128xi32> -> vector<128x128xf32>
    %sub3A_524 = arith.constant 1.000000e+00 : f32
    %sub3A_525 = vector.broadcast %sub3A_524 : f32 to vector<128x128xf32>
    %sub3A_526 = arith.subf %bitcast_convert_type3A_523, %sub3A_525 : vector<128x128xf32>
    %max3A_527 = arith.constant 1.17549435E-38 : f32
    %max3A_528 = vector.broadcast %max3A_527 : f32 to vector<128x128xf32>
    %max3A_529 = arith.maximumf %max3A_528, %sub3A_526 : vector<128x128xf32>
    %log3A_530 = math.log %max3A_529 : vector<128x128xf32>
    %neg3A_531 = arith.constant 0.000000e+00 : f32
    %neg3A_532 = vector.broadcast %neg3A_531 : f32 to vector<128x128xf32>
    %neg3A_533 = arith.subf %neg3A_532, %log3A_530 : vector<128x128xf32>
    %log3A_534 = math.log %neg3A_533 : vector<128x128xf32>
    %neg3A_535 = arith.constant 0.000000e+00 : f32
    %neg3A_536 = vector.broadcast %neg3A_535 : f32 to vector<128x128xf32>
    %neg3A_537 = arith.subf %neg3A_536, %log3A_534 : vector<128x128xf32>
    %add3A_538 = arith.addf %concatenate3A, %neg3A_537 : vector<128x128xf32>
    %reduce_max3A_539 = arith.constant dense<0xFF800000> : vector<128xf32>
    %reduce_max3A_540 = vector.multi_reduction <maximumf>, %add3A_538, %reduce_max3A_539 [0] : vector<128x128xf32> to vector<128xf32>
    %broadcast_in_dim3A_541 = vector.shape_cast %reduce_max3A_540 : vector<128xf32> to vector<1x128xf32>
    %squeeze3A_542 = vector.shape_cast %broadcast_in_dim3A_541 : vector<1x128xf32> to vector<128xf32>
    %broadcast_in_dim3A_543 = vector.shape_cast %squeeze3A_542 : vector<128xf32> to vector<1x128xf32>
    %eq3A_544 = vector.broadcast %broadcast_in_dim3A_543 : vector<1x128xf32> to vector<128x128xf32>
    %eq3A_545 = arith.cmpf oeq, %add3A_538, %eq3A_544 : vector<128x128xf32>
    %jit3A_546 = arith.constant 1073741824 : i32
    %broadcast_in_dim3A_547 = vector.broadcast %jit3A_546 : i32 to vector<128x128xi32>
    %select_n3A_548 = arith.select %eq3A_545, %add3A_24, %broadcast_in_dim3A_547 : vector<128x128xi1>, vector<128x128xi32>
    %reduce_min3A_549 = arith.constant dense<2147483647> : vector<128xi32>
    %reduce_min3A_550 = vector.multi_reduction <minsi>, %select_n3A_548, %reduce_min3A_549 [0] : vector<128x128xi32> to vector<128xi32>
    %broadcast_in_dim3A_551 = vector.shape_cast %reduce_min3A_550 : vector<128xi32> to vector<1x128xi32>
    %squeeze3A_552 = vector.shape_cast %broadcast_in_dim3A_551 : vector<1x128xi32> to vector<128xi32>
    %get3A_553 = arith.constant 1 : index
    %get3A_554 = arith.constant 0 : index
    %get3A_555 = vector.load %arg5[%get3A_553, %get3A_554] : memref<16x128xf32, #tpu.memory_space<vmem>>, vector<1x128xf32>
    %get3A_556 = vector.shape_cast %get3A_555 : vector<1x128xf32> to vector<128xf32>
    %get3A_557 = arith.constant 1 : index
    %get3A_558 = arith.constant 0 : index
    %get3A_559 = vector.load %arg6[%get3A_557, %get3A_558] : memref<16x128xi32, #tpu.memory_space<vmem>>, vector<1x128xi32>
    %get3A_560 = vector.shape_cast %get3A_559 : vector<1x128xi32> to vector<128xi32>
    %gt3A_561 = arith.cmpf ogt, %squeeze3A_542, %get3A_556 : vector<128xf32>
    %or3A_562 = vector.broadcast %eq3A_36 : i1 to vector<128xi1>
    %or3A_563 = arith.ori %or3A_562, %gt3A_561 : vector<128xi1>
    %select_n3A_564 = arith.select %or3A_563, %squeeze3A_542, %get3A_556 : vector<128xi1>, vector<128xf32>
    %swap3A_565 = arith.constant 1 : index
    %swap3A_566 = arith.constant 0 : index
    %swap3A_567 = vector.load %arg5[%swap3A_565, %swap3A_566] : memref<16x128xf32, #tpu.memory_space<vmem>>, vector<1x128xf32>
    %swap3A_568 = vector.shape_cast %swap3A_567 : vector<1x128xf32> to vector<128xf32>
    %swap3A_569 = vector.shape_cast %select_n3A_564 : vector<128xf32> to vector<1x128xf32>
    tpu.vector_store %arg5[%swap3A_565, %swap3A_566], %swap3A_569 {strides = array<i32>} : memref<16x128xf32, #tpu.memory_space<vmem>>, vector<1x128xf32>,
    %select_n3A_570 = arith.select %or3A_563, %squeeze3A_552, %get3A_560 : vector<128xi1>, vector<128xi32>
    %swap3A_571 = arith.constant 1 : index
    %swap3A_572 = arith.constant 0 : index
    %swap3A_573 = vector.load %arg6[%swap3A_571, %swap3A_572] : memref<16x128xi32, #tpu.memory_space<vmem>>, vector<1x128xi32>
    %swap3A_574 = vector.shape_cast %swap3A_573 : vector<1x128xi32> to vector<128xi32>
    %swap3A_575 = vector.shape_cast %select_n3A_570 : vector<128xi32> to vector<1x128xi32>
    tpu.vector_store %arg6[%swap3A_571, %swap3A_572], %swap3A_575 {strides = array<i32>} : memref<16x128xi32, #tpu.memory_space<vmem>>, vector<1x128xi32>,
    %add3A_576 = arith.constant 8388608 : i32
    %add3A_577 = vector.broadcast %add3A_576 : i32 to vector<128x128xi32>
    %add3A_578 = arith.addi %add3A_35, %add3A_577 : vector<128x128xi32>
    %add3A_579 = arith.constant 42 : i32
    %add3A_580 = vector.broadcast %add3A_579 : i32 to vector<128x128xi32>
    %add3A_581 = arith.addi %add3A_578, %add3A_580 : vector<128x128xi32>
    %shift_left3A_582 = arith.constant 13 : i32
    %shift_left3A_583 = vector.broadcast %shift_left3A_582 : i32 to vector<128x128xi32>
    %shift_left3A_584 = arith.shli %add3A_581, %shift_left3A_583 : vector<128x128xi32>
    %shift_right_logical3A_585 = arith.constant 19 : i32
    %shift_right_logical3A_586 = vector.broadcast %shift_right_logical3A_585 : i32 to vector<128x128xi32>
    %shift_right_logical3A_587 = arith.shrui %add3A_581, %shift_right_logical3A_586 : vector<128x128xi32>
    %or3A_588 = arith.ori %shift_left3A_584, %shift_right_logical3A_587 : vector<128x128xi32>
    %xor3A_589 = arith.xori %or3A_588, %add3A_581 : vector<128x128xi32>
    %add3A_590 = arith.addi %add3A_581, %xor3A_589 : vector<128x128xi32>
    %shift_left3A_591 = arith.constant 15 : i32
    %shift_left3A_592 = vector.broadcast %shift_left3A_591 : i32 to vector<128x128xi32>
    %shift_left3A_593 = arith.shli %xor3A_589, %shift_left3A_592 : vector<128x128xi32>
    %shift_right_logical3A_594 = arith.constant 17 : i32
    %shift_right_logical3A_595 = vector.broadcast %shift_right_logical3A_594 : i32 to vector<128x128xi32>
    %shift_right_logical3A_596 = arith.shrui %xor3A_589, %shift_right_logical3A_595 : vector<128x128xi32>
    %or3A_597 = arith.ori %shift_left3A_593, %shift_right_logical3A_596 : vector<128x128xi32>
    %xor3A_598 = arith.xori %or3A_597, %add3A_590 : vector<128x128xi32>
    %add3A_599 = arith.addi %add3A_590, %xor3A_598 : vector<128x128xi32>
    %shift_left3A_600 = arith.constant 26 : i32
    %shift_left3A_601 = vector.broadcast %shift_left3A_600 : i32 to vector<128x128xi32>
    %shift_left3A_602 = arith.shli %xor3A_598, %shift_left3A_601 : vector<128x128xi32>
    %shift_right_logical3A_603 = arith.constant 6 : i32
    %shift_right_logical3A_604 = vector.broadcast %shift_right_logical3A_603 : i32 to vector<128x128xi32>
    %shift_right_logical3A_605 = arith.shrui %xor3A_598, %shift_right_logical3A_604 : vector<128x128xi32>
    %or3A_606 = arith.ori %shift_left3A_602, %shift_right_logical3A_605 : vector<128x128xi32>
    %xor3A_607 = arith.xori %or3A_606, %add3A_599 : vector<128x128xi32>
    %add3A_608 = arith.addi %add3A_599, %xor3A_607 : vector<128x128xi32>
    %shift_left3A_609 = arith.constant 6 : i32
    %shift_left3A_610 = vector.broadcast %shift_left3A_609 : i32 to vector<128x128xi32>
    %shift_left3A_611 = arith.shli %xor3A_607, %shift_left3A_610 : vector<128x128xi32>
    %shift_right_logical3A_612 = arith.constant 26 : i32
    %shift_right_logical3A_613 = vector.broadcast %shift_right_logical3A_612 : i32 to vector<128x128xi32>
    %shift_right_logical3A_614 = arith.shrui %xor3A_607, %shift_right_logical3A_613 : vector<128x128xi32>
    %or3A_615 = arith.ori %shift_left3A_611, %shift_right_logical3A_614 : vector<128x128xi32>
    %xor3A_616 = arith.xori %or3A_615, %add3A_608 : vector<128x128xi32>
    %add3A_617 = arith.constant 42 : i32
    %add3A_618 = vector.broadcast %add3A_617 : i32 to vector<128x128xi32>
    %add3A_619 = arith.addi %add3A_608, %add3A_618 : vector<128x128xi32>
    %add3A_620 = arith.constant 466689009 : i32
    %add3A_621 = vector.broadcast %add3A_620 : i32 to vector<128x128xi32>
    %add3A_622 = arith.addi %xor3A_616, %add3A_621 : vector<128x128xi32>
    %add3A_623 = arith.addi %add3A_619, %add3A_622 : vector<128x128xi32>
    %shift_left3A_624 = arith.constant 17 : i32
    %shift_left3A_625 = vector.broadcast %shift_left3A_624 : i32 to vector<128x128xi32>
    %shift_left3A_626 = arith.shli %add3A_622, %shift_left3A_625 : vector<128x128xi32>
    %shift_right_logical3A_627 = arith.constant 15 : i32
    %shift_right_logical3A_628 = vector.broadcast %shift_right_logical3A_627 : i32 to vector<128x128xi32>
    %shift_right_logical3A_629 = arith.shrui %add3A_622, %shift_right_logical3A_628 : vector<128x128xi32>
    %or3A_630 = arith.ori %shift_left3A_626, %shift_right_logical3A_629 : vector<128x128xi32>
    %xor3A_631 = arith.xori %or3A_630, %add3A_623 : vector<128x128xi32>
    %add3A_632 = arith.addi %add3A_623, %xor3A_631 : vector<128x128xi32>
    %shift_left3A_633 = arith.constant 29 : i32
    %shift_left3A_634 = vector.broadcast %shift_left3A_633 : i32 to vector<128x128xi32>
    %shift_left3A_635 = arith.shli %xor3A_631, %shift_left3A_634 : vector<128x128xi32>
    %shift_right_logical3A_636 = arith.constant 3 : i32
    %shift_right_logical3A_637 = vector.broadcast %shift_right_logical3A_636 : i32 to vector<128x128xi32>
    %shift_right_logical3A_638 = arith.shrui %xor3A_631, %shift_right_logical3A_637 : vector<128x128xi32>
    %or3A_639 = arith.ori %shift_left3A_635, %shift_right_logical3A_638 : vector<128x128xi32>
    %xor3A_640 = arith.xori %or3A_639, %add3A_632 : vector<128x128xi32>
    %add3A_641 = arith.addi %add3A_632, %xor3A_640 : vector<128x128xi32>
    %shift_left3A_642 = arith.constant 16 : i32
    %shift_left3A_643 = vector.broadcast %shift_left3A_642 : i32 to vector<128x128xi32>
    %shift_left3A_644 = arith.shli %xor3A_640, %shift_left3A_643 : vector<128x128xi32>
    %shift_right_logical3A_645 = arith.constant 16 : i32
    %shift_right_logical3A_646 = vector.broadcast %shift_right_logical3A_645 : i32 to vector<128x128xi32>
    %shift_right_logical3A_647 = arith.shrui %xor3A_640, %shift_right_logical3A_646 : vector<128x128xi32>
    %or3A_648 = arith.ori %shift_left3A_644, %shift_right_logical3A_647 : vector<128x128xi32>
    %xor3A_649 = arith.xori %or3A_648, %add3A_641 : vector<128x128xi32>
    %add3A_650 = arith.addi %add3A_641, %xor3A_649 : vector<128x128xi32>
    %shift_left3A_651 = arith.constant 24 : i32
    %shift_left3A_652 = vector.broadcast %shift_left3A_651 : i32 to vector<128x128xi32>
    %shift_left3A_653 = arith.shli %xor3A_649, %shift_left3A_652 : vector<128x128xi32>
    %shift_right_logical3A_654 = arith.constant 8 : i32
    %shift_right_logical3A_655 = vector.broadcast %shift_right_logical3A_654 : i32 to vector<128x128xi32>
    %shift_right_logical3A_656 = arith.shrui %xor3A_649, %shift_right_logical3A_655 : vector<128x128xi32>
    %or3A_657 = arith.ori %shift_left3A_653, %shift_right_logical3A_656 : vector<128x128xi32>
    %xor3A_658 = arith.xori %or3A_657, %add3A_650 : vector<128x128xi32>
    %add3A_659 = arith.constant 466689008 : i32
    %add3A_660 = vector.broadcast %add3A_659 : i32 to vector<128x128xi32>
    %add3A_661 = arith.addi %add3A_650, %add3A_660 : vector<128x128xi32>
    %add3A_662 = arith.constant 2 : i32
    %add3A_663 = vector.broadcast %add3A_662 : i32 to vector<128x128xi32>
    %add3A_664 = arith.addi %xor3A_658, %add3A_663 : vector<128x128xi32>
    %add3A_665 = arith.addi %add3A_661, %add3A_664 : vector<128x128xi32>
    %shift_left3A_666 = arith.constant 13 : i32
    %shift_left3A_667 = vector.broadcast %shift_left3A_666 : i32 to vector<128x128xi32>
    %shift_left3A_668 = arith.shli %add3A_664, %shift_left3A_667 : vector<128x128xi32>
    %shift_right_logical3A_669 = arith.constant 19 : i32
    %shift_right_logical3A_670 = vector.broadcast %shift_right_logical3A_669 : i32 to vector<128x128xi32>
    %shift_right_logical3A_671 = arith.shrui %add3A_664, %shift_right_logical3A_670 : vector<128x128xi32>
    %or3A_672 = arith.ori %shift_left3A_668, %shift_right_logical3A_671 : vector<128x128xi32>
    %xor3A_673 = arith.xori %or3A_672, %add3A_665 : vector<128x128xi32>
    %add3A_674 = arith.addi %add3A_665, %xor3A_673 : vector<128x128xi32>
    %shift_left3A_675 = arith.constant 15 : i32
    %shift_left3A_676 = vector.broadcast %shift_left3A_675 : i32 to vector<128x128xi32>
    %shift_left3A_677 = arith.shli %xor3A_673, %shift_left3A_676 : vector<128x128xi32>
    %shift_right_logical3A_678 = arith.constant 17 : i32
    %shift_right_logical3A_679 = vector.broadcast %shift_right_logical3A_678 : i32 to vector<128x128xi32>
    %shift_right_logical3A_680 = arith.shrui %xor3A_673, %shift_right_logical3A_679 : vector<128x128xi32>
    %or3A_681 = arith.ori %shift_left3A_677, %shift_right_logical3A_680 : vector<128x128xi32>
    %xor3A_682 = arith.xori %or3A_681, %add3A_674 : vector<128x128xi32>
    %add3A_683 = arith.addi %add3A_674, %xor3A_682 : vector<128x128xi32>
    %shift_left3A_684 = arith.constant 26 : i32
    %shift_left3A_685 = vector.broadcast %shift_left3A_684 : i32 to vector<128x128xi32>
    %shift_left3A_686 = arith.shli %xor3A_682, %shift_left3A_685 : vector<128x128xi32>
    %shift_right_logical3A_687 = arith.constant 6 : i32
    %shift_right_logical3A_688 = vector.broadcast %shift_right_logical3A_687 : i32 to vector<128x128xi32>
    %shift_right_logical3A_689 = arith.shrui %xor3A_682, %shift_right_logical3A_688 : vector<128x128xi32>
    %or3A_690 = arith.ori %shift_left3A_686, %shift_right_logical3A_689 : vector<128x128xi32>
    %xor3A_691 = arith.xori %or3A_690, %add3A_683 : vector<128x128xi32>
    %add3A_692 = arith.addi %add3A_683, %xor3A_691 : vector<128x128xi32>
    %shift_left3A_693 = arith.constant 6 : i32
    %shift_left3A_694 = vector.broadcast %shift_left3A_693 : i32 to vector<128x128xi32>
    %shift_left3A_695 = arith.shli %xor3A_691, %shift_left3A_694 : vector<128x128xi32>
    %shift_right_logical3A_696 = arith.constant 26 : i32
    %shift_right_logical3A_697 = vector.broadcast %shift_right_logical3A_696 : i32 to vector<128x128xi32>
    %shift_right_logical3A_698 = arith.shrui %xor3A_691, %shift_right_logical3A_697 : vector<128x128xi32>
    %or3A_699 = arith.ori %shift_left3A_695, %shift_right_logical3A_698 : vector<128x128xi32>
    %xor3A_700 = arith.xori %or3A_699, %add3A_692 : vector<128x128xi32>
    %add3A_701 = arith.constant 0 : i32
    %add3A_702 = vector.broadcast %add3A_701 : i32 to vector<128x128xi32>
    %add3A_703 = arith.addi %add3A_692, %add3A_702 : vector<128x128xi32>
    %add3A_704 = arith.constant 45 : i32
    %add3A_705 = vector.broadcast %add3A_704 : i32 to vector<128x128xi32>
    %add3A_706 = arith.addi %xor3A_700, %add3A_705 : vector<128x128xi32>
    %add3A_707 = arith.addi %add3A_703, %add3A_706 : vector<128x128xi32>
    %shift_left3A_708 = arith.constant 17 : i32
    %shift_left3A_709 = vector.broadcast %shift_left3A_708 : i32 to vector<128x128xi32>
    %shift_left3A_710 = arith.shli %add3A_706, %shift_left3A_709 : vector<128x128xi32>
    %shift_right_logical3A_711 = arith.constant 15 : i32
    %shift_right_logical3A_712 = vector.broadcast %shift_right_logical3A_711 : i32 to vector<128x128xi32>
    %shift_right_logical3A_713 = arith.shrui %add3A_706, %shift_right_logical3A_712 : vector<128x128xi32>
    %or3A_714 = arith.ori %shift_left3A_710, %shift_right_logical3A_713 : vector<128x128xi32>
    %xor3A_715 = arith.xori %or3A_714, %add3A_707 : vector<128x128xi32>
    %add3A_716 = arith.addi %add3A_707, %xor3A_715 : vector<128x128xi32>
    %shift_left3A_717 = arith.constant 29 : i32
    %shift_left3A_718 = vector.broadcast %shift_left3A_717 : i32 to vector<128x128xi32>
    %shift_left3A_719 = arith.shli %xor3A_715, %shift_left3A_718 : vector<128x128xi32>
    %shift_right_logical3A_720 = arith.constant 3 : i32
    %shift_right_logical3A_721 = vector.broadcast %shift_right_logical3A_720 : i32 to vector<128x128xi32>
    %shift_right_logical3A_722 = arith.shrui %xor3A_715, %shift_right_logical3A_721 : vector<128x128xi32>
    %or3A_723 = arith.ori %shift_left3A_719, %shift_right_logical3A_722 : vector<128x128xi32>
    %xor3A_724 = arith.xori %or3A_723, %add3A_716 : vector<128x128xi32>
    %add3A_725 = arith.addi %add3A_716, %xor3A_724 : vector<128x128xi32>
    %shift_left3A_726 = arith.constant 16 : i32
    %shift_left3A_727 = vector.broadcast %shift_left3A_726 : i32 to vector<128x128xi32>
    %shift_left3A_728 = arith.shli %xor3A_724, %shift_left3A_727 : vector<128x128xi32>
    %shift_right_logical3A_729 = arith.constant 16 : i32
    %shift_right_logical3A_730 = vector.broadcast %shift_right_logical3A_729 : i32 to vector<128x128xi32>
    %shift_right_logical3A_731 = arith.shrui %xor3A_724, %shift_right_logical3A_730 : vector<128x128xi32>
    %or3A_732 = arith.ori %shift_left3A_728, %shift_right_logical3A_731 : vector<128x128xi32>
    %xor3A_733 = arith.xori %or3A_732, %add3A_725 : vector<128x128xi32>
    %add3A_734 = arith.addi %add3A_725, %xor3A_733 : vector<128x128xi32>
    %shift_left3A_735 = arith.constant 24 : i32
    %shift_left3A_736 = vector.broadcast %shift_left3A_735 : i32 to vector<128x128xi32>
    %shift_left3A_737 = arith.shli %xor3A_733, %shift_left3A_736 : vector<128x128xi32>
    %shift_right_logical3A_738 = arith.constant 8 : i32
    %shift_right_logical3A_739 = vector.broadcast %shift_right_logical3A_738 : i32 to vector<128x128xi32>
    %shift_right_logical3A_740 = arith.shrui %xor3A_733, %shift_right_logical3A_739 : vector<128x128xi32>
    %or3A_741 = arith.ori %shift_left3A_737, %shift_right_logical3A_740 : vector<128x128xi32>
    %xor3A_742 = arith.xori %or3A_741, %add3A_734 : vector<128x128xi32>
    %add3A_743 = arith.constant 42 : i32
    %add3A_744 = vector.broadcast %add3A_743 : i32 to vector<128x128xi32>
    %add3A_745 = arith.addi %add3A_734, %add3A_744 : vector<128x128xi32>
    %add3A_746 = arith.constant 466689012 : i32
    %add3A_747 = vector.broadcast %add3A_746 : i32 to vector<128x128xi32>
    %add3A_748 = arith.addi %xor3A_742, %add3A_747 : vector<128x128xi32>
    %add3A_749 = arith.addi %add3A_745, %add3A_748 : vector<128x128xi32>
    %shift_left3A_750 = arith.constant 13 : i32
    %shift_left3A_751 = vector.broadcast %shift_left3A_750 : i32 to vector<128x128xi32>
    %shift_left3A_752 = arith.shli %add3A_748, %shift_left3A_751 : vector<128x128xi32>
    %shift_right_logical3A_753 = arith.constant 19 : i32
    %shift_right_logical3A_754 = vector.broadcast %shift_right_logical3A_753 : i32 to vector<128x128xi32>
    %shift_right_logical3A_755 = arith.shrui %add3A_748, %shift_right_logical3A_754 : vector<128x128xi32>
    %or3A_756 = arith.ori %shift_left3A_752, %shift_right_logical3A_755 : vector<128x128xi32>
    %xor3A_757 = arith.xori %or3A_756, %add3A_749 : vector<128x128xi32>
    %add3A_758 = arith.addi %add3A_749, %xor3A_757 : vector<128x128xi32>
    %shift_left3A_759 = arith.constant 15 : i32
    %shift_left3A_760 = vector.broadcast %shift_left3A_759 : i32 to vector<128x128xi32>
    %shift_left3A_761 = arith.shli %xor3A_757, %shift_left3A_760 : vector<128x128xi32>
    %shift_right_logical3A_762 = arith.constant 17 : i32
    %shift_right_logical3A_763 = vector.broadcast %shift_right_logical3A_762 : i32 to vector<128x128xi32>
    %shift_right_logical3A_764 = arith.shrui %xor3A_757, %shift_right_logical3A_763 : vector<128x128xi32>
    %or3A_765 = arith.ori %shift_left3A_761, %shift_right_logical3A_764 : vector<128x128xi32>
    %xor3A_766 = arith.xori %or3A_765, %add3A_758 : vector<128x128xi32>
    %add3A_767 = arith.addi %add3A_758, %xor3A_766 : vector<128x128xi32>
    %shift_left3A_768 = arith.constant 26 : i32
    %shift_left3A_769 = vector.broadcast %shift_left3A_768 : i32 to vector<128x128xi32>
    %shift_left3A_770 = arith.shli %xor3A_766, %shift_left3A_769 : vector<128x128xi32>
    %shift_right_logical3A_771 = arith.constant 6 : i32
    %shift_right_logical3A_772 = vector.broadcast %shift_right_logical3A_771 : i32 to vector<128x128xi32>
    %shift_right_logical3A_773 = arith.shrui %xor3A_766, %shift_right_logical3A_772 : vector<128x128xi32>
    %or3A_774 = arith.ori %shift_left3A_770, %shift_right_logical3A_773 : vector<128x128xi32>
    %xor3A_775 = arith.xori %or3A_774, %add3A_767 : vector<128x128xi32>
    %add3A_776 = arith.addi %add3A_767, %xor3A_775 : vector<128x128xi32>
    %shift_left3A_777 = arith.constant 6 : i32
    %shift_left3A_778 = vector.broadcast %shift_left3A_777 : i32 to vector<128x128xi32>
    %shift_left3A_779 = arith.shli %xor3A_775, %shift_left3A_778 : vector<128x128xi32>
    %shift_right_logical3A_780 = arith.constant 26 : i32
    %shift_right_logical3A_781 = vector.broadcast %shift_right_logical3A_780 : i32 to vector<128x128xi32>
    %shift_right_logical3A_782 = arith.shrui %xor3A_775, %shift_right_logical3A_781 : vector<128x128xi32>
    %or3A_783 = arith.ori %shift_left3A_779, %shift_right_logical3A_782 : vector<128x128xi32>
    %xor3A_784 = arith.xori %or3A_783, %add3A_776 : vector<128x128xi32>
    %add3A_785 = arith.constant 466689008 : i32
    %add3A_786 = vector.broadcast %add3A_785 : i32 to vector<128x128xi32>
    %add3A_787 = arith.addi %add3A_776, %add3A_786 : vector<128x128xi32>
    %add3A_788 = arith.constant 5 : i32
    %add3A_789 = vector.broadcast %add3A_788 : i32 to vector<128x128xi32>
    %add3A_790 = arith.addi %xor3A_784, %add3A_789 : vector<128x128xi32>
    %xor3A_791 = arith.xori %add3A_787, %add3A_790 : vector<128x128xi32>
    %shift_right_logical3A_792 = arith.constant 9 : i32
    %shift_right_logical3A_793 = vector.broadcast %shift_right_logical3A_792 : i32 to vector<128x128xi32>
    %shift_right_logical3A_794 = arith.shrui %xor3A_791, %shift_right_logical3A_793 : vector<128x128xi32>
    %or3A_795 = arith.constant 1065353216 : i32
    %or3A_796 = vector.broadcast %or3A_795 : i32 to vector<128x128xi32>
    %or3A_797 = arith.ori %shift_right_logical3A_794, %or3A_796 : vector<128x128xi32>
    %bitcast_convert_type3A_798 = tpu.bitcast %or3A_797 : vector<128x128xi32> -> vector<128x128xf32>
    %sub3A_799 = arith.constant 1.000000e+00 : f32
    %sub3A_800 = vector.broadcast %sub3A_799 : f32 to vector<128x128xf32>
    %sub3A_801 = arith.subf %bitcast_convert_type3A_798, %sub3A_800 : vector<128x128xf32>
    %max3A_802 = arith.constant 1.17549435E-38 : f32
    %max3A_803 = vector.broadcast %max3A_802 : f32 to vector<128x128xf32>
    %max3A_804 = arith.maximumf %max3A_803, %sub3A_801 : vector<128x128xf32>
    %log3A_805 = math.log %max3A_804 : vector<128x128xf32>
    %neg3A_806 = arith.constant 0.000000e+00 : f32
    %neg3A_807 = vector.broadcast %neg3A_806 : f32 to vector<128x128xf32>
    %neg3A_808 = arith.subf %neg3A_807, %log3A_805 : vector<128x128xf32>
    %log3A_809 = math.log %neg3A_808 : vector<128x128xf32>
    %neg3A_810 = arith.constant 0.000000e+00 : f32
    %neg3A_811 = vector.broadcast %neg3A_810 : f32 to vector<128x128xf32>
    %neg3A_812 = arith.subf %neg3A_811, %log3A_809 : vector<128x128xf32>
    %add3A_813 = arith.addf %concatenate3A, %neg3A_812 : vector<128x128xf32>
    %reduce_max3A_814 = arith.constant dense<0xFF800000> : vector<128xf32>
    %reduce_max3A_815 = vector.multi_reduction <maximumf>, %add3A_813, %reduce_max3A_814 [0] : vector<128x128xf32> to vector<128xf32>
    %broadcast_in_dim3A_816 = vector.shape_cast %reduce_max3A_815 : vector<128xf32> to vector<1x128xf32>
    %squeeze3A_817 = vector.shape_cast %broadcast_in_dim3A_816 : vector<1x128xf32> to vector<128xf32>
    %broadcast_in_dim3A_818 = vector.shape_cast %squeeze3A_817 : vector<128xf32> to vector<1x128xf32>
    %eq3A_819 = vector.broadcast %broadcast_in_dim3A_818 : vector<1x128xf32> to vector<128x128xf32>
    %eq3A_820 = arith.cmpf oeq, %add3A_813, %eq3A_819 : vector<128x128xf32>
    %jit3A_821 = arith.constant 1073741824 : i32
    %broadcast_in_dim3A_822 = vector.broadcast %jit3A_821 : i32 to vector<128x128xi32>
    %select_n3A_823 = arith.select %eq3A_820, %add3A_24, %broadcast_in_dim3A_822 : vector<128x128xi1>, vector<128x128xi32>
    %reduce_min3A_824 = arith.constant dense<2147483647> : vector<128xi32>
    %reduce_min3A_825 = vector.multi_reduction <minsi>, %select_n3A_823, %reduce_min3A_824 [0] : vector<128x128xi32> to vector<128xi32>
    %broadcast_in_dim3A_826 = vector.shape_cast %reduce_min3A_825 : vector<128xi32> to vector<1x128xi32>
    %squeeze3A_827 = vector.shape_cast %broadcast_in_dim3A_826 : vector<1x128xi32> to vector<128xi32>
    %get3A_828 = arith.constant 2 : index
    %get3A_829 = arith.constant 0 : index
    %get3A_830 = vector.load %arg5[%get3A_828, %get3A_829] : memref<16x128xf32, #tpu.memory_space<vmem>>, vector<1x128xf32>
    %get3A_831 = vector.shape_cast %get3A_830 : vector<1x128xf32> to vector<128xf32>
    %get3A_832 = arith.constant 2 : index
    %get3A_833 = arith.constant 0 : index
    %get3A_834 = vector.load %arg6[%get3A_832, %get3A_833] : memref<16x128xi32, #tpu.memory_space<vmem>>, vector<1x128xi32>
    %get3A_835 = vector.shape_cast %get3A_834 : vector<1x128xi32> to vector<128xi32>
    %gt3A_836 = arith.cmpf ogt, %squeeze3A_817, %get3A_831 : vector<128xf32>
    %or3A_837 = vector.broadcast %eq3A_36 : i1 to vector<128xi1>
    %or3A_838 = arith.ori %or3A_837, %gt3A_836 : vector<128xi1>
    %select_n3A_839 = arith.select %or3A_838, %squeeze3A_817, %get3A_831 : vector<128xi1>, vector<128xf32>
    %swap3A_840 = arith.constant 2 : index
    %swap3A_841 = arith.constant 0 : index
    %swap3A_842 = vector.load %arg5[%swap3A_840, %swap3A_841] : memref<16x128xf32, #tpu.memory_space<vmem>>, vector<1x128xf32>
    %swap3A_843 = vector.shape_cast %swap3A_842 : vector<1x128xf32> to vector<128xf32>
    %swap3A_844 = vector.shape_cast %select_n3A_839 : vector<128xf32> to vector<1x128xf32>
    tpu.vector_store %arg5[%swap3A_840, %swap3A_841], %swap3A_844 {strides = array<i32>} : memref<16x128xf32, #tpu.memory_space<vmem>>, vector<1x128xf32>,
    %select_n3A_845 = arith.select %or3A_838, %squeeze3A_827, %get3A_835 : vector<128xi1>, vector<128xi32>
    %swap3A_846 = arith.constant 2 : index
    %swap3A_847 = arith.constant 0 : index
    %swap3A_848 = vector.load %arg6[%swap3A_846, %swap3A_847] : memref<16x128xi32, #tpu.memory_space<vmem>>, vector<1x128xi32>
    %swap3A_849 = vector.shape_cast %swap3A_848 : vector<1x128xi32> to vector<128xi32>
    %swap3A_850 = vector.shape_cast %select_n3A_845 : vector<128xi32> to vector<1x128xi32>
    tpu.vector_store %arg6[%swap3A_846, %swap3A_847], %swap3A_850 {strides = array<i32>} : memref<16x128xi32, #tpu.memory_space<vmem>>, vector<1x128xi32>,
    %add3A_851 = arith.constant 12582912 : i32
    %add3A_852 = vector.broadcast %add3A_851 : i32 to vector<128x128xi32>
    %add3A_853 = arith.addi %add3A_35, %add3A_852 : vector<128x128xi32>
    %add3A_854 = arith.constant 42 : i32
    %add3A_855 = vector.broadcast %add3A_854 : i32 to vector<128x128xi32>
    %add3A_856 = arith.addi %add3A_853, %add3A_855 : vector<128x128xi32>
    %shift_left3A_857 = arith.constant 13 : i32
    %shift_left3A_858 = vector.broadcast %shift_left3A_857 : i32 to vector<128x128xi32>
    %shift_left3A_859 = arith.shli %add3A_856, %shift_left3A_858 : vector<128x128xi32>
    %shift_right_logical3A_860 = arith.constant 19 : i32
    %shift_right_logical3A_861 = vector.broadcast %shift_right_logical3A_860 : i32 to vector<128x128xi32>
    %shift_right_logical3A_862 = arith.shrui %add3A_856, %shift_right_logical3A_861 : vector<128x128xi32>
    %or3A_863 = arith.ori %shift_left3A_859, %shift_right_logical3A_862 : vector<128x128xi32>
    %xor3A_864 = arith.xori %or3A_863, %add3A_856 : vector<128x128xi32>
    %add3A_865 = arith.addi %add3A_856, %xor3A_864 : vector<128x128xi32>
    %shift_left3A_866 = arith.constant 15 : i32
    %shift_left3A_867 = vector.broadcast %shift_left3A_866 : i32 to vector<128x128xi32>
    %shift_left3A_868 = arith.shli %xor3A_864, %shift_left3A_867 : vector<128x128xi32>
    %shift_right_logical3A_869 = arith.constant 17 : i32
    %shift_right_logical3A_870 = vector.broadcast %shift_right_logical3A_869 : i32 to vector<128x128xi32>
    %shift_right_logical3A_871 = arith.shrui %xor3A_864, %shift_right_logical3A_870 : vector<128x128xi32>
    %or3A_872 = arith.ori %shift_left3A_868, %shift_right_logical3A_871 : vector<128x128xi32>
    %xor3A_873 = arith.xori %or3A_872, %add3A_865 : vector<128x128xi32>
    %add3A_874 = arith.addi %add3A_865, %xor3A_873 : vector<128x128xi32>
    %shift_left3A_875 = arith.constant 26 : i32
    %shift_left3A_876 = vector.broadcast %shift_left3A_875 : i32 to vector<128x128xi32>
    %shift_left3A_877 = arith.shli %xor3A_873, %shift_left3A_876 : vector<128x128xi32>
    %shift_right_logical3A_878 = arith.constant 6 : i32
    %shift_right_logical3A_879 = vector.broadcast %shift_right_logical3A_878 : i32 to vector<128x128xi32>
    %shift_right_logical3A_880 = arith.shrui %xor3A_873, %shift_right_logical3A_879 : vector<128x128xi32>
    %or3A_881 = arith.ori %shift_left3A_877, %shift_right_logical3A_880 : vector<128x128xi32>
    %xor3A_882 = arith.xori %or3A_881, %add3A_874 : vector<128x128xi32>
    %add3A_883 = arith.addi %add3A_874, %xor3A_882 : vector<128x128xi32>
    %shift_left3A_884 = arith.constant 6 : i32
    %shift_left3A_885 = vector.broadcast %shift_left3A_884 : i32 to vector<128x128xi32>
    %shift_left3A_886 = arith.shli %xor3A_882, %shift_left3A_885 : vector<128x128xi32>
    %shift_right_logical3A_887 = arith.constant 26 : i32
    %shift_right_logical3A_888 = vector.broadcast %shift_right_logical3A_887 : i32 to vector<128x128xi32>
    %shift_right_logical3A_889 = arith.shrui %xor3A_882, %shift_right_logical3A_888 : vector<128x128xi32>
    %or3A_890 = arith.ori %shift_left3A_886, %shift_right_logical3A_889 : vector<128x128xi32>
    %xor3A_891 = arith.xori %or3A_890, %add3A_883 : vector<128x128xi32>
    %add3A_892 = arith.constant 42 : i32
    %add3A_893 = vector.broadcast %add3A_892 : i32 to vector<128x128xi32>
    %add3A_894 = arith.addi %add3A_883, %add3A_893 : vector<128x128xi32>
    %add3A_895 = arith.constant 466689009 : i32
    %add3A_896 = vector.broadcast %add3A_895 : i32 to vector<128x128xi32>
    %add3A_897 = arith.addi %xor3A_891, %add3A_896 : vector<128x128xi32>
    %add3A_898 = arith.addi %add3A_894, %add3A_897 : vector<128x128xi32>
    %shift_left3A_899 = arith.constant 17 : i32
    %shift_left3A_900 = vector.broadcast %shift_left3A_899 : i32 to vector<128x128xi32>
    %shift_left3A_901 = arith.shli %add3A_897, %shift_left3A_900 : vector<128x128xi32>
    %shift_right_logical3A_902 = arith.constant 15 : i32
    %shift_right_logical3A_903 = vector.broadcast %shift_right_logical3A_902 : i32 to vector<128x128xi32>
    %shift_right_logical3A_904 = arith.shrui %add3A_897, %shift_right_logical3A_903 : vector<128x128xi32>
    %or3A_905 = arith.ori %shift_left3A_901, %shift_right_logical3A_904 : vector<128x128xi32>
    %xor3A_906 = arith.xori %or3A_905, %add3A_898 : vector<128x128xi32>
    %add3A_907 = arith.addi %add3A_898, %xor3A_906 : vector<128x128xi32>
    %shift_left3A_908 = arith.constant 29 : i32
    %shift_left3A_909 = vector.broadcast %shift_left3A_908 : i32 to vector<128x128xi32>
    %shift_left3A_910 = arith.shli %xor3A_906, %shift_left3A_909 : vector<128x128xi32>
    %shift_right_logical3A_911 = arith.constant 3 : i32
    %shift_right_logical3A_912 = vector.broadcast %shift_right_logical3A_911 : i32 to vector<128x128xi32>
    %shift_right_logical3A_913 = arith.shrui %xor3A_906, %shift_right_logical3A_912 : vector<128x128xi32>
    %or3A_914 = arith.ori %shift_left3A_910, %shift_right_logical3A_913 : vector<128x128xi32>
    %xor3A_915 = arith.xori %or3A_914, %add3A_907 : vector<128x128xi32>
    %add3A_916 = arith.addi %add3A_907, %xor3A_915 : vector<128x128xi32>
    %shift_left3A_917 = arith.constant 16 : i32
    %shift_left3A_918 = vector.broadcast %shift_left3A_917 : i32 to vector<128x128xi32>
    %shift_left3A_919 = arith.shli %xor3A_915, %shift_left3A_918 : vector<128x128xi32>
    %shift_right_logical3A_920 = arith.constant 16 : i32
    %shift_right_logical3A_921 = vector.broadcast %shift_right_logical3A_920 : i32 to vector<128x128xi32>
    %shift_right_logical3A_922 = arith.shrui %xor3A_915, %shift_right_logical3A_921 : vector<128x128xi32>
    %or3A_923 = arith.ori %shift_left3A_919, %shift_right_logical3A_922 : vector<128x128xi32>
    %xor3A_924 = arith.xori %or3A_923, %add3A_916 : vector<128x128xi32>
    %add3A_925 = arith.addi %add3A_916, %xor3A_924 : vector<128x128xi32>
    %shift_left3A_926 = arith.constant 24 : i32
    %shift_left3A_927 = vector.broadcast %shift_left3A_926 : i32 to vector<128x128xi32>
    %shift_left3A_928 = arith.shli %xor3A_924, %shift_left3A_927 : vector<128x128xi32>
    %shift_right_logical3A_929 = arith.constant 8 : i32
    %shift_right_logical3A_930 = vector.broadcast %shift_right_logical3A_929 : i32 to vector<128x128xi32>
    %shift_right_logical3A_931 = arith.shrui %xor3A_924, %shift_right_logical3A_930 : vector<128x128xi32>
    %or3A_932 = arith.ori %shift_left3A_928, %shift_right_logical3A_931 : vector<128x128xi32>
    %xor3A_933 = arith.xori %or3A_932, %add3A_925 : vector<128x128xi32>
    %add3A_934 = arith.constant 466689008 : i32
    %add3A_935 = vector.broadcast %add3A_934 : i32 to vector<128x128xi32>
    %add3A_936 = arith.addi %add3A_925, %add3A_935 : vector<128x128xi32>
    %add3A_937 = arith.constant 2 : i32
    %add3A_938 = vector.broadcast %add3A_937 : i32 to vector<128x128xi32>
    %add3A_939 = arith.addi %xor3A_933, %add3A_938 : vector<128x128xi32>
    %add3A_940 = arith.addi %add3A_936, %add3A_939 : vector<128x128xi32>
    %shift_left3A_941 = arith.constant 13 : i32
    %shift_left3A_942 = vector.broadcast %shift_left3A_941 : i32 to vector<128x128xi32>
    %shift_left3A_943 = arith.shli %add3A_939, %shift_left3A_942 : vector<128x128xi32>
    %shift_right_logical3A_944 = arith.constant 19 : i32
    %shift_right_logical3A_945 = vector.broadcast %shift_right_logical3A_944 : i32 to vector<128x128xi32>
    %shift_right_logical3A_946 = arith.shrui %add3A_939, %shift_right_logical3A_945 : vector<128x128xi32>
    %or3A_947 = arith.ori %shift_left3A_943, %shift_right_logical3A_946 : vector<128x128xi32>
    %xor3A_948 = arith.xori %or3A_947, %add3A_940 : vector<128x128xi32>
    %add3A_949 = arith.addi %add3A_940, %xor3A_948 : vector<128x128xi32>
    %shift_left3A_950 = arith.constant 15 : i32
    %shift_left3A_951 = vector.broadcast %shift_left3A_950 : i32 to vector<128x128xi32>
    %shift_left3A_952 = arith.shli %xor3A_948, %shift_left3A_951 : vector<128x128xi32>
    %shift_right_logical3A_953 = arith.constant 17 : i32
    %shift_right_logical3A_954 = vector.broadcast %shift_right_logical3A_953 : i32 to vector<128x128xi32>
    %shift_right_logical3A_955 = arith.shrui %xor3A_948, %shift_right_logical3A_954 : vector<128x128xi32>
    %or3A_956 = arith.ori %shift_left3A_952, %shift_right_logical3A_955 : vector<128x128xi32>
    %xor3A_957 = arith.xori %or3A_956, %add3A_949 : vector<128x128xi32>
    %add3A_958 = arith.addi %add3A_949, %xor3A_957 : vector<128x128xi32>
    %shift_left3A_959 = arith.constant 26 : i32
    %shift_left3A_960 = vector.broadcast %shift_left3A_959 : i32 to vector<128x128xi32>
    %shift_left3A_961 = arith.shli %xor3A_957, %shift_left3A_960 : vector<128x128xi32>
    %shift_right_logical3A_962 = arith.constant 6 : i32
    %shift_right_logical3A_963 = vector.broadcast %shift_right_logical3A_962 : i32 to vector<128x128xi32>
    %shift_right_logical3A_964 = arith.shrui %xor3A_957, %shift_right_logical3A_963 : vector<128x128xi32>
    %or3A_965 = arith.ori %shift_left3A_961, %shift_right_logical3A_964 : vector<128x128xi32>
    %xor3A_966 = arith.xori %or3A_965, %add3A_958 : vector<128x128xi32>
    %add3A_967 = arith.addi %add3A_958, %xor3A_966 : vector<128x128xi32>
    %shift_left3A_968 = arith.constant 6 : i32
    %shift_left3A_969 = vector.broadcast %shift_left3A_968 : i32 to vector<128x128xi32>
    %shift_left3A_970 = arith.shli %xor3A_966, %shift_left3A_969 : vector<128x128xi32>
    %shift_right_logical3A_971 = arith.constant 26 : i32
    %shift_right_logical3A_972 = vector.broadcast %shift_right_logical3A_971 : i32 to vector<128x128xi32>
    %shift_right_logical3A_973 = arith.shrui %xor3A_966, %shift_right_logical3A_972 : vector<128x128xi32>
    %or3A_974 = arith.ori %shift_left3A_970, %shift_right_logical3A_973 : vector<128x128xi32>
    %xor3A_975 = arith.xori %or3A_974, %add3A_967 : vector<128x128xi32>
    %add3A_976 = arith.constant 0 : i32
    %add3A_977 = vector.broadcast %add3A_976 : i32 to vector<128x128xi32>
    %add3A_978 = arith.addi %add3A_967, %add3A_977 : vector<128x128xi32>
    %add3A_979 = arith.constant 45 : i32
    %add3A_980 = vector.broadcast %add3A_979 : i32 to vector<128x128xi32>
    %add3A_981 = arith.addi %xor3A_975, %add3A_980 : vector<128x128xi32>
    %add3A_982 = arith.addi %add3A_978, %add3A_981 : vector<128x128xi32>
    %shift_left3A_983 = arith.constant 17 : i32
    %shift_left3A_984 = vector.broadcast %shift_left3A_983 : i32 to vector<128x128xi32>
    %shift_left3A_985 = arith.shli %add3A_981, %shift_left3A_984 : vector<128x128xi32>
    %shift_right_logical3A_986 = arith.constant 15 : i32
    %shift_right_logical3A_987 = vector.broadcast %shift_right_logical3A_986 : i32 to vector<128x128xi32>
    %shift_right_logical3A_988 = arith.shrui %add3A_981, %shift_right_logical3A_987 : vector<128x128xi32>
    %or3A_989 = arith.ori %shift_left3A_985, %shift_right_logical3A_988 : vector<128x128xi32>
    %xor3A_990 = arith.xori %or3A_989, %add3A_982 : vector<128x128xi32>
    %add3A_991 = arith.addi %add3A_982, %xor3A_990 : vector<128x128xi32>
    %shift_left3A_992 = arith.constant 29 : i32
    %shift_left3A_993 = vector.broadcast %shift_left3A_992 : i32 to vector<128x128xi32>
    %shift_left3A_994 = arith.shli %xor3A_990, %shift_left3A_993 : vector<128x128xi32>
    %shift_right_logical3A_995 = arith.constant 3 : i32
    %shift_right_logical3A_996 = vector.broadcast %shift_right_logical3A_995 : i32 to vector<128x128xi32>
    %shift_right_logical3A_997 = arith.shrui %xor3A_990, %shift_right_logical3A_996 : vector<128x128xi32>
    %or3A_998 = arith.ori %shift_left3A_994, %shift_right_logical3A_997 : vector<128x128xi32>
    %xor3A_999 = arith.xori %or3A_998, %add3A_991 : vector<128x128xi32>
    %add3A_1000 = arith.addi %add3A_991, %xor3A_999 : vector<128x128xi32>
    %shift_left3A_1001 = arith.constant 16 : i32
    %shift_left3A_1002 = vector.broadcast %shift_left3A_1001 : i32 to vector<128x128xi32>
    %shift_left3A_1003 = arith.shli %xor3A_999, %shift_left3A_1002 : vector<128x128xi32>
    %shift_right_logical3A_1004 = arith.constant 16 : i32
    %shift_right_logical3A_1005 = vector.broadcast %shift_right_logical3A_1004 : i32 to vector<128x128xi32>
    %shift_right_logical3A_1006 = arith.shrui %xor3A_999, %shift_right_logical3A_1005 : vector<128x128xi32>
    %or3A_1007 = arith.ori %shift_left3A_1003, %shift_right_logical3A_1006 : vector<128x128xi32>
    %xor3A_1008 = arith.xori %or3A_1007, %add3A_1000 : vector<128x128xi32>
    %add3A_1009 = arith.addi %add3A_1000, %xor3A_1008 : vector<128x128xi32>
    %shift_left3A_1010 = arith.constant 24 : i32
    %shift_left3A_1011 = vector.broadcast %shift_left3A_1010 : i32 to vector<128x128xi32>
    %shift_left3A_1012 = arith.shli %xor3A_1008, %shift_left3A_1011 : vector<128x128xi32>
    %shift_right_logical3A_1013 = arith.constant 8 : i32
    %shift_right_logical3A_1014 = vector.broadcast %shift_right_logical3A_1013 : i32 to vector<128x128xi32>
    %shift_right_logical3A_1015 = arith.shrui %xor3A_1008, %shift_right_logical3A_1014 : vector<128x128xi32>
    %or3A_1016 = arith.ori %shift_left3A_1012, %shift_right_logical3A_1015 : vector<128x128xi32>
    %xor3A_1017 = arith.xori %or3A_1016, %add3A_1009 : vector<128x128xi32>
    %add3A_1018 = arith.constant 42 : i32
    %add3A_1019 = vector.broadcast %add3A_1018 : i32 to vector<128x128xi32>
    %add3A_1020 = arith.addi %add3A_1009, %add3A_1019 : vector<128x128xi32>
    %add3A_1021 = arith.constant 466689012 : i32
    %add3A_1022 = vector.broadcast %add3A_1021 : i32 to vector<128x128xi32>
    %add3A_1023 = arith.addi %xor3A_1017, %add3A_1022 : vector<128x128xi32>
    %add3A_1024 = arith.addi %add3A_1020, %add3A_1023 : vector<128x128xi32>
    %shift_left3A_1025 = arith.constant 13 : i32
    %shift_left3A_1026 = vector.broadcast %shift_left3A_1025 : i32 to vector<128x128xi32>
    %shift_left3A_1027 = arith.shli %add3A_1023, %shift_left3A_1026 : vector<128x128xi32>
    %shift_right_logical3A_1028 = arith.constant 19 : i32
    %shift_right_logical3A_1029 = vector.broadcast %shift_right_logical3A_1028 : i32 to vector<128x128xi32>
    %shift_right_logical3A_1030 = arith.shrui %add3A_1023, %shift_right_logical3A_1029 : vector<128x128xi32>
    %or3A_1031 = arith.ori %shift_left3A_1027, %shift_right_logical3A_1030 : vector<128x128xi32>
    %xor3A_1032 = arith.xori %or3A_1031, %add3A_1024 : vector<128x128xi32>
    %add3A_1033 = arith.addi %add3A_1024, %xor3A_1032 : vector<128x128xi32>
    %shift_left3A_1034 = arith.constant 15 : i32
    %shift_left3A_1035 = vector.broadcast %shift_left3A_1034 : i32 to vector<128x128xi32>
    %shift_left3A_1036 = arith.shli %xor3A_1032, %shift_left3A_1035 : vector<128x128xi32>
    %shift_right_logical3A_1037 = arith.constant 17 : i32
    %shift_right_logical3A_1038 = vector.broadcast %shift_right_logical3A_1037 : i32 to vector<128x128xi32>
    %shift_right_logical3A_1039 = arith.shrui %xor3A_1032, %shift_right_logical3A_1038 : vector<128x128xi32>
    %or3A_1040 = arith.ori %shift_left3A_1036, %shift_right_logical3A_1039 : vector<128x128xi32>
    %xor3A_1041 = arith.xori %or3A_1040, %add3A_1033 : vector<128x128xi32>
    %add3A_1042 = arith.addi %add3A_1033, %xor3A_1041 : vector<128x128xi32>
    %shift_left3A_1043 = arith.constant 26 : i32
    %shift_left3A_1044 = vector.broadcast %shift_left3A_1043 : i32 to vector<128x128xi32>
    %shift_left3A_1045 = arith.shli %xor3A_1041, %shift_left3A_1044 : vector<128x128xi32>
    %shift_right_logical3A_1046 = arith.constant 6 : i32
    %shift_right_logical3A_1047 = vector.broadcast %shift_right_logical3A_1046 : i32 to vector<128x128xi32>
    %shift_right_logical3A_1048 = arith.shrui %xor3A_1041, %shift_right_logical3A_1047 : vector<128x128xi32>
    %or3A_1049 = arith.ori %shift_left3A_1045, %shift_right_logical3A_1048 : vector<128x128xi32>
    %xor3A_1050 = arith.xori %or3A_1049, %add3A_1042 : vector<128x128xi32>
    %add3A_1051 = arith.addi %add3A_1042, %xor3A_1050 : vector<128x128xi32>
    %shift_left3A_1052 = arith.constant 6 : i32
    %shift_left3A_1053 = vector.broadcast %shift_left3A_1052 : i32 to vector<128x128xi32>
    %shift_left3A_1054 = arith.shli %xor3A_1050, %shift_left3A_1053 : vector<128x128xi32>
    %shift_right_logical3A_1055 = arith.constant 26 : i32
    %shift_right_logical3A_1056 = vector.broadcast %shift_right_logical3A_1055 : i32 to vector<128x128xi32>
    %shift_right_logical3A_1057 = arith.shrui %xor3A_1050, %shift_right_logical3A_1056 : vector<128x128xi32>
    %or3A_1058 = arith.ori %shift_left3A_1054, %shift_right_logical3A_1057 : vector<128x128xi32>
    %xor3A_1059 = arith.xori %or3A_1058, %add3A_1051 : vector<128x128xi32>
    %add3A_1060 = arith.constant 466689008 : i32
    %add3A_1061 = vector.broadcast %add3A_1060 : i32 to vector<128x128xi32>
    %add3A_1062 = arith.addi %add3A_1051, %add3A_1061 : vector<128x128xi32>
    %add3A_1063 = arith.constant 5 : i32
    %add3A_1064 = vector.broadcast %add3A_1063 : i32 to vector<128x128xi32>
    %add3A_1065 = arith.addi %xor3A_1059, %add3A_1064 : vector<128x128xi32>
    %xor3A_1066 = arith.xori %add3A_1062, %add3A_1065 : vector<128x128xi32>
    %shift_right_logical3A_1067 = arith.constant 9 : i32
    %shift_right_logical3A_1068 = vector.broadcast %shift_right_logical3A_1067 : i32 to vector<128x128xi32>
    %shift_right_logical3A_1069 = arith.shrui %xor3A_1066, %shift_right_logical3A_1068 : vector<128x128xi32>
    %or3A_1070 = arith.constant 1065353216 : i32
    %or3A_1071 = vector.broadcast %or3A_1070 : i32 to vector<128x128xi32>
    %or3A_1072 = arith.ori %shift_right_logical3A_1069, %or3A_1071 : vector<128x128xi32>
    %bitcast_convert_type3A_1073 = tpu.bitcast %or3A_1072 : vector<128x128xi32> -> vector<128x128xf32>
    %sub3A_1074 = arith.constant 1.000000e+00 : f32
    %sub3A_1075 = vector.broadcast %sub3A_1074 : f32 to vector<128x128xf32>
    %sub3A_1076 = arith.subf %bitcast_convert_type3A_1073, %sub3A_1075 : vector<128x128xf32>
    %max3A_1077 = arith.constant 1.17549435E-38 : f32
    %max3A_1078 = vector.broadcast %max3A_1077 : f32 to vector<128x128xf32>
    %max3A_1079 = arith.maximumf %max3A_1078, %sub3A_1076 : vector<128x128xf32>
    %log3A_1080 = math.log %max3A_1079 : vector<128x128xf32>
    %neg3A_1081 = arith.constant 0.000000e+00 : f32
    %neg3A_1082 = vector.broadcast %neg3A_1081 : f32 to vector<128x128xf32>
    %neg3A_1083 = arith.subf %neg3A_1082, %log3A_1080 : vector<128x128xf32>
    %log3A_1084 = math.log %neg3A_1083 : vector<128x128xf32>
    %neg3A_1085 = arith.constant 0.000000e+00 : f32
    %neg3A_1086 = vector.broadcast %neg3A_1085 : f32 to vector<128x128xf32>
    %neg3A_1087 = arith.subf %neg3A_1086, %log3A_1084 : vector<128x128xf32>
    %add3A_1088 = arith.addf %concatenate3A, %neg3A_1087 : vector<128x128xf32>
    %reduce_max3A_1089 = arith.constant dense<0xFF800000> : vector<128xf32>
    %reduce_max3A_1090 = vector.multi_reduction <maximumf>, %add3A_1088, %reduce_max3A_1089 [0] : vector<128x128xf32> to vector<128xf32>
    %broadcast_in_dim3A_1091 = vector.shape_cast %reduce_max3A_1090 : vector<128xf32> to vector<1x128xf32>
    %squeeze3A_1092 = vector.shape_cast %broadcast_in_dim3A_1091 : vector<1x128xf32> to vector<128xf32>
    %broadcast_in_dim3A_1093 = vector.shape_cast %squeeze3A_1092 : vector<128xf32> to vector<1x128xf32>
    %eq3A_1094 = vector.broadcast %broadcast_in_dim3A_1093 : vector<1x128xf32> to vector<128x128xf32>
    %eq3A_1095 = arith.cmpf oeq, %add3A_1088, %eq3A_1094 : vector<128x128xf32>
    %jit3A_1096 = arith.constant 1073741824 : i32
    %broadcast_in_dim3A_1097 = vector.broadcast %jit3A_1096 : i32 to vector<128x128xi32>
    %select_n3A_1098 = arith.select %eq3A_1095, %add3A_24, %broadcast_in_dim3A_1097 : vector<128x128xi1>, vector<128x128xi32>
    %reduce_min3A_1099 = arith.constant dense<2147483647> : vector<128xi32>
    %reduce_min3A_1100 = vector.multi_reduction <minsi>, %select_n3A_1098, %reduce_min3A_1099 [0] : vector<128x128xi32> to vector<128xi32>
    %broadcast_in_dim3A_1101 = vector.shape_cast %reduce_min3A_1100 : vector<128xi32> to vector<1x128xi32>
    %squeeze3A_1102 = vector.shape_cast %broadcast_in_dim3A_1101 : vector<1x128xi32> to vector<128xi32>
    %get3A_1103 = arith.constant 3 : index
    %get3A_1104 = arith.constant 0 : index
    %get3A_1105 = vector.load %arg5[%get3A_1103, %get3A_1104] : memref<16x128xf32, #tpu.memory_space<vmem>>, vector<1x128xf32>
    %get3A_1106 = vector.shape_cast %get3A_1105 : vector<1x128xf32> to vector<128xf32>
    %get3A_1107 = arith.constant 3 : index
    %get3A_1108 = arith.constant 0 : index
    %get3A_1109 = vector.load %arg6[%get3A_1107, %get3A_1108] : memref<16x128xi32, #tpu.memory_space<vmem>>, vector<1x128xi32>
    %get3A_1110 = vector.shape_cast %get3A_1109 : vector<1x128xi32> to vector<128xi32>
    %gt3A_1111 = arith.cmpf ogt, %squeeze3A_1092, %get3A_1106 : vector<128xf32>
    %or3A_1112 = vector.broadcast %eq3A_36 : i1 to vector<128xi1>
    %or3A_1113 = arith.ori %or3A_1112, %gt3A_1111 : vector<128xi1>
    %select_n3A_1114 = arith.select %or3A_1113, %squeeze3A_1092, %get3A_1106 : vector<128xi1>, vector<128xf32>
    %swap3A_1115 = arith.constant 3 : index
    %swap3A_1116 = arith.constant 0 : index
    %swap3A_1117 = vector.load %arg5[%swap3A_1115, %swap3A_1116] : memref<16x128xf32, #tpu.memory_space<vmem>>, vector<1x128xf32>
    %swap3A_1118 = vector.shape_cast %swap3A_1117 : vector<1x128xf32> to vector<128xf32>
    %swap3A_1119 = vector.shape_cast %select_n3A_1114 : vector<128xf32> to vector<1x128xf32>
    tpu.vector_store %arg5[%swap3A_1115, %swap3A_1116], %swap3A_1119 {strides = array<i32>} : memref<16x128xf32, #tpu.memory_space<vmem>>, vector<1x128xf32>,
    %select_n3A_1120 = arith.select %or3A_1113, %squeeze3A_1102, %get3A_1110 : vector<128xi1>, vector<128xi32>
    %swap3A_1121 = arith.constant 3 : index
    %swap3A_1122 = arith.constant 0 : index
    %swap3A_1123 = vector.load %arg6[%swap3A_1121, %swap3A_1122] : memref<16x128xi32, #tpu.memory_space<vmem>>, vector<1x128xi32>
    %swap3A_1124 = vector.shape_cast %swap3A_1123 : vector<1x128xi32> to vector<128xi32>
    %swap3A_1125 = vector.shape_cast %select_n3A_1120 : vector<128xi32> to vector<1x128xi32>
    tpu.vector_store %arg6[%swap3A_1121, %swap3A_1122], %swap3A_1125 {strides = array<i32>} : memref<16x128xi32, #tpu.memory_space<vmem>>, vector<1x128xi32>,
    %add3A_1126 = arith.constant 16777216 : i32
    %add3A_1127 = vector.broadcast %add3A_1126 : i32 to vector<128x128xi32>
    %add3A_1128 = arith.addi %add3A_35, %add3A_1127 : vector<128x128xi32>
    %add3A_1129 = arith.constant 42 : i32
    %add3A_1130 = vector.broadcast %add3A_1129 : i32 to vector<128x128xi32>
    %add3A_1131 = arith.addi %add3A_1128, %add3A_1130 : vector<128x128xi32>
    %shift_left3A_1132 = arith.constant 13 : i32
    %shift_left3A_1133 = vector.broadcast %shift_left3A_1132 : i32 to vector<128x128xi32>
    %shift_left3A_1134 = arith.shli %add3A_1131, %shift_left3A_1133 : vector<128x128xi32>
    %shift_right_logical3A_1135 = arith.constant 19 : i32
    %shift_right_logical3A_1136 = vector.broadcast %shift_right_logical3A_1135 : i32 to vector<128x128xi32>
    %shift_right_logical3A_1137 = arith.shrui %add3A_1131, %shift_right_logical3A_1136 : vector<128x128xi32>
    %or3A_1138 = arith.ori %shift_left3A_1134, %shift_right_logical3A_1137 : vector<128x128xi32>
    %xor3A_1139 = arith.xori %or3A_1138, %add3A_1131 : vector<128x128xi32>
    %add3A_1140 = arith.addi %add3A_1131, %xor3A_1139 : vector<128x128xi32>
    %shift_left3A_1141 = arith.constant 15 : i32
    %shift_left3A_1142 = vector.broadcast %shift_left3A_1141 : i32 to vector<128x128xi32>
    %shift_left3A_1143 = arith.shli %xor3A_1139, %shift_left3A_1142 : vector<128x128xi32>
    %shift_right_logical3A_1144 = arith.constant 17 : i32
    %shift_right_logical3A_1145 = vector.broadcast %shift_right_logical3A_1144 : i32 to vector<128x128xi32>
    %shift_right_logical3A_1146 = arith.shrui %xor3A_1139, %shift_right_logical3A_1145 : vector<128x128xi32>
    %or3A_1147 = arith.ori %shift_left3A_1143, %shift_right_logical3A_1146 : vector<128x128xi32>
    %xor3A_1148 = arith.xori %or3A_1147, %add3A_1140 : vector<128x128xi32>
    %add3A_1149 = arith.addi %add3A_1140, %xor3A_1148 : vector<128x128xi32>
    %shift_left3A_1150 = arith.constant 26 : i32
    %shift_left3A_1151 = vector.broadcast %shift_left3A_1150 : i32 to vector<128x128xi32>
    %shift_left3A_1152 = arith.shli %xor3A_1148, %shift_left3A_1151 : vector<128x128xi32>
    %shift_right_logical3A_1153 = arith.constant 6 : i32
    %shift_right_logical3A_1154 = vector.broadcast %shift_right_logical3A_1153 : i32 to vector<128x128xi32>
    %shift_right_logical3A_1155 = arith.shrui %xor3A_1148, %shift_right_logical3A_1154 : vector<128x128xi32>
    %or3A_1156 = arith.ori %shift_left3A_1152, %shift_right_logical3A_1155 : vector<128x128xi32>
    %xor3A_1157 = arith.xori %or3A_1156, %add3A_1149 : vector<128x128xi32>
    %add3A_1158 = arith.addi %add3A_1149, %xor3A_1157 : vector<128x128xi32>
    %shift_left3A_1159 = arith.constant 6 : i32
    %shift_left3A_1160 = vector.broadcast %shift_left3A_1159 : i32 to vector<128x128xi32>
    %shift_left3A_1161 = arith.shli %xor3A_1157, %shift_left3A_1160 : vector<128x128xi32>
    %shift_right_logical3A_1162 = arith.constant 26 : i32
    %shift_right_logical3A_1163 = vector.broadcast %shift_right_logical3A_1162 : i32 to vector<128x128xi32>
    %shift_right_logical3A_1164 = arith.shrui %xor3A_1157, %shift_right_logical3A_1163 : vector<128x128xi32>
    %or3A_1165 = arith.ori %shift_left3A_1161, %shift_right_logical3A_1164 : vector<128x128xi32>
    %xor3A_1166 = arith.xori %or3A_1165, %add3A_1158 : vector<128x128xi32>
    %add3A_1167 = arith.constant 42 : i32
    %add3A_1168 = vector.broadcast %add3A_1167 : i32 to vector<128x128xi32>
    %add3A_1169 = arith.addi %add3A_1158, %add3A_1168 : vector<128x128xi32>
    %add3A_1170 = arith.constant 466689009 : i32
    %add3A_1171 = vector.broadcast %add3A_1170 : i32 to vector<128x128xi32>
    %add3A_1172 = arith.addi %xor3A_1166, %add3A_1171 : vector<128x128xi32>
    %add3A_1173 = arith.addi %add3A_1169, %add3A_1172 : vector<128x128xi32>
    %shift_left3A_1174 = arith.constant 17 : i32
    %shift_left3A_1175 = vector.broadcast %shift_left3A_1174 : i32 to vector<128x128xi32>
    %shift_left3A_1176 = arith.shli %add3A_1172, %shift_left3A_1175 : vector<128x128xi32>
    %shift_right_logical3A_1177 = arith.constant 15 : i32
    %shift_right_logical3A_1178 = vector.broadcast %shift_right_logical3A_1177 : i32 to vector<128x128xi32>
    %shift_right_logical3A_1179 = arith.shrui %add3A_1172, %shift_right_logical3A_1178 : vector<128x128xi32>
    %or3A_1180 = arith.ori %shift_left3A_1176, %shift_right_logical3A_1179 : vector<128x128xi32>
    %xor3A_1181 = arith.xori %or3A_1180, %add3A_1173 : vector<128x128xi32>
    %add3A_1182 = arith.addi %add3A_1173, %xor3A_1181 : vector<128x128xi32>
    %shift_left3A_1183 = arith.constant 29 : i32
    %shift_left3A_1184 = vector.broadcast %shift_left3A_1183 : i32 to vector<128x128xi32>
    %shift_left3A_1185 = arith.shli %xor3A_1181, %shift_left3A_1184 : vector<128x128xi32>
    %shift_right_logical3A_1186 = arith.constant 3 : i32
    %shift_right_logical3A_1187 = vector.broadcast %shift_right_logical3A_1186 : i32 to vector<128x128xi32>
    %shift_right_logical3A_1188 = arith.shrui %xor3A_1181, %shift_right_logical3A_1187 : vector<128x128xi32>
    %or3A_1189 = arith.ori %shift_left3A_1185, %shift_right_logical3A_1188 : vector<128x128xi32>
    %xor3A_1190 = arith.xori %or3A_1189, %add3A_1182 : vector<128x128xi32>
    %add3A_1191 = arith.addi %add3A_1182, %xor3A_1190 : vector<128x128xi32>
    %shift_left3A_1192 = arith.constant 16 : i32
    %shift_left3A_1193 = vector.broadcast %shift_left3A_1192 : i32 to vector<128x128xi32>
    %shift_left3A_1194 = arith.shli %xor3A_1190, %shift_left3A_1193 : vector<128x128xi32>
    %shift_right_logical3A_1195 = arith.constant 16 : i32
    %shift_right_logical3A_1196 = vector.broadcast %shift_right_logical3A_1195 : i32 to vector<128x128xi32>
    %shift_right_logical3A_1197 = arith.shrui %xor3A_1190, %shift_right_logical3A_1196 : vector<128x128xi32>
    %or3A_1198 = arith.ori %shift_left3A_1194, %shift_right_logical3A_1197 : vector<128x128xi32>
    %xor3A_1199 = arith.xori %or3A_1198, %add3A_1191 : vector<128x128xi32>
    %add3A_1200 = arith.addi %add3A_1191, %xor3A_1199 : vector<128x128xi32>
    %shift_left3A_1201 = arith.constant 24 : i32
    %shift_left3A_1202 = vector.broadcast %shift_left3A_1201 : i32 to vector<128x128xi32>
    %shift_left3A_1203 = arith.shli %xor3A_1199, %shift_left3A_1202 : vector<128x128xi32>
    %shift_right_logical3A_1204 = arith.constant 8 : i32
    %shift_right_logical3A_1205 = vector.broadcast %shift_right_logical3A_1204 : i32 to vector<128x128xi32>
    %shift_right_logical3A_1206 = arith.shrui %xor3A_1199, %shift_right_logical3A_1205 : vector<128x128xi32>
    %or3A_1207 = arith.ori %shift_left3A_1203, %shift_right_logical3A_1206 : vector<128x128xi32>
    %xor3A_1208 = arith.xori %or3A_1207, %add3A_1200 : vector<128x128xi32>
    %add3A_1209 = arith.constant 466689008 : i32
    %add3A_1210 = vector.broadcast %add3A_1209 : i32 to vector<128x128xi32>
    %add3A_1211 = arith.addi %add3A_1200, %add3A_1210 : vector<128x128xi32>
    %add3A_1212 = arith.constant 2 : i32
    %add3A_1213 = vector.broadcast %add3A_1212 : i32 to vector<128x128xi32>
    %add3A_1214 = arith.addi %xor3A_1208, %add3A_1213 : vector<128x128xi32>
    %add3A_1215 = arith.addi %add3A_1211, %add3A_1214 : vector<128x128xi32>
    %shift_left3A_1216 = arith.constant 13 : i32
    %shift_left3A_1217 = vector.broadcast %shift_left3A_1216 : i32 to vector<128x128xi32>
    %shift_left3A_1218 = arith.shli %add3A_1214, %shift_left3A_1217 : vector<128x128xi32>
    %shift_right_logical3A_1219 = arith.constant 19 : i32
    %shift_right_logical3A_1220 = vector.broadcast %shift_right_logical3A_1219 : i32 to vector<128x128xi32>
    %shift_right_logical3A_1221 = arith.shrui %add3A_1214, %shift_right_logical3A_1220 : vector<128x128xi32>
    %or3A_1222 = arith.ori %shift_left3A_1218, %shift_right_logical3A_1221 : vector<128x128xi32>
    %xor3A_1223 = arith.xori %or3A_1222, %add3A_1215 : vector<128x128xi32>
    %add3A_1224 = arith.addi %add3A_1215, %xor3A_1223 : vector<128x128xi32>
    %shift_left3A_1225 = arith.constant 15 : i32
    %shift_left3A_1226 = vector.broadcast %shift_left3A_1225 : i32 to vector<128x128xi32>
    %shift_left3A_1227 = arith.shli %xor3A_1223, %shift_left3A_1226 : vector<128x128xi32>
    %shift_right_logical3A_1228 = arith.constant 17 : i32
    %shift_right_logical3A_1229 = vector.broadcast %shift_right_logical3A_1228 : i32 to vector<128x128xi32>
    %shift_right_logical3A_1230 = arith.shrui %xor3A_1223, %shift_right_logical3A_1229 : vector<128x128xi32>
    %or3A_1231 = arith.ori %shift_left3A_1227, %shift_right_logical3A_1230 : vector<128x128xi32>
    %xor3A_1232 = arith.xori %or3A_1231, %add3A_1224 : vector<128x128xi32>
    %add3A_1233 = arith.addi %add3A_1224, %xor3A_1232 : vector<128x128xi32>
    %shift_left3A_1234 = arith.constant 26 : i32
    %shift_left3A_1235 = vector.broadcast %shift_left3A_1234 : i32 to vector<128x128xi32>
    %shift_left3A_1236 = arith.shli %xor3A_1232, %shift_left3A_1235 : vector<128x128xi32>
    %shift_right_logical3A_1237 = arith.constant 6 : i32
    %shift_right_logical3A_1238 = vector.broadcast %shift_right_logical3A_1237 : i32 to vector<128x128xi32>
    %shift_right_logical3A_1239 = arith.shrui %xor3A_1232, %shift_right_logical3A_1238 : vector<128x128xi32>
    %or3A_1240 = arith.ori %shift_left3A_1236, %shift_right_logical3A_1239 : vector<128x128xi32>
    %xor3A_1241 = arith.xori %or3A_1240, %add3A_1233 : vector<128x128xi32>
    %add3A_1242 = arith.addi %add3A_1233, %xor3A_1241 : vector<128x128xi32>
    %shift_left3A_1243 = arith.constant 6 : i32
    %shift_left3A_1244 = vector.broadcast %shift_left3A_1243 : i32 to vector<128x128xi32>
    %shift_left3A_1245 = arith.shli %xor3A_1241, %shift_left3A_1244 : vector<128x128xi32>
    %shift_right_logical3A_1246 = arith.constant 26 : i32
    %shift_right_logical3A_1247 = vector.broadcast %shift_right_logical3A_1246 : i32 to vector<128x128xi32>
    %shift_right_logical3A_1248 = arith.shrui %xor3A_1241, %shift_right_logical3A_1247 : vector<128x128xi32>
    %or3A_1249 = arith.ori %shift_left3A_1245, %shift_right_logical3A_1248 : vector<128x128xi32>
    %xor3A_1250 = arith.xori %or3A_1249, %add3A_1242 : vector<128x128xi32>
    %add3A_1251 = arith.constant 0 : i32
    %add3A_1252 = vector.broadcast %add3A_1251 : i32 to vector<128x128xi32>
    %add3A_1253 = arith.addi %add3A_1242, %add3A_1252 : vector<128x128xi32>
    %add3A_1254 = arith.constant 45 : i32
    %add3A_1255 = vector.broadcast %add3A_1254 : i32 to vector<128x128xi32>
    %add3A_1256 = arith.addi %xor3A_1250, %add3A_1255 : vector<128x128xi32>
    %add3A_1257 = arith.addi %add3A_1253, %add3A_1256 : vector<128x128xi32>
    %shift_left3A_1258 = arith.constant 17 : i32
    %shift_left3A_1259 = vector.broadcast %shift_left3A_1258 : i32 to vector<128x128xi32>
    %shift_left3A_1260 = arith.shli %add3A_1256, %shift_left3A_1259 : vector<128x128xi32>
    %shift_right_logical3A_1261 = arith.constant 15 : i32
    %shift_right_logical3A_1262 = vector.broadcast %shift_right_logical3A_1261 : i32 to vector<128x128xi32>
    %shift_right_logical3A_1263 = arith.shrui %add3A_1256, %shift_right_logical3A_1262 : vector<128x128xi32>
    %or3A_1264 = arith.ori %shift_left3A_1260, %shift_right_logical3A_1263 : vector<128x128xi32>
    %xor3A_1265 = arith.xori %or3A_1264, %add3A_1257 : vector<128x128xi32>
    %add3A_1266 = arith.addi %add3A_1257, %xor3A_1265 : vector<128x128xi32>
    %shift_left3A_1267 = arith.constant 29 : i32
    %shift_left3A_1268 = vector.broadcast %shift_left3A_1267 : i32 to vector<128x128xi32>
    %shift_left3A_1269 = arith.shli %xor3A_1265, %shift_left3A_1268 : vector<128x128xi32>
    %shift_right_logical3A_1270 = arith.constant 3 : i32
    %shift_right_logical3A_1271 = vector.broadcast %shift_right_logical3A_1270 : i32 to vector<128x128xi32>
    %shift_right_logical3A_1272 = arith.shrui %xor3A_1265, %shift_right_logical3A_1271 : vector<128x128xi32>
    %or3A_1273 = arith.ori %shift_left3A_1269, %shift_right_logical3A_1272 : vector<128x128xi32>
    %xor3A_1274 = arith.xori %or3A_1273, %add3A_1266 : vector<128x128xi32>
    %add3A_1275 = arith.addi %add3A_1266, %xor3A_1274 : vector<128x128xi32>
    %shift_left3A_1276 = arith.constant 16 : i32
    %shift_left3A_1277 = vector.broadcast %shift_left3A_1276 : i32 to vector<128x128xi32>
    %shift_left3A_1278 = arith.shli %xor3A_1274, %shift_left3A_1277 : vector<128x128xi32>
    %shift_right_logical3A_1279 = arith.constant 16 : i32
    %shift_right_logical3A_1280 = vector.broadcast %shift_right_logical3A_1279 : i32 to vector<128x128xi32>
    %shift_right_logical3A_1281 = arith.shrui %xor3A_1274, %shift_right_logical3A_1280 : vector<128x128xi32>
    %or3A_1282 = arith.ori %shift_left3A_1278, %shift_right_logical3A_1281 : vector<128x128xi32>
    %xor3A_1283 = arith.xori %or3A_1282, %add3A_1275 : vector<128x128xi32>
    %add3A_1284 = arith.addi %add3A_1275, %xor3A_1283 : vector<128x128xi32>
    %shift_left3A_1285 = arith.constant 24 : i32
    %shift_left3A_1286 = vector.broadcast %shift_left3A_1285 : i32 to vector<128x128xi32>
    %shift_left3A_1287 = arith.shli %xor3A_1283, %shift_left3A_1286 : vector<128x128xi32>
    %shift_right_logical3A_1288 = arith.constant 8 : i32
    %shift_right_logical3A_1289 = vector.broadcast %shift_right_logical3A_1288 : i32 to vector<128x128xi32>
    %shift_right_logical3A_1290 = arith.shrui %xor3A_1283, %shift_right_logical3A_1289 : vector<128x128xi32>
    %or3A_1291 = arith.ori %shift_left3A_1287, %shift_right_logical3A_1290 : vector<128x128xi32>
    %xor3A_1292 = arith.xori %or3A_1291, %add3A_1284 : vector<128x128xi32>
    %add3A_1293 = arith.constant 42 : i32
    %add3A_1294 = vector.broadcast %add3A_1293 : i32 to vector<128x128xi32>
    %add3A_1295 = arith.addi %add3A_1284, %add3A_1294 : vector<128x128xi32>
    %add3A_1296 = arith.constant 466689012 : i32
    %add3A_1297 = vector.broadcast %add3A_1296 : i32 to vector<128x128xi32>
    %add3A_1298 = arith.addi %xor3A_1292, %add3A_1297 : vector<128x128xi32>
    %add3A_1299 = arith.addi %add3A_1295, %add3A_1298 : vector<128x128xi32>
    %shift_left3A_1300 = arith.constant 13 : i32
    %shift_left3A_1301 = vector.broadcast %shift_left3A_1300 : i32 to vector<128x128xi32>
    %shift_left3A_1302 = arith.shli %add3A_1298, %shift_left3A_1301 : vector<128x128xi32>
    %shift_right_logical3A_1303 = arith.constant 19 : i32
    %shift_right_logical3A_1304 = vector.broadcast %shift_right_logical3A_1303 : i32 to vector<128x128xi32>
    %shift_right_logical3A_1305 = arith.shrui %add3A_1298, %shift_right_logical3A_1304 : vector<128x128xi32>
    %or3A_1306 = arith.ori %shift_left3A_1302, %shift_right_logical3A_1305 : vector<128x128xi32>
    %xor3A_1307 = arith.xori %or3A_1306, %add3A_1299 : vector<128x128xi32>
    %add3A_1308 = arith.addi %add3A_1299, %xor3A_1307 : vector<128x128xi32>
    %shift_left3A_1309 = arith.constant 15 : i32
    %shift_left3A_1310 = vector.broadcast %shift_left3A_1309 : i32 to vector<128x128xi32>
    %shift_left3A_1311 = arith.shli %xor3A_1307, %shift_left3A_1310 : vector<128x128xi32>
    %shift_right_logical3A_1312 = arith.constant 17 : i32
    %shift_right_logical3A_1313 = vector.broadcast %shift_right_logical3A_1312 : i32 to vector<128x128xi32>
    %shift_right_logical3A_1314 = arith.shrui %xor3A_1307, %shift_right_logical3A_1313 : vector<128x128xi32>
    %or3A_1315 = arith.ori %shift_left3A_1311, %shift_right_logical3A_1314 : vector<128x128xi32>
    %xor3A_1316 = arith.xori %or3A_1315, %add3A_1308 : vector<128x128xi32>
    %add3A_1317 = arith.addi %add3A_1308, %xor3A_1316 : vector<128x128xi32>
    %shift_left3A_1318 = arith.constant 26 : i32
    %shift_left3A_1319 = vector.broadcast %shift_left3A_1318 : i32 to vector<128x128xi32>
    %shift_left3A_1320 = arith.shli %xor3A_1316, %shift_left3A_1319 : vector<128x128xi32>
    %shift_right_logical3A_1321 = arith.constant 6 : i32
    %shift_right_logical3A_1322 = vector.broadcast %shift_right_logical3A_1321 : i32 to vector<128x128xi32>
    %shift_right_logical3A_1323 = arith.shrui %xor3A_1316, %shift_right_logical3A_1322 : vector<128x128xi32>
    %or3A_1324 = arith.ori %shift_left3A_1320, %shift_right_logical3A_1323 : vector<128x128xi32>
    %xor3A_1325 = arith.xori %or3A_1324, %add3A_1317 : vector<128x128xi32>
    %add3A_1326 = arith.addi %add3A_1317, %xor3A_1325 : vector<128x128xi32>
    %shift_left3A_1327 = arith.constant 6 : i32
    %shift_left3A_1328 = vector.broadcast %shift_left3A_1327 : i32 to vector<128x128xi32>
    %shift_left3A_1329 = arith.shli %xor3A_1325, %shift_left3A_1328 : vector<128x128xi32>
    %shift_right_logical3A_1330 = arith.constant 26 : i32
    %shift_right_logical3A_1331 = vector.broadcast %shift_right_logical3A_1330 : i32 to vector<128x128xi32>
    %shift_right_logical3A_1332 = arith.shrui %xor3A_1325, %shift_right_logical3A_1331 : vector<128x128xi32>
    %or3A_1333 = arith.ori %shift_left3A_1329, %shift_right_logical3A_1332 : vector<128x128xi32>
    %xor3A_1334 = arith.xori %or3A_1333, %add3A_1326 : vector<128x128xi32>
    %add3A_1335 = arith.constant 466689008 : i32
    %add3A_1336 = vector.broadcast %add3A_1335 : i32 to vector<128x128xi32>
    %add3A_1337 = arith.addi %add3A_1326, %add3A_1336 : vector<128x128xi32>
    %add3A_1338 = arith.constant 5 : i32
    %add3A_1339 = vector.broadcast %add3A_1338 : i32 to vector<128x128xi32>
    %add3A_1340 = arith.addi %xor3A_1334, %add3A_1339 : vector<128x128xi32>
    %xor3A_1341 = arith.xori %add3A_1337, %add3A_1340 : vector<128x128xi32>
    %shift_right_logical3A_1342 = arith.constant 9 : i32
    %shift_right_logical3A_1343 = vector.broadcast %shift_right_logical3A_1342 : i32 to vector<128x128xi32>
    %shift_right_logical3A_1344 = arith.shrui %xor3A_1341, %shift_right_logical3A_1343 : vector<128x128xi32>
    %or3A_1345 = arith.constant 1065353216 : i32
    %or3A_1346 = vector.broadcast %or3A_1345 : i32 to vector<128x128xi32>
    %or3A_1347 = arith.ori %shift_right_logical3A_1344, %or3A_1346 : vector<128x128xi32>
    %bitcast_convert_type3A_1348 = tpu.bitcast %or3A_1347 : vector<128x128xi32> -> vector<128x128xf32>
    %sub3A_1349 = arith.constant 1.000000e+00 : f32
    %sub3A_1350 = vector.broadcast %sub3A_1349 : f32 to vector<128x128xf32>
    %sub3A_1351 = arith.subf %bitcast_convert_type3A_1348, %sub3A_1350 : vector<128x128xf32>
    %max3A_1352 = arith.constant 1.17549435E-38 : f32
    %max3A_1353 = vector.broadcast %max3A_1352 : f32 to vector<128x128xf32>
    %max3A_1354 = arith.maximumf %max3A_1353, %sub3A_1351 : vector<128x128xf32>
    %log3A_1355 = math.log %max3A_1354 : vector<128x128xf32>
    %neg3A_1356 = arith.constant 0.000000e+00 : f32
    %neg3A_1357 = vector.broadcast %neg3A_1356 : f32 to vector<128x128xf32>
    %neg3A_1358 = arith.subf %neg3A_1357, %log3A_1355 : vector<128x128xf32>
    %log3A_1359 = math.log %neg3A_1358 : vector<128x128xf32>
    %neg3A_1360 = arith.constant 0.000000e+00 : f32
    %neg3A_1361 = vector.broadcast %neg3A_1360 : f32 to vector<128x128xf32>
    %neg3A_1362 = arith.subf %neg3A_1361, %log3A_1359 : vector<128x128xf32>
    %add3A_1363 = arith.addf %concatenate3A, %neg3A_1362 : vector<128x128xf32>
    %reduce_max3A_1364 = arith.constant dense<0xFF800000> : vector<128xf32>
    %reduce_max3A_1365 = vector.multi_reduction <maximumf>, %add3A_1363, %reduce_max3A_1364 [0] : vector<128x128xf32> to vector<128xf32>
    %broadcast_in_dim3A_1366 = vector.shape_cast %reduce_max3A_1365 : vector<128xf32> to vector<1x128xf32>
    %squeeze3A_1367 = vector.shape_cast %broadcast_in_dim3A_1366 : vector<1x128xf32> to vector<128xf32>
    %broadcast_in_dim3A_1368 = vector.shape_cast %squeeze3A_1367 : vector<128xf32> to vector<1x128xf32>
    %eq3A_1369 = vector.broadcast %broadcast_in_dim3A_1368 : vector<1x128xf32> to vector<128x128xf32>
    %eq3A_1370 = arith.cmpf oeq, %add3A_1363, %eq3A_1369 : vector<128x128xf32>
    %jit3A_1371 = arith.constant 1073741824 : i32
    %broadcast_in_dim3A_1372 = vector.broadcast %jit3A_1371 : i32 to vector<128x128xi32>
    %select_n3A_1373 = arith.select %eq3A_1370, %add3A_24, %broadcast_in_dim3A_1372 : vector<128x128xi1>, vector<128x128xi32>
    %reduce_min3A_1374 = arith.constant dense<2147483647> : vector<128xi32>
    %reduce_min3A_1375 = vector.multi_reduction <minsi>, %select_n3A_1373, %reduce_min3A_1374 [0] : vector<128x128xi32> to vector<128xi32>
    %broadcast_in_dim3A_1376 = vector.shape_cast %reduce_min3A_1375 : vector<128xi32> to vector<1x128xi32>
    %squeeze3A_1377 = vector.shape_cast %broadcast_in_dim3A_1376 : vector<1x128xi32> to vector<128xi32>
    %get3A_1378 = arith.constant 4 : index
    %get3A_1379 = arith.constant 0 : index
    %get3A_1380 = vector.load %arg5[%get3A_1378, %get3A_1379] : memref<16x128xf32, #tpu.memory_space<vmem>>, vector<1x128xf32>
    %get3A_1381 = vector.shape_cast %get3A_1380 : vector<1x128xf32> to vector<128xf32>
    %get3A_1382 = arith.constant 4 : index
    %get3A_1383 = arith.constant 0 : index
    %get3A_1384 = vector.load %arg6[%get3A_1382, %get3A_1383] : memref<16x128xi32, #tpu.memory_space<vmem>>, vector<1x128xi32>
    %get3A_1385 = vector.shape_cast %get3A_1384 : vector<1x128xi32> to vector<128xi32>
    %gt3A_1386 = arith.cmpf ogt, %squeeze3A_1367, %get3A_1381 : vector<128xf32>
    %or3A_1387 = vector.broadcast %eq3A_36 : i1 to vector<128xi1>
    %or3A_1388 = arith.ori %or3A_1387, %gt3A_1386 : vector<128xi1>
    %select_n3A_1389 = arith.select %or3A_1388, %squeeze3A_1367, %get3A_1381 : vector<128xi1>, vector<128xf32>
    %swap3A_1390 = arith.constant 4 : index
    %swap3A_1391 = arith.constant 0 : index
    %swap3A_1392 = vector.load %arg5[%swap3A_1390, %swap3A_1391] : memref<16x128xf32, #tpu.memory_space<vmem>>, vector<1x128xf32>
    %swap3A_1393 = vector.shape_cast %swap3A_1392 : vector<1x128xf32> to vector<128xf32>
    %swap3A_1394 = vector.shape_cast %select_n3A_1389 : vector<128xf32> to vector<1x128xf32>
    tpu.vector_store %arg5[%swap3A_1390, %swap3A_1391], %swap3A_1394 {strides = array<i32>} : memref<16x128xf32, #tpu.memory_space<vmem>>, vector<1x128xf32>,
    %select_n3A_1395 = arith.select %or3A_1388, %squeeze3A_1377, %get3A_1385 : vector<128xi1>, vector<128xi32>
    %swap3A_1396 = arith.constant 4 : index
    %swap3A_1397 = arith.constant 0 : index
    %swap3A_1398 = vector.load %arg6[%swap3A_1396, %swap3A_1397] : memref<16x128xi32, #tpu.memory_space<vmem>>, vector<1x128xi32>
    %swap3A_1399 = vector.shape_cast %swap3A_1398 : vector<1x128xi32> to vector<128xi32>
    %swap3A_1400 = vector.shape_cast %select_n3A_1395 : vector<128xi32> to vector<1x128xi32>
    tpu.vector_store %arg6[%swap3A_1396, %swap3A_1397], %swap3A_1400 {strides = array<i32>} : memref<16x128xi32, #tpu.memory_space<vmem>>, vector<1x128xi32>,
    %add3A_1401 = arith.constant 20971520 : i32
    %add3A_1402 = vector.broadcast %add3A_1401 : i32 to vector<128x128xi32>
    %add3A_1403 = arith.addi %add3A_35, %add3A_1402 : vector<128x128xi32>
    %add3A_1404 = arith.constant 42 : i32
    %add3A_1405 = vector.broadcast %add3A_1404 : i32 to vector<128x128xi32>
    %add3A_1406 = arith.addi %add3A_1403, %add3A_1405 : vector<128x128xi32>
    %shift_left3A_1407 = arith.constant 13 : i32
    %shift_left3A_1408 = vector.broadcast %shift_left3A_1407 : i32 to vector<128x128xi32>
    %shift_left3A_1409 = arith.shli %add3A_1406, %shift_left3A_1408 : vector<128x128xi32>
    %shift_right_logical3A_1410 = arith.constant 19 : i32
    %shift_right_logical3A_1411 = vector.broadcast %shift_right_logical3A_1410 : i32 to vector<128x128xi32>
    %shift_right_logical3A_1412 = arith.shrui %add3A_1406, %shift_right_logical3A_1411 : vector<128x128xi32>
    %or3A_1413 = arith.ori %shift_left3A_1409, %shift_right_logical3A_1412 : vector<128x128xi32>
    %xor3A_1414 = arith.xori %or3A_1413, %add3A_1406 : vector<128x128xi32>
    %add3A_1415 = arith.addi %add3A_1406, %xor3A_1414 : vector<128x128xi32>
    %shift_left3A_1416 = arith.constant 15 : i32
    %shift_left3A_1417 = vector.broadcast %shift_left3A_1416 : i32 to vector<128x128xi32>
    %shift_left3A_1418 = arith.shli %xor3A_1414, %shift_left3A_1417 : vector<128x128xi32>
    %shift_right_logical3A_1419 = arith.constant 17 : i32
    %shift_right_logical3A_1420 = vector.broadcast %shift_right_logical3A_1419 : i32 to vector<128x128xi32>
    %shift_right_logical3A_1421 = arith.shrui %xor3A_1414, %shift_right_logical3A_1420 : vector<128x128xi32>
    %or3A_1422 = arith.ori %shift_left3A_1418, %shift_right_logical3A_1421 : vector<128x128xi32>
    %xor3A_1423 = arith.xori %or3A_1422, %add3A_1415 : vector<128x128xi32>
    %add3A_1424 = arith.addi %add3A_1415, %xor3A_1423 : vector<128x128xi32>
    %shift_left3A_1425 = arith.constant 26 : i32
    %shift_left3A_1426 = vector.broadcast %shift_left3A_1425 : i32 to vector<128x128xi32>
    %shift_left3A_1427 = arith.shli %xor3A_1423, %shift_left3A_1426 : vector<128x128xi32>
    %shift_right_logical3A_1428 = arith.constant 6 : i32
    %shift_right_logical3A_1429 = vector.broadcast %shift_right_logical3A_1428 : i32 to vector<128x128xi32>
    %shift_right_logical3A_1430 = arith.shrui %xor3A_1423, %shift_right_logical3A_1429 : vector<128x128xi32>
    %or3A_1431 = arith.ori %shift_left3A_1427, %shift_right_logical3A_1430 : vector<128x128xi32>
    %xor3A_1432 = arith.xori %or3A_1431, %add3A_1424 : vector<128x128xi32>
    %add3A_1433 = arith.addi %add3A_1424, %xor3A_1432 : vector<128x128xi32>
    %shift_left3A_1434 = arith.constant 6 : i32
    %shift_left3A_1435 = vector.broadcast %shift_left3A_1434 : i32 to vector<128x128xi32>
    %shift_left3A_1436 = arith.shli %xor3A_1432, %shift_left3A_1435 : vector<128x128xi32>
    %shift_right_logical3A_1437 = arith.constant 26 : i32
    %shift_right_logical3A_1438 = vector.broadcast %shift_right_logical3A_1437 : i32 to vector<128x128xi32>
    %shift_right_logical3A_1439 = arith.shrui %xor3A_1432, %shift_right_logical3A_1438 : vector<128x128xi32>
    %or3A_1440 = arith.ori %shift_left3A_1436, %shift_right_logical3A_1439 : vector<128x128xi32>
    %xor3A_1441 = arith.xori %or3A_1440, %add3A_1433 : vector<128x128xi32>
    %add3A_1442 = arith.constant 42 : i32
    %add3A_1443 = vector.broadcast %add3A_1442 : i32 to vector<128x128xi32>
    %add3A_1444 = arith.addi %add3A_1433, %add3A_1443 : vector<128x128xi32>
    %add3A_1445 = arith.constant 466689009 : i32
    %add3A_1446 = vector.broadcast %add3A_1445 : i32 to vector<128x128xi32>
    %add3A_1447 = arith.addi %xor3A_1441, %add3A_1446 : vector<128x128xi32>
    %add3A_1448 = arith.addi %add3A_1444, %add3A_1447 : vector<128x128xi32>
    %shift_left3A_1449 = arith.constant 17 : i32
    %shift_left3A_1450 = vector.broadcast %shift_left3A_1449 : i32 to vector<128x128xi32>
    %shift_left3A_1451 = arith.shli %add3A_1447, %shift_left3A_1450 : vector<128x128xi32>
    %shift_right_logical3A_1452 = arith.constant 15 : i32
    %shift_right_logical3A_1453 = vector.broadcast %shift_right_logical3A_1452 : i32 to vector<128x128xi32>
    %shift_right_logical3A_1454 = arith.shrui %add3A_1447, %shift_right_logical3A_1453 : vector<128x128xi32>
    %or3A_1455 = arith.ori %shift_left3A_1451, %shift_right_logical3A_1454 : vector<128x128xi32>
    %xor3A_1456 = arith.xori %or3A_1455, %add3A_1448 : vector<128x128xi32>
    %add3A_1457 = arith.addi %add3A_1448, %xor3A_1456 : vector<128x128xi32>
    %shift_left3A_1458 = arith.constant 29 : i32
    %shift_left3A_1459 = vector.broadcast %shift_left3A_1458 : i32 to vector<128x128xi32>
    %shift_left3A_1460 = arith.shli %xor3A_1456, %shift_left3A_1459 : vector<128x128xi32>
    %shift_right_logical3A_1461 = arith.constant 3 : i32
    %shift_right_logical3A_1462 = vector.broadcast %shift_right_logical3A_1461 : i32 to vector<128x128xi32>
    %shift_right_logical3A_1463 = arith.shrui %xor3A_1456, %shift_right_logical3A_1462 : vector<128x128xi32>
    %or3A_1464 = arith.ori %shift_left3A_1460, %shift_right_logical3A_1463 : vector<128x128xi32>
    %xor3A_1465 = arith.xori %or3A_1464, %add3A_1457 : vector<128x128xi32>
    %add3A_1466 = arith.addi %add3A_1457, %xor3A_1465 : vector<128x128xi32>
    %shift_left3A_1467 = arith.constant 16 : i32
    %shift_left3A_1468 = vector.broadcast %shift_left3A_1467 : i32 to vector<128x128xi32>
    %shift_left3A_1469 = arith.shli %xor3A_1465, %shift_left3A_1468 : vector<128x128xi32>
    %shift_right_logical3A_1470 = arith.constant 16 : i32
    %shift_right_logical3A_1471 = vector.broadcast %shift_right_logical3A_1470 : i32 to vector<128x128xi32>
    %shift_right_logical3A_1472 = arith.shrui %xor3A_1465, %shift_right_logical3A_1471 : vector<128x128xi32>
    %or3A_1473 = arith.ori %shift_left3A_1469, %shift_right_logical3A_1472 : vector<128x128xi32>
    %xor3A_1474 = arith.xori %or3A_1473, %add3A_1466 : vector<128x128xi32>
    %add3A_1475 = arith.addi %add3A_1466, %xor3A_1474 : vector<128x128xi32>
    %shift_left3A_1476 = arith.constant 24 : i32
    %shift_left3A_1477 = vector.broadcast %shift_left3A_1476 : i32 to vector<128x128xi32>
    %shift_left3A_1478 = arith.shli %xor3A_1474, %shift_left3A_1477 : vector<128x128xi32>
    %shift_right_logical3A_1479 = arith.constant 8 : i32
    %shift_right_logical3A_1480 = vector.broadcast %shift_right_logical3A_1479 : i32 to vector<128x128xi32>
    %shift_right_logical3A_1481 = arith.shrui %xor3A_1474, %shift_right_logical3A_1480 : vector<128x128xi32>
    %or3A_1482 = arith.ori %shift_left3A_1478, %shift_right_logical3A_1481 : vector<128x128xi32>
    %xor3A_1483 = arith.xori %or3A_1482, %add3A_1475 : vector<128x128xi32>
    %add3A_1484 = arith.constant 466689008 : i32
    %add3A_1485 = vector.broadcast %add3A_1484 : i32 to vector<128x128xi32>
    %add3A_1486 = arith.addi %add3A_1475, %add3A_1485 : vector<128x128xi32>
    %add3A_1487 = arith.constant 2 : i32
    %add3A_1488 = vector.broadcast %add3A_1487 : i32 to vector<128x128xi32>
    %add3A_1489 = arith.addi %xor3A_1483, %add3A_1488 : vector<128x128xi32>
    %add3A_1490 = arith.addi %add3A_1486, %add3A_1489 : vector<128x128xi32>
    %shift_left3A_1491 = arith.constant 13 : i32
    %shift_left3A_1492 = vector.broadcast %shift_left3A_1491 : i32 to vector<128x128xi32>
    %shift_left3A_1493 = arith.shli %add3A_1489, %shift_left3A_1492 : vector<128x128xi32>
    %shift_right_logical3A_1494 = arith.constant 19 : i32
    %shift_right_logical3A_1495 = vector.broadcast %shift_right_logical3A_1494 : i32 to vector<128x128xi32>
    %shift_right_logical3A_1496 = arith.shrui %add3A_1489, %shift_right_logical3A_1495 : vector<128x128xi32>
    %or3A_1497 = arith.ori %shift_left3A_1493, %shift_right_logical3A_1496 : vector<128x128xi32>
    %xor3A_1498 = arith.xori %or3A_1497, %add3A_1490 : vector<128x128xi32>
    %add3A_1499 = arith.addi %add3A_1490, %xor3A_1498 : vector<128x128xi32>
    %shift_left3A_1500 = arith.constant 15 : i32
    %shift_left3A_1501 = vector.broadcast %shift_left3A_1500 : i32 to vector<128x128xi32>
    %shift_left3A_1502 = arith.shli %xor3A_1498, %shift_left3A_1501 : vector<128x128xi32>
    %shift_right_logical3A_1503 = arith.constant 17 : i32
    %shift_right_logical3A_1504 = vector.broadcast %shift_right_logical3A_1503 : i32 to vector<128x128xi32>
    %shift_right_logical3A_1505 = arith.shrui %xor3A_1498, %shift_right_logical3A_1504 : vector<128x128xi32>
    %or3A_1506 = arith.ori %shift_left3A_1502, %shift_right_logical3A_1505 : vector<128x128xi32>
    %xor3A_1507 = arith.xori %or3A_1506, %add3A_1499 : vector<128x128xi32>
    %add3A_1508 = arith.addi %add3A_1499, %xor3A_1507 : vector<128x128xi32>
    %shift_left3A_1509 = arith.constant 26 : i32
    %shift_left3A_1510 = vector.broadcast %shift_left3A_1509 : i32 to vector<128x128xi32>
    %shift_left3A_1511 = arith.shli %xor3A_1507, %shift_left3A_1510 : vector<128x128xi32>
    %shift_right_logical3A_1512 = arith.constant 6 : i32
    %shift_right_logical3A_1513 = vector.broadcast %shift_right_logical3A_1512 : i32 to vector<128x128xi32>
    %shift_right_logical3A_1514 = arith.shrui %xor3A_1507, %shift_right_logical3A_1513 : vector<128x128xi32>
    %or3A_1515 = arith.ori %shift_left3A_1511, %shift_right_logical3A_1514 : vector<128x128xi32>
    %xor3A_1516 = arith.xori %or3A_1515, %add3A_1508 : vector<128x128xi32>
    %add3A_1517 = arith.addi %add3A_1508, %xor3A_1516 : vector<128x128xi32>
    %shift_left3A_1518 = arith.constant 6 : i32
    %shift_left3A_1519 = vector.broadcast %shift_left3A_1518 : i32 to vector<128x128xi32>
    %shift_left3A_1520 = arith.shli %xor3A_1516, %shift_left3A_1519 : vector<128x128xi32>
    %shift_right_logical3A_1521 = arith.constant 26 : i32
    %shift_right_logical3A_1522 = vector.broadcast %shift_right_logical3A_1521 : i32 to vector<128x128xi32>
    %shift_right_logical3A_1523 = arith.shrui %xor3A_1516, %shift_right_logical3A_1522 : vector<128x128xi32>
    %or3A_1524 = arith.ori %shift_left3A_1520, %shift_right_logical3A_1523 : vector<128x128xi32>
    %xor3A_1525 = arith.xori %or3A_1524, %add3A_1517 : vector<128x128xi32>
    %add3A_1526 = arith.constant 0 : i32
    %add3A_1527 = vector.broadcast %add3A_1526 : i32 to vector<128x128xi32>
    %add3A_1528 = arith.addi %add3A_1517, %add3A_1527 : vector<128x128xi32>
    %add3A_1529 = arith.constant 45 : i32
    %add3A_1530 = vector.broadcast %add3A_1529 : i32 to vector<128x128xi32>
    %add3A_1531 = arith.addi %xor3A_1525, %add3A_1530 : vector<128x128xi32>
    %add3A_1532 = arith.addi %add3A_1528, %add3A_1531 : vector<128x128xi32>
    %shift_left3A_1533 = arith.constant 17 : i32
    %shift_left3A_1534 = vector.broadcast %shift_left3A_1533 : i32 to vector<128x128xi32>
    %shift_left3A_1535 = arith.shli %add3A_1531, %shift_left3A_1534 : vector<128x128xi32>
    %shift_right_logical3A_1536 = arith.constant 15 : i32
    %shift_right_logical3A_1537 = vector.broadcast %shift_right_logical3A_1536 : i32 to vector<128x128xi32>
    %shift_right_logical3A_1538 = arith.shrui %add3A_1531, %shift_right_logical3A_1537 : vector<128x128xi32>
    %or3A_1539 = arith.ori %shift_left3A_1535, %shift_right_logical3A_1538 : vector<128x128xi32>
    %xor3A_1540 = arith.xori %or3A_1539, %add3A_1532 : vector<128x128xi32>
    %add3A_1541 = arith.addi %add3A_1532, %xor3A_1540 : vector<128x128xi32>
    %shift_left3A_1542 = arith.constant 29 : i32
    %shift_left3A_1543 = vector.broadcast %shift_left3A_1542 : i32 to vector<128x128xi32>
    %shift_left3A_1544 = arith.shli %xor3A_1540, %shift_left3A_1543 : vector<128x128xi32>
    %shift_right_logical3A_1545 = arith.constant 3 : i32
    %shift_right_logical3A_1546 = vector.broadcast %shift_right_logical3A_1545 : i32 to vector<128x128xi32>
    %shift_right_logical3A_1547 = arith.shrui %xor3A_1540, %shift_right_logical3A_1546 : vector<128x128xi32>
    %or3A_1548 = arith.ori %shift_left3A_1544, %shift_right_logical3A_1547 : vector<128x128xi32>
    %xor3A_1549 = arith.xori %or3A_1548, %add3A_1541 : vector<128x128xi32>
    %add3A_1550 = arith.addi %add3A_1541, %xor3A_1549 : vector<128x128xi32>
    %shift_left3A_1551 = arith.constant 16 : i32
    %shift_left3A_1552 = vector.broadcast %shift_left3A_1551 : i32 to vector<128x128xi32>
    %shift_left3A_1553 = arith.shli %xor3A_1549, %shift_left3A_1552 : vector<128x128xi32>
    %shift_right_logical3A_1554 = arith.constant 16 : i32
    %shift_right_logical3A_1555 = vector.broadcast %shift_right_logical3A_1554 : i32 to vector<128x128xi32>
    %shift_right_logical3A_1556 = arith.shrui %xor3A_1549, %shift_right_logical3A_1555 : vector<128x128xi32>
    %or3A_1557 = arith.ori %shift_left3A_1553, %shift_right_logical3A_1556 : vector<128x128xi32>
    %xor3A_1558 = arith.xori %or3A_1557, %add3A_1550 : vector<128x128xi32>
    %add3A_1559 = arith.addi %add3A_1550, %xor3A_1558 : vector<128x128xi32>
    %shift_left3A_1560 = arith.constant 24 : i32
    %shift_left3A_1561 = vector.broadcast %shift_left3A_1560 : i32 to vector<128x128xi32>
    %shift_left3A_1562 = arith.shli %xor3A_1558, %shift_left3A_1561 : vector<128x128xi32>
    %shift_right_logical3A_1563 = arith.constant 8 : i32
    %shift_right_logical3A_1564 = vector.broadcast %shift_right_logical3A_1563 : i32 to vector<128x128xi32>
    %shift_right_logical3A_1565 = arith.shrui %xor3A_1558, %shift_right_logical3A_1564 : vector<128x128xi32>
    %or3A_1566 = arith.ori %shift_left3A_1562, %shift_right_logical3A_1565 : vector<128x128xi32>
    %xor3A_1567 = arith.xori %or3A_1566, %add3A_1559 : vector<128x128xi32>
    %add3A_1568 = arith.constant 42 : i32
    %add3A_1569 = vector.broadcast %add3A_1568 : i32 to vector<128x128xi32>
    %add3A_1570 = arith.addi %add3A_1559, %add3A_1569 : vector<128x128xi32>
    %add3A_1571 = arith.constant 466689012 : i32
    %add3A_1572 = vector.broadcast %add3A_1571 : i32 to vector<128x128xi32>
    %add3A_1573 = arith.addi %xor3A_1567, %add3A_1572 : vector<128x128xi32>
    %add3A_1574 = arith.addi %add3A_1570, %add3A_1573 : vector<128x128xi32>
    %shift_left3A_1575 = arith.constant 13 : i32
    %shift_left3A_1576 = vector.broadcast %shift_left3A_1575 : i32 to vector<128x128xi32>
    %shift_left3A_1577 = arith.shli %add3A_1573, %shift_left3A_1576 : vector<128x128xi32>
    %shift_right_logical3A_1578 = arith.constant 19 : i32
    %shift_right_logical3A_1579 = vector.broadcast %shift_right_logical3A_1578 : i32 to vector<128x128xi32>
    %shift_right_logical3A_1580 = arith.shrui %add3A_1573, %shift_right_logical3A_1579 : vector<128x128xi32>
    %or3A_1581 = arith.ori %shift_left3A_1577, %shift_right_logical3A_1580 : vector<128x128xi32>
    %xor3A_1582 = arith.xori %or3A_1581, %add3A_1574 : vector<128x128xi32>
    %add3A_1583 = arith.addi %add3A_1574, %xor3A_1582 : vector<128x128xi32>
    %shift_left3A_1584 = arith.constant 15 : i32
    %shift_left3A_1585 = vector.broadcast %shift_left3A_1584 : i32 to vector<128x128xi32>
    %shift_left3A_1586 = arith.shli %xor3A_1582, %shift_left3A_1585 : vector<128x128xi32>
    %shift_right_logical3A_1587 = arith.constant 17 : i32
    %shift_right_logical3A_1588 = vector.broadcast %shift_right_logical3A_1587 : i32 to vector<128x128xi32>
    %shift_right_logical3A_1589 = arith.shrui %xor3A_1582, %shift_right_logical3A_1588 : vector<128x128xi32>
    %or3A_1590 = arith.ori %shift_left3A_1586, %shift_right_logical3A_1589 : vector<128x128xi32>
    %xor3A_1591 = arith.xori %or3A_1590, %add3A_1583 : vector<128x128xi32>
    %add3A_1592 = arith.addi %add3A_1583, %xor3A_1591 : vector<128x128xi32>
    %shift_left3A_1593 = arith.constant 26 : i32
    %shift_left3A_1594 = vector.broadcast %shift_left3A_1593 : i32 to vector<128x128xi32>
    %shift_left3A_1595 = arith.shli %xor3A_1591, %shift_left3A_1594 : vector<128x128xi32>
    %shift_right_logical3A_1596 = arith.constant 6 : i32
    %shift_right_logical3A_1597 = vector.broadcast %shift_right_logical3A_1596 : i32 to vector<128x128xi32>
    %shift_right_logical3A_1598 = arith.shrui %xor3A_1591, %shift_right_logical3A_1597 : vector<128x128xi32>
    %or3A_1599 = arith.ori %shift_left3A_1595, %shift_right_logical3A_1598 : vector<128x128xi32>
    %xor3A_1600 = arith.xori %or3A_1599, %add3A_1592 : vector<128x128xi32>
    %add3A_1601 = arith.addi %add3A_1592, %xor3A_1600 : vector<128x128xi32>
    %shift_left3A_1602 = arith.constant 6 : i32
    %shift_left3A_1603 = vector.broadcast %shift_left3A_1602 : i32 to vector<128x128xi32>
    %shift_left3A_1604 = arith.shli %xor3A_1600, %shift_left3A_1603 : vector<128x128xi32>
    %shift_right_logical3A_1605 = arith.constant 26 : i32
    %shift_right_logical3A_1606 = vector.broadcast %shift_right_logical3A_1605 : i32 to vector<128x128xi32>
    %shift_right_logical3A_1607 = arith.shrui %xor3A_1600, %shift_right_logical3A_1606 : vector<128x128xi32>
    %or3A_1608 = arith.ori %shift_left3A_1604, %shift_right_logical3A_1607 : vector<128x128xi32>
    %xor3A_1609 = arith.xori %or3A_1608, %add3A_1601 : vector<128x128xi32>
    %add3A_1610 = arith.constant 466689008 : i32
    %add3A_1611 = vector.broadcast %add3A_1610 : i32 to vector<128x128xi32>
    %add3A_1612 = arith.addi %add3A_1601, %add3A_1611 : vector<128x128xi32>
    %add3A_1613 = arith.constant 5 : i32
    %add3A_1614 = vector.broadcast %add3A_1613 : i32 to vector<128x128xi32>
    %add3A_1615 = arith.addi %xor3A_1609, %add3A_1614 : vector<128x128xi32>
    %xor3A_1616 = arith.xori %add3A_1612, %add3A_1615 : vector<128x128xi32>
    %shift_right_logical3A_1617 = arith.constant 9 : i32
    %shift_right_logical3A_1618 = vector.broadcast %shift_right_logical3A_1617 : i32 to vector<128x128xi32>
    %shift_right_logical3A_1619 = arith.shrui %xor3A_1616, %shift_right_logical3A_1618 : vector<128x128xi32>
    %or3A_1620 = arith.constant 1065353216 : i32
    %or3A_1621 = vector.broadcast %or3A_1620 : i32 to vector<128x128xi32>
    %or3A_1622 = arith.ori %shift_right_logical3A_1619, %or3A_1621 : vector<128x128xi32>
    %bitcast_convert_type3A_1623 = tpu.bitcast %or3A_1622 : vector<128x128xi32> -> vector<128x128xf32>
    %sub3A_1624 = arith.constant 1.000000e+00 : f32
    %sub3A_1625 = vector.broadcast %sub3A_1624 : f32 to vector<128x128xf32>
    %sub3A_1626 = arith.subf %bitcast_convert_type3A_1623, %sub3A_1625 : vector<128x128xf32>
    %max3A_1627 = arith.constant 1.17549435E-38 : f32
    %max3A_1628 = vector.broadcast %max3A_1627 : f32 to vector<128x128xf32>
    %max3A_1629 = arith.maximumf %max3A_1628, %sub3A_1626 : vector<128x128xf32>
    %log3A_1630 = math.log %max3A_1629 : vector<128x128xf32>
    %neg3A_1631 = arith.constant 0.000000e+00 : f32
    %neg3A_1632 = vector.broadcast %neg3A_1631 : f32 to vector<128x128xf32>
    %neg3A_1633 = arith.subf %neg3A_1632, %log3A_1630 : vector<128x128xf32>
    %log3A_1634 = math.log %neg3A_1633 : vector<128x128xf32>
    %neg3A_1635 = arith.constant 0.000000e+00 : f32
    %neg3A_1636 = vector.broadcast %neg3A_1635 : f32 to vector<128x128xf32>
    %neg3A_1637 = arith.subf %neg3A_1636, %log3A_1634 : vector<128x128xf32>
    %add3A_1638 = arith.addf %concatenate3A, %neg3A_1637 : vector<128x128xf32>
    %reduce_max3A_1639 = arith.constant dense<0xFF800000> : vector<128xf32>
    %reduce_max3A_1640 = vector.multi_reduction <maximumf>, %add3A_1638, %reduce_max3A_1639 [0] : vector<128x128xf32> to vector<128xf32>
    %broadcast_in_dim3A_1641 = vector.shape_cast %reduce_max3A_1640 : vector<128xf32> to vector<1x128xf32>
    %squeeze3A_1642 = vector.shape_cast %broadcast_in_dim3A_1641 : vector<1x128xf32> to vector<128xf32>
    %broadcast_in_dim3A_1643 = vector.shape_cast %squeeze3A_1642 : vector<128xf32> to vector<1x128xf32>
    %eq3A_1644 = vector.broadcast %broadcast_in_dim3A_1643 : vector<1x128xf32> to vector<128x128xf32>
    %eq3A_1645 = arith.cmpf oeq, %add3A_1638, %eq3A_1644 : vector<128x128xf32>
    %jit3A_1646 = arith.constant 1073741824 : i32
    %broadcast_in_dim3A_1647 = vector.broadcast %jit3A_1646 : i32 to vector<128x128xi32>
    %select_n3A_1648 = arith.select %eq3A_1645, %add3A_24, %broadcast_in_dim3A_1647 : vector<128x128xi1>, vector<128x128xi32>
    %reduce_min3A_1649 = arith.constant dense<2147483647> : vector<128xi32>
    %reduce_min3A_1650 = vector.multi_reduction <minsi>, %select_n3A_1648, %reduce_min3A_1649 [0] : vector<128x128xi32> to vector<128xi32>
    %broadcast_in_dim3A_1651 = vector.shape_cast %reduce_min3A_1650 : vector<128xi32> to vector<1x128xi32>
    %squeeze3A_1652 = vector.shape_cast %broadcast_in_dim3A_1651 : vector<1x128xi32> to vector<128xi32>
    %get3A_1653 = arith.constant 5 : index
    %get3A_1654 = arith.constant 0 : index
    %get3A_1655 = vector.load %arg5[%get3A_1653, %get3A_1654] : memref<16x128xf32, #tpu.memory_space<vmem>>, vector<1x128xf32>
    %get3A_1656 = vector.shape_cast %get3A_1655 : vector<1x128xf32> to vector<128xf32>
    %get3A_1657 = arith.constant 5 : index
    %get3A_1658 = arith.constant 0 : index
    %get3A_1659 = vector.load %arg6[%get3A_1657, %get3A_1658] : memref<16x128xi32, #tpu.memory_space<vmem>>, vector<1x128xi32>
    %get3A_1660 = vector.shape_cast %get3A_1659 : vector<1x128xi32> to vector<128xi32>
    %gt3A_1661 = arith.cmpf ogt, %squeeze3A_1642, %get3A_1656 : vector<128xf32>
    %or3A_1662 = vector.broadcast %eq3A_36 : i1 to vector<128xi1>
    %or3A_1663 = arith.ori %or3A_1662, %gt3A_1661 : vector<128xi1>
    %select_n3A_1664 = arith.select %or3A_1663, %squeeze3A_1642, %get3A_1656 : vector<128xi1>, vector<128xf32>
    %swap3A_1665 = arith.constant 5 : index
    %swap3A_1666 = arith.constant 0 : index
    %swap3A_1667 = vector.load %arg5[%swap3A_1665, %swap3A_1666] : memref<16x128xf32, #tpu.memory_space<vmem>>, vector<1x128xf32>
    %swap3A_1668 = vector.shape_cast %swap3A_1667 : vector<1x128xf32> to vector<128xf32>
    %swap3A_1669 = vector.shape_cast %select_n3A_1664 : vector<128xf32> to vector<1x128xf32>
    tpu.vector_store %arg5[%swap3A_1665, %swap3A_1666], %swap3A_1669 {strides = array<i32>} : memref<16x128xf32, #tpu.memory_space<vmem>>, vector<1x128xf32>,
    %select_n3A_1670 = arith.select %or3A_1663, %squeeze3A_1652, %get3A_1660 : vector<128xi1>, vector<128xi32>
    %swap3A_1671 = arith.constant 5 : index
    %swap3A_1672 = arith.constant 0 : index
    %swap3A_1673 = vector.load %arg6[%swap3A_1671, %swap3A_1672] : memref<16x128xi32, #tpu.memory_space<vmem>>, vector<1x128xi32>
    %swap3A_1674 = vector.shape_cast %swap3A_1673 : vector<1x128xi32> to vector<128xi32>
    %swap3A_1675 = vector.shape_cast %select_n3A_1670 : vector<128xi32> to vector<1x128xi32>
    tpu.vector_store %arg6[%swap3A_1671, %swap3A_1672], %swap3A_1675 {strides = array<i32>} : memref<16x128xi32, #tpu.memory_space<vmem>>, vector<1x128xi32>,
    %add3A_1676 = arith.constant 25165824 : i32
    %add3A_1677 = vector.broadcast %add3A_1676 : i32 to vector<128x128xi32>
    %add3A_1678 = arith.addi %add3A_35, %add3A_1677 : vector<128x128xi32>
    %add3A_1679 = arith.constant 42 : i32
    %add3A_1680 = vector.broadcast %add3A_1679 : i32 to vector<128x128xi32>
    %add3A_1681 = arith.addi %add3A_1678, %add3A_1680 : vector<128x128xi32>
    %shift_left3A_1682 = arith.constant 13 : i32
    %shift_left3A_1683 = vector.broadcast %shift_left3A_1682 : i32 to vector<128x128xi32>
    %shift_left3A_1684 = arith.shli %add3A_1681, %shift_left3A_1683 : vector<128x128xi32>
    %shift_right_logical3A_1685 = arith.constant 19 : i32
    %shift_right_logical3A_1686 = vector.broadcast %shift_right_logical3A_1685 : i32 to vector<128x128xi32>
    %shift_right_logical3A_1687 = arith.shrui %add3A_1681, %shift_right_logical3A_1686 : vector<128x128xi32>
    %or3A_1688 = arith.ori %shift_left3A_1684, %shift_right_logical3A_1687 : vector<128x128xi32>
    %xor3A_1689 = arith.xori %or3A_1688, %add3A_1681 : vector<128x128xi32>
    %add3A_1690 = arith.addi %add3A_1681, %xor3A_1689 : vector<128x128xi32>
    %shift_left3A_1691 = arith.constant 15 : i32
    %shift_left3A_1692 = vector.broadcast %shift_left3A_1691 : i32 to vector<128x128xi32>
    %shift_left3A_1693 = arith.shli %xor3A_1689, %shift_left3A_1692 : vector<128x128xi32>
    %shift_right_logical3A_1694 = arith.constant 17 : i32
    %shift_right_logical3A_1695 = vector.broadcast %shift_right_logical3A_1694 : i32 to vector<128x128xi32>
    %shift_right_logical3A_1696 = arith.shrui %xor3A_1689, %shift_right_logical3A_1695 : vector<128x128xi32>
    %or3A_1697 = arith.ori %shift_left3A_1693, %shift_right_logical3A_1696 : vector<128x128xi32>
    %xor3A_1698 = arith.xori %or3A_1697, %add3A_1690 : vector<128x128xi32>
    %add3A_1699 = arith.addi %add3A_1690, %xor3A_1698 : vector<128x128xi32>
    %shift_left3A_1700 = arith.constant 26 : i32
    %shift_left3A_1701 = vector.broadcast %shift_left3A_1700 : i32 to vector<128x128xi32>
    %shift_left3A_1702 = arith.shli %xor3A_1698, %shift_left3A_1701 : vector<128x128xi32>
    %shift_right_logical3A_1703 = arith.constant 6 : i32
    %shift_right_logical3A_1704 = vector.broadcast %shift_right_logical3A_1703 : i32 to vector<128x128xi32>
    %shift_right_logical3A_1705 = arith.shrui %xor3A_1698, %shift_right_logical3A_1704 : vector<128x128xi32>
    %or3A_1706 = arith.ori %shift_left3A_1702, %shift_right_logical3A_1705 : vector<128x128xi32>
    %xor3A_1707 = arith.xori %or3A_1706, %add3A_1699 : vector<128x128xi32>
    %add3A_1708 = arith.addi %add3A_1699, %xor3A_1707 : vector<128x128xi32>
    %shift_left3A_1709 = arith.constant 6 : i32
    %shift_left3A_1710 = vector.broadcast %shift_left3A_1709 : i32 to vector<128x128xi32>
    %shift_left3A_1711 = arith.shli %xor3A_1707, %shift_left3A_1710 : vector<128x128xi32>
    %shift_right_logical3A_1712 = arith.constant 26 : i32
    %shift_right_logical3A_1713 = vector.broadcast %shift_right_logical3A_1712 : i32 to vector<128x128xi32>
    %shift_right_logical3A_1714 = arith.shrui %xor3A_1707, %shift_right_logical3A_1713 : vector<128x128xi32>
    %or3A_1715 = arith.ori %shift_left3A_1711, %shift_right_logical3A_1714 : vector<128x128xi32>
    %xor3A_1716 = arith.xori %or3A_1715, %add3A_1708 : vector<128x128xi32>
    %add3A_1717 = arith.constant 42 : i32
    %add3A_1718 = vector.broadcast %add3A_1717 : i32 to vector<128x128xi32>
    %add3A_1719 = arith.addi %add3A_1708, %add3A_1718 : vector<128x128xi32>
    %add3A_1720 = arith.constant 466689009 : i32
    %add3A_1721 = vector.broadcast %add3A_1720 : i32 to vector<128x128xi32>
    %add3A_1722 = arith.addi %xor3A_1716, %add3A_1721 : vector<128x128xi32>
    %add3A_1723 = arith.addi %add3A_1719, %add3A_1722 : vector<128x128xi32>
    %shift_left3A_1724 = arith.constant 17 : i32
    %shift_left3A_1725 = vector.broadcast %shift_left3A_1724 : i32 to vector<128x128xi32>
    %shift_left3A_1726 = arith.shli %add3A_1722, %shift_left3A_1725 : vector<128x128xi32>
    %shift_right_logical3A_1727 = arith.constant 15 : i32
    %shift_right_logical3A_1728 = vector.broadcast %shift_right_logical3A_1727 : i32 to vector<128x128xi32>
    %shift_right_logical3A_1729 = arith.shrui %add3A_1722, %shift_right_logical3A_1728 : vector<128x128xi32>
    %or3A_1730 = arith.ori %shift_left3A_1726, %shift_right_logical3A_1729 : vector<128x128xi32>
    %xor3A_1731 = arith.xori %or3A_1730, %add3A_1723 : vector<128x128xi32>
    %add3A_1732 = arith.addi %add3A_1723, %xor3A_1731 : vector<128x128xi32>
    %shift_left3A_1733 = arith.constant 29 : i32
    %shift_left3A_1734 = vector.broadcast %shift_left3A_1733 : i32 to vector<128x128xi32>
    %shift_left3A_1735 = arith.shli %xor3A_1731, %shift_left3A_1734 : vector<128x128xi32>
    %shift_right_logical3A_1736 = arith.constant 3 : i32
    %shift_right_logical3A_1737 = vector.broadcast %shift_right_logical3A_1736 : i32 to vector<128x128xi32>
    %shift_right_logical3A_1738 = arith.shrui %xor3A_1731, %shift_right_logical3A_1737 : vector<128x128xi32>
    %or3A_1739 = arith.ori %shift_left3A_1735, %shift_right_logical3A_1738 : vector<128x128xi32>
    %xor3A_1740 = arith.xori %or3A_1739, %add3A_1732 : vector<128x128xi32>
    %add3A_1741 = arith.addi %add3A_1732, %xor3A_1740 : vector<128x128xi32>
    %shift_left3A_1742 = arith.constant 16 : i32
    %shift_left3A_1743 = vector.broadcast %shift_left3A_1742 : i32 to vector<128x128xi32>
    %shift_left3A_1744 = arith.shli %xor3A_1740, %shift_left3A_1743 : vector<128x128xi32>
    %shift_right_logical3A_1745 = arith.constant 16 : i32
    %shift_right_logical3A_1746 = vector.broadcast %shift_right_logical3A_1745 : i32 to vector<128x128xi32>
    %shift_right_logical3A_1747 = arith.shrui %xor3A_1740, %shift_right_logical3A_1746 : vector<128x128xi32>
    %or3A_1748 = arith.ori %shift_left3A_1744, %shift_right_logical3A_1747 : vector<128x128xi32>
    %xor3A_1749 = arith.xori %or3A_1748, %add3A_1741 : vector<128x128xi32>
    %add3A_1750 = arith.addi %add3A_1741, %xor3A_1749 : vector<128x128xi32>
    %shift_left3A_1751 = arith.constant 24 : i32
    %shift_left3A_1752 = vector.broadcast %shift_left3A_1751 : i32 to vector<128x128xi32>
    %shift_left3A_1753 = arith.shli %xor3A_1749, %shift_left3A_1752 : vector<128x128xi32>
    %shift_right_logical3A_1754 = arith.constant 8 : i32
    %shift_right_logical3A_1755 = vector.broadcast %shift_right_logical3A_1754 : i32 to vector<128x128xi32>
    %shift_right_logical3A_1756 = arith.shrui %xor3A_1749, %shift_right_logical3A_1755 : vector<128x128xi32>
    %or3A_1757 = arith.ori %shift_left3A_1753, %shift_right_logical3A_1756 : vector<128x128xi32>
    %xor3A_1758 = arith.xori %or3A_1757, %add3A_1750 : vector<128x128xi32>
    %add3A_1759 = arith.constant 466689008 : i32
    %add3A_1760 = vector.broadcast %add3A_1759 : i32 to vector<128x128xi32>
    %add3A_1761 = arith.addi %add3A_1750, %add3A_1760 : vector<128x128xi32>
    %add3A_1762 = arith.constant 2 : i32
    %add3A_1763 = vector.broadcast %add3A_1762 : i32 to vector<128x128xi32>
    %add3A_1764 = arith.addi %xor3A_1758, %add3A_1763 : vector<128x128xi32>
    %add3A_1765 = arith.addi %add3A_1761, %add3A_1764 : vector<128x128xi32>
    %shift_left3A_1766 = arith.constant 13 : i32
    %shift_left3A_1767 = vector.broadcast %shift_left3A_1766 : i32 to vector<128x128xi32>
    %shift_left3A_1768 = arith.shli %add3A_1764, %shift_left3A_1767 : vector<128x128xi32>
    %shift_right_logical3A_1769 = arith.constant 19 : i32
    %shift_right_logical3A_1770 = vector.broadcast %shift_right_logical3A_1769 : i32 to vector<128x128xi32>
    %shift_right_logical3A_1771 = arith.shrui %add3A_1764, %shift_right_logical3A_1770 : vector<128x128xi32>
    %or3A_1772 = arith.ori %shift_left3A_1768, %shift_right_logical3A_1771 : vector<128x128xi32>
    %xor3A_1773 = arith.xori %or3A_1772, %add3A_1765 : vector<128x128xi32>
    %add3A_1774 = arith.addi %add3A_1765, %xor3A_1773 : vector<128x128xi32>
    %shift_left3A_1775 = arith.constant 15 : i32
    %shift_left3A_1776 = vector.broadcast %shift_left3A_1775 : i32 to vector<128x128xi32>
    %shift_left3A_1777 = arith.shli %xor3A_1773, %shift_left3A_1776 : vector<128x128xi32>
    %shift_right_logical3A_1778 = arith.constant 17 : i32
    %shift_right_logical3A_1779 = vector.broadcast %shift_right_logical3A_1778 : i32 to vector<128x128xi32>
    %shift_right_logical3A_1780 = arith.shrui %xor3A_1773, %shift_right_logical3A_1779 : vector<128x128xi32>
    %or3A_1781 = arith.ori %shift_left3A_1777, %shift_right_logical3A_1780 : vector<128x128xi32>
    %xor3A_1782 = arith.xori %or3A_1781, %add3A_1774 : vector<128x128xi32>
    %add3A_1783 = arith.addi %add3A_1774, %xor3A_1782 : vector<128x128xi32>
    %shift_left3A_1784 = arith.constant 26 : i32
    %shift_left3A_1785 = vector.broadcast %shift_left3A_1784 : i32 to vector<128x128xi32>
    %shift_left3A_1786 = arith.shli %xor3A_1782, %shift_left3A_1785 : vector<128x128xi32>
    %shift_right_logical3A_1787 = arith.constant 6 : i32
    %shift_right_logical3A_1788 = vector.broadcast %shift_right_logical3A_1787 : i32 to vector<128x128xi32>
    %shift_right_logical3A_1789 = arith.shrui %xor3A_1782, %shift_right_logical3A_1788 : vector<128x128xi32>
    %or3A_1790 = arith.ori %shift_left3A_1786, %shift_right_logical3A_1789 : vector<128x128xi32>
    %xor3A_1791 = arith.xori %or3A_1790, %add3A_1783 : vector<128x128xi32>
    %add3A_1792 = arith.addi %add3A_1783, %xor3A_1791 : vector<128x128xi32>
    %shift_left3A_1793 = arith.constant 6 : i32
    %shift_left3A_1794 = vector.broadcast %shift_left3A_1793 : i32 to vector<128x128xi32>
    %shift_left3A_1795 = arith.shli %xor3A_1791, %shift_left3A_1794 : vector<128x128xi32>
    %shift_right_logical3A_1796 = arith.constant 26 : i32
    %shift_right_logical3A_1797 = vector.broadcast %shift_right_logical3A_1796 : i32 to vector<128x128xi32>
    %shift_right_logical3A_1798 = arith.shrui %xor3A_1791, %shift_right_logical3A_1797 : vector<128x128xi32>
    %or3A_1799 = arith.ori %shift_left3A_1795, %shift_right_logical3A_1798 : vector<128x128xi32>
    %xor3A_1800 = arith.xori %or3A_1799, %add3A_1792 : vector<128x128xi32>
    %add3A_1801 = arith.constant 0 : i32
    %add3A_1802 = vector.broadcast %add3A_1801 : i32 to vector<128x128xi32>
    %add3A_1803 = arith.addi %add3A_1792, %add3A_1802 : vector<128x128xi32>
    %add3A_1804 = arith.constant 45 : i32
    %add3A_1805 = vector.broadcast %add3A_1804 : i32 to vector<128x128xi32>
    %add3A_1806 = arith.addi %xor3A_1800, %add3A_1805 : vector<128x128xi32>
    %add3A_1807 = arith.addi %add3A_1803, %add3A_1806 : vector<128x128xi32>
    %shift_left3A_1808 = arith.constant 17 : i32
    %shift_left3A_1809 = vector.broadcast %shift_left3A_1808 : i32 to vector<128x128xi32>
    %shift_left3A_1810 = arith.shli %add3A_1806, %shift_left3A_1809 : vector<128x128xi32>
    %shift_right_logical3A_1811 = arith.constant 15 : i32
    %shift_right_logical3A_1812 = vector.broadcast %shift_right_logical3A_1811 : i32 to vector<128x128xi32>
    %shift_right_logical3A_1813 = arith.shrui %add3A_1806, %shift_right_logical3A_1812 : vector<128x128xi32>
    %or3A_1814 = arith.ori %shift_left3A_1810, %shift_right_logical3A_1813 : vector<128x128xi32>
    %xor3A_1815 = arith.xori %or3A_1814, %add3A_1807 : vector<128x128xi32>
    %add3A_1816 = arith.addi %add3A_1807, %xor3A_1815 : vector<128x128xi32>
    %shift_left3A_1817 = arith.constant 29 : i32
    %shift_left3A_1818 = vector.broadcast %shift_left3A_1817 : i32 to vector<128x128xi32>
    %shift_left3A_1819 = arith.shli %xor3A_1815, %shift_left3A_1818 : vector<128x128xi32>
    %shift_right_logical3A_1820 = arith.constant 3 : i32
    %shift_right_logical3A_1821 = vector.broadcast %shift_right_logical3A_1820 : i32 to vector<128x128xi32>
    %shift_right_logical3A_1822 = arith.shrui %xor3A_1815, %shift_right_logical3A_1821 : vector<128x128xi32>
    %or3A_1823 = arith.ori %shift_left3A_1819, %shift_right_logical3A_1822 : vector<128x128xi32>
    %xor3A_1824 = arith.xori %or3A_1823, %add3A_1816 : vector<128x128xi32>
    %add3A_1825 = arith.addi %add3A_1816, %xor3A_1824 : vector<128x128xi32>
    %shift_left3A_1826 = arith.constant 16 : i32
    %shift_left3A_1827 = vector.broadcast %shift_left3A_1826 : i32 to vector<128x128xi32>
    %shift_left3A_1828 = arith.shli %xor3A_1824, %shift_left3A_1827 : vector<128x128xi32>
    %shift_right_logical3A_1829 = arith.constant 16 : i32
    %shift_right_logical3A_1830 = vector.broadcast %shift_right_logical3A_1829 : i32 to vector<128x128xi32>
    %shift_right_logical3A_1831 = arith.shrui %xor3A_1824, %shift_right_logical3A_1830 : vector<128x128xi32>
    %or3A_1832 = arith.ori %shift_left3A_1828, %shift_right_logical3A_1831 : vector<128x128xi32>
    %xor3A_1833 = arith.xori %or3A_1832, %add3A_1825 : vector<128x128xi32>
    %add3A_1834 = arith.addi %add3A_1825, %xor3A_1833 : vector<128x128xi32>
    %shift_left3A_1835 = arith.constant 24 : i32
    %shift_left3A_1836 = vector.broadcast %shift_left3A_1835 : i32 to vector<128x128xi32>
    %shift_left3A_1837 = arith.shli %xor3A_1833, %shift_left3A_1836 : vector<128x128xi32>
    %shift_right_logical3A_1838 = arith.constant 8 : i32
    %shift_right_logical3A_1839 = vector.broadcast %shift_right_logical3A_1838 : i32 to vector<128x128xi32>
    %shift_right_logical3A_1840 = arith.shrui %xor3A_1833, %shift_right_logical3A_1839 : vector<128x128xi32>
    %or3A_1841 = arith.ori %shift_left3A_1837, %shift_right_logical3A_1840 : vector<128x128xi32>
    %xor3A_1842 = arith.xori %or3A_1841, %add3A_1834 : vector<128x128xi32>
    %add3A_1843 = arith.constant 42 : i32
    %add3A_1844 = vector.broadcast %add3A_1843 : i32 to vector<128x128xi32>
    %add3A_1845 = arith.addi %add3A_1834, %add3A_1844 : vector<128x128xi32>
    %add3A_1846 = arith.constant 466689012 : i32
    %add3A_1847 = vector.broadcast %add3A_1846 : i32 to vector<128x128xi32>
    %add3A_1848 = arith.addi %xor3A_1842, %add3A_1847 : vector<128x128xi32>
    %add3A_1849 = arith.addi %add3A_1845, %add3A_1848 : vector<128x128xi32>
    %shift_left3A_1850 = arith.constant 13 : i32
    %shift_left3A_1851 = vector.broadcast %shift_left3A_1850 : i32 to vector<128x128xi32>
    %shift_left3A_1852 = arith.shli %add3A_1848, %shift_left3A_1851 : vector<128x128xi32>
    %shift_right_logical3A_1853 = arith.constant 19 : i32
    %shift_right_logical3A_1854 = vector.broadcast %shift_right_logical3A_1853 : i32 to vector<128x128xi32>
    %shift_right_logical3A_1855 = arith.shrui %add3A_1848, %shift_right_logical3A_1854 : vector<128x128xi32>
    %or3A_1856 = arith.ori %shift_left3A_1852, %shift_right_logical3A_1855 : vector<128x128xi32>
    %xor3A_1857 = arith.xori %or3A_1856, %add3A_1849 : vector<128x128xi32>
    %add3A_1858 = arith.addi %add3A_1849, %xor3A_1857 : vector<128x128xi32>
    %shift_left3A_1859 = arith.constant 15 : i32
    %shift_left3A_1860 = vector.broadcast %shift_left3A_1859 : i32 to vector<128x128xi32>
    %shift_left3A_1861 = arith.shli %xor3A_1857, %shift_left3A_1860 : vector<128x128xi32>
    %shift_right_logical3A_1862 = arith.constant 17 : i32
    %shift_right_logical3A_1863 = vector.broadcast %shift_right_logical3A_1862 : i32 to vector<128x128xi32>
    %shift_right_logical3A_1864 = arith.shrui %xor3A_1857, %shift_right_logical3A_1863 : vector<128x128xi32>
    %or3A_1865 = arith.ori %shift_left3A_1861, %shift_right_logical3A_1864 : vector<128x128xi32>
    %xor3A_1866 = arith.xori %or3A_1865, %add3A_1858 : vector<128x128xi32>
    %add3A_1867 = arith.addi %add3A_1858, %xor3A_1866 : vector<128x128xi32>
    %shift_left3A_1868 = arith.constant 26 : i32
    %shift_left3A_1869 = vector.broadcast %shift_left3A_1868 : i32 to vector<128x128xi32>
    %shift_left3A_1870 = arith.shli %xor3A_1866, %shift_left3A_1869 : vector<128x128xi32>
    %shift_right_logical3A_1871 = arith.constant 6 : i32
    %shift_right_logical3A_1872 = vector.broadcast %shift_right_logical3A_1871 : i32 to vector<128x128xi32>
    %shift_right_logical3A_1873 = arith.shrui %xor3A_1866, %shift_right_logical3A_1872 : vector<128x128xi32>
    %or3A_1874 = arith.ori %shift_left3A_1870, %shift_right_logical3A_1873 : vector<128x128xi32>
    %xor3A_1875 = arith.xori %or3A_1874, %add3A_1867 : vector<128x128xi32>
    %add3A_1876 = arith.addi %add3A_1867, %xor3A_1875 : vector<128x128xi32>
    %shift_left3A_1877 = arith.constant 6 : i32
    %shift_left3A_1878 = vector.broadcast %shift_left3A_1877 : i32 to vector<128x128xi32>
    %shift_left3A_1879 = arith.shli %xor3A_1875, %shift_left3A_1878 : vector<128x128xi32>
    %shift_right_logical3A_1880 = arith.constant 26 : i32
    %shift_right_logical3A_1881 = vector.broadcast %shift_right_logical3A_1880 : i32 to vector<128x128xi32>
    %shift_right_logical3A_1882 = arith.shrui %xor3A_1875, %shift_right_logical3A_1881 : vector<128x128xi32>
    %or3A_1883 = arith.ori %shift_left3A_1879, %shift_right_logical3A_1882 : vector<128x128xi32>
    %xor3A_1884 = arith.xori %or3A_1883, %add3A_1876 : vector<128x128xi32>
    %add3A_1885 = arith.constant 466689008 : i32
    %add3A_1886 = vector.broadcast %add3A_1885 : i32 to vector<128x128xi32>
    %add3A_1887 = arith.addi %add3A_1876, %add3A_1886 : vector<128x128xi32>
    %add3A_1888 = arith.constant 5 : i32
    %add3A_1889 = vector.broadcast %add3A_1888 : i32 to vector<128x128xi32>
    %add3A_1890 = arith.addi %xor3A_1884, %add3A_1889 : vector<128x128xi32>
    %xor3A_1891 = arith.xori %add3A_1887, %add3A_1890 : vector<128x128xi32>
    %shift_right_logical3A_1892 = arith.constant 9 : i32
    %shift_right_logical3A_1893 = vector.broadcast %shift_right_logical3A_1892 : i32 to vector<128x128xi32>
    %shift_right_logical3A_1894 = arith.shrui %xor3A_1891, %shift_right_logical3A_1893 : vector<128x128xi32>
    %or3A_1895 = arith.constant 1065353216 : i32
    %or3A_1896 = vector.broadcast %or3A_1895 : i32 to vector<128x128xi32>
    %or3A_1897 = arith.ori %shift_right_logical3A_1894, %or3A_1896 : vector<128x128xi32>
    %bitcast_convert_type3A_1898 = tpu.bitcast %or3A_1897 : vector<128x128xi32> -> vector<128x128xf32>
    %sub3A_1899 = arith.constant 1.000000e+00 : f32
    %sub3A_1900 = vector.broadcast %sub3A_1899 : f32 to vector<128x128xf32>
    %sub3A_1901 = arith.subf %bitcast_convert_type3A_1898, %sub3A_1900 : vector<128x128xf32>
    %max3A_1902 = arith.constant 1.17549435E-38 : f32
    %max3A_1903 = vector.broadcast %max3A_1902 : f32 to vector<128x128xf32>
    %max3A_1904 = arith.maximumf %max3A_1903, %sub3A_1901 : vector<128x128xf32>
    %log3A_1905 = math.log %max3A_1904 : vector<128x128xf32>
    %neg3A_1906 = arith.constant 0.000000e+00 : f32
    %neg3A_1907 = vector.broadcast %neg3A_1906 : f32 to vector<128x128xf32>
    %neg3A_1908 = arith.subf %neg3A_1907, %log3A_1905 : vector<128x128xf32>
    %log3A_1909 = math.log %neg3A_1908 : vector<128x128xf32>
    %neg3A_1910 = arith.constant 0.000000e+00 : f32
    %neg3A_1911 = vector.broadcast %neg3A_1910 : f32 to vector<128x128xf32>
    %neg3A_1912 = arith.subf %neg3A_1911, %log3A_1909 : vector<128x128xf32>
    %add3A_1913 = arith.addf %concatenate3A, %neg3A_1912 : vector<128x128xf32>
    %reduce_max3A_1914 = arith.constant dense<0xFF800000> : vector<128xf32>
    %reduce_max3A_1915 = vector.multi_reduction <maximumf>, %add3A_1913, %reduce_max3A_1914 [0] : vector<128x128xf32> to vector<128xf32>
    %broadcast_in_dim3A_1916 = vector.shape_cast %reduce_max3A_1915 : vector<128xf32> to vector<1x128xf32>
    %squeeze3A_1917 = vector.shape_cast %broadcast_in_dim3A_1916 : vector<1x128xf32> to vector<128xf32>
    %broadcast_in_dim3A_1918 = vector.shape_cast %squeeze3A_1917 : vector<128xf32> to vector<1x128xf32>
    %eq3A_1919 = vector.broadcast %broadcast_in_dim3A_1918 : vector<1x128xf32> to vector<128x128xf32>
    %eq3A_1920 = arith.cmpf oeq, %add3A_1913, %eq3A_1919 : vector<128x128xf32>
    %jit3A_1921 = arith.constant 1073741824 : i32
    %broadcast_in_dim3A_1922 = vector.broadcast %jit3A_1921 : i32 to vector<128x128xi32>
    %select_n3A_1923 = arith.select %eq3A_1920, %add3A_24, %broadcast_in_dim3A_1922 : vector<128x128xi1>, vector<128x128xi32>
    %reduce_min3A_1924 = arith.constant dense<2147483647> : vector<128xi32>
    %reduce_min3A_1925 = vector.multi_reduction <minsi>, %select_n3A_1923, %reduce_min3A_1924 [0] : vector<128x128xi32> to vector<128xi32>
    %broadcast_in_dim3A_1926 = vector.shape_cast %reduce_min3A_1925 : vector<128xi32> to vector<1x128xi32>
    %squeeze3A_1927 = vector.shape_cast %broadcast_in_dim3A_1926 : vector<1x128xi32> to vector<128xi32>
    %get3A_1928 = arith.constant 6 : index
    %get3A_1929 = arith.constant 0 : index
    %get3A_1930 = vector.load %arg5[%get3A_1928, %get3A_1929] : memref<16x128xf32, #tpu.memory_space<vmem>>, vector<1x128xf32>
    %get3A_1931 = vector.shape_cast %get3A_1930 : vector<1x128xf32> to vector<128xf32>
    %get3A_1932 = arith.constant 6 : index
    %get3A_1933 = arith.constant 0 : index
    %get3A_1934 = vector.load %arg6[%get3A_1932, %get3A_1933] : memref<16x128xi32, #tpu.memory_space<vmem>>, vector<1x128xi32>
    %get3A_1935 = vector.shape_cast %get3A_1934 : vector<1x128xi32> to vector<128xi32>
    %gt3A_1936 = arith.cmpf ogt, %squeeze3A_1917, %get3A_1931 : vector<128xf32>
    %or3A_1937 = vector.broadcast %eq3A_36 : i1 to vector<128xi1>
    %or3A_1938 = arith.ori %or3A_1937, %gt3A_1936 : vector<128xi1>
    %select_n3A_1939 = arith.select %or3A_1938, %squeeze3A_1917, %get3A_1931 : vector<128xi1>, vector<128xf32>
    %swap3A_1940 = arith.constant 6 : index
    %swap3A_1941 = arith.constant 0 : index
    %swap3A_1942 = vector.load %arg5[%swap3A_1940, %swap3A_1941] : memref<16x128xf32, #tpu.memory_space<vmem>>, vector<1x128xf32>
    %swap3A_1943 = vector.shape_cast %swap3A_1942 : vector<1x128xf32> to vector<128xf32>
    %swap3A_1944 = vector.shape_cast %select_n3A_1939 : vector<128xf32> to vector<1x128xf32>
    tpu.vector_store %arg5[%swap3A_1940, %swap3A_1941], %swap3A_1944 {strides = array<i32>} : memref<16x128xf32, #tpu.memory_space<vmem>>, vector<1x128xf32>,
    %select_n3A_1945 = arith.select %or3A_1938, %squeeze3A_1927, %get3A_1935 : vector<128xi1>, vector<128xi32>
    %swap3A_1946 = arith.constant 6 : index
    %swap3A_1947 = arith.constant 0 : index
    %swap3A_1948 = vector.load %arg6[%swap3A_1946, %swap3A_1947] : memref<16x128xi32, #tpu.memory_space<vmem>>, vector<1x128xi32>
    %swap3A_1949 = vector.shape_cast %swap3A_1948 : vector<1x128xi32> to vector<128xi32>
    %swap3A_1950 = vector.shape_cast %select_n3A_1945 : vector<128xi32> to vector<1x128xi32>
    tpu.vector_store %arg6[%swap3A_1946, %swap3A_1947], %swap3A_1950 {strides = array<i32>} : memref<16x128xi32, #tpu.memory_space<vmem>>, vector<1x128xi32>,
    %add3A_1951 = arith.constant 29360128 : i32
    %add3A_1952 = vector.broadcast %add3A_1951 : i32 to vector<128x128xi32>
    %add3A_1953 = arith.addi %add3A_35, %add3A_1952 : vector<128x128xi32>
    %add3A_1954 = arith.constant 42 : i32
    %add3A_1955 = vector.broadcast %add3A_1954 : i32 to vector<128x128xi32>
    %add3A_1956 = arith.addi %add3A_1953, %add3A_1955 : vector<128x128xi32>
    %shift_left3A_1957 = arith.constant 13 : i32
    %shift_left3A_1958 = vector.broadcast %shift_left3A_1957 : i32 to vector<128x128xi32>
    %shift_left3A_1959 = arith.shli %add3A_1956, %shift_left3A_1958 : vector<128x128xi32>
    %shift_right_logical3A_1960 = arith.constant 19 : i32
    %shift_right_logical3A_1961 = vector.broadcast %shift_right_logical3A_1960 : i32 to vector<128x128xi32>
    %shift_right_logical3A_1962 = arith.shrui %add3A_1956, %shift_right_logical3A_1961 : vector<128x128xi32>
    %or3A_1963 = arith.ori %shift_left3A_1959, %shift_right_logical3A_1962 : vector<128x128xi32>
    %xor3A_1964 = arith.xori %or3A_1963, %add3A_1956 : vector<128x128xi32>
    %add3A_1965 = arith.addi %add3A_1956, %xor3A_1964 : vector<128x128xi32>
    %shift_left3A_1966 = arith.constant 15 : i32
    %shift_left3A_1967 = vector.broadcast %shift_left3A_1966 : i32 to vector<128x128xi32>
    %shift_left3A_1968 = arith.shli %xor3A_1964, %shift_left3A_1967 : vector<128x128xi32>
    %shift_right_logical3A_1969 = arith.constant 17 : i32
    %shift_right_logical3A_1970 = vector.broadcast %shift_right_logical3A_1969 : i32 to vector<128x128xi32>
    %shift_right_logical3A_1971 = arith.shrui %xor3A_1964, %shift_right_logical3A_1970 : vector<128x128xi32>
    %or3A_1972 = arith.ori %shift_left3A_1968, %shift_right_logical3A_1971 : vector<128x128xi32>
    %xor3A_1973 = arith.xori %or3A_1972, %add3A_1965 : vector<128x128xi32>
    %add3A_1974 = arith.addi %add3A_1965, %xor3A_1973 : vector<128x128xi32>
    %shift_left3A_1975 = arith.constant 26 : i32
    %shift_left3A_1976 = vector.broadcast %shift_left3A_1975 : i32 to vector<128x128xi32>
    %shift_left3A_1977 = arith.shli %xor3A_1973, %shift_left3A_1976 : vector<128x128xi32>
    %shift_right_logical3A_1978 = arith.constant 6 : i32
    %shift_right_logical3A_1979 = vector.broadcast %shift_right_logical3A_1978 : i32 to vector<128x128xi32>
    %shift_right_logical3A_1980 = arith.shrui %xor3A_1973, %shift_right_logical3A_1979 : vector<128x128xi32>
    %or3A_1981 = arith.ori %shift_left3A_1977, %shift_right_logical3A_1980 : vector<128x128xi32>
    %xor3A_1982 = arith.xori %or3A_1981, %add3A_1974 : vector<128x128xi32>
    %add3A_1983 = arith.addi %add3A_1974, %xor3A_1982 : vector<128x128xi32>
    %shift_left3A_1984 = arith.constant 6 : i32
    %shift_left3A_1985 = vector.broadcast %shift_left3A_1984 : i32 to vector<128x128xi32>
    %shift_left3A_1986 = arith.shli %xor3A_1982, %shift_left3A_1985 : vector<128x128xi32>
    %shift_right_logical3A_1987 = arith.constant 26 : i32
    %shift_right_logical3A_1988 = vector.broadcast %shift_right_logical3A_1987 : i32 to vector<128x128xi32>
    %shift_right_logical3A_1989 = arith.shrui %xor3A_1982, %shift_right_logical3A_1988 : vector<128x128xi32>
    %or3A_1990 = arith.ori %shift_left3A_1986, %shift_right_logical3A_1989 : vector<128x128xi32>
    %xor3A_1991 = arith.xori %or3A_1990, %add3A_1983 : vector<128x128xi32>
    %add3A_1992 = arith.constant 42 : i32
    %add3A_1993 = vector.broadcast %add3A_1992 : i32 to vector<128x128xi32>
    %add3A_1994 = arith.addi %add3A_1983, %add3A_1993 : vector<128x128xi32>
    %add3A_1995 = arith.constant 466689009 : i32
    %add3A_1996 = vector.broadcast %add3A_1995 : i32 to vector<128x128xi32>
    %add3A_1997 = arith.addi %xor3A_1991, %add3A_1996 : vector<128x128xi32>
    %add3A_1998 = arith.addi %add3A_1994, %add3A_1997 : vector<128x128xi32>
    %shift_left3A_1999 = arith.constant 17 : i32
    %shift_left3A_2000 = vector.broadcast %shift_left3A_1999 : i32 to vector<128x128xi32>
    %shift_left3A_2001 = arith.shli %add3A_1997, %shift_left3A_2000 : vector<128x128xi32>
    %shift_right_logical3A_2002 = arith.constant 15 : i32
    %shift_right_logical3A_2003 = vector.broadcast %shift_right_logical3A_2002 : i32 to vector<128x128xi32>
    %shift_right_logical3A_2004 = arith.shrui %add3A_1997, %shift_right_logical3A_2003 : vector<128x128xi32>
    %or3A_2005 = arith.ori %shift_left3A_2001, %shift_right_logical3A_2004 : vector<128x128xi32>
    %xor3A_2006 = arith.xori %or3A_2005, %add3A_1998 : vector<128x128xi32>
    %add3A_2007 = arith.addi %add3A_1998, %xor3A_2006 : vector<128x128xi32>
    %shift_left3A_2008 = arith.constant 29 : i32
    %shift_left3A_2009 = vector.broadcast %shift_left3A_2008 : i32 to vector<128x128xi32>
    %shift_left3A_2010 = arith.shli %xor3A_2006, %shift_left3A_2009 : vector<128x128xi32>
    %shift_right_logical3A_2011 = arith.constant 3 : i32
    %shift_right_logical3A_2012 = vector.broadcast %shift_right_logical3A_2011 : i32 to vector<128x128xi32>
    %shift_right_logical3A_2013 = arith.shrui %xor3A_2006, %shift_right_logical3A_2012 : vector<128x128xi32>
    %or3A_2014 = arith.ori %shift_left3A_2010, %shift_right_logical3A_2013 : vector<128x128xi32>
    %xor3A_2015 = arith.xori %or3A_2014, %add3A_2007 : vector<128x128xi32>
    %add3A_2016 = arith.addi %add3A_2007, %xor3A_2015 : vector<128x128xi32>
    %shift_left3A_2017 = arith.constant 16 : i32
    %shift_left3A_2018 = vector.broadcast %shift_left3A_2017 : i32 to vector<128x128xi32>
    %shift_left3A_2019 = arith.shli %xor3A_2015, %shift_left3A_2018 : vector<128x128xi32>
    %shift_right_logical3A_2020 = arith.constant 16 : i32
    %shift_right_logical3A_2021 = vector.broadcast %shift_right_logical3A_2020 : i32 to vector<128x128xi32>
    %shift_right_logical3A_2022 = arith.shrui %xor3A_2015, %shift_right_logical3A_2021 : vector<128x128xi32>
    %or3A_2023 = arith.ori %shift_left3A_2019, %shift_right_logical3A_2022 : vector<128x128xi32>
    %xor3A_2024 = arith.xori %or3A_2023, %add3A_2016 : vector<128x128xi32>
    %add3A_2025 = arith.addi %add3A_2016, %xor3A_2024 : vector<128x128xi32>
    %shift_left3A_2026 = arith.constant 24 : i32
    %shift_left3A_2027 = vector.broadcast %shift_left3A_2026 : i32 to vector<128x128xi32>
    %shift_left3A_2028 = arith.shli %xor3A_2024, %shift_left3A_2027 : vector<128x128xi32>
    %shift_right_logical3A_2029 = arith.constant 8 : i32
    %shift_right_logical3A_2030 = vector.broadcast %shift_right_logical3A_2029 : i32 to vector<128x128xi32>
    %shift_right_logical3A_2031 = arith.shrui %xor3A_2024, %shift_right_logical3A_2030 : vector<128x128xi32>
    %or3A_2032 = arith.ori %shift_left3A_2028, %shift_right_logical3A_2031 : vector<128x128xi32>
    %xor3A_2033 = arith.xori %or3A_2032, %add3A_2025 : vector<128x128xi32>
    %add3A_2034 = arith.constant 466689008 : i32
    %add3A_2035 = vector.broadcast %add3A_2034 : i32 to vector<128x128xi32>
    %add3A_2036 = arith.addi %add3A_2025, %add3A_2035 : vector<128x128xi32>
    %add3A_2037 = arith.constant 2 : i32
    %add3A_2038 = vector.broadcast %add3A_2037 : i32 to vector<128x128xi32>
    %add3A_2039 = arith.addi %xor3A_2033, %add3A_2038 : vector<128x128xi32>
    %add3A_2040 = arith.addi %add3A_2036, %add3A_2039 : vector<128x128xi32>
    %shift_left3A_2041 = arith.constant 13 : i32
    %shift_left3A_2042 = vector.broadcast %shift_left3A_2041 : i32 to vector<128x128xi32>
    %shift_left3A_2043 = arith.shli %add3A_2039, %shift_left3A_2042 : vector<128x128xi32>
    %shift_right_logical3A_2044 = arith.constant 19 : i32
    %shift_right_logical3A_2045 = vector.broadcast %shift_right_logical3A_2044 : i32 to vector<128x128xi32>
    %shift_right_logical3A_2046 = arith.shrui %add3A_2039, %shift_right_logical3A_2045 : vector<128x128xi32>
    %or3A_2047 = arith.ori %shift_left3A_2043, %shift_right_logical3A_2046 : vector<128x128xi32>
    %xor3A_2048 = arith.xori %or3A_2047, %add3A_2040 : vector<128x128xi32>
    %add3A_2049 = arith.addi %add3A_2040, %xor3A_2048 : vector<128x128xi32>
    %shift_left3A_2050 = arith.constant 15 : i32
    %shift_left3A_2051 = vector.broadcast %shift_left3A_2050 : i32 to vector<128x128xi32>
    %shift_left3A_2052 = arith.shli %xor3A_2048, %shift_left3A_2051 : vector<128x128xi32>
    %shift_right_logical3A_2053 = arith.constant 17 : i32
    %shift_right_logical3A_2054 = vector.broadcast %shift_right_logical3A_2053 : i32 to vector<128x128xi32>
    %shift_right_logical3A_2055 = arith.shrui %xor3A_2048, %shift_right_logical3A_2054 : vector<128x128xi32>
    %or3A_2056 = arith.ori %shift_left3A_2052, %shift_right_logical3A_2055 : vector<128x128xi32>
    %xor3A_2057 = arith.xori %or3A_2056, %add3A_2049 : vector<128x128xi32>
    %add3A_2058 = arith.addi %add3A_2049, %xor3A_2057 : vector<128x128xi32>
    %shift_left3A_2059 = arith.constant 26 : i32
    %shift_left3A_2060 = vector.broadcast %shift_left3A_2059 : i32 to vector<128x128xi32>
    %shift_left3A_2061 = arith.shli %xor3A_2057, %shift_left3A_2060 : vector<128x128xi32>
    %shift_right_logical3A_2062 = arith.constant 6 : i32
    %shift_right_logical3A_2063 = vector.broadcast %shift_right_logical3A_2062 : i32 to vector<128x128xi32>
    %shift_right_logical3A_2064 = arith.shrui %xor3A_2057, %shift_right_logical3A_2063 : vector<128x128xi32>
    %or3A_2065 = arith.ori %shift_left3A_2061, %shift_right_logical3A_2064 : vector<128x128xi32>
    %xor3A_2066 = arith.xori %or3A_2065, %add3A_2058 : vector<128x128xi32>
    %add3A_2067 = arith.addi %add3A_2058, %xor3A_2066 : vector<128x128xi32>
    %shift_left3A_2068 = arith.constant 6 : i32
    %shift_left3A_2069 = vector.broadcast %shift_left3A_2068 : i32 to vector<128x128xi32>
    %shift_left3A_2070 = arith.shli %xor3A_2066, %shift_left3A_2069 : vector<128x128xi32>
    %shift_right_logical3A_2071 = arith.constant 26 : i32
    %shift_right_logical3A_2072 = vector.broadcast %shift_right_logical3A_2071 : i32 to vector<128x128xi32>
    %shift_right_logical3A_2073 = arith.shrui %xor3A_2066, %shift_right_logical3A_2072 : vector<128x128xi32>
    %or3A_2074 = arith.ori %shift_left3A_2070, %shift_right_logical3A_2073 : vector<128x128xi32>
    %xor3A_2075 = arith.xori %or3A_2074, %add3A_2067 : vector<128x128xi32>
    %add3A_2076 = arith.constant 0 : i32
    %add3A_2077 = vector.broadcast %add3A_2076 : i32 to vector<128x128xi32>
    %add3A_2078 = arith.addi %add3A_2067, %add3A_2077 : vector<128x128xi32>
    %add3A_2079 = arith.constant 45 : i32
    %add3A_2080 = vector.broadcast %add3A_2079 : i32 to vector<128x128xi32>
    %add3A_2081 = arith.addi %xor3A_2075, %add3A_2080 : vector<128x128xi32>
    %add3A_2082 = arith.addi %add3A_2078, %add3A_2081 : vector<128x128xi32>
    %shift_left3A_2083 = arith.constant 17 : i32
    %shift_left3A_2084 = vector.broadcast %shift_left3A_2083 : i32 to vector<128x128xi32>
    %shift_left3A_2085 = arith.shli %add3A_2081, %shift_left3A_2084 : vector<128x128xi32>
    %shift_right_logical3A_2086 = arith.constant 15 : i32
    %shift_right_logical3A_2087 = vector.broadcast %shift_right_logical3A_2086 : i32 to vector<128x128xi32>
    %shift_right_logical3A_2088 = arith.shrui %add3A_2081, %shift_right_logical3A_2087 : vector<128x128xi32>
    %or3A_2089 = arith.ori %shift_left3A_2085, %shift_right_logical3A_2088 : vector<128x128xi32>
    %xor3A_2090 = arith.xori %or3A_2089, %add3A_2082 : vector<128x128xi32>
    %add3A_2091 = arith.addi %add3A_2082, %xor3A_2090 : vector<128x128xi32>
    %shift_left3A_2092 = arith.constant 29 : i32
    %shift_left3A_2093 = vector.broadcast %shift_left3A_2092 : i32 to vector<128x128xi32>
    %shift_left3A_2094 = arith.shli %xor3A_2090, %shift_left3A_2093 : vector<128x128xi32>
    %shift_right_logical3A_2095 = arith.constant 3 : i32
    %shift_right_logical3A_2096 = vector.broadcast %shift_right_logical3A_2095 : i32 to vector<128x128xi32>
    %shift_right_logical3A_2097 = arith.shrui %xor3A_2090, %shift_right_logical3A_2096 : vector<128x128xi32>
    %or3A_2098 = arith.ori %shift_left3A_2094, %shift_right_logical3A_2097 : vector<128x128xi32>
    %xor3A_2099 = arith.xori %or3A_2098, %add3A_2091 : vector<128x128xi32>
    %add3A_2100 = arith.addi %add3A_2091, %xor3A_2099 : vector<128x128xi32>
    %shift_left3A_2101 = arith.constant 16 : i32
    %shift_left3A_2102 = vector.broadcast %shift_left3A_2101 : i32 to vector<128x128xi32>
    %shift_left3A_2103 = arith.shli %xor3A_2099, %shift_left3A_2102 : vector<128x128xi32>
    %shift_right_logical3A_2104 = arith.constant 16 : i32
    %shift_right_logical3A_2105 = vector.broadcast %shift_right_logical3A_2104 : i32 to vector<128x128xi32>
    %shift_right_logical3A_2106 = arith.shrui %xor3A_2099, %shift_right_logical3A_2105 : vector<128x128xi32>
    %or3A_2107 = arith.ori %shift_left3A_2103, %shift_right_logical3A_2106 : vector<128x128xi32>
    %xor3A_2108 = arith.xori %or3A_2107, %add3A_2100 : vector<128x128xi32>
    %add3A_2109 = arith.addi %add3A_2100, %xor3A_2108 : vector<128x128xi32>
    %shift_left3A_2110 = arith.constant 24 : i32
    %shift_left3A_2111 = vector.broadcast %shift_left3A_2110 : i32 to vector<128x128xi32>
    %shift_left3A_2112 = arith.shli %xor3A_2108, %shift_left3A_2111 : vector<128x128xi32>
    %shift_right_logical3A_2113 = arith.constant 8 : i32
    %shift_right_logical3A_2114 = vector.broadcast %shift_right_logical3A_2113 : i32 to vector<128x128xi32>
    %shift_right_logical3A_2115 = arith.shrui %xor3A_2108, %shift_right_logical3A_2114 : vector<128x128xi32>
    %or3A_2116 = arith.ori %shift_left3A_2112, %shift_right_logical3A_2115 : vector<128x128xi32>
    %xor3A_2117 = arith.xori %or3A_2116, %add3A_2109 : vector<128x128xi32>
    %add3A_2118 = arith.constant 42 : i32
    %add3A_2119 = vector.broadcast %add3A_2118 : i32 to vector<128x128xi32>
    %add3A_2120 = arith.addi %add3A_2109, %add3A_2119 : vector<128x128xi32>
    %add3A_2121 = arith.constant 466689012 : i32
    %add3A_2122 = vector.broadcast %add3A_2121 : i32 to vector<128x128xi32>
    %add3A_2123 = arith.addi %xor3A_2117, %add3A_2122 : vector<128x128xi32>
    %add3A_2124 = arith.addi %add3A_2120, %add3A_2123 : vector<128x128xi32>
    %shift_left3A_2125 = arith.constant 13 : i32
    %shift_left3A_2126 = vector.broadcast %shift_left3A_2125 : i32 to vector<128x128xi32>
    %shift_left3A_2127 = arith.shli %add3A_2123, %shift_left3A_2126 : vector<128x128xi32>
    %shift_right_logical3A_2128 = arith.constant 19 : i32
    %shift_right_logical3A_2129 = vector.broadcast %shift_right_logical3A_2128 : i32 to vector<128x128xi32>
    %shift_right_logical3A_2130 = arith.shrui %add3A_2123, %shift_right_logical3A_2129 : vector<128x128xi32>
    %or3A_2131 = arith.ori %shift_left3A_2127, %shift_right_logical3A_2130 : vector<128x128xi32>
    %xor3A_2132 = arith.xori %or3A_2131, %add3A_2124 : vector<128x128xi32>
    %add3A_2133 = arith.addi %add3A_2124, %xor3A_2132 : vector<128x128xi32>
    %shift_left3A_2134 = arith.constant 15 : i32
    %shift_left3A_2135 = vector.broadcast %shift_left3A_2134 : i32 to vector<128x128xi32>
    %shift_left3A_2136 = arith.shli %xor3A_2132, %shift_left3A_2135 : vector<128x128xi32>
    %shift_right_logical3A_2137 = arith.constant 17 : i32
    %shift_right_logical3A_2138 = vector.broadcast %shift_right_logical3A_2137 : i32 to vector<128x128xi32>
    %shift_right_logical3A_2139 = arith.shrui %xor3A_2132, %shift_right_logical3A_2138 : vector<128x128xi32>
    %or3A_2140 = arith.ori %shift_left3A_2136, %shift_right_logical3A_2139 : vector<128x128xi32>
    %xor3A_2141 = arith.xori %or3A_2140, %add3A_2133 : vector<128x128xi32>
    %add3A_2142 = arith.addi %add3A_2133, %xor3A_2141 : vector<128x128xi32>
    %shift_left3A_2143 = arith.constant 26 : i32
    %shift_left3A_2144 = vector.broadcast %shift_left3A_2143 : i32 to vector<128x128xi32>
    %shift_left3A_2145 = arith.shli %xor3A_2141, %shift_left3A_2144 : vector<128x128xi32>
    %shift_right_logical3A_2146 = arith.constant 6 : i32
    %shift_right_logical3A_2147 = vector.broadcast %shift_right_logical3A_2146 : i32 to vector<128x128xi32>
    %shift_right_logical3A_2148 = arith.shrui %xor3A_2141, %shift_right_logical3A_2147 : vector<128x128xi32>
    %or3A_2149 = arith.ori %shift_left3A_2145, %shift_right_logical3A_2148 : vector<128x128xi32>
    %xor3A_2150 = arith.xori %or3A_2149, %add3A_2142 : vector<128x128xi32>
    %add3A_2151 = arith.addi %add3A_2142, %xor3A_2150 : vector<128x128xi32>
    %shift_left3A_2152 = arith.constant 6 : i32
    %shift_left3A_2153 = vector.broadcast %shift_left3A_2152 : i32 to vector<128x128xi32>
    %shift_left3A_2154 = arith.shli %xor3A_2150, %shift_left3A_2153 : vector<128x128xi32>
    %shift_right_logical3A_2155 = arith.constant 26 : i32
    %shift_right_logical3A_2156 = vector.broadcast %shift_right_logical3A_2155 : i32 to vector<128x128xi32>
    %shift_right_logical3A_2157 = arith.shrui %xor3A_2150, %shift_right_logical3A_2156 : vector<128x128xi32>
    %or3A_2158 = arith.ori %shift_left3A_2154, %shift_right_logical3A_2157 : vector<128x128xi32>
    %xor3A_2159 = arith.xori %or3A_2158, %add3A_2151 : vector<128x128xi32>
    %add3A_2160 = arith.constant 466689008 : i32
    %add3A_2161 = vector.broadcast %add3A_2160 : i32 to vector<128x128xi32>
    %add3A_2162 = arith.addi %add3A_2151, %add3A_2161 : vector<128x128xi32>
    %add3A_2163 = arith.constant 5 : i32
    %add3A_2164 = vector.broadcast %add3A_2163 : i32 to vector<128x128xi32>
    %add3A_2165 = arith.addi %xor3A_2159, %add3A_2164 : vector<128x128xi32>
    %xor3A_2166 = arith.xori %add3A_2162, %add3A_2165 : vector<128x128xi32>
    %shift_right_logical3A_2167 = arith.constant 9 : i32
    %shift_right_logical3A_2168 = vector.broadcast %shift_right_logical3A_2167 : i32 to vector<128x128xi32>
    %shift_right_logical3A_2169 = arith.shrui %xor3A_2166, %shift_right_logical3A_2168 : vector<128x128xi32>
    %or3A_2170 = arith.constant 1065353216 : i32
    %or3A_2171 = vector.broadcast %or3A_2170 : i32 to vector<128x128xi32>
    %or3A_2172 = arith.ori %shift_right_logical3A_2169, %or3A_2171 : vector<128x128xi32>
    %bitcast_convert_type3A_2173 = tpu.bitcast %or3A_2172 : vector<128x128xi32> -> vector<128x128xf32>
    %sub3A_2174 = arith.constant 1.000000e+00 : f32
    %sub3A_2175 = vector.broadcast %sub3A_2174 : f32 to vector<128x128xf32>
    %sub3A_2176 = arith.subf %bitcast_convert_type3A_2173, %sub3A_2175 : vector<128x128xf32>
    %max3A_2177 = arith.constant 1.17549435E-38 : f32
    %max3A_2178 = vector.broadcast %max3A_2177 : f32 to vector<128x128xf32>
    %max3A_2179 = arith.maximumf %max3A_2178, %sub3A_2176 : vector<128x128xf32>
    %log3A_2180 = math.log %max3A_2179 : vector<128x128xf32>
    %neg3A_2181 = arith.constant 0.000000e+00 : f32
    %neg3A_2182 = vector.broadcast %neg3A_2181 : f32 to vector<128x128xf32>
    %neg3A_2183 = arith.subf %neg3A_2182, %log3A_2180 : vector<128x128xf32>
    %log3A_2184 = math.log %neg3A_2183 : vector<128x128xf32>
    %neg3A_2185 = arith.constant 0.000000e+00 : f32
    %neg3A_2186 = vector.broadcast %neg3A_2185 : f32 to vector<128x128xf32>
    %neg3A_2187 = arith.subf %neg3A_2186, %log3A_2184 : vector<128x128xf32>
    %add3A_2188 = arith.addf %concatenate3A, %neg3A_2187 : vector<128x128xf32>
    %reduce_max3A_2189 = arith.constant dense<0xFF800000> : vector<128xf32>
    %reduce_max3A_2190 = vector.multi_reduction <maximumf>, %add3A_2188, %reduce_max3A_2189 [0] : vector<128x128xf32> to vector<128xf32>
    %broadcast_in_dim3A_2191 = vector.shape_cast %reduce_max3A_2190 : vector<128xf32> to vector<1x128xf32>
    %squeeze3A_2192 = vector.shape_cast %broadcast_in_dim3A_2191 : vector<1x128xf32> to vector<128xf32>
    %broadcast_in_dim3A_2193 = vector.shape_cast %squeeze3A_2192 : vector<128xf32> to vector<1x128xf32>
    %eq3A_2194 = vector.broadcast %broadcast_in_dim3A_2193 : vector<1x128xf32> to vector<128x128xf32>
    %eq3A_2195 = arith.cmpf oeq, %add3A_2188, %eq3A_2194 : vector<128x128xf32>
    %jit3A_2196 = arith.constant 1073741824 : i32
    %broadcast_in_dim3A_2197 = vector.broadcast %jit3A_2196 : i32 to vector<128x128xi32>
    %select_n3A_2198 = arith.select %eq3A_2195, %add3A_24, %broadcast_in_dim3A_2197 : vector<128x128xi1>, vector<128x128xi32>
    %reduce_min3A_2199 = arith.constant dense<2147483647> : vector<128xi32>
    %reduce_min3A_2200 = vector.multi_reduction <minsi>, %select_n3A_2198, %reduce_min3A_2199 [0] : vector<128x128xi32> to vector<128xi32>
    %broadcast_in_dim3A_2201 = vector.shape_cast %reduce_min3A_2200 : vector<128xi32> to vector<1x128xi32>
    %squeeze3A_2202 = vector.shape_cast %broadcast_in_dim3A_2201 : vector<1x128xi32> to vector<128xi32>
    %get3A_2203 = arith.constant 7 : index
    %get3A_2204 = arith.constant 0 : index
    %get3A_2205 = vector.load %arg5[%get3A_2203, %get3A_2204] : memref<16x128xf32, #tpu.memory_space<vmem>>, vector<1x128xf32>
    %get3A_2206 = vector.shape_cast %get3A_2205 : vector<1x128xf32> to vector<128xf32>
    %get3A_2207 = arith.constant 7 : index
    %get3A_2208 = arith.constant 0 : index
    %get3A_2209 = vector.load %arg6[%get3A_2207, %get3A_2208] : memref<16x128xi32, #tpu.memory_space<vmem>>, vector<1x128xi32>
    %get3A_2210 = vector.shape_cast %get3A_2209 : vector<1x128xi32> to vector<128xi32>
    %gt3A_2211 = arith.cmpf ogt, %squeeze3A_2192, %get3A_2206 : vector<128xf32>
    %or3A_2212 = vector.broadcast %eq3A_36 : i1 to vector<128xi1>
    %or3A_2213 = arith.ori %or3A_2212, %gt3A_2211 : vector<128xi1>
    %select_n3A_2214 = arith.select %or3A_2213, %squeeze3A_2192, %get3A_2206 : vector<128xi1>, vector<128xf32>
    %swap3A_2215 = arith.constant 7 : index
    %swap3A_2216 = arith.constant 0 : index
    %swap3A_2217 = vector.load %arg5[%swap3A_2215, %swap3A_2216] : memref<16x128xf32, #tpu.memory_space<vmem>>, vector<1x128xf32>
    %swap3A_2218 = vector.shape_cast %swap3A_2217 : vector<1x128xf32> to vector<128xf32>
    %swap3A_2219 = vector.shape_cast %select_n3A_2214 : vector<128xf32> to vector<1x128xf32>
    tpu.vector_store %arg5[%swap3A_2215, %swap3A_2216], %swap3A_2219 {strides = array<i32>} : memref<16x128xf32, #tpu.memory_space<vmem>>, vector<1x128xf32>,
    %select_n3A_2220 = arith.select %or3A_2213, %squeeze3A_2202, %get3A_2210 : vector<128xi1>, vector<128xi32>
    %swap3A_2221 = arith.constant 7 : index
    %swap3A_2222 = arith.constant 0 : index
    %swap3A_2223 = vector.load %arg6[%swap3A_2221, %swap3A_2222] : memref<16x128xi32, #tpu.memory_space<vmem>>, vector<1x128xi32>
    %swap3A_2224 = vector.shape_cast %swap3A_2223 : vector<1x128xi32> to vector<128xi32>
    %swap3A_2225 = vector.shape_cast %select_n3A_2220 : vector<128xi32> to vector<1x128xi32>
    tpu.vector_store %arg6[%swap3A_2221, %swap3A_2222], %swap3A_2225 {strides = array<i32>} : memref<16x128xi32, #tpu.memory_space<vmem>>, vector<1x128xi32>,
    %add3A_2226 = arith.constant 33554432 : i32
    %add3A_2227 = vector.broadcast %add3A_2226 : i32 to vector<128x128xi32>
    %add3A_2228 = arith.addi %add3A_35, %add3A_2227 : vector<128x128xi32>
    %add3A_2229 = arith.constant 42 : i32
    %add3A_2230 = vector.broadcast %add3A_2229 : i32 to vector<128x128xi32>
    %add3A_2231 = arith.addi %add3A_2228, %add3A_2230 : vector<128x128xi32>
    %shift_left3A_2232 = arith.constant 13 : i32
    %shift_left3A_2233 = vector.broadcast %shift_left3A_2232 : i32 to vector<128x128xi32>
    %shift_left3A_2234 = arith.shli %add3A_2231, %shift_left3A_2233 : vector<128x128xi32>
    %shift_right_logical3A_2235 = arith.constant 19 : i32
    %shift_right_logical3A_2236 = vector.broadcast %shift_right_logical3A_2235 : i32 to vector<128x128xi32>
    %shift_right_logical3A_2237 = arith.shrui %add3A_2231, %shift_right_logical3A_2236 : vector<128x128xi32>
    %or3A_2238 = arith.ori %shift_left3A_2234, %shift_right_logical3A_2237 : vector<128x128xi32>
    %xor3A_2239 = arith.xori %or3A_2238, %add3A_2231 : vector<128x128xi32>
    %add3A_2240 = arith.addi %add3A_2231, %xor3A_2239 : vector<128x128xi32>
    %shift_left3A_2241 = arith.constant 15 : i32
    %shift_left3A_2242 = vector.broadcast %shift_left3A_2241 : i32 to vector<128x128xi32>
    %shift_left3A_2243 = arith.shli %xor3A_2239, %shift_left3A_2242 : vector<128x128xi32>
    %shift_right_logical3A_2244 = arith.constant 17 : i32
    %shift_right_logical3A_2245 = vector.broadcast %shift_right_logical3A_2244 : i32 to vector<128x128xi32>
    %shift_right_logical3A_2246 = arith.shrui %xor3A_2239, %shift_right_logical3A_2245 : vector<128x128xi32>
    %or3A_2247 = arith.ori %shift_left3A_2243, %shift_right_logical3A_2246 : vector<128x128xi32>
    %xor3A_2248 = arith.xori %or3A_2247, %add3A_2240 : vector<128x128xi32>
    %add3A_2249 = arith.addi %add3A_2240, %xor3A_2248 : vector<128x128xi32>
    %shift_left3A_2250 = arith.constant 26 : i32
    %shift_left3A_2251 = vector.broadcast %shift_left3A_2250 : i32 to vector<128x128xi32>
    %shift_left3A_2252 = arith.shli %xor3A_2248, %shift_left3A_2251 : vector<128x128xi32>
    %shift_right_logical3A_2253 = arith.constant 6 : i32
    %shift_right_logical3A_2254 = vector.broadcast %shift_right_logical3A_2253 : i32 to vector<128x128xi32>
    %shift_right_logical3A_2255 = arith.shrui %xor3A_2248, %shift_right_logical3A_2254 : vector<128x128xi32>
    %or3A_2256 = arith.ori %shift_left3A_2252, %shift_right_logical3A_2255 : vector<128x128xi32>
    %xor3A_2257 = arith.xori %or3A_2256, %add3A_2249 : vector<128x128xi32>
    %add3A_2258 = arith.addi %add3A_2249, %xor3A_2257 : vector<128x128xi32>
    %shift_left3A_2259 = arith.constant 6 : i32
    %shift_left3A_2260 = vector.broadcast %shift_left3A_2259 : i32 to vector<128x128xi32>
    %shift_left3A_2261 = arith.shli %xor3A_2257, %shift_left3A_2260 : vector<128x128xi32>
    %shift_right_logical3A_2262 = arith.constant 26 : i32
    %shift_right_logical3A_2263 = vector.broadcast %shift_right_logical3A_2262 : i32 to vector<128x128xi32>
    %shift_right_logical3A_2264 = arith.shrui %xor3A_2257, %shift_right_logical3A_2263 : vector<128x128xi32>
    %or3A_2265 = arith.ori %shift_left3A_2261, %shift_right_logical3A_2264 : vector<128x128xi32>
    %xor3A_2266 = arith.xori %or3A_2265, %add3A_2258 : vector<128x128xi32>
    %add3A_2267 = arith.constant 42 : i32
    %add3A_2268 = vector.broadcast %add3A_2267 : i32 to vector<128x128xi32>
    %add3A_2269 = arith.addi %add3A_2258, %add3A_2268 : vector<128x128xi32>
    %add3A_2270 = arith.constant 466689009 : i32
    %add3A_2271 = vector.broadcast %add3A_2270 : i32 to vector<128x128xi32>
    %add3A_2272 = arith.addi %xor3A_2266, %add3A_2271 : vector<128x128xi32>
    %add3A_2273 = arith.addi %add3A_2269, %add3A_2272 : vector<128x128xi32>
    %shift_left3A_2274 = arith.constant 17 : i32
    %shift_left3A_2275 = vector.broadcast %shift_left3A_2274 : i32 to vector<128x128xi32>
    %shift_left3A_2276 = arith.shli %add3A_2272, %shift_left3A_2275 : vector<128x128xi32>
    %shift_right_logical3A_2277 = arith.constant 15 : i32
    %shift_right_logical3A_2278 = vector.broadcast %shift_right_logical3A_2277 : i32 to vector<128x128xi32>
    %shift_right_logical3A_2279 = arith.shrui %add3A_2272, %shift_right_logical3A_2278 : vector<128x128xi32>
    %or3A_2280 = arith.ori %shift_left3A_2276, %shift_right_logical3A_2279 : vector<128x128xi32>
    %xor3A_2281 = arith.xori %or3A_2280, %add3A_2273 : vector<128x128xi32>
    %add3A_2282 = arith.addi %add3A_2273, %xor3A_2281 : vector<128x128xi32>
    %shift_left3A_2283 = arith.constant 29 : i32
    %shift_left3A_2284 = vector.broadcast %shift_left3A_2283 : i32 to vector<128x128xi32>
    %shift_left3A_2285 = arith.shli %xor3A_2281, %shift_left3A_2284 : vector<128x128xi32>
    %shift_right_logical3A_2286 = arith.constant 3 : i32
    %shift_right_logical3A_2287 = vector.broadcast %shift_right_logical3A_2286 : i32 to vector<128x128xi32>
    %shift_right_logical3A_2288 = arith.shrui %xor3A_2281, %shift_right_logical3A_2287 : vector<128x128xi32>
    %or3A_2289 = arith.ori %shift_left3A_2285, %shift_right_logical3A_2288 : vector<128x128xi32>
    %xor3A_2290 = arith.xori %or3A_2289, %add3A_2282 : vector<128x128xi32>
    %add3A_2291 = arith.addi %add3A_2282, %xor3A_2290 : vector<128x128xi32>
    %shift_left3A_2292 = arith.constant 16 : i32
    %shift_left3A_2293 = vector.broadcast %shift_left3A_2292 : i32 to vector<128x128xi32>
    %shift_left3A_2294 = arith.shli %xor3A_2290, %shift_left3A_2293 : vector<128x128xi32>
    %shift_right_logical3A_2295 = arith.constant 16 : i32
    %shift_right_logical3A_2296 = vector.broadcast %shift_right_logical3A_2295 : i32 to vector<128x128xi32>
    %shift_right_logical3A_2297 = arith.shrui %xor3A_2290, %shift_right_logical3A_2296 : vector<128x128xi32>
    %or3A_2298 = arith.ori %shift_left3A_2294, %shift_right_logical3A_2297 : vector<128x128xi32>
    %xor3A_2299 = arith.xori %or3A_2298, %add3A_2291 : vector<128x128xi32>
    %add3A_2300 = arith.addi %add3A_2291, %xor3A_2299 : vector<128x128xi32>
    %shift_left3A_2301 = arith.constant 24 : i32
    %shift_left3A_2302 = vector.broadcast %shift_left3A_2301 : i32 to vector<128x128xi32>
    %shift_left3A_2303 = arith.shli %xor3A_2299, %shift_left3A_2302 : vector<128x128xi32>
    %shift_right_logical3A_2304 = arith.constant 8 : i32
    %shift_right_logical3A_2305 = vector.broadcast %shift_right_logical3A_2304 : i32 to vector<128x128xi32>
    %shift_right_logical3A_2306 = arith.shrui %xor3A_2299, %shift_right_logical3A_2305 : vector<128x128xi32>
    %or3A_2307 = arith.ori %shift_left3A_2303, %shift_right_logical3A_2306 : vector<128x128xi32>
    %xor3A_2308 = arith.xori %or3A_2307, %add3A_2300 : vector<128x128xi32>
    %add3A_2309 = arith.constant 466689008 : i32
    %add3A_2310 = vector.broadcast %add3A_2309 : i32 to vector<128x128xi32>
    %add3A_2311 = arith.addi %add3A_2300, %add3A_2310 : vector<128x128xi32>
    %add3A_2312 = arith.constant 2 : i32
    %add3A_2313 = vector.broadcast %add3A_2312 : i32 to vector<128x128xi32>
    %add3A_2314 = arith.addi %xor3A_2308, %add3A_2313 : vector<128x128xi32>
    %add3A_2315 = arith.addi %add3A_2311, %add3A_2314 : vector<128x128xi32>
    %shift_left3A_2316 = arith.constant 13 : i32
    %shift_left3A_2317 = vector.broadcast %shift_left3A_2316 : i32 to vector<128x128xi32>
    %shift_left3A_2318 = arith.shli %add3A_2314, %shift_left3A_2317 : vector<128x128xi32>
    %shift_right_logical3A_2319 = arith.constant 19 : i32
    %shift_right_logical3A_2320 = vector.broadcast %shift_right_logical3A_2319 : i32 to vector<128x128xi32>
    %shift_right_logical3A_2321 = arith.shrui %add3A_2314, %shift_right_logical3A_2320 : vector<128x128xi32>
    %or3A_2322 = arith.ori %shift_left3A_2318, %shift_right_logical3A_2321 : vector<128x128xi32>
    %xor3A_2323 = arith.xori %or3A_2322, %add3A_2315 : vector<128x128xi32>
    %add3A_2324 = arith.addi %add3A_2315, %xor3A_2323 : vector<128x128xi32>
    %shift_left3A_2325 = arith.constant 15 : i32
    %shift_left3A_2326 = vector.broadcast %shift_left3A_2325 : i32 to vector<128x128xi32>
    %shift_left3A_2327 = arith.shli %xor3A_2323, %shift_left3A_2326 : vector<128x128xi32>
    %shift_right_logical3A_2328 = arith.constant 17 : i32
    %shift_right_logical3A_2329 = vector.broadcast %shift_right_logical3A_2328 : i32 to vector<128x128xi32>
    %shift_right_logical3A_2330 = arith.shrui %xor3A_2323, %shift_right_logical3A_2329 : vector<128x128xi32>
    %or3A_2331 = arith.ori %shift_left3A_2327, %shift_right_logical3A_2330 : vector<128x128xi32>
    %xor3A_2332 = arith.xori %or3A_2331, %add3A_2324 : vector<128x128xi32>
    %add3A_2333 = arith.addi %add3A_2324, %xor3A_2332 : vector<128x128xi32>
    %shift_left3A_2334 = arith.constant 26 : i32
    %shift_left3A_2335 = vector.broadcast %shift_left3A_2334 : i32 to vector<128x128xi32>
    %shift_left3A_2336 = arith.shli %xor3A_2332, %shift_left3A_2335 : vector<128x128xi32>
    %shift_right_logical3A_2337 = arith.constant 6 : i32
    %shift_right_logical3A_2338 = vector.broadcast %shift_right_logical3A_2337 : i32 to vector<128x128xi32>
    %shift_right_logical3A_2339 = arith.shrui %xor3A_2332, %shift_right_logical3A_2338 : vector<128x128xi32>
    %or3A_2340 = arith.ori %shift_left3A_2336, %shift_right_logical3A_2339 : vector<128x128xi32>
    %xor3A_2341 = arith.xori %or3A_2340, %add3A_2333 : vector<128x128xi32>
    %add3A_2342 = arith.addi %add3A_2333, %xor3A_2341 : vector<128x128xi32>
    %shift_left3A_2343 = arith.constant 6 : i32
    %shift_left3A_2344 = vector.broadcast %shift_left3A_2343 : i32 to vector<128x128xi32>
    %shift_left3A_2345 = arith.shli %xor3A_2341, %shift_left3A_2344 : vector<128x128xi32>
    %shift_right_logical3A_2346 = arith.constant 26 : i32
    %shift_right_logical3A_2347 = vector.broadcast %shift_right_logical3A_2346 : i32 to vector<128x128xi32>
    %shift_right_logical3A_2348 = arith.shrui %xor3A_2341, %shift_right_logical3A_2347 : vector<128x128xi32>
    %or3A_2349 = arith.ori %shift_left3A_2345, %shift_right_logical3A_2348 : vector<128x128xi32>
    %xor3A_2350 = arith.xori %or3A_2349, %add3A_2342 : vector<128x128xi32>
    %add3A_2351 = arith.constant 0 : i32
    %add3A_2352 = vector.broadcast %add3A_2351 : i32 to vector<128x128xi32>
    %add3A_2353 = arith.addi %add3A_2342, %add3A_2352 : vector<128x128xi32>
    %add3A_2354 = arith.constant 45 : i32
    %add3A_2355 = vector.broadcast %add3A_2354 : i32 to vector<128x128xi32>
    %add3A_2356 = arith.addi %xor3A_2350, %add3A_2355 : vector<128x128xi32>
    %add3A_2357 = arith.addi %add3A_2353, %add3A_2356 : vector<128x128xi32>
    %shift_left3A_2358 = arith.constant 17 : i32
    %shift_left3A_2359 = vector.broadcast %shift_left3A_2358 : i32 to vector<128x128xi32>
    %shift_left3A_2360 = arith.shli %add3A_2356, %shift_left3A_2359 : vector<128x128xi32>
    %shift_right_logical3A_2361 = arith.constant 15 : i32
    %shift_right_logical3A_2362 = vector.broadcast %shift_right_logical3A_2361 : i32 to vector<128x128xi32>
    %shift_right_logical3A_2363 = arith.shrui %add3A_2356, %shift_right_logical3A_2362 : vector<128x128xi32>
    %or3A_2364 = arith.ori %shift_left3A_2360, %shift_right_logical3A_2363 : vector<128x128xi32>
    %xor3A_2365 = arith.xori %or3A_2364, %add3A_2357 : vector<128x128xi32>
    %add3A_2366 = arith.addi %add3A_2357, %xor3A_2365 : vector<128x128xi32>
    %shift_left3A_2367 = arith.constant 29 : i32
    %shift_left3A_2368 = vector.broadcast %shift_left3A_2367 : i32 to vector<128x128xi32>
    %shift_left3A_2369 = arith.shli %xor3A_2365, %shift_left3A_2368 : vector<128x128xi32>
    %shift_right_logical3A_2370 = arith.constant 3 : i32
    %shift_right_logical3A_2371 = vector.broadcast %shift_right_logical3A_2370 : i32 to vector<128x128xi32>
    %shift_right_logical3A_2372 = arith.shrui %xor3A_2365, %shift_right_logical3A_2371 : vector<128x128xi32>
    %or3A_2373 = arith.ori %shift_left3A_2369, %shift_right_logical3A_2372 : vector<128x128xi32>
    %xor3A_2374 = arith.xori %or3A_2373, %add3A_2366 : vector<128x128xi32>
    %add3A_2375 = arith.addi %add3A_2366, %xor3A_2374 : vector<128x128xi32>
    %shift_left3A_2376 = arith.constant 16 : i32
    %shift_left3A_2377 = vector.broadcast %shift_left3A_2376 : i32 to vector<128x128xi32>
    %shift_left3A_2378 = arith.shli %xor3A_2374, %shift_left3A_2377 : vector<128x128xi32>
    %shift_right_logical3A_2379 = arith.constant 16 : i32
    %shift_right_logical3A_2380 = vector.broadcast %shift_right_logical3A_2379 : i32 to vector<128x128xi32>
    %shift_right_logical3A_2381 = arith.shrui %xor3A_2374, %shift_right_logical3A_2380 : vector<128x128xi32>
    %or3A_2382 = arith.ori %shift_left3A_2378, %shift_right_logical3A_2381 : vector<128x128xi32>
    %xor3A_2383 = arith.xori %or3A_2382, %add3A_2375 : vector<128x128xi32>
    %add3A_2384 = arith.addi %add3A_2375, %xor3A_2383 : vector<128x128xi32>
    %shift_left3A_2385 = arith.constant 24 : i32
    %shift_left3A_2386 = vector.broadcast %shift_left3A_2385 : i32 to vector<128x128xi32>
    %shift_left3A_2387 = arith.shli %xor3A_2383, %shift_left3A_2386 : vector<128x128xi32>
    %shift_right_logical3A_2388 = arith.constant 8 : i32
    %shift_right_logical3A_2389 = vector.broadcast %shift_right_logical3A_2388 : i32 to vector<128x128xi32>
    %shift_right_logical3A_2390 = arith.shrui %xor3A_2383, %shift_right_logical3A_2389 : vector<128x128xi32>
    %or3A_2391 = arith.ori %shift_left3A_2387, %shift_right_logical3A_2390 : vector<128x128xi32>
    %xor3A_2392 = arith.xori %or3A_2391, %add3A_2384 : vector<128x128xi32>
    %add3A_2393 = arith.constant 42 : i32
    %add3A_2394 = vector.broadcast %add3A_2393 : i32 to vector<128x128xi32>
    %add3A_2395 = arith.addi %add3A_2384, %add3A_2394 : vector<128x128xi32>
    %add3A_2396 = arith.constant 466689012 : i32
    %add3A_2397 = vector.broadcast %add3A_2396 : i32 to vector<128x128xi32>
    %add3A_2398 = arith.addi %xor3A_2392, %add3A_2397 : vector<128x128xi32>
    %add3A_2399 = arith.addi %add3A_2395, %add3A_2398 : vector<128x128xi32>
    %shift_left3A_2400 = arith.constant 13 : i32
    %shift_left3A_2401 = vector.broadcast %shift_left3A_2400 : i32 to vector<128x128xi32>
    %shift_left3A_2402 = arith.shli %add3A_2398, %shift_left3A_2401 : vector<128x128xi32>
    %shift_right_logical3A_2403 = arith.constant 19 : i32
    %shift_right_logical3A_2404 = vector.broadcast %shift_right_logical3A_2403 : i32 to vector<128x128xi32>
    %shift_right_logical3A_2405 = arith.shrui %add3A_2398, %shift_right_logical3A_2404 : vector<128x128xi32>
    %or3A_2406 = arith.ori %shift_left3A_2402, %shift_right_logical3A_2405 : vector<128x128xi32>
    %xor3A_2407 = arith.xori %or3A_2406, %add3A_2399 : vector<128x128xi32>
    %add3A_2408 = arith.addi %add3A_2399, %xor3A_2407 : vector<128x128xi32>
    %shift_left3A_2409 = arith.constant 15 : i32
    %shift_left3A_2410 = vector.broadcast %shift_left3A_2409 : i32 to vector<128x128xi32>
    %shift_left3A_2411 = arith.shli %xor3A_2407, %shift_left3A_2410 : vector<128x128xi32>
    %shift_right_logical3A_2412 = arith.constant 17 : i32
    %shift_right_logical3A_2413 = vector.broadcast %shift_right_logical3A_2412 : i32 to vector<128x128xi32>
    %shift_right_logical3A_2414 = arith.shrui %xor3A_2407, %shift_right_logical3A_2413 : vector<128x128xi32>
    %or3A_2415 = arith.ori %shift_left3A_2411, %shift_right_logical3A_2414 : vector<128x128xi32>
    %xor3A_2416 = arith.xori %or3A_2415, %add3A_2408 : vector<128x128xi32>
    %add3A_2417 = arith.addi %add3A_2408, %xor3A_2416 : vector<128x128xi32>
    %shift_left3A_2418 = arith.constant 26 : i32
    %shift_left3A_2419 = vector.broadcast %shift_left3A_2418 : i32 to vector<128x128xi32>
    %shift_left3A_2420 = arith.shli %xor3A_2416, %shift_left3A_2419 : vector<128x128xi32>
    %shift_right_logical3A_2421 = arith.constant 6 : i32
    %shift_right_logical3A_2422 = vector.broadcast %shift_right_logical3A_2421 : i32 to vector<128x128xi32>
    %shift_right_logical3A_2423 = arith.shrui %xor3A_2416, %shift_right_logical3A_2422 : vector<128x128xi32>
    %or3A_2424 = arith.ori %shift_left3A_2420, %shift_right_logical3A_2423 : vector<128x128xi32>
    %xor3A_2425 = arith.xori %or3A_2424, %add3A_2417 : vector<128x128xi32>
    %add3A_2426 = arith.addi %add3A_2417, %xor3A_2425 : vector<128x128xi32>
    %shift_left3A_2427 = arith.constant 6 : i32
    %shift_left3A_2428 = vector.broadcast %shift_left3A_2427 : i32 to vector<128x128xi32>
    %shift_left3A_2429 = arith.shli %xor3A_2425, %shift_left3A_2428 : vector<128x128xi32>
    %shift_right_logical3A_2430 = arith.constant 26 : i32
    %shift_right_logical3A_2431 = vector.broadcast %shift_right_logical3A_2430 : i32 to vector<128x128xi32>
    %shift_right_logical3A_2432 = arith.shrui %xor3A_2425, %shift_right_logical3A_2431 : vector<128x128xi32>
    %or3A_2433 = arith.ori %shift_left3A_2429, %shift_right_logical3A_2432 : vector<128x128xi32>
    %xor3A_2434 = arith.xori %or3A_2433, %add3A_2426 : vector<128x128xi32>
    %add3A_2435 = arith.constant 466689008 : i32
    %add3A_2436 = vector.broadcast %add3A_2435 : i32 to vector<128x128xi32>
    %add3A_2437 = arith.addi %add3A_2426, %add3A_2436 : vector<128x128xi32>
    %add3A_2438 = arith.constant 5 : i32
    %add3A_2439 = vector.broadcast %add3A_2438 : i32 to vector<128x128xi32>
    %add3A_2440 = arith.addi %xor3A_2434, %add3A_2439 : vector<128x128xi32>
    %xor3A_2441 = arith.xori %add3A_2437, %add3A_2440 : vector<128x128xi32>
    %shift_right_logical3A_2442 = arith.constant 9 : i32
    %shift_right_logical3A_2443 = vector.broadcast %shift_right_logical3A_2442 : i32 to vector<128x128xi32>
    %shift_right_logical3A_2444 = arith.shrui %xor3A_2441, %shift_right_logical3A_2443 : vector<128x128xi32>
    %or3A_2445 = arith.constant 1065353216 : i32
    %or3A_2446 = vector.broadcast %or3A_2445 : i32 to vector<128x128xi32>
    %or3A_2447 = arith.ori %shift_right_logical3A_2444, %or3A_2446 : vector<128x128xi32>
    %bitcast_convert_type3A_2448 = tpu.bitcast %or3A_2447 : vector<128x128xi32> -> vector<128x128xf32>
    %sub3A_2449 = arith.constant 1.000000e+00 : f32
    %sub3A_2450 = vector.broadcast %sub3A_2449 : f32 to vector<128x128xf32>
    %sub3A_2451 = arith.subf %bitcast_convert_type3A_2448, %sub3A_2450 : vector<128x128xf32>
    %max3A_2452 = arith.constant 1.17549435E-38 : f32
    %max3A_2453 = vector.broadcast %max3A_2452 : f32 to vector<128x128xf32>
    %max3A_2454 = arith.maximumf %max3A_2453, %sub3A_2451 : vector<128x128xf32>
    %log3A_2455 = math.log %max3A_2454 : vector<128x128xf32>
    %neg3A_2456 = arith.constant 0.000000e+00 : f32
    %neg3A_2457 = vector.broadcast %neg3A_2456 : f32 to vector<128x128xf32>
    %neg3A_2458 = arith.subf %neg3A_2457, %log3A_2455 : vector<128x128xf32>
    %log3A_2459 = math.log %neg3A_2458 : vector<128x128xf32>
    %neg3A_2460 = arith.constant 0.000000e+00 : f32
    %neg3A_2461 = vector.broadcast %neg3A_2460 : f32 to vector<128x128xf32>
    %neg3A_2462 = arith.subf %neg3A_2461, %log3A_2459 : vector<128x128xf32>
    %add3A_2463 = arith.addf %concatenate3A, %neg3A_2462 : vector<128x128xf32>
    %reduce_max3A_2464 = arith.constant dense<0xFF800000> : vector<128xf32>
    %reduce_max3A_2465 = vector.multi_reduction <maximumf>, %add3A_2463, %reduce_max3A_2464 [0] : vector<128x128xf32> to vector<128xf32>
    %broadcast_in_dim3A_2466 = vector.shape_cast %reduce_max3A_2465 : vector<128xf32> to vector<1x128xf32>
    %squeeze3A_2467 = vector.shape_cast %broadcast_in_dim3A_2466 : vector<1x128xf32> to vector<128xf32>
    %broadcast_in_dim3A_2468 = vector.shape_cast %squeeze3A_2467 : vector<128xf32> to vector<1x128xf32>
    %eq3A_2469 = vector.broadcast %broadcast_in_dim3A_2468 : vector<1x128xf32> to vector<128x128xf32>
    %eq3A_2470 = arith.cmpf oeq, %add3A_2463, %eq3A_2469 : vector<128x128xf32>
    %jit3A_2471 = arith.constant 1073741824 : i32
    %broadcast_in_dim3A_2472 = vector.broadcast %jit3A_2471 : i32 to vector<128x128xi32>
    %select_n3A_2473 = arith.select %eq3A_2470, %add3A_24, %broadcast_in_dim3A_2472 : vector<128x128xi1>, vector<128x128xi32>
    %reduce_min3A_2474 = arith.constant dense<2147483647> : vector<128xi32>
    %reduce_min3A_2475 = vector.multi_reduction <minsi>, %select_n3A_2473, %reduce_min3A_2474 [0] : vector<128x128xi32> to vector<128xi32>
    %broadcast_in_dim3A_2476 = vector.shape_cast %reduce_min3A_2475 : vector<128xi32> to vector<1x128xi32>
    %squeeze3A_2477 = vector.shape_cast %broadcast_in_dim3A_2476 : vector<1x128xi32> to vector<128xi32>
    %get3A_2478 = arith.constant 8 : index
    %get3A_2479 = arith.constant 0 : index
    %get3A_2480 = vector.load %arg5[%get3A_2478, %get3A_2479] : memref<16x128xf32, #tpu.memory_space<vmem>>, vector<1x128xf32>
    %get3A_2481 = vector.shape_cast %get3A_2480 : vector<1x128xf32> to vector<128xf32>
    %get3A_2482 = arith.constant 8 : index
    %get3A_2483 = arith.constant 0 : index
    %get3A_2484 = vector.load %arg6[%get3A_2482, %get3A_2483] : memref<16x128xi32, #tpu.memory_space<vmem>>, vector<1x128xi32>
    %get3A_2485 = vector.shape_cast %get3A_2484 : vector<1x128xi32> to vector<128xi32>
    %gt3A_2486 = arith.cmpf ogt, %squeeze3A_2467, %get3A_2481 : vector<128xf32>
    %or3A_2487 = vector.broadcast %eq3A_36 : i1 to vector<128xi1>
    %or3A_2488 = arith.ori %or3A_2487, %gt3A_2486 : vector<128xi1>
    %select_n3A_2489 = arith.select %or3A_2488, %squeeze3A_2467, %get3A_2481 : vector<128xi1>, vector<128xf32>
    %swap3A_2490 = arith.constant 8 : index
    %swap3A_2491 = arith.constant 0 : index
    %swap3A_2492 = vector.load %arg5[%swap3A_2490, %swap3A_2491] : memref<16x128xf32, #tpu.memory_space<vmem>>, vector<1x128xf32>
    %swap3A_2493 = vector.shape_cast %swap3A_2492 : vector<1x128xf32> to vector<128xf32>
    %swap3A_2494 = vector.shape_cast %select_n3A_2489 : vector<128xf32> to vector<1x128xf32>
    tpu.vector_store %arg5[%swap3A_2490, %swap3A_2491], %swap3A_2494 {strides = array<i32>} : memref<16x128xf32, #tpu.memory_space<vmem>>, vector<1x128xf32>,
    %select_n3A_2495 = arith.select %or3A_2488, %squeeze3A_2477, %get3A_2485 : vector<128xi1>, vector<128xi32>
    %swap3A_2496 = arith.constant 8 : index
    %swap3A_2497 = arith.constant 0 : index
    %swap3A_2498 = vector.load %arg6[%swap3A_2496, %swap3A_2497] : memref<16x128xi32, #tpu.memory_space<vmem>>, vector<1x128xi32>
    %swap3A_2499 = vector.shape_cast %swap3A_2498 : vector<1x128xi32> to vector<128xi32>
    %swap3A_2500 = vector.shape_cast %select_n3A_2495 : vector<128xi32> to vector<1x128xi32>
    tpu.vector_store %arg6[%swap3A_2496, %swap3A_2497], %swap3A_2500 {strides = array<i32>} : memref<16x128xi32, #tpu.memory_space<vmem>>, vector<1x128xi32>,
    %add3A_2501 = arith.constant 37748736 : i32
    %add3A_2502 = vector.broadcast %add3A_2501 : i32 to vector<128x128xi32>
    %add3A_2503 = arith.addi %add3A_35, %add3A_2502 : vector<128x128xi32>
    %add3A_2504 = arith.constant 42 : i32
    %add3A_2505 = vector.broadcast %add3A_2504 : i32 to vector<128x128xi32>
    %add3A_2506 = arith.addi %add3A_2503, %add3A_2505 : vector<128x128xi32>
    %shift_left3A_2507 = arith.constant 13 : i32
    %shift_left3A_2508 = vector.broadcast %shift_left3A_2507 : i32 to vector<128x128xi32>
    %shift_left3A_2509 = arith.shli %add3A_2506, %shift_left3A_2508 : vector<128x128xi32>
    %shift_right_logical3A_2510 = arith.constant 19 : i32
    %shift_right_logical3A_2511 = vector.broadcast %shift_right_logical3A_2510 : i32 to vector<128x128xi32>
    %shift_right_logical3A_2512 = arith.shrui %add3A_2506, %shift_right_logical3A_2511 : vector<128x128xi32>
    %or3A_2513 = arith.ori %shift_left3A_2509, %shift_right_logical3A_2512 : vector<128x128xi32>
    %xor3A_2514 = arith.xori %or3A_2513, %add3A_2506 : vector<128x128xi32>
    %add3A_2515 = arith.addi %add3A_2506, %xor3A_2514 : vector<128x128xi32>
    %shift_left3A_2516 = arith.constant 15 : i32
    %shift_left3A_2517 = vector.broadcast %shift_left3A_2516 : i32 to vector<128x128xi32>
    %shift_left3A_2518 = arith.shli %xor3A_2514, %shift_left3A_2517 : vector<128x128xi32>
    %shift_right_logical3A_2519 = arith.constant 17 : i32
    %shift_right_logical3A_2520 = vector.broadcast %shift_right_logical3A_2519 : i32 to vector<128x128xi32>
    %shift_right_logical3A_2521 = arith.shrui %xor3A_2514, %shift_right_logical3A_2520 : vector<128x128xi32>
    %or3A_2522 = arith.ori %shift_left3A_2518, %shift_right_logical3A_2521 : vector<128x128xi32>
    %xor3A_2523 = arith.xori %or3A_2522, %add3A_2515 : vector<128x128xi32>
    %add3A_2524 = arith.addi %add3A_2515, %xor3A_2523 : vector<128x128xi32>
    %shift_left3A_2525 = arith.constant 26 : i32
    %shift_left3A_2526 = vector.broadcast %shift_left3A_2525 : i32 to vector<128x128xi32>
    %shift_left3A_2527 = arith.shli %xor3A_2523, %shift_left3A_2526 : vector<128x128xi32>
    %shift_right_logical3A_2528 = arith.constant 6 : i32
    %shift_right_logical3A_2529 = vector.broadcast %shift_right_logical3A_2528 : i32 to vector<128x128xi32>
    %shift_right_logical3A_2530 = arith.shrui %xor3A_2523, %shift_right_logical3A_2529 : vector<128x128xi32>
    %or3A_2531 = arith.ori %shift_left3A_2527, %shift_right_logical3A_2530 : vector<128x128xi32>
    %xor3A_2532 = arith.xori %or3A_2531, %add3A_2524 : vector<128x128xi32>
    %add3A_2533 = arith.addi %add3A_2524, %xor3A_2532 : vector<128x128xi32>
    %shift_left3A_2534 = arith.constant 6 : i32
    %shift_left3A_2535 = vector.broadcast %shift_left3A_2534 : i32 to vector<128x128xi32>
    %shift_left3A_2536 = arith.shli %xor3A_2532, %shift_left3A_2535 : vector<128x128xi32>
    %shift_right_logical3A_2537 = arith.constant 26 : i32
    %shift_right_logical3A_2538 = vector.broadcast %shift_right_logical3A_2537 : i32 to vector<128x128xi32>
    %shift_right_logical3A_2539 = arith.shrui %xor3A_2532, %shift_right_logical3A_2538 : vector<128x128xi32>
    %or3A_2540 = arith.ori %shift_left3A_2536, %shift_right_logical3A_2539 : vector<128x128xi32>
    %xor3A_2541 = arith.xori %or3A_2540, %add3A_2533 : vector<128x128xi32>
    %add3A_2542 = arith.constant 42 : i32
    %add3A_2543 = vector.broadcast %add3A_2542 : i32 to vector<128x128xi32>
    %add3A_2544 = arith.addi %add3A_2533, %add3A_2543 : vector<128x128xi32>
    %add3A_2545 = arith.constant 466689009 : i32
    %add3A_2546 = vector.broadcast %add3A_2545 : i32 to vector<128x128xi32>
    %add3A_2547 = arith.addi %xor3A_2541, %add3A_2546 : vector<128x128xi32>
    %add3A_2548 = arith.addi %add3A_2544, %add3A_2547 : vector<128x128xi32>
    %shift_left3A_2549 = arith.constant 17 : i32
    %shift_left3A_2550 = vector.broadcast %shift_left3A_2549 : i32 to vector<128x128xi32>
    %shift_left3A_2551 = arith.shli %add3A_2547, %shift_left3A_2550 : vector<128x128xi32>
    %shift_right_logical3A_2552 = arith.constant 15 : i32
    %shift_right_logical3A_2553 = vector.broadcast %shift_right_logical3A_2552 : i32 to vector<128x128xi32>
    %shift_right_logical3A_2554 = arith.shrui %add3A_2547, %shift_right_logical3A_2553 : vector<128x128xi32>
    %or3A_2555 = arith.ori %shift_left3A_2551, %shift_right_logical3A_2554 : vector<128x128xi32>
    %xor3A_2556 = arith.xori %or3A_2555, %add3A_2548 : vector<128x128xi32>
    %add3A_2557 = arith.addi %add3A_2548, %xor3A_2556 : vector<128x128xi32>
    %shift_left3A_2558 = arith.constant 29 : i32
    %shift_left3A_2559 = vector.broadcast %shift_left3A_2558 : i32 to vector<128x128xi32>
    %shift_left3A_2560 = arith.shli %xor3A_2556, %shift_left3A_2559 : vector<128x128xi32>
    %shift_right_logical3A_2561 = arith.constant 3 : i32
    %shift_right_logical3A_2562 = vector.broadcast %shift_right_logical3A_2561 : i32 to vector<128x128xi32>
    %shift_right_logical3A_2563 = arith.shrui %xor3A_2556, %shift_right_logical3A_2562 : vector<128x128xi32>
    %or3A_2564 = arith.ori %shift_left3A_2560, %shift_right_logical3A_2563 : vector<128x128xi32>
    %xor3A_2565 = arith.xori %or3A_2564, %add3A_2557 : vector<128x128xi32>
    %add3A_2566 = arith.addi %add3A_2557, %xor3A_2565 : vector<128x128xi32>
    %shift_left3A_2567 = arith.constant 16 : i32
    %shift_left3A_2568 = vector.broadcast %shift_left3A_2567 : i32 to vector<128x128xi32>
    %shift_left3A_2569 = arith.shli %xor3A_2565, %shift_left3A_2568 : vector<128x128xi32>
    %shift_right_logical3A_2570 = arith.constant 16 : i32
    %shift_right_logical3A_2571 = vector.broadcast %shift_right_logical3A_2570 : i32 to vector<128x128xi32>
    %shift_right_logical3A_2572 = arith.shrui %xor3A_2565, %shift_right_logical3A_2571 : vector<128x128xi32>
    %or3A_2573 = arith.ori %shift_left3A_2569, %shift_right_logical3A_2572 : vector<128x128xi32>
    %xor3A_2574 = arith.xori %or3A_2573, %add3A_2566 : vector<128x128xi32>
    %add3A_2575 = arith.addi %add3A_2566, %xor3A_2574 : vector<128x128xi32>
    %shift_left3A_2576 = arith.constant 24 : i32
    %shift_left3A_2577 = vector.broadcast %shift_left3A_2576 : i32 to vector<128x128xi32>
    %shift_left3A_2578 = arith.shli %xor3A_2574, %shift_left3A_2577 : vector<128x128xi32>
    %shift_right_logical3A_2579 = arith.constant 8 : i32
    %shift_right_logical3A_2580 = vector.broadcast %shift_right_logical3A_2579 : i32 to vector<128x128xi32>
    %shift_right_logical3A_2581 = arith.shrui %xor3A_2574, %shift_right_logical3A_2580 : vector<128x128xi32>
    %or3A_2582 = arith.ori %shift_left3A_2578, %shift_right_logical3A_2581 : vector<128x128xi32>
    %xor3A_2583 = arith.xori %or3A_2582, %add3A_2575 : vector<128x128xi32>
    %add3A_2584 = arith.constant 466689008 : i32
    %add3A_2585 = vector.broadcast %add3A_2584 : i32 to vector<128x128xi32>
    %add3A_2586 = arith.addi %add3A_2575, %add3A_2585 : vector<128x128xi32>
    %add3A_2587 = arith.constant 2 : i32
    %add3A_2588 = vector.broadcast %add3A_2587 : i32 to vector<128x128xi32>
    %add3A_2589 = arith.addi %xor3A_2583, %add3A_2588 : vector<128x128xi32>
    %add3A_2590 = arith.addi %add3A_2586, %add3A_2589 : vector<128x128xi32>
    %shift_left3A_2591 = arith.constant 13 : i32
    %shift_left3A_2592 = vector.broadcast %shift_left3A_2591 : i32 to vector<128x128xi32>
    %shift_left3A_2593 = arith.shli %add3A_2589, %shift_left3A_2592 : vector<128x128xi32>
    %shift_right_logical3A_2594 = arith.constant 19 : i32
    %shift_right_logical3A_2595 = vector.broadcast %shift_right_logical3A_2594 : i32 to vector<128x128xi32>
    %shift_right_logical3A_2596 = arith.shrui %add3A_2589, %shift_right_logical3A_2595 : vector<128x128xi32>
    %or3A_2597 = arith.ori %shift_left3A_2593, %shift_right_logical3A_2596 : vector<128x128xi32>
    %xor3A_2598 = arith.xori %or3A_2597, %add3A_2590 : vector<128x128xi32>
    %add3A_2599 = arith.addi %add3A_2590, %xor3A_2598 : vector<128x128xi32>
    %shift_left3A_2600 = arith.constant 15 : i32
    %shift_left3A_2601 = vector.broadcast %shift_left3A_2600 : i32 to vector<128x128xi32>
    %shift_left3A_2602 = arith.shli %xor3A_2598, %shift_left3A_2601 : vector<128x128xi32>
    %shift_right_logical3A_2603 = arith.constant 17 : i32
    %shift_right_logical3A_2604 = vector.broadcast %shift_right_logical3A_2603 : i32 to vector<128x128xi32>
    %shift_right_logical3A_2605 = arith.shrui %xor3A_2598, %shift_right_logical3A_2604 : vector<128x128xi32>
    %or3A_2606 = arith.ori %shift_left3A_2602, %shift_right_logical3A_2605 : vector<128x128xi32>
    %xor3A_2607 = arith.xori %or3A_2606, %add3A_2599 : vector<128x128xi32>
    %add3A_2608 = arith.addi %add3A_2599, %xor3A_2607 : vector<128x128xi32>
    %shift_left3A_2609 = arith.constant 26 : i32
    %shift_left3A_2610 = vector.broadcast %shift_left3A_2609 : i32 to vector<128x128xi32>
    %shift_left3A_2611 = arith.shli %xor3A_2607, %shift_left3A_2610 : vector<128x128xi32>
    %shift_right_logical3A_2612 = arith.constant 6 : i32
    %shift_right_logical3A_2613 = vector.broadcast %shift_right_logical3A_2612 : i32 to vector<128x128xi32>
    %shift_right_logical3A_2614 = arith.shrui %xor3A_2607, %shift_right_logical3A_2613 : vector<128x128xi32>
    %or3A_2615 = arith.ori %shift_left3A_2611, %shift_right_logical3A_2614 : vector<128x128xi32>
    %xor3A_2616 = arith.xori %or3A_2615, %add3A_2608 : vector<128x128xi32>
    %add3A_2617 = arith.addi %add3A_2608, %xor3A_2616 : vector<128x128xi32>
    %shift_left3A_2618 = arith.constant 6 : i32
    %shift_left3A_2619 = vector.broadcast %shift_left3A_2618 : i32 to vector<128x128xi32>
    %shift_left3A_2620 = arith.shli %xor3A_2616, %shift_left3A_2619 : vector<128x128xi32>
    %shift_right_logical3A_2621 = arith.constant 26 : i32
    %shift_right_logical3A_2622 = vector.broadcast %shift_right_logical3A_2621 : i32 to vector<128x128xi32>
    %shift_right_logical3A_2623 = arith.shrui %xor3A_2616, %shift_right_logical3A_2622 : vector<128x128xi32>
    %or3A_2624 = arith.ori %shift_left3A_2620, %shift_right_logical3A_2623 : vector<128x128xi32>
    %xor3A_2625 = arith.xori %or3A_2624, %add3A_2617 : vector<128x128xi32>
    %add3A_2626 = arith.constant 0 : i32
    %add3A_2627 = vector.broadcast %add3A_2626 : i32 to vector<128x128xi32>
    %add3A_2628 = arith.addi %add3A_2617, %add3A_2627 : vector<128x128xi32>
    %add3A_2629 = arith.constant 45 : i32
    %add3A_2630 = vector.broadcast %add3A_2629 : i32 to vector<128x128xi32>
    %add3A_2631 = arith.addi %xor3A_2625, %add3A_2630 : vector<128x128xi32>
    %add3A_2632 = arith.addi %add3A_2628, %add3A_2631 : vector<128x128xi32>
    %shift_left3A_2633 = arith.constant 17 : i32
    %shift_left3A_2634 = vector.broadcast %shift_left3A_2633 : i32 to vector<128x128xi32>
    %shift_left3A_2635 = arith.shli %add3A_2631, %shift_left3A_2634 : vector<128x128xi32>
    %shift_right_logical3A_2636 = arith.constant 15 : i32
    %shift_right_logical3A_2637 = vector.broadcast %shift_right_logical3A_2636 : i32 to vector<128x128xi32>
    %shift_right_logical3A_2638 = arith.shrui %add3A_2631, %shift_right_logical3A_2637 : vector<128x128xi32>
    %or3A_2639 = arith.ori %shift_left3A_2635, %shift_right_logical3A_2638 : vector<128x128xi32>
    %xor3A_2640 = arith.xori %or3A_2639, %add3A_2632 : vector<128x128xi32>
    %add3A_2641 = arith.addi %add3A_2632, %xor3A_2640 : vector<128x128xi32>
    %shift_left3A_2642 = arith.constant 29 : i32
    %shift_left3A_2643 = vector.broadcast %shift_left3A_2642 : i32 to vector<128x128xi32>
    %shift_left3A_2644 = arith.shli %xor3A_2640, %shift_left3A_2643 : vector<128x128xi32>
    %shift_right_logical3A_2645 = arith.constant 3 : i32
    %shift_right_logical3A_2646 = vector.broadcast %shift_right_logical3A_2645 : i32 to vector<128x128xi32>
    %shift_right_logical3A_2647 = arith.shrui %xor3A_2640, %shift_right_logical3A_2646 : vector<128x128xi32>
    %or3A_2648 = arith.ori %shift_left3A_2644, %shift_right_logical3A_2647 : vector<128x128xi32>
    %xor3A_2649 = arith.xori %or3A_2648, %add3A_2641 : vector<128x128xi32>
    %add3A_2650 = arith.addi %add3A_2641, %xor3A_2649 : vector<128x128xi32>
    %shift_left3A_2651 = arith.constant 16 : i32
    %shift_left3A_2652 = vector.broadcast %shift_left3A_2651 : i32 to vector<128x128xi32>
    %shift_left3A_2653 = arith.shli %xor3A_2649, %shift_left3A_2652 : vector<128x128xi32>
    %shift_right_logical3A_2654 = arith.constant 16 : i32
    %shift_right_logical3A_2655 = vector.broadcast %shift_right_logical3A_2654 : i32 to vector<128x128xi32>
    %shift_right_logical3A_2656 = arith.shrui %xor3A_2649, %shift_right_logical3A_2655 : vector<128x128xi32>
    %or3A_2657 = arith.ori %shift_left3A_2653, %shift_right_logical3A_2656 : vector<128x128xi32>
    %xor3A_2658 = arith.xori %or3A_2657, %add3A_2650 : vector<128x128xi32>
    %add3A_2659 = arith.addi %add3A_2650, %xor3A_2658 : vector<128x128xi32>
    %shift_left3A_2660 = arith.constant 24 : i32
    %shift_left3A_2661 = vector.broadcast %shift_left3A_2660 : i32 to vector<128x128xi32>
    %shift_left3A_2662 = arith.shli %xor3A_2658, %shift_left3A_2661 : vector<128x128xi32>
    %shift_right_logical3A_2663 = arith.constant 8 : i32
    %shift_right_logical3A_2664 = vector.broadcast %shift_right_logical3A_2663 : i32 to vector<128x128xi32>
    %shift_right_logical3A_2665 = arith.shrui %xor3A_2658, %shift_right_logical3A_2664 : vector<128x128xi32>
    %or3A_2666 = arith.ori %shift_left3A_2662, %shift_right_logical3A_2665 : vector<128x128xi32>
    %xor3A_2667 = arith.xori %or3A_2666, %add3A_2659 : vector<128x128xi32>
    %add3A_2668 = arith.constant 42 : i32
    %add3A_2669 = vector.broadcast %add3A_2668 : i32 to vector<128x128xi32>
    %add3A_2670 = arith.addi %add3A_2659, %add3A_2669 : vector<128x128xi32>
    %add3A_2671 = arith.constant 466689012 : i32
    %add3A_2672 = vector.broadcast %add3A_2671 : i32 to vector<128x128xi32>
    %add3A_2673 = arith.addi %xor3A_2667, %add3A_2672 : vector<128x128xi32>
    %add3A_2674 = arith.addi %add3A_2670, %add3A_2673 : vector<128x128xi32>
    %shift_left3A_2675 = arith.constant 13 : i32
    %shift_left3A_2676 = vector.broadcast %shift_left3A_2675 : i32 to vector<128x128xi32>
    %shift_left3A_2677 = arith.shli %add3A_2673, %shift_left3A_2676 : vector<128x128xi32>
    %shift_right_logical3A_2678 = arith.constant 19 : i32
    %shift_right_logical3A_2679 = vector.broadcast %shift_right_logical3A_2678 : i32 to vector<128x128xi32>
    %shift_right_logical3A_2680 = arith.shrui %add3A_2673, %shift_right_logical3A_2679 : vector<128x128xi32>
    %or3A_2681 = arith.ori %shift_left3A_2677, %shift_right_logical3A_2680 : vector<128x128xi32>
    %xor3A_2682 = arith.xori %or3A_2681, %add3A_2674 : vector<128x128xi32>
    %add3A_2683 = arith.addi %add3A_2674, %xor3A_2682 : vector<128x128xi32>
    %shift_left3A_2684 = arith.constant 15 : i32
    %shift_left3A_2685 = vector.broadcast %shift_left3A_2684 : i32 to vector<128x128xi32>
    %shift_left3A_2686 = arith.shli %xor3A_2682, %shift_left3A_2685 : vector<128x128xi32>
    %shift_right_logical3A_2687 = arith.constant 17 : i32
    %shift_right_logical3A_2688 = vector.broadcast %shift_right_logical3A_2687 : i32 to vector<128x128xi32>
    %shift_right_logical3A_2689 = arith.shrui %xor3A_2682, %shift_right_logical3A_2688 : vector<128x128xi32>
    %or3A_2690 = arith.ori %shift_left3A_2686, %shift_right_logical3A_2689 : vector<128x128xi32>
    %xor3A_2691 = arith.xori %or3A_2690, %add3A_2683 : vector<128x128xi32>
    %add3A_2692 = arith.addi %add3A_2683, %xor3A_2691 : vector<128x128xi32>
    %shift_left3A_2693 = arith.constant 26 : i32
    %shift_left3A_2694 = vector.broadcast %shift_left3A_2693 : i32 to vector<128x128xi32>
    %shift_left3A_2695 = arith.shli %xor3A_2691, %shift_left3A_2694 : vector<128x128xi32>
    %shift_right_logical3A_2696 = arith.constant 6 : i32
    %shift_right_logical3A_2697 = vector.broadcast %shift_right_logical3A_2696 : i32 to vector<128x128xi32>
    %shift_right_logical3A_2698 = arith.shrui %xor3A_2691, %shift_right_logical3A_2697 : vector<128x128xi32>
    %or3A_2699 = arith.ori %shift_left3A_2695, %shift_right_logical3A_2698 : vector<128x128xi32>
    %xor3A_2700 = arith.xori %or3A_2699, %add3A_2692 : vector<128x128xi32>
    %add3A_2701 = arith.addi %add3A_2692, %xor3A_2700 : vector<128x128xi32>
    %shift_left3A_2702 = arith.constant 6 : i32
    %shift_left3A_2703 = vector.broadcast %shift_left3A_2702 : i32 to vector<128x128xi32>
    %shift_left3A_2704 = arith.shli %xor3A_2700, %shift_left3A_2703 : vector<128x128xi32>
    %shift_right_logical3A_2705 = arith.constant 26 : i32
    %shift_right_logical3A_2706 = vector.broadcast %shift_right_logical3A_2705 : i32 to vector<128x128xi32>
    %shift_right_logical3A_2707 = arith.shrui %xor3A_2700, %shift_right_logical3A_2706 : vector<128x128xi32>
    %or3A_2708 = arith.ori %shift_left3A_2704, %shift_right_logical3A_2707 : vector<128x128xi32>
    %xor3A_2709 = arith.xori %or3A_2708, %add3A_2701 : vector<128x128xi32>
    %add3A_2710 = arith.constant 466689008 : i32
    %add3A_2711 = vector.broadcast %add3A_2710 : i32 to vector<128x128xi32>
    %add3A_2712 = arith.addi %add3A_2701, %add3A_2711 : vector<128x128xi32>
    %add3A_2713 = arith.constant 5 : i32
    %add3A_2714 = vector.broadcast %add3A_2713 : i32 to vector<128x128xi32>
    %add3A_2715 = arith.addi %xor3A_2709, %add3A_2714 : vector<128x128xi32>
    %xor3A_2716 = arith.xori %add3A_2712, %add3A_2715 : vector<128x128xi32>
    %shift_right_logical3A_2717 = arith.constant 9 : i32
    %shift_right_logical3A_2718 = vector.broadcast %shift_right_logical3A_2717 : i32 to vector<128x128xi32>
    %shift_right_logical3A_2719 = arith.shrui %xor3A_2716, %shift_right_logical3A_2718 : vector<128x128xi32>
    %or3A_2720 = arith.constant 1065353216 : i32
    %or3A_2721 = vector.broadcast %or3A_2720 : i32 to vector<128x128xi32>
    %or3A_2722 = arith.ori %shift_right_logical3A_2719, %or3A_2721 : vector<128x128xi32>
    %bitcast_convert_type3A_2723 = tpu.bitcast %or3A_2722 : vector<128x128xi32> -> vector<128x128xf32>
    %sub3A_2724 = arith.constant 1.000000e+00 : f32
    %sub3A_2725 = vector.broadcast %sub3A_2724 : f32 to vector<128x128xf32>
    %sub3A_2726 = arith.subf %bitcast_convert_type3A_2723, %sub3A_2725 : vector<128x128xf32>
    %max3A_2727 = arith.constant 1.17549435E-38 : f32
    %max3A_2728 = vector.broadcast %max3A_2727 : f32 to vector<128x128xf32>
    %max3A_2729 = arith.maximumf %max3A_2728, %sub3A_2726 : vector<128x128xf32>
    %log3A_2730 = math.log %max3A_2729 : vector<128x128xf32>
    %neg3A_2731 = arith.constant 0.000000e+00 : f32
    %neg3A_2732 = vector.broadcast %neg3A_2731 : f32 to vector<128x128xf32>
    %neg3A_2733 = arith.subf %neg3A_2732, %log3A_2730 : vector<128x128xf32>
    %log3A_2734 = math.log %neg3A_2733 : vector<128x128xf32>
    %neg3A_2735 = arith.constant 0.000000e+00 : f32
    %neg3A_2736 = vector.broadcast %neg3A_2735 : f32 to vector<128x128xf32>
    %neg3A_2737 = arith.subf %neg3A_2736, %log3A_2734 : vector<128x128xf32>
    %add3A_2738 = arith.addf %concatenate3A, %neg3A_2737 : vector<128x128xf32>
    %reduce_max3A_2739 = arith.constant dense<0xFF800000> : vector<128xf32>
    %reduce_max3A_2740 = vector.multi_reduction <maximumf>, %add3A_2738, %reduce_max3A_2739 [0] : vector<128x128xf32> to vector<128xf32>
    %broadcast_in_dim3A_2741 = vector.shape_cast %reduce_max3A_2740 : vector<128xf32> to vector<1x128xf32>
    %squeeze3A_2742 = vector.shape_cast %broadcast_in_dim3A_2741 : vector<1x128xf32> to vector<128xf32>
    %broadcast_in_dim3A_2743 = vector.shape_cast %squeeze3A_2742 : vector<128xf32> to vector<1x128xf32>
    %eq3A_2744 = vector.broadcast %broadcast_in_dim3A_2743 : vector<1x128xf32> to vector<128x128xf32>
    %eq3A_2745 = arith.cmpf oeq, %add3A_2738, %eq3A_2744 : vector<128x128xf32>
    %jit3A_2746 = arith.constant 1073741824 : i32
    %broadcast_in_dim3A_2747 = vector.broadcast %jit3A_2746 : i32 to vector<128x128xi32>
    %select_n3A_2748 = arith.select %eq3A_2745, %add3A_24, %broadcast_in_dim3A_2747 : vector<128x128xi1>, vector<128x128xi32>
    %reduce_min3A_2749 = arith.constant dense<2147483647> : vector<128xi32>
    %reduce_min3A_2750 = vector.multi_reduction <minsi>, %select_n3A_2748, %reduce_min3A_2749 [0] : vector<128x128xi32> to vector<128xi32>
    %broadcast_in_dim3A_2751 = vector.shape_cast %reduce_min3A_2750 : vector<128xi32> to vector<1x128xi32>
    %squeeze3A_2752 = vector.shape_cast %broadcast_in_dim3A_2751 : vector<1x128xi32> to vector<128xi32>
    %get3A_2753 = arith.constant 9 : index
    %get3A_2754 = arith.constant 0 : index
    %get3A_2755 = vector.load %arg5[%get3A_2753, %get3A_2754] : memref<16x128xf32, #tpu.memory_space<vmem>>, vector<1x128xf32>
    %get3A_2756 = vector.shape_cast %get3A_2755 : vector<1x128xf32> to vector<128xf32>
    %get3A_2757 = arith.constant 9 : index
    %get3A_2758 = arith.constant 0 : index
    %get3A_2759 = vector.load %arg6[%get3A_2757, %get3A_2758] : memref<16x128xi32, #tpu.memory_space<vmem>>, vector<1x128xi32>
    %get3A_2760 = vector.shape_cast %get3A_2759 : vector<1x128xi32> to vector<128xi32>
    %gt3A_2761 = arith.cmpf ogt, %squeeze3A_2742, %get3A_2756 : vector<128xf32>
    %or3A_2762 = vector.broadcast %eq3A_36 : i1 to vector<128xi1>
    %or3A_2763 = arith.ori %or3A_2762, %gt3A_2761 : vector<128xi1>
    %select_n3A_2764 = arith.select %or3A_2763, %squeeze3A_2742, %get3A_2756 : vector<128xi1>, vector<128xf32>
    %swap3A_2765 = arith.constant 9 : index
    %swap3A_2766 = arith.constant 0 : index
    %swap3A_2767 = vector.load %arg5[%swap3A_2765, %swap3A_2766] : memref<16x128xf32, #tpu.memory_space<vmem>>, vector<1x128xf32>
    %swap3A_2768 = vector.shape_cast %swap3A_2767 : vector<1x128xf32> to vector<128xf32>
    %swap3A_2769 = vector.shape_cast %select_n3A_2764 : vector<128xf32> to vector<1x128xf32>
    tpu.vector_store %arg5[%swap3A_2765, %swap3A_2766], %swap3A_2769 {strides = array<i32>} : memref<16x128xf32, #tpu.memory_space<vmem>>, vector<1x128xf32>,
    %select_n3A_2770 = arith.select %or3A_2763, %squeeze3A_2752, %get3A_2760 : vector<128xi1>, vector<128xi32>
    %swap3A_2771 = arith.constant 9 : index
    %swap3A_2772 = arith.constant 0 : index
    %swap3A_2773 = vector.load %arg6[%swap3A_2771, %swap3A_2772] : memref<16x128xi32, #tpu.memory_space<vmem>>, vector<1x128xi32>
    %swap3A_2774 = vector.shape_cast %swap3A_2773 : vector<1x128xi32> to vector<128xi32>
    %swap3A_2775 = vector.shape_cast %select_n3A_2770 : vector<128xi32> to vector<1x128xi32>
    tpu.vector_store %arg6[%swap3A_2771, %swap3A_2772], %swap3A_2775 {strides = array<i32>} : memref<16x128xi32, #tpu.memory_space<vmem>>, vector<1x128xi32>,
    %add3A_2776 = arith.constant 41943040 : i32
    %add3A_2777 = vector.broadcast %add3A_2776 : i32 to vector<128x128xi32>
    %add3A_2778 = arith.addi %add3A_35, %add3A_2777 : vector<128x128xi32>
    %add3A_2779 = arith.constant 42 : i32
    %add3A_2780 = vector.broadcast %add3A_2779 : i32 to vector<128x128xi32>
    %add3A_2781 = arith.addi %add3A_2778, %add3A_2780 : vector<128x128xi32>
    %shift_left3A_2782 = arith.constant 13 : i32
    %shift_left3A_2783 = vector.broadcast %shift_left3A_2782 : i32 to vector<128x128xi32>
    %shift_left3A_2784 = arith.shli %add3A_2781, %shift_left3A_2783 : vector<128x128xi32>
    %shift_right_logical3A_2785 = arith.constant 19 : i32
    %shift_right_logical3A_2786 = vector.broadcast %shift_right_logical3A_2785 : i32 to vector<128x128xi32>
    %shift_right_logical3A_2787 = arith.shrui %add3A_2781, %shift_right_logical3A_2786 : vector<128x128xi32>
    %or3A_2788 = arith.ori %shift_left3A_2784, %shift_right_logical3A_2787 : vector<128x128xi32>
    %xor3A_2789 = arith.xori %or3A_2788, %add3A_2781 : vector<128x128xi32>
    %add3A_2790 = arith.addi %add3A_2781, %xor3A_2789 : vector<128x128xi32>
    %shift_left3A_2791 = arith.constant 15 : i32
    %shift_left3A_2792 = vector.broadcast %shift_left3A_2791 : i32 to vector<128x128xi32>
    %shift_left3A_2793 = arith.shli %xor3A_2789, %shift_left3A_2792 : vector<128x128xi32>
    %shift_right_logical3A_2794 = arith.constant 17 : i32
    %shift_right_logical3A_2795 = vector.broadcast %shift_right_logical3A_2794 : i32 to vector<128x128xi32>
    %shift_right_logical3A_2796 = arith.shrui %xor3A_2789, %shift_right_logical3A_2795 : vector<128x128xi32>
    %or3A_2797 = arith.ori %shift_left3A_2793, %shift_right_logical3A_2796 : vector<128x128xi32>
    %xor3A_2798 = arith.xori %or3A_2797, %add3A_2790 : vector<128x128xi32>
    %add3A_2799 = arith.addi %add3A_2790, %xor3A_2798 : vector<128x128xi32>
    %shift_left3A_2800 = arith.constant 26 : i32
    %shift_left3A_2801 = vector.broadcast %shift_left3A_2800 : i32 to vector<128x128xi32>
    %shift_left3A_2802 = arith.shli %xor3A_2798, %shift_left3A_2801 : vector<128x128xi32>
    %shift_right_logical3A_2803 = arith.constant 6 : i32
    %shift_right_logical3A_2804 = vector.broadcast %shift_right_logical3A_2803 : i32 to vector<128x128xi32>
    %shift_right_logical3A_2805 = arith.shrui %xor3A_2798, %shift_right_logical3A_2804 : vector<128x128xi32>
    %or3A_2806 = arith.ori %shift_left3A_2802, %shift_right_logical3A_2805 : vector<128x128xi32>
    %xor3A_2807 = arith.xori %or3A_2806, %add3A_2799 : vector<128x128xi32>
    %add3A_2808 = arith.addi %add3A_2799, %xor3A_2807 : vector<128x128xi32>
    %shift_left3A_2809 = arith.constant 6 : i32
    %shift_left3A_2810 = vector.broadcast %shift_left3A_2809 : i32 to vector<128x128xi32>
    %shift_left3A_2811 = arith.shli %xor3A_2807, %shift_left3A_2810 : vector<128x128xi32>
    %shift_right_logical3A_2812 = arith.constant 26 : i32
    %shift_right_logical3A_2813 = vector.broadcast %shift_right_logical3A_2812 : i32 to vector<128x128xi32>
    %shift_right_logical3A_2814 = arith.shrui %xor3A_2807, %shift_right_logical3A_2813 : vector<128x128xi32>
    %or3A_2815 = arith.ori %shift_left3A_2811, %shift_right_logical3A_2814 : vector<128x128xi32>
    %xor3A_2816 = arith.xori %or3A_2815, %add3A_2808 : vector<128x128xi32>
    %add3A_2817 = arith.constant 42 : i32
    %add3A_2818 = vector.broadcast %add3A_2817 : i32 to vector<128x128xi32>
    %add3A_2819 = arith.addi %add3A_2808, %add3A_2818 : vector<128x128xi32>
    %add3A_2820 = arith.constant 466689009 : i32
    %add3A_2821 = vector.broadcast %add3A_2820 : i32 to vector<128x128xi32>
    %add3A_2822 = arith.addi %xor3A_2816, %add3A_2821 : vector<128x128xi32>
    %add3A_2823 = arith.addi %add3A_2819, %add3A_2822 : vector<128x128xi32>
    %shift_left3A_2824 = arith.constant 17 : i32
    %shift_left3A_2825 = vector.broadcast %shift_left3A_2824 : i32 to vector<128x128xi32>
    %shift_left3A_2826 = arith.shli %add3A_2822, %shift_left3A_2825 : vector<128x128xi32>
    %shift_right_logical3A_2827 = arith.constant 15 : i32
    %shift_right_logical3A_2828 = vector.broadcast %shift_right_logical3A_2827 : i32 to vector<128x128xi32>
    %shift_right_logical3A_2829 = arith.shrui %add3A_2822, %shift_right_logical3A_2828 : vector<128x128xi32>
    %or3A_2830 = arith.ori %shift_left3A_2826, %shift_right_logical3A_2829 : vector<128x128xi32>
    %xor3A_2831 = arith.xori %or3A_2830, %add3A_2823 : vector<128x128xi32>
    %add3A_2832 = arith.addi %add3A_2823, %xor3A_2831 : vector<128x128xi32>
    %shift_left3A_2833 = arith.constant 29 : i32
    %shift_left3A_2834 = vector.broadcast %shift_left3A_2833 : i32 to vector<128x128xi32>
    %shift_left3A_2835 = arith.shli %xor3A_2831, %shift_left3A_2834 : vector<128x128xi32>
    %shift_right_logical3A_2836 = arith.constant 3 : i32
    %shift_right_logical3A_2837 = vector.broadcast %shift_right_logical3A_2836 : i32 to vector<128x128xi32>
    %shift_right_logical3A_2838 = arith.shrui %xor3A_2831, %shift_right_logical3A_2837 : vector<128x128xi32>
    %or3A_2839 = arith.ori %shift_left3A_2835, %shift_right_logical3A_2838 : vector<128x128xi32>
    %xor3A_2840 = arith.xori %or3A_2839, %add3A_2832 : vector<128x128xi32>
    %add3A_2841 = arith.addi %add3A_2832, %xor3A_2840 : vector<128x128xi32>
    %shift_left3A_2842 = arith.constant 16 : i32
    %shift_left3A_2843 = vector.broadcast %shift_left3A_2842 : i32 to vector<128x128xi32>
    %shift_left3A_2844 = arith.shli %xor3A_2840, %shift_left3A_2843 : vector<128x128xi32>
    %shift_right_logical3A_2845 = arith.constant 16 : i32
    %shift_right_logical3A_2846 = vector.broadcast %shift_right_logical3A_2845 : i32 to vector<128x128xi32>
    %shift_right_logical3A_2847 = arith.shrui %xor3A_2840, %shift_right_logical3A_2846 : vector<128x128xi32>
    %or3A_2848 = arith.ori %shift_left3A_2844, %shift_right_logical3A_2847 : vector<128x128xi32>
    %xor3A_2849 = arith.xori %or3A_2848, %add3A_2841 : vector<128x128xi32>
    %add3A_2850 = arith.addi %add3A_2841, %xor3A_2849 : vector<128x128xi32>
    %shift_left3A_2851 = arith.constant 24 : i32
    %shift_left3A_2852 = vector.broadcast %shift_left3A_2851 : i32 to vector<128x128xi32>
    %shift_left3A_2853 = arith.shli %xor3A_2849, %shift_left3A_2852 : vector<128x128xi32>
    %shift_right_logical3A_2854 = arith.constant 8 : i32
    %shift_right_logical3A_2855 = vector.broadcast %shift_right_logical3A_2854 : i32 to vector<128x128xi32>
    %shift_right_logical3A_2856 = arith.shrui %xor3A_2849, %shift_right_logical3A_2855 : vector<128x128xi32>
    %or3A_2857 = arith.ori %shift_left3A_2853, %shift_right_logical3A_2856 : vector<128x128xi32>
    %xor3A_2858 = arith.xori %or3A_2857, %add3A_2850 : vector<128x128xi32>
    %add3A_2859 = arith.constant 466689008 : i32
    %add3A_2860 = vector.broadcast %add3A_2859 : i32 to vector<128x128xi32>
    %add3A_2861 = arith.addi %add3A_2850, %add3A_2860 : vector<128x128xi32>
    %add3A_2862 = arith.constant 2 : i32
    %add3A_2863 = vector.broadcast %add3A_2862 : i32 to vector<128x128xi32>
    %add3A_2864 = arith.addi %xor3A_2858, %add3A_2863 : vector<128x128xi32>
    %add3A_2865 = arith.addi %add3A_2861, %add3A_2864 : vector<128x128xi32>
    %shift_left3A_2866 = arith.constant 13 : i32
    %shift_left3A_2867 = vector.broadcast %shift_left3A_2866 : i32 to vector<128x128xi32>
    %shift_left3A_2868 = arith.shli %add3A_2864, %shift_left3A_2867 : vector<128x128xi32>
    %shift_right_logical3A_2869 = arith.constant 19 : i32
    %shift_right_logical3A_2870 = vector.broadcast %shift_right_logical3A_2869 : i32 to vector<128x128xi32>
    %shift_right_logical3A_2871 = arith.shrui %add3A_2864, %shift_right_logical3A_2870 : vector<128x128xi32>
    %or3A_2872 = arith.ori %shift_left3A_2868, %shift_right_logical3A_2871 : vector<128x128xi32>
    %xor3A_2873 = arith.xori %or3A_2872, %add3A_2865 : vector<128x128xi32>
    %add3A_2874 = arith.addi %add3A_2865, %xor3A_2873 : vector<128x128xi32>
    %shift_left3A_2875 = arith.constant 15 : i32
    %shift_left3A_2876 = vector.broadcast %shift_left3A_2875 : i32 to vector<128x128xi32>
    %shift_left3A_2877 = arith.shli %xor3A_2873, %shift_left3A_2876 : vector<128x128xi32>
    %shift_right_logical3A_2878 = arith.constant 17 : i32
    %shift_right_logical3A_2879 = vector.broadcast %shift_right_logical3A_2878 : i32 to vector<128x128xi32>
    %shift_right_logical3A_2880 = arith.shrui %xor3A_2873, %shift_right_logical3A_2879 : vector<128x128xi32>
    %or3A_2881 = arith.ori %shift_left3A_2877, %shift_right_logical3A_2880 : vector<128x128xi32>
    %xor3A_2882 = arith.xori %or3A_2881, %add3A_2874 : vector<128x128xi32>
    %add3A_2883 = arith.addi %add3A_2874, %xor3A_2882 : vector<128x128xi32>
    %shift_left3A_2884 = arith.constant 26 : i32
    %shift_left3A_2885 = vector.broadcast %shift_left3A_2884 : i32 to vector<128x128xi32>
    %shift_left3A_2886 = arith.shli %xor3A_2882, %shift_left3A_2885 : vector<128x128xi32>
    %shift_right_logical3A_2887 = arith.constant 6 : i32
    %shift_right_logical3A_2888 = vector.broadcast %shift_right_logical3A_2887 : i32 to vector<128x128xi32>
    %shift_right_logical3A_2889 = arith.shrui %xor3A_2882, %shift_right_logical3A_2888 : vector<128x128xi32>
    %or3A_2890 = arith.ori %shift_left3A_2886, %shift_right_logical3A_2889 : vector<128x128xi32>
    %xor3A_2891 = arith.xori %or3A_2890, %add3A_2883 : vector<128x128xi32>
    %add3A_2892 = arith.addi %add3A_2883, %xor3A_2891 : vector<128x128xi32>
    %shift_left3A_2893 = arith.constant 6 : i32
    %shift_left3A_2894 = vector.broadcast %shift_left3A_2893 : i32 to vector<128x128xi32>
    %shift_left3A_2895 = arith.shli %xor3A_2891, %shift_left3A_2894 : vector<128x128xi32>
    %shift_right_logical3A_2896 = arith.constant 26 : i32
    %shift_right_logical3A_2897 = vector.broadcast %shift_right_logical3A_2896 : i32 to vector<128x128xi32>
    %shift_right_logical3A_2898 = arith.shrui %xor3A_2891, %shift_right_logical3A_2897 : vector<128x128xi32>
    %or3A_2899 = arith.ori %shift_left3A_2895, %shift_right_logical3A_2898 : vector<128x128xi32>
    %xor3A_2900 = arith.xori %or3A_2899, %add3A_2892 : vector<128x128xi32>
    %add3A_2901 = arith.constant 0 : i32
    %add3A_2902 = vector.broadcast %add3A_2901 : i32 to vector<128x128xi32>
    %add3A_2903 = arith.addi %add3A_2892, %add3A_2902 : vector<128x128xi32>
    %add3A_2904 = arith.constant 45 : i32
    %add3A_2905 = vector.broadcast %add3A_2904 : i32 to vector<128x128xi32>
    %add3A_2906 = arith.addi %xor3A_2900, %add3A_2905 : vector<128x128xi32>
    %add3A_2907 = arith.addi %add3A_2903, %add3A_2906 : vector<128x128xi32>
    %shift_left3A_2908 = arith.constant 17 : i32
    %shift_left3A_2909 = vector.broadcast %shift_left3A_2908 : i32 to vector<128x128xi32>
    %shift_left3A_2910 = arith.shli %add3A_2906, %shift_left3A_2909 : vector<128x128xi32>
    %shift_right_logical3A_2911 = arith.constant 15 : i32
    %shift_right_logical3A_2912 = vector.broadcast %shift_right_logical3A_2911 : i32 to vector<128x128xi32>
    %shift_right_logical3A_2913 = arith.shrui %add3A_2906, %shift_right_logical3A_2912 : vector<128x128xi32>
    %or3A_2914 = arith.ori %shift_left3A_2910, %shift_right_logical3A_2913 : vector<128x128xi32>
    %xor3A_2915 = arith.xori %or3A_2914, %add3A_2907 : vector<128x128xi32>
    %add3A_2916 = arith.addi %add3A_2907, %xor3A_2915 : vector<128x128xi32>
    %shift_left3A_2917 = arith.constant 29 : i32
    %shift_left3A_2918 = vector.broadcast %shift_left3A_2917 : i32 to vector<128x128xi32>
    %shift_left3A_2919 = arith.shli %xor3A_2915, %shift_left3A_2918 : vector<128x128xi32>
    %shift_right_logical3A_2920 = arith.constant 3 : i32
    %shift_right_logical3A_2921 = vector.broadcast %shift_right_logical3A_2920 : i32 to vector<128x128xi32>
    %shift_right_logical3A_2922 = arith.shrui %xor3A_2915, %shift_right_logical3A_2921 : vector<128x128xi32>
    %or3A_2923 = arith.ori %shift_left3A_2919, %shift_right_logical3A_2922 : vector<128x128xi32>
    %xor3A_2924 = arith.xori %or3A_2923, %add3A_2916 : vector<128x128xi32>
    %add3A_2925 = arith.addi %add3A_2916, %xor3A_2924 : vector<128x128xi32>
    %shift_left3A_2926 = arith.constant 16 : i32
    %shift_left3A_2927 = vector.broadcast %shift_left3A_2926 : i32 to vector<128x128xi32>
    %shift_left3A_2928 = arith.shli %xor3A_2924, %shift_left3A_2927 : vector<128x128xi32>
    %shift_right_logical3A_2929 = arith.constant 16 : i32
    %shift_right_logical3A_2930 = vector.broadcast %shift_right_logical3A_2929 : i32 to vector<128x128xi32>
    %shift_right_logical3A_2931 = arith.shrui %xor3A_2924, %shift_right_logical3A_2930 : vector<128x128xi32>
    %or3A_2932 = arith.ori %shift_left3A_2928, %shift_right_logical3A_2931 : vector<128x128xi32>
    %xor3A_2933 = arith.xori %or3A_2932, %add3A_2925 : vector<128x128xi32>
    %add3A_2934 = arith.addi %add3A_2925, %xor3A_2933 : vector<128x128xi32>
    %shift_left3A_2935 = arith.constant 24 : i32
    %shift_left3A_2936 = vector.broadcast %shift_left3A_2935 : i32 to vector<128x128xi32>
    %shift_left3A_2937 = arith.shli %xor3A_2933, %shift_left3A_2936 : vector<128x128xi32>
    %shift_right_logical3A_2938 = arith.constant 8 : i32
    %shift_right_logical3A_2939 = vector.broadcast %shift_right_logical3A_2938 : i32 to vector<128x128xi32>
    %shift_right_logical3A_2940 = arith.shrui %xor3A_2933, %shift_right_logical3A_2939 : vector<128x128xi32>
    %or3A_2941 = arith.ori %shift_left3A_2937, %shift_right_logical3A_2940 : vector<128x128xi32>
    %xor3A_2942 = arith.xori %or3A_2941, %add3A_2934 : vector<128x128xi32>
    %add3A_2943 = arith.constant 42 : i32
    %add3A_2944 = vector.broadcast %add3A_2943 : i32 to vector<128x128xi32>
    %add3A_2945 = arith.addi %add3A_2934, %add3A_2944 : vector<128x128xi32>
    %add3A_2946 = arith.constant 466689012 : i32
    %add3A_2947 = vector.broadcast %add3A_2946 : i32 to vector<128x128xi32>
    %add3A_2948 = arith.addi %xor3A_2942, %add3A_2947 : vector<128x128xi32>
    %add3A_2949 = arith.addi %add3A_2945, %add3A_2948 : vector<128x128xi32>
    %shift_left3A_2950 = arith.constant 13 : i32
    %shift_left3A_2951 = vector.broadcast %shift_left3A_2950 : i32 to vector<128x128xi32>
    %shift_left3A_2952 = arith.shli %add3A_2948, %shift_left3A_2951 : vector<128x128xi32>
    %shift_right_logical3A_2953 = arith.constant 19 : i32
    %shift_right_logical3A_2954 = vector.broadcast %shift_right_logical3A_2953 : i32 to vector<128x128xi32>
    %shift_right_logical3A_2955 = arith.shrui %add3A_2948, %shift_right_logical3A_2954 : vector<128x128xi32>
    %or3A_2956 = arith.ori %shift_left3A_2952, %shift_right_logical3A_2955 : vector<128x128xi32>
    %xor3A_2957 = arith.xori %or3A_2956, %add3A_2949 : vector<128x128xi32>
    %add3A_2958 = arith.addi %add3A_2949, %xor3A_2957 : vector<128x128xi32>
    %shift_left3A_2959 = arith.constant 15 : i32
    %shift_left3A_2960 = vector.broadcast %shift_left3A_2959 : i32 to vector<128x128xi32>
    %shift_left3A_2961 = arith.shli %xor3A_2957, %shift_left3A_2960 : vector<128x128xi32>
    %shift_right_logical3A_2962 = arith.constant 17 : i32
    %shift_right_logical3A_2963 = vector.broadcast %shift_right_logical3A_2962 : i32 to vector<128x128xi32>
    %shift_right_logical3A_2964 = arith.shrui %xor3A_2957, %shift_right_logical3A_2963 : vector<128x128xi32>
    %or3A_2965 = arith.ori %shift_left3A_2961, %shift_right_logical3A_2964 : vector<128x128xi32>
    %xor3A_2966 = arith.xori %or3A_2965, %add3A_2958 : vector<128x128xi32>
    %add3A_2967 = arith.addi %add3A_2958, %xor3A_2966 : vector<128x128xi32>
    %shift_left3A_2968 = arith.constant 26 : i32
    %shift_left3A_2969 = vector.broadcast %shift_left3A_2968 : i32 to vector<128x128xi32>
    %shift_left3A_2970 = arith.shli %xor3A_2966, %shift_left3A_2969 : vector<128x128xi32>
    %shift_right_logical3A_2971 = arith.constant 6 : i32
    %shift_right_logical3A_2972 = vector.broadcast %shift_right_logical3A_2971 : i32 to vector<128x128xi32>
    %shift_right_logical3A_2973 = arith.shrui %xor3A_2966, %shift_right_logical3A_2972 : vector<128x128xi32>
    %or3A_2974 = arith.ori %shift_left3A_2970, %shift_right_logical3A_2973 : vector<128x128xi32>
    %xor3A_2975 = arith.xori %or3A_2974, %add3A_2967 : vector<128x128xi32>
    %add3A_2976 = arith.addi %add3A_2967, %xor3A_2975 : vector<128x128xi32>
    %shift_left3A_2977 = arith.constant 6 : i32
    %shift_left3A_2978 = vector.broadcast %shift_left3A_2977 : i32 to vector<128x128xi32>
    %shift_left3A_2979 = arith.shli %xor3A_2975, %shift_left3A_2978 : vector<128x128xi32>
    %shift_right_logical3A_2980 = arith.constant 26 : i32
    %shift_right_logical3A_2981 = vector.broadcast %shift_right_logical3A_2980 : i32 to vector<128x128xi32>
    %shift_right_logical3A_2982 = arith.shrui %xor3A_2975, %shift_right_logical3A_2981 : vector<128x128xi32>
    %or3A_2983 = arith.ori %shift_left3A_2979, %shift_right_logical3A_2982 : vector<128x128xi32>
    %xor3A_2984 = arith.xori %or3A_2983, %add3A_2976 : vector<128x128xi32>
    %add3A_2985 = arith.constant 466689008 : i32
    %add3A_2986 = vector.broadcast %add3A_2985 : i32 to vector<128x128xi32>
    %add3A_2987 = arith.addi %add3A_2976, %add3A_2986 : vector<128x128xi32>
    %add3A_2988 = arith.constant 5 : i32
    %add3A_2989 = vector.broadcast %add3A_2988 : i32 to vector<128x128xi32>
    %add3A_2990 = arith.addi %xor3A_2984, %add3A_2989 : vector<128x128xi32>
    %xor3A_2991 = arith.xori %add3A_2987, %add3A_2990 : vector<128x128xi32>
    %shift_right_logical3A_2992 = arith.constant 9 : i32
    %shift_right_logical3A_2993 = vector.broadcast %shift_right_logical3A_2992 : i32 to vector<128x128xi32>
    %shift_right_logical3A_2994 = arith.shrui %xor3A_2991, %shift_right_logical3A_2993 : vector<128x128xi32>
    %or3A_2995 = arith.constant 1065353216 : i32
    %or3A_2996 = vector.broadcast %or3A_2995 : i32 to vector<128x128xi32>
    %or3A_2997 = arith.ori %shift_right_logical3A_2994, %or3A_2996 : vector<128x128xi32>
    %bitcast_convert_type3A_2998 = tpu.bitcast %or3A_2997 : vector<128x128xi32> -> vector<128x128xf32>
    %sub3A_2999 = arith.constant 1.000000e+00 : f32
    %sub3A_3000 = vector.broadcast %sub3A_2999 : f32 to vector<128x128xf32>
    %sub3A_3001 = arith.subf %bitcast_convert_type3A_2998, %sub3A_3000 : vector<128x128xf32>
    %max3A_3002 = arith.constant 1.17549435E-38 : f32
    %max3A_3003 = vector.broadcast %max3A_3002 : f32 to vector<128x128xf32>
    %max3A_3004 = arith.maximumf %max3A_3003, %sub3A_3001 : vector<128x128xf32>
    %log3A_3005 = math.log %max3A_3004 : vector<128x128xf32>
    %neg3A_3006 = arith.constant 0.000000e+00 : f32
    %neg3A_3007 = vector.broadcast %neg3A_3006 : f32 to vector<128x128xf32>
    %neg3A_3008 = arith.subf %neg3A_3007, %log3A_3005 : vector<128x128xf32>
    %log3A_3009 = math.log %neg3A_3008 : vector<128x128xf32>
    %neg3A_3010 = arith.constant 0.000000e+00 : f32
    %neg3A_3011 = vector.broadcast %neg3A_3010 : f32 to vector<128x128xf32>
    %neg3A_3012 = arith.subf %neg3A_3011, %log3A_3009 : vector<128x128xf32>
    %add3A_3013 = arith.addf %concatenate3A, %neg3A_3012 : vector<128x128xf32>
    %reduce_max3A_3014 = arith.constant dense<0xFF800000> : vector<128xf32>
    %reduce_max3A_3015 = vector.multi_reduction <maximumf>, %add3A_3013, %reduce_max3A_3014 [0] : vector<128x128xf32> to vector<128xf32>
    %broadcast_in_dim3A_3016 = vector.shape_cast %reduce_max3A_3015 : vector<128xf32> to vector<1x128xf32>
    %squeeze3A_3017 = vector.shape_cast %broadcast_in_dim3A_3016 : vector<1x128xf32> to vector<128xf32>
    %broadcast_in_dim3A_3018 = vector.shape_cast %squeeze3A_3017 : vector<128xf32> to vector<1x128xf32>
    %eq3A_3019 = vector.broadcast %broadcast_in_dim3A_3018 : vector<1x128xf32> to vector<128x128xf32>
    %eq3A_3020 = arith.cmpf oeq, %add3A_3013, %eq3A_3019 : vector<128x128xf32>
    %jit3A_3021 = arith.constant 1073741824 : i32
    %broadcast_in_dim3A_3022 = vector.broadcast %jit3A_3021 : i32 to vector<128x128xi32>
    %select_n3A_3023 = arith.select %eq3A_3020, %add3A_24, %broadcast_in_dim3A_3022 : vector<128x128xi1>, vector<128x128xi32>
    %reduce_min3A_3024 = arith.constant dense<2147483647> : vector<128xi32>
    %reduce_min3A_3025 = vector.multi_reduction <minsi>, %select_n3A_3023, %reduce_min3A_3024 [0] : vector<128x128xi32> to vector<128xi32>
    %broadcast_in_dim3A_3026 = vector.shape_cast %reduce_min3A_3025 : vector<128xi32> to vector<1x128xi32>
    %squeeze3A_3027 = vector.shape_cast %broadcast_in_dim3A_3026 : vector<1x128xi32> to vector<128xi32>
    %get3A_3028 = arith.constant 10 : index
    %get3A_3029 = arith.constant 0 : index
    %get3A_3030 = vector.load %arg5[%get3A_3028, %get3A_3029] : memref<16x128xf32, #tpu.memory_space<vmem>>, vector<1x128xf32>
    %get3A_3031 = vector.shape_cast %get3A_3030 : vector<1x128xf32> to vector<128xf32>
    %get3A_3032 = arith.constant 10 : index
    %get3A_3033 = arith.constant 0 : index
    %get3A_3034 = vector.load %arg6[%get3A_3032, %get3A_3033] : memref<16x128xi32, #tpu.memory_space<vmem>>, vector<1x128xi32>
    %get3A_3035 = vector.shape_cast %get3A_3034 : vector<1x128xi32> to vector<128xi32>
    %gt3A_3036 = arith.cmpf ogt, %squeeze3A_3017, %get3A_3031 : vector<128xf32>
    %or3A_3037 = vector.broadcast %eq3A_36 : i1 to vector<128xi1>
    %or3A_3038 = arith.ori %or3A_3037, %gt3A_3036 : vector<128xi1>
    %select_n3A_3039 = arith.select %or3A_3038, %squeeze3A_3017, %get3A_3031 : vector<128xi1>, vector<128xf32>
    %swap3A_3040 = arith.constant 10 : index
    %swap3A_3041 = arith.constant 0 : index
    %swap3A_3042 = vector.load %arg5[%swap3A_3040, %swap3A_3041] : memref<16x128xf32, #tpu.memory_space<vmem>>, vector<1x128xf32>
    %swap3A_3043 = vector.shape_cast %swap3A_3042 : vector<1x128xf32> to vector<128xf32>
    %swap3A_3044 = vector.shape_cast %select_n3A_3039 : vector<128xf32> to vector<1x128xf32>
    tpu.vector_store %arg5[%swap3A_3040, %swap3A_3041], %swap3A_3044 {strides = array<i32>} : memref<16x128xf32, #tpu.memory_space<vmem>>, vector<1x128xf32>,
    %select_n3A_3045 = arith.select %or3A_3038, %squeeze3A_3027, %get3A_3035 : vector<128xi1>, vector<128xi32>
    %swap3A_3046 = arith.constant 10 : index
    %swap3A_3047 = arith.constant 0 : index
    %swap3A_3048 = vector.load %arg6[%swap3A_3046, %swap3A_3047] : memref<16x128xi32, #tpu.memory_space<vmem>>, vector<1x128xi32>
    %swap3A_3049 = vector.shape_cast %swap3A_3048 : vector<1x128xi32> to vector<128xi32>
    %swap3A_3050 = vector.shape_cast %select_n3A_3045 : vector<128xi32> to vector<1x128xi32>
    tpu.vector_store %arg6[%swap3A_3046, %swap3A_3047], %swap3A_3050 {strides = array<i32>} : memref<16x128xi32, #tpu.memory_space<vmem>>, vector<1x128xi32>,
    %add3A_3051 = arith.constant 46137344 : i32
    %add3A_3052 = vector.broadcast %add3A_3051 : i32 to vector<128x128xi32>
    %add3A_3053 = arith.addi %add3A_35, %add3A_3052 : vector<128x128xi32>
    %add3A_3054 = arith.constant 42 : i32
    %add3A_3055 = vector.broadcast %add3A_3054 : i32 to vector<128x128xi32>
    %add3A_3056 = arith.addi %add3A_3053, %add3A_3055 : vector<128x128xi32>
    %shift_left3A_3057 = arith.constant 13 : i32
    %shift_left3A_3058 = vector.broadcast %shift_left3A_3057 : i32 to vector<128x128xi32>
    %shift_left3A_3059 = arith.shli %add3A_3056, %shift_left3A_3058 : vector<128x128xi32>
    %shift_right_logical3A_3060 = arith.constant 19 : i32
    %shift_right_logical3A_3061 = vector.broadcast %shift_right_logical3A_3060 : i32 to vector<128x128xi32>
    %shift_right_logical3A_3062 = arith.shrui %add3A_3056, %shift_right_logical3A_3061 : vector<128x128xi32>
    %or3A_3063 = arith.ori %shift_left3A_3059, %shift_right_logical3A_3062 : vector<128x128xi32>
    %xor3A_3064 = arith.xori %or3A_3063, %add3A_3056 : vector<128x128xi32>
    %add3A_3065 = arith.addi %add3A_3056, %xor3A_3064 : vector<128x128xi32>
    %shift_left3A_3066 = arith.constant 15 : i32
    %shift_left3A_3067 = vector.broadcast %shift_left3A_3066 : i32 to vector<128x128xi32>
    %shift_left3A_3068 = arith.shli %xor3A_3064, %shift_left3A_3067 : vector<128x128xi32>
    %shift_right_logical3A_3069 = arith.constant 17 : i32
    %shift_right_logical3A_3070 = vector.broadcast %shift_right_logical3A_3069 : i32 to vector<128x128xi32>
    %shift_right_logical3A_3071 = arith.shrui %xor3A_3064, %shift_right_logical3A_3070 : vector<128x128xi32>
    %or3A_3072 = arith.ori %shift_left3A_3068, %shift_right_logical3A_3071 : vector<128x128xi32>
    %xor3A_3073 = arith.xori %or3A_3072, %add3A_3065 : vector<128x128xi32>
    %add3A_3074 = arith.addi %add3A_3065, %xor3A_3073 : vector<128x128xi32>
    %shift_left3A_3075 = arith.constant 26 : i32
    %shift_left3A_3076 = vector.broadcast %shift_left3A_3075 : i32 to vector<128x128xi32>
    %shift_left3A_3077 = arith.shli %xor3A_3073, %shift_left3A_3076 : vector<128x128xi32>
    %shift_right_logical3A_3078 = arith.constant 6 : i32
    %shift_right_logical3A_3079 = vector.broadcast %shift_right_logical3A_3078 : i32 to vector<128x128xi32>
    %shift_right_logical3A_3080 = arith.shrui %xor3A_3073, %shift_right_logical3A_3079 : vector<128x128xi32>
    %or3A_3081 = arith.ori %shift_left3A_3077, %shift_right_logical3A_3080 : vector<128x128xi32>
    %xor3A_3082 = arith.xori %or3A_3081, %add3A_3074 : vector<128x128xi32>
    %add3A_3083 = arith.addi %add3A_3074, %xor3A_3082 : vector<128x128xi32>
    %shift_left3A_3084 = arith.constant 6 : i32
    %shift_left3A_3085 = vector.broadcast %shift_left3A_3084 : i32 to vector<128x128xi32>
    %shift_left3A_3086 = arith.shli %xor3A_3082, %shift_left3A_3085 : vector<128x128xi32>
    %shift_right_logical3A_3087 = arith.constant 26 : i32
    %shift_right_logical3A_3088 = vector.broadcast %shift_right_logical3A_3087 : i32 to vector<128x128xi32>
    %shift_right_logical3A_3089 = arith.shrui %xor3A_3082, %shift_right_logical3A_3088 : vector<128x128xi32>
    %or3A_3090 = arith.ori %shift_left3A_3086, %shift_right_logical3A_3089 : vector<128x128xi32>
    %xor3A_3091 = arith.xori %or3A_3090, %add3A_3083 : vector<128x128xi32>
    %add3A_3092 = arith.constant 42 : i32
    %add3A_3093 = vector.broadcast %add3A_3092 : i32 to vector<128x128xi32>
    %add3A_3094 = arith.addi %add3A_3083, %add3A_3093 : vector<128x128xi32>
    %add3A_3095 = arith.constant 466689009 : i32
    %add3A_3096 = vector.broadcast %add3A_3095 : i32 to vector<128x128xi32>
    %add3A_3097 = arith.addi %xor3A_3091, %add3A_3096 : vector<128x128xi32>
    %add3A_3098 = arith.addi %add3A_3094, %add3A_3097 : vector<128x128xi32>
    %shift_left3A_3099 = arith.constant 17 : i32
    %shift_left3A_3100 = vector.broadcast %shift_left3A_3099 : i32 to vector<128x128xi32>
    %shift_left3A_3101 = arith.shli %add3A_3097, %shift_left3A_3100 : vector<128x128xi32>
    %shift_right_logical3A_3102 = arith.constant 15 : i32
    %shift_right_logical3A_3103 = vector.broadcast %shift_right_logical3A_3102 : i32 to vector<128x128xi32>
    %shift_right_logical3A_3104 = arith.shrui %add3A_3097, %shift_right_logical3A_3103 : vector<128x128xi32>
    %or3A_3105 = arith.ori %shift_left3A_3101, %shift_right_logical3A_3104 : vector<128x128xi32>
    %xor3A_3106 = arith.xori %or3A_3105, %add3A_3098 : vector<128x128xi32>
    %add3A_3107 = arith.addi %add3A_3098, %xor3A_3106 : vector<128x128xi32>
    %shift_left3A_3108 = arith.constant 29 : i32
    %shift_left3A_3109 = vector.broadcast %shift_left3A_3108 : i32 to vector<128x128xi32>
    %shift_left3A_3110 = arith.shli %xor3A_3106, %shift_left3A_3109 : vector<128x128xi32>
    %shift_right_logical3A_3111 = arith.constant 3 : i32
    %shift_right_logical3A_3112 = vector.broadcast %shift_right_logical3A_3111 : i32 to vector<128x128xi32>
    %shift_right_logical3A_3113 = arith.shrui %xor3A_3106, %shift_right_logical3A_3112 : vector<128x128xi32>
    %or3A_3114 = arith.ori %shift_left3A_3110, %shift_right_logical3A_3113 : vector<128x128xi32>
    %xor3A_3115 = arith.xori %or3A_3114, %add3A_3107 : vector<128x128xi32>
    %add3A_3116 = arith.addi %add3A_3107, %xor3A_3115 : vector<128x128xi32>
    %shift_left3A_3117 = arith.constant 16 : i32
    %shift_left3A_3118 = vector.broadcast %shift_left3A_3117 : i32 to vector<128x128xi32>
    %shift_left3A_3119 = arith.shli %xor3A_3115, %shift_left3A_3118 : vector<128x128xi32>
    %shift_right_logical3A_3120 = arith.constant 16 : i32
    %shift_right_logical3A_3121 = vector.broadcast %shift_right_logical3A_3120 : i32 to vector<128x128xi32>
    %shift_right_logical3A_3122 = arith.shrui %xor3A_3115, %shift_right_logical3A_3121 : vector<128x128xi32>
    %or3A_3123 = arith.ori %shift_left3A_3119, %shift_right_logical3A_3122 : vector<128x128xi32>
    %xor3A_3124 = arith.xori %or3A_3123, %add3A_3116 : vector<128x128xi32>
    %add3A_3125 = arith.addi %add3A_3116, %xor3A_3124 : vector<128x128xi32>
    %shift_left3A_3126 = arith.constant 24 : i32
    %shift_left3A_3127 = vector.broadcast %shift_left3A_3126 : i32 to vector<128x128xi32>
    %shift_left3A_3128 = arith.shli %xor3A_3124, %shift_left3A_3127 : vector<128x128xi32>
    %shift_right_logical3A_3129 = arith.constant 8 : i32
    %shift_right_logical3A_3130 = vector.broadcast %shift_right_logical3A_3129 : i32 to vector<128x128xi32>
    %shift_right_logical3A_3131 = arith.shrui %xor3A_3124, %shift_right_logical3A_3130 : vector<128x128xi32>
    %or3A_3132 = arith.ori %shift_left3A_3128, %shift_right_logical3A_3131 : vector<128x128xi32>
    %xor3A_3133 = arith.xori %or3A_3132, %add3A_3125 : vector<128x128xi32>
    %add3A_3134 = arith.constant 466689008 : i32
    %add3A_3135 = vector.broadcast %add3A_3134 : i32 to vector<128x128xi32>
    %add3A_3136 = arith.addi %add3A_3125, %add3A_3135 : vector<128x128xi32>
    %add3A_3137 = arith.constant 2 : i32
    %add3A_3138 = vector.broadcast %add3A_3137 : i32 to vector<128x128xi32>
    %add3A_3139 = arith.addi %xor3A_3133, %add3A_3138 : vector<128x128xi32>
    %add3A_3140 = arith.addi %add3A_3136, %add3A_3139 : vector<128x128xi32>
    %shift_left3A_3141 = arith.constant 13 : i32
    %shift_left3A_3142 = vector.broadcast %shift_left3A_3141 : i32 to vector<128x128xi32>
    %shift_left3A_3143 = arith.shli %add3A_3139, %shift_left3A_3142 : vector<128x128xi32>
    %shift_right_logical3A_3144 = arith.constant 19 : i32
    %shift_right_logical3A_3145 = vector.broadcast %shift_right_logical3A_3144 : i32 to vector<128x128xi32>
    %shift_right_logical3A_3146 = arith.shrui %add3A_3139, %shift_right_logical3A_3145 : vector<128x128xi32>
    %or3A_3147 = arith.ori %shift_left3A_3143, %shift_right_logical3A_3146 : vector<128x128xi32>
    %xor3A_3148 = arith.xori %or3A_3147, %add3A_3140 : vector<128x128xi32>
    %add3A_3149 = arith.addi %add3A_3140, %xor3A_3148 : vector<128x128xi32>
    %shift_left3A_3150 = arith.constant 15 : i32
    %shift_left3A_3151 = vector.broadcast %shift_left3A_3150 : i32 to vector<128x128xi32>
    %shift_left3A_3152 = arith.shli %xor3A_3148, %shift_left3A_3151 : vector<128x128xi32>
    %shift_right_logical3A_3153 = arith.constant 17 : i32
    %shift_right_logical3A_3154 = vector.broadcast %shift_right_logical3A_3153 : i32 to vector<128x128xi32>
    %shift_right_logical3A_3155 = arith.shrui %xor3A_3148, %shift_right_logical3A_3154 : vector<128x128xi32>
    %or3A_3156 = arith.ori %shift_left3A_3152, %shift_right_logical3A_3155 : vector<128x128xi32>
    %xor3A_3157 = arith.xori %or3A_3156, %add3A_3149 : vector<128x128xi32>
    %add3A_3158 = arith.addi %add3A_3149, %xor3A_3157 : vector<128x128xi32>
    %shift_left3A_3159 = arith.constant 26 : i32
    %shift_left3A_3160 = vector.broadcast %shift_left3A_3159 : i32 to vector<128x128xi32>
    %shift_left3A_3161 = arith.shli %xor3A_3157, %shift_left3A_3160 : vector<128x128xi32>
    %shift_right_logical3A_3162 = arith.constant 6 : i32
    %shift_right_logical3A_3163 = vector.broadcast %shift_right_logical3A_3162 : i32 to vector<128x128xi32>
    %shift_right_logical3A_3164 = arith.shrui %xor3A_3157, %shift_right_logical3A_3163 : vector<128x128xi32>
    %or3A_3165 = arith.ori %shift_left3A_3161, %shift_right_logical3A_3164 : vector<128x128xi32>
    %xor3A_3166 = arith.xori %or3A_3165, %add3A_3158 : vector<128x128xi32>
    %add3A_3167 = arith.addi %add3A_3158, %xor3A_3166 : vector<128x128xi32>
    %shift_left3A_3168 = arith.constant 6 : i32
    %shift_left3A_3169 = vector.broadcast %shift_left3A_3168 : i32 to vector<128x128xi32>
    %shift_left3A_3170 = arith.shli %xor3A_3166, %shift_left3A_3169 : vector<128x128xi32>
    %shift_right_logical3A_3171 = arith.constant 26 : i32
    %shift_right_logical3A_3172 = vector.broadcast %shift_right_logical3A_3171 : i32 to vector<128x128xi32>
    %shift_right_logical3A_3173 = arith.shrui %xor3A_3166, %shift_right_logical3A_3172 : vector<128x128xi32>
    %or3A_3174 = arith.ori %shift_left3A_3170, %shift_right_logical3A_3173 : vector<128x128xi32>
    %xor3A_3175 = arith.xori %or3A_3174, %add3A_3167 : vector<128x128xi32>
    %add3A_3176 = arith.constant 0 : i32
    %add3A_3177 = vector.broadcast %add3A_3176 : i32 to vector<128x128xi32>
    %add3A_3178 = arith.addi %add3A_3167, %add3A_3177 : vector<128x128xi32>
    %add3A_3179 = arith.constant 45 : i32
    %add3A_3180 = vector.broadcast %add3A_3179 : i32 to vector<128x128xi32>
    %add3A_3181 = arith.addi %xor3A_3175, %add3A_3180 : vector<128x128xi32>
    %add3A_3182 = arith.addi %add3A_3178, %add3A_3181 : vector<128x128xi32>
    %shift_left3A_3183 = arith.constant 17 : i32
    %shift_left3A_3184 = vector.broadcast %shift_left3A_3183 : i32 to vector<128x128xi32>
    %shift_left3A_3185 = arith.shli %add3A_3181, %shift_left3A_3184 : vector<128x128xi32>
    %shift_right_logical3A_3186 = arith.constant 15 : i32
    %shift_right_logical3A_3187 = vector.broadcast %shift_right_logical3A_3186 : i32 to vector<128x128xi32>
    %shift_right_logical3A_3188 = arith.shrui %add3A_3181, %shift_right_logical3A_3187 : vector<128x128xi32>
    %or3A_3189 = arith.ori %shift_left3A_3185, %shift_right_logical3A_3188 : vector<128x128xi32>
    %xor3A_3190 = arith.xori %or3A_3189, %add3A_3182 : vector<128x128xi32>
    %add3A_3191 = arith.addi %add3A_3182, %xor3A_3190 : vector<128x128xi32>
    %shift_left3A_3192 = arith.constant 29 : i32
    %shift_left3A_3193 = vector.broadcast %shift_left3A_3192 : i32 to vector<128x128xi32>
    %shift_left3A_3194 = arith.shli %xor3A_3190, %shift_left3A_3193 : vector<128x128xi32>
    %shift_right_logical3A_3195 = arith.constant 3 : i32
    %shift_right_logical3A_3196 = vector.broadcast %shift_right_logical3A_3195 : i32 to vector<128x128xi32>
    %shift_right_logical3A_3197 = arith.shrui %xor3A_3190, %shift_right_logical3A_3196 : vector<128x128xi32>
    %or3A_3198 = arith.ori %shift_left3A_3194, %shift_right_logical3A_3197 : vector<128x128xi32>
    %xor3A_3199 = arith.xori %or3A_3198, %add3A_3191 : vector<128x128xi32>
    %add3A_3200 = arith.addi %add3A_3191, %xor3A_3199 : vector<128x128xi32>
    %shift_left3A_3201 = arith.constant 16 : i32
    %shift_left3A_3202 = vector.broadcast %shift_left3A_3201 : i32 to vector<128x128xi32>
    %shift_left3A_3203 = arith.shli %xor3A_3199, %shift_left3A_3202 : vector<128x128xi32>
    %shift_right_logical3A_3204 = arith.constant 16 : i32
    %shift_right_logical3A_3205 = vector.broadcast %shift_right_logical3A_3204 : i32 to vector<128x128xi32>
    %shift_right_logical3A_3206 = arith.shrui %xor3A_3199, %shift_right_logical3A_3205 : vector<128x128xi32>
    %or3A_3207 = arith.ori %shift_left3A_3203, %shift_right_logical3A_3206 : vector<128x128xi32>
    %xor3A_3208 = arith.xori %or3A_3207, %add3A_3200 : vector<128x128xi32>
    %add3A_3209 = arith.addi %add3A_3200, %xor3A_3208 : vector<128x128xi32>
    %shift_left3A_3210 = arith.constant 24 : i32
    %shift_left3A_3211 = vector.broadcast %shift_left3A_3210 : i32 to vector<128x128xi32>
    %shift_left3A_3212 = arith.shli %xor3A_3208, %shift_left3A_3211 : vector<128x128xi32>
    %shift_right_logical3A_3213 = arith.constant 8 : i32
    %shift_right_logical3A_3214 = vector.broadcast %shift_right_logical3A_3213 : i32 to vector<128x128xi32>
    %shift_right_logical3A_3215 = arith.shrui %xor3A_3208, %shift_right_logical3A_3214 : vector<128x128xi32>
    %or3A_3216 = arith.ori %shift_left3A_3212, %shift_right_logical3A_3215 : vector<128x128xi32>
    %xor3A_3217 = arith.xori %or3A_3216, %add3A_3209 : vector<128x128xi32>
    %add3A_3218 = arith.constant 42 : i32
    %add3A_3219 = vector.broadcast %add3A_3218 : i32 to vector<128x128xi32>
    %add3A_3220 = arith.addi %add3A_3209, %add3A_3219 : vector<128x128xi32>
    %add3A_3221 = arith.constant 466689012 : i32
    %add3A_3222 = vector.broadcast %add3A_3221 : i32 to vector<128x128xi32>
    %add3A_3223 = arith.addi %xor3A_3217, %add3A_3222 : vector<128x128xi32>
    %add3A_3224 = arith.addi %add3A_3220, %add3A_3223 : vector<128x128xi32>
    %shift_left3A_3225 = arith.constant 13 : i32
    %shift_left3A_3226 = vector.broadcast %shift_left3A_3225 : i32 to vector<128x128xi32>
    %shift_left3A_3227 = arith.shli %add3A_3223, %shift_left3A_3226 : vector<128x128xi32>
    %shift_right_logical3A_3228 = arith.constant 19 : i32
    %shift_right_logical3A_3229 = vector.broadcast %shift_right_logical3A_3228 : i32 to vector<128x128xi32>
    %shift_right_logical3A_3230 = arith.shrui %add3A_3223, %shift_right_logical3A_3229 : vector<128x128xi32>
    %or3A_3231 = arith.ori %shift_left3A_3227, %shift_right_logical3A_3230 : vector<128x128xi32>
    %xor3A_3232 = arith.xori %or3A_3231, %add3A_3224 : vector<128x128xi32>
    %add3A_3233 = arith.addi %add3A_3224, %xor3A_3232 : vector<128x128xi32>
    %shift_left3A_3234 = arith.constant 15 : i32
    %shift_left3A_3235 = vector.broadcast %shift_left3A_3234 : i32 to vector<128x128xi32>
    %shift_left3A_3236 = arith.shli %xor3A_3232, %shift_left3A_3235 : vector<128x128xi32>
    %shift_right_logical3A_3237 = arith.constant 17 : i32
    %shift_right_logical3A_3238 = vector.broadcast %shift_right_logical3A_3237 : i32 to vector<128x128xi32>
    %shift_right_logical3A_3239 = arith.shrui %xor3A_3232, %shift_right_logical3A_3238 : vector<128x128xi32>
    %or3A_3240 = arith.ori %shift_left3A_3236, %shift_right_logical3A_3239 : vector<128x128xi32>
    %xor3A_3241 = arith.xori %or3A_3240, %add3A_3233 : vector<128x128xi32>
    %add3A_3242 = arith.addi %add3A_3233, %xor3A_3241 : vector<128x128xi32>
    %shift_left3A_3243 = arith.constant 26 : i32
    %shift_left3A_3244 = vector.broadcast %shift_left3A_3243 : i32 to vector<128x128xi32>
    %shift_left3A_3245 = arith.shli %xor3A_3241, %shift_left3A_3244 : vector<128x128xi32>
    %shift_right_logical3A_3246 = arith.constant 6 : i32
    %shift_right_logical3A_3247 = vector.broadcast %shift_right_logical3A_3246 : i32 to vector<128x128xi32>
    %shift_right_logical3A_3248 = arith.shrui %xor3A_3241, %shift_right_logical3A_3247 : vector<128x128xi32>
    %or3A_3249 = arith.ori %shift_left3A_3245, %shift_right_logical3A_3248 : vector<128x128xi32>
    %xor3A_3250 = arith.xori %or3A_3249, %add3A_3242 : vector<128x128xi32>
    %add3A_3251 = arith.addi %add3A_3242, %xor3A_3250 : vector<128x128xi32>
    %shift_left3A_3252 = arith.constant 6 : i32
    %shift_left3A_3253 = vector.broadcast %shift_left3A_3252 : i32 to vector<128x128xi32>
    %shift_left3A_3254 = arith.shli %xor3A_3250, %shift_left3A_3253 : vector<128x128xi32>
    %shift_right_logical3A_3255 = arith.constant 26 : i32
    %shift_right_logical3A_3256 = vector.broadcast %shift_right_logical3A_3255 : i32 to vector<128x128xi32>
    %shift_right_logical3A_3257 = arith.shrui %xor3A_3250, %shift_right_logical3A_3256 : vector<128x128xi32>
    %or3A_3258 = arith.ori %shift_left3A_3254, %shift_right_logical3A_3257 : vector<128x128xi32>
    %xor3A_3259 = arith.xori %or3A_3258, %add3A_3251 : vector<128x128xi32>
    %add3A_3260 = arith.constant 466689008 : i32
    %add3A_3261 = vector.broadcast %add3A_3260 : i32 to vector<128x128xi32>
    %add3A_3262 = arith.addi %add3A_3251, %add3A_3261 : vector<128x128xi32>
    %add3A_3263 = arith.constant 5 : i32
    %add3A_3264 = vector.broadcast %add3A_3263 : i32 to vector<128x128xi32>
    %add3A_3265 = arith.addi %xor3A_3259, %add3A_3264 : vector<128x128xi32>
    %xor3A_3266 = arith.xori %add3A_3262, %add3A_3265 : vector<128x128xi32>
    %shift_right_logical3A_3267 = arith.constant 9 : i32
    %shift_right_logical3A_3268 = vector.broadcast %shift_right_logical3A_3267 : i32 to vector<128x128xi32>
    %shift_right_logical3A_3269 = arith.shrui %xor3A_3266, %shift_right_logical3A_3268 : vector<128x128xi32>
    %or3A_3270 = arith.constant 1065353216 : i32
    %or3A_3271 = vector.broadcast %or3A_3270 : i32 to vector<128x128xi32>
    %or3A_3272 = arith.ori %shift_right_logical3A_3269, %or3A_3271 : vector<128x128xi32>
    %bitcast_convert_type3A_3273 = tpu.bitcast %or3A_3272 : vector<128x128xi32> -> vector<128x128xf32>
    %sub3A_3274 = arith.constant 1.000000e+00 : f32
    %sub3A_3275 = vector.broadcast %sub3A_3274 : f32 to vector<128x128xf32>
    %sub3A_3276 = arith.subf %bitcast_convert_type3A_3273, %sub3A_3275 : vector<128x128xf32>
    %max3A_3277 = arith.constant 1.17549435E-38 : f32
    %max3A_3278 = vector.broadcast %max3A_3277 : f32 to vector<128x128xf32>
    %max3A_3279 = arith.maximumf %max3A_3278, %sub3A_3276 : vector<128x128xf32>
    %log3A_3280 = math.log %max3A_3279 : vector<128x128xf32>
    %neg3A_3281 = arith.constant 0.000000e+00 : f32
    %neg3A_3282 = vector.broadcast %neg3A_3281 : f32 to vector<128x128xf32>
    %neg3A_3283 = arith.subf %neg3A_3282, %log3A_3280 : vector<128x128xf32>
    %log3A_3284 = math.log %neg3A_3283 : vector<128x128xf32>
    %neg3A_3285 = arith.constant 0.000000e+00 : f32
    %neg3A_3286 = vector.broadcast %neg3A_3285 : f32 to vector<128x128xf32>
    %neg3A_3287 = arith.subf %neg3A_3286, %log3A_3284 : vector<128x128xf32>
    %add3A_3288 = arith.addf %concatenate3A, %neg3A_3287 : vector<128x128xf32>
    %reduce_max3A_3289 = arith.constant dense<0xFF800000> : vector<128xf32>
    %reduce_max3A_3290 = vector.multi_reduction <maximumf>, %add3A_3288, %reduce_max3A_3289 [0] : vector<128x128xf32> to vector<128xf32>
    %broadcast_in_dim3A_3291 = vector.shape_cast %reduce_max3A_3290 : vector<128xf32> to vector<1x128xf32>
    %squeeze3A_3292 = vector.shape_cast %broadcast_in_dim3A_3291 : vector<1x128xf32> to vector<128xf32>
    %broadcast_in_dim3A_3293 = vector.shape_cast %squeeze3A_3292 : vector<128xf32> to vector<1x128xf32>
    %eq3A_3294 = vector.broadcast %broadcast_in_dim3A_3293 : vector<1x128xf32> to vector<128x128xf32>
    %eq3A_3295 = arith.cmpf oeq, %add3A_3288, %eq3A_3294 : vector<128x128xf32>
    %jit3A_3296 = arith.constant 1073741824 : i32
    %broadcast_in_dim3A_3297 = vector.broadcast %jit3A_3296 : i32 to vector<128x128xi32>
    %select_n3A_3298 = arith.select %eq3A_3295, %add3A_24, %broadcast_in_dim3A_3297 : vector<128x128xi1>, vector<128x128xi32>
    %reduce_min3A_3299 = arith.constant dense<2147483647> : vector<128xi32>
    %reduce_min3A_3300 = vector.multi_reduction <minsi>, %select_n3A_3298, %reduce_min3A_3299 [0] : vector<128x128xi32> to vector<128xi32>
    %broadcast_in_dim3A_3301 = vector.shape_cast %reduce_min3A_3300 : vector<128xi32> to vector<1x128xi32>
    %squeeze3A_3302 = vector.shape_cast %broadcast_in_dim3A_3301 : vector<1x128xi32> to vector<128xi32>
    %get3A_3303 = arith.constant 11 : index
    %get3A_3304 = arith.constant 0 : index
    %get3A_3305 = vector.load %arg5[%get3A_3303, %get3A_3304] : memref<16x128xf32, #tpu.memory_space<vmem>>, vector<1x128xf32>
    %get3A_3306 = vector.shape_cast %get3A_3305 : vector<1x128xf32> to vector<128xf32>
    %get3A_3307 = arith.constant 11 : index
    %get3A_3308 = arith.constant 0 : index
    %get3A_3309 = vector.load %arg6[%get3A_3307, %get3A_3308] : memref<16x128xi32, #tpu.memory_space<vmem>>, vector<1x128xi32>
    %get3A_3310 = vector.shape_cast %get3A_3309 : vector<1x128xi32> to vector<128xi32>
    %gt3A_3311 = arith.cmpf ogt, %squeeze3A_3292, %get3A_3306 : vector<128xf32>
    %or3A_3312 = vector.broadcast %eq3A_36 : i1 to vector<128xi1>
    %or3A_3313 = arith.ori %or3A_3312, %gt3A_3311 : vector<128xi1>
    %select_n3A_3314 = arith.select %or3A_3313, %squeeze3A_3292, %get3A_3306 : vector<128xi1>, vector<128xf32>
    %swap3A_3315 = arith.constant 11 : index
    %swap3A_3316 = arith.constant 0 : index
    %swap3A_3317 = vector.load %arg5[%swap3A_3315, %swap3A_3316] : memref<16x128xf32, #tpu.memory_space<vmem>>, vector<1x128xf32>
    %swap3A_3318 = vector.shape_cast %swap3A_3317 : vector<1x128xf32> to vector<128xf32>
    %swap3A_3319 = vector.shape_cast %select_n3A_3314 : vector<128xf32> to vector<1x128xf32>
    tpu.vector_store %arg5[%swap3A_3315, %swap3A_3316], %swap3A_3319 {strides = array<i32>} : memref<16x128xf32, #tpu.memory_space<vmem>>, vector<1x128xf32>,
    %select_n3A_3320 = arith.select %or3A_3313, %squeeze3A_3302, %get3A_3310 : vector<128xi1>, vector<128xi32>
    %swap3A_3321 = arith.constant 11 : index
    %swap3A_3322 = arith.constant 0 : index
    %swap3A_3323 = vector.load %arg6[%swap3A_3321, %swap3A_3322] : memref<16x128xi32, #tpu.memory_space<vmem>>, vector<1x128xi32>
    %swap3A_3324 = vector.shape_cast %swap3A_3323 : vector<1x128xi32> to vector<128xi32>
    %swap3A_3325 = vector.shape_cast %select_n3A_3320 : vector<128xi32> to vector<1x128xi32>
    tpu.vector_store %arg6[%swap3A_3321, %swap3A_3322], %swap3A_3325 {strides = array<i32>} : memref<16x128xi32, #tpu.memory_space<vmem>>, vector<1x128xi32>,
    %add3A_3326 = arith.constant 50331648 : i32
    %add3A_3327 = vector.broadcast %add3A_3326 : i32 to vector<128x128xi32>
    %add3A_3328 = arith.addi %add3A_35, %add3A_3327 : vector<128x128xi32>
    %add3A_3329 = arith.constant 42 : i32
    %add3A_3330 = vector.broadcast %add3A_3329 : i32 to vector<128x128xi32>
    %add3A_3331 = arith.addi %add3A_3328, %add3A_3330 : vector<128x128xi32>
    %shift_left3A_3332 = arith.constant 13 : i32
    %shift_left3A_3333 = vector.broadcast %shift_left3A_3332 : i32 to vector<128x128xi32>
    %shift_left3A_3334 = arith.shli %add3A_3331, %shift_left3A_3333 : vector<128x128xi32>
    %shift_right_logical3A_3335 = arith.constant 19 : i32
    %shift_right_logical3A_3336 = vector.broadcast %shift_right_logical3A_3335 : i32 to vector<128x128xi32>
    %shift_right_logical3A_3337 = arith.shrui %add3A_3331, %shift_right_logical3A_3336 : vector<128x128xi32>
    %or3A_3338 = arith.ori %shift_left3A_3334, %shift_right_logical3A_3337 : vector<128x128xi32>
    %xor3A_3339 = arith.xori %or3A_3338, %add3A_3331 : vector<128x128xi32>
    %add3A_3340 = arith.addi %add3A_3331, %xor3A_3339 : vector<128x128xi32>
    %shift_left3A_3341 = arith.constant 15 : i32
    %shift_left3A_3342 = vector.broadcast %shift_left3A_3341 : i32 to vector<128x128xi32>
    %shift_left3A_3343 = arith.shli %xor3A_3339, %shift_left3A_3342 : vector<128x128xi32>
    %shift_right_logical3A_3344 = arith.constant 17 : i32
    %shift_right_logical3A_3345 = vector.broadcast %shift_right_logical3A_3344 : i32 to vector<128x128xi32>
    %shift_right_logical3A_3346 = arith.shrui %xor3A_3339, %shift_right_logical3A_3345 : vector<128x128xi32>
    %or3A_3347 = arith.ori %shift_left3A_3343, %shift_right_logical3A_3346 : vector<128x128xi32>
    %xor3A_3348 = arith.xori %or3A_3347, %add3A_3340 : vector<128x128xi32>
    %add3A_3349 = arith.addi %add3A_3340, %xor3A_3348 : vector<128x128xi32>
    %shift_left3A_3350 = arith.constant 26 : i32
    %shift_left3A_3351 = vector.broadcast %shift_left3A_3350 : i32 to vector<128x128xi32>
    %shift_left3A_3352 = arith.shli %xor3A_3348, %shift_left3A_3351 : vector<128x128xi32>
    %shift_right_logical3A_3353 = arith.constant 6 : i32
    %shift_right_logical3A_3354 = vector.broadcast %shift_right_logical3A_3353 : i32 to vector<128x128xi32>
    %shift_right_logical3A_3355 = arith.shrui %xor3A_3348, %shift_right_logical3A_3354 : vector<128x128xi32>
    %or3A_3356 = arith.ori %shift_left3A_3352, %shift_right_logical3A_3355 : vector<128x128xi32>
    %xor3A_3357 = arith.xori %or3A_3356, %add3A_3349 : vector<128x128xi32>
    %add3A_3358 = arith.addi %add3A_3349, %xor3A_3357 : vector<128x128xi32>
    %shift_left3A_3359 = arith.constant 6 : i32
    %shift_left3A_3360 = vector.broadcast %shift_left3A_3359 : i32 to vector<128x128xi32>
    %shift_left3A_3361 = arith.shli %xor3A_3357, %shift_left3A_3360 : vector<128x128xi32>
    %shift_right_logical3A_3362 = arith.constant 26 : i32
    %shift_right_logical3A_3363 = vector.broadcast %shift_right_logical3A_3362 : i32 to vector<128x128xi32>
    %shift_right_logical3A_3364 = arith.shrui %xor3A_3357, %shift_right_logical3A_3363 : vector<128x128xi32>
    %or3A_3365 = arith.ori %shift_left3A_3361, %shift_right_logical3A_3364 : vector<128x128xi32>
    %xor3A_3366 = arith.xori %or3A_3365, %add3A_3358 : vector<128x128xi32>
    %add3A_3367 = arith.constant 42 : i32
    %add3A_3368 = vector.broadcast %add3A_3367 : i32 to vector<128x128xi32>
    %add3A_3369 = arith.addi %add3A_3358, %add3A_3368 : vector<128x128xi32>
    %add3A_3370 = arith.constant 466689009 : i32
    %add3A_3371 = vector.broadcast %add3A_3370 : i32 to vector<128x128xi32>
    %add3A_3372 = arith.addi %xor3A_3366, %add3A_3371 : vector<128x128xi32>
    %add3A_3373 = arith.addi %add3A_3369, %add3A_3372 : vector<128x128xi32>
    %shift_left3A_3374 = arith.constant 17 : i32
    %shift_left3A_3375 = vector.broadcast %shift_left3A_3374 : i32 to vector<128x128xi32>
    %shift_left3A_3376 = arith.shli %add3A_3372, %shift_left3A_3375 : vector<128x128xi32>
    %shift_right_logical3A_3377 = arith.constant 15 : i32
    %shift_right_logical3A_3378 = vector.broadcast %shift_right_logical3A_3377 : i32 to vector<128x128xi32>
    %shift_right_logical3A_3379 = arith.shrui %add3A_3372, %shift_right_logical3A_3378 : vector<128x128xi32>
    %or3A_3380 = arith.ori %shift_left3A_3376, %shift_right_logical3A_3379 : vector<128x128xi32>
    %xor3A_3381 = arith.xori %or3A_3380, %add3A_3373 : vector<128x128xi32>
    %add3A_3382 = arith.addi %add3A_3373, %xor3A_3381 : vector<128x128xi32>
    %shift_left3A_3383 = arith.constant 29 : i32
    %shift_left3A_3384 = vector.broadcast %shift_left3A_3383 : i32 to vector<128x128xi32>
    %shift_left3A_3385 = arith.shli %xor3A_3381, %shift_left3A_3384 : vector<128x128xi32>
    %shift_right_logical3A_3386 = arith.constant 3 : i32
    %shift_right_logical3A_3387 = vector.broadcast %shift_right_logical3A_3386 : i32 to vector<128x128xi32>
    %shift_right_logical3A_3388 = arith.shrui %xor3A_3381, %shift_right_logical3A_3387 : vector<128x128xi32>
    %or3A_3389 = arith.ori %shift_left3A_3385, %shift_right_logical3A_3388 : vector<128x128xi32>
    %xor3A_3390 = arith.xori %or3A_3389, %add3A_3382 : vector<128x128xi32>
    %add3A_3391 = arith.addi %add3A_3382, %xor3A_3390 : vector<128x128xi32>
    %shift_left3A_3392 = arith.constant 16 : i32
    %shift_left3A_3393 = vector.broadcast %shift_left3A_3392 : i32 to vector<128x128xi32>
    %shift_left3A_3394 = arith.shli %xor3A_3390, %shift_left3A_3393 : vector<128x128xi32>
    %shift_right_logical3A_3395 = arith.constant 16 : i32
    %shift_right_logical3A_3396 = vector.broadcast %shift_right_logical3A_3395 : i32 to vector<128x128xi32>
    %shift_right_logical3A_3397 = arith.shrui %xor3A_3390, %shift_right_logical3A_3396 : vector<128x128xi32>
    %or3A_3398 = arith.ori %shift_left3A_3394, %shift_right_logical3A_3397 : vector<128x128xi32>
    %xor3A_3399 = arith.xori %or3A_3398, %add3A_3391 : vector<128x128xi32>
    %add3A_3400 = arith.addi %add3A_3391, %xor3A_3399 : vector<128x128xi32>
    %shift_left3A_3401 = arith.constant 24 : i32
    %shift_left3A_3402 = vector.broadcast %shift_left3A_3401 : i32 to vector<128x128xi32>
    %shift_left3A_3403 = arith.shli %xor3A_3399, %shift_left3A_3402 : vector<128x128xi32>
    %shift_right_logical3A_3404 = arith.constant 8 : i32
    %shift_right_logical3A_3405 = vector.broadcast %shift_right_logical3A_3404 : i32 to vector<128x128xi32>
    %shift_right_logical3A_3406 = arith.shrui %xor3A_3399, %shift_right_logical3A_3405 : vector<128x128xi32>
    %or3A_3407 = arith.ori %shift_left3A_3403, %shift_right_logical3A_3406 : vector<128x128xi32>
    %xor3A_3408 = arith.xori %or3A_3407, %add3A_3400 : vector<128x128xi32>
    %add3A_3409 = arith.constant 466689008 : i32
    %add3A_3410 = vector.broadcast %add3A_3409 : i32 to vector<128x128xi32>
    %add3A_3411 = arith.addi %add3A_3400, %add3A_3410 : vector<128x128xi32>
    %add3A_3412 = arith.constant 2 : i32
    %add3A_3413 = vector.broadcast %add3A_3412 : i32 to vector<128x128xi32>
    %add3A_3414 = arith.addi %xor3A_3408, %add3A_3413 : vector<128x128xi32>
    %add3A_3415 = arith.addi %add3A_3411, %add3A_3414 : vector<128x128xi32>
    %shift_left3A_3416 = arith.constant 13 : i32
    %shift_left3A_3417 = vector.broadcast %shift_left3A_3416 : i32 to vector<128x128xi32>
    %shift_left3A_3418 = arith.shli %add3A_3414, %shift_left3A_3417 : vector<128x128xi32>
    %shift_right_logical3A_3419 = arith.constant 19 : i32
    %shift_right_logical3A_3420 = vector.broadcast %shift_right_logical3A_3419 : i32 to vector<128x128xi32>
    %shift_right_logical3A_3421 = arith.shrui %add3A_3414, %shift_right_logical3A_3420 : vector<128x128xi32>
    %or3A_3422 = arith.ori %shift_left3A_3418, %shift_right_logical3A_3421 : vector<128x128xi32>
    %xor3A_3423 = arith.xori %or3A_3422, %add3A_3415 : vector<128x128xi32>
    %add3A_3424 = arith.addi %add3A_3415, %xor3A_3423 : vector<128x128xi32>
    %shift_left3A_3425 = arith.constant 15 : i32
    %shift_left3A_3426 = vector.broadcast %shift_left3A_3425 : i32 to vector<128x128xi32>
    %shift_left3A_3427 = arith.shli %xor3A_3423, %shift_left3A_3426 : vector<128x128xi32>
    %shift_right_logical3A_3428 = arith.constant 17 : i32
    %shift_right_logical3A_3429 = vector.broadcast %shift_right_logical3A_3428 : i32 to vector<128x128xi32>
    %shift_right_logical3A_3430 = arith.shrui %xor3A_3423, %shift_right_logical3A_3429 : vector<128x128xi32>
    %or3A_3431 = arith.ori %shift_left3A_3427, %shift_right_logical3A_3430 : vector<128x128xi32>
    %xor3A_3432 = arith.xori %or3A_3431, %add3A_3424 : vector<128x128xi32>
    %add3A_3433 = arith.addi %add3A_3424, %xor3A_3432 : vector<128x128xi32>
    %shift_left3A_3434 = arith.constant 26 : i32
    %shift_left3A_3435 = vector.broadcast %shift_left3A_3434 : i32 to vector<128x128xi32>
    %shift_left3A_3436 = arith.shli %xor3A_3432, %shift_left3A_3435 : vector<128x128xi32>
    %shift_right_logical3A_3437 = arith.constant 6 : i32
    %shift_right_logical3A_3438 = vector.broadcast %shift_right_logical3A_3437 : i32 to vector<128x128xi32>
    %shift_right_logical3A_3439 = arith.shrui %xor3A_3432, %shift_right_logical3A_3438 : vector<128x128xi32>
    %or3A_3440 = arith.ori %shift_left3A_3436, %shift_right_logical3A_3439 : vector<128x128xi32>
    %xor3A_3441 = arith.xori %or3A_3440, %add3A_3433 : vector<128x128xi32>
    %add3A_3442 = arith.addi %add3A_3433, %xor3A_3441 : vector<128x128xi32>
    %shift_left3A_3443 = arith.constant 6 : i32
    %shift_left3A_3444 = vector.broadcast %shift_left3A_3443 : i32 to vector<128x128xi32>
    %shift_left3A_3445 = arith.shli %xor3A_3441, %shift_left3A_3444 : vector<128x128xi32>
    %shift_right_logical3A_3446 = arith.constant 26 : i32
    %shift_right_logical3A_3447 = vector.broadcast %shift_right_logical3A_3446 : i32 to vector<128x128xi32>
    %shift_right_logical3A_3448 = arith.shrui %xor3A_3441, %shift_right_logical3A_3447 : vector<128x128xi32>
    %or3A_3449 = arith.ori %shift_left3A_3445, %shift_right_logical3A_3448 : vector<128x128xi32>
    %xor3A_3450 = arith.xori %or3A_3449, %add3A_3442 : vector<128x128xi32>
    %add3A_3451 = arith.constant 0 : i32
    %add3A_3452 = vector.broadcast %add3A_3451 : i32 to vector<128x128xi32>
    %add3A_3453 = arith.addi %add3A_3442, %add3A_3452 : vector<128x128xi32>
    %add3A_3454 = arith.constant 45 : i32
    %add3A_3455 = vector.broadcast %add3A_3454 : i32 to vector<128x128xi32>
    %add3A_3456 = arith.addi %xor3A_3450, %add3A_3455 : vector<128x128xi32>
    %add3A_3457 = arith.addi %add3A_3453, %add3A_3456 : vector<128x128xi32>
    %shift_left3A_3458 = arith.constant 17 : i32
    %shift_left3A_3459 = vector.broadcast %shift_left3A_3458 : i32 to vector<128x128xi32>
    %shift_left3A_3460 = arith.shli %add3A_3456, %shift_left3A_3459 : vector<128x128xi32>
    %shift_right_logical3A_3461 = arith.constant 15 : i32
    %shift_right_logical3A_3462 = vector.broadcast %shift_right_logical3A_3461 : i32 to vector<128x128xi32>
    %shift_right_logical3A_3463 = arith.shrui %add3A_3456, %shift_right_logical3A_3462 : vector<128x128xi32>
    %or3A_3464 = arith.ori %shift_left3A_3460, %shift_right_logical3A_3463 : vector<128x128xi32>
    %xor3A_3465 = arith.xori %or3A_3464, %add3A_3457 : vector<128x128xi32>
    %add3A_3466 = arith.addi %add3A_3457, %xor3A_3465 : vector<128x128xi32>
    %shift_left3A_3467 = arith.constant 29 : i32
    %shift_left3A_3468 = vector.broadcast %shift_left3A_3467 : i32 to vector<128x128xi32>
    %shift_left3A_3469 = arith.shli %xor3A_3465, %shift_left3A_3468 : vector<128x128xi32>
    %shift_right_logical3A_3470 = arith.constant 3 : i32
    %shift_right_logical3A_3471 = vector.broadcast %shift_right_logical3A_3470 : i32 to vector<128x128xi32>
    %shift_right_logical3A_3472 = arith.shrui %xor3A_3465, %shift_right_logical3A_3471 : vector<128x128xi32>
    %or3A_3473 = arith.ori %shift_left3A_3469, %shift_right_logical3A_3472 : vector<128x128xi32>
    %xor3A_3474 = arith.xori %or3A_3473, %add3A_3466 : vector<128x128xi32>
    %add3A_3475 = arith.addi %add3A_3466, %xor3A_3474 : vector<128x128xi32>
    %shift_left3A_3476 = arith.constant 16 : i32
    %shift_left3A_3477 = vector.broadcast %shift_left3A_3476 : i32 to vector<128x128xi32>
    %shift_left3A_3478 = arith.shli %xor3A_3474, %shift_left3A_3477 : vector<128x128xi32>
    %shift_right_logical3A_3479 = arith.constant 16 : i32
    %shift_right_logical3A_3480 = vector.broadcast %shift_right_logical3A_3479 : i32 to vector<128x128xi32>
    %shift_right_logical3A_3481 = arith.shrui %xor3A_3474, %shift_right_logical3A_3480 : vector<128x128xi32>
    %or3A_3482 = arith.ori %shift_left3A_3478, %shift_right_logical3A_3481 : vector<128x128xi32>
    %xor3A_3483 = arith.xori %or3A_3482, %add3A_3475 : vector<128x128xi32>
    %add3A_3484 = arith.addi %add3A_3475, %xor3A_3483 : vector<128x128xi32>
    %shift_left3A_3485 = arith.constant 24 : i32
    %shift_left3A_3486 = vector.broadcast %shift_left3A_3485 : i32 to vector<128x128xi32>
    %shift_left3A_3487 = arith.shli %xor3A_3483, %shift_left3A_3486 : vector<128x128xi32>
    %shift_right_logical3A_3488 = arith.constant 8 : i32
    %shift_right_logical3A_3489 = vector.broadcast %shift_right_logical3A_3488 : i32 to vector<128x128xi32>
    %shift_right_logical3A_3490 = arith.shrui %xor3A_3483, %shift_right_logical3A_3489 : vector<128x128xi32>
    %or3A_3491 = arith.ori %shift_left3A_3487, %shift_right_logical3A_3490 : vector<128x128xi32>
    %xor3A_3492 = arith.xori %or3A_3491, %add3A_3484 : vector<128x128xi32>
    %add3A_3493 = arith.constant 42 : i32
    %add3A_3494 = vector.broadcast %add3A_3493 : i32 to vector<128x128xi32>
    %add3A_3495 = arith.addi %add3A_3484, %add3A_3494 : vector<128x128xi32>
    %add3A_3496 = arith.constant 466689012 : i32
    %add3A_3497 = vector.broadcast %add3A_3496 : i32 to vector<128x128xi32>
    %add3A_3498 = arith.addi %xor3A_3492, %add3A_3497 : vector<128x128xi32>
    %add3A_3499 = arith.addi %add3A_3495, %add3A_3498 : vector<128x128xi32>
    %shift_left3A_3500 = arith.constant 13 : i32
    %shift_left3A_3501 = vector.broadcast %shift_left3A_3500 : i32 to vector<128x128xi32>
    %shift_left3A_3502 = arith.shli %add3A_3498, %shift_left3A_3501 : vector<128x128xi32>
    %shift_right_logical3A_3503 = arith.constant 19 : i32
    %shift_right_logical3A_3504 = vector.broadcast %shift_right_logical3A_3503 : i32 to vector<128x128xi32>
    %shift_right_logical3A_3505 = arith.shrui %add3A_3498, %shift_right_logical3A_3504 : vector<128x128xi32>
    %or3A_3506 = arith.ori %shift_left3A_3502, %shift_right_logical3A_3505 : vector<128x128xi32>
    %xor3A_3507 = arith.xori %or3A_3506, %add3A_3499 : vector<128x128xi32>
    %add3A_3508 = arith.addi %add3A_3499, %xor3A_3507 : vector<128x128xi32>
    %shift_left3A_3509 = arith.constant 15 : i32
    %shift_left3A_3510 = vector.broadcast %shift_left3A_3509 : i32 to vector<128x128xi32>
    %shift_left3A_3511 = arith.shli %xor3A_3507, %shift_left3A_3510 : vector<128x128xi32>
    %shift_right_logical3A_3512 = arith.constant 17 : i32
    %shift_right_logical3A_3513 = vector.broadcast %shift_right_logical3A_3512 : i32 to vector<128x128xi32>
    %shift_right_logical3A_3514 = arith.shrui %xor3A_3507, %shift_right_logical3A_3513 : vector<128x128xi32>
    %or3A_3515 = arith.ori %shift_left3A_3511, %shift_right_logical3A_3514 : vector<128x128xi32>
    %xor3A_3516 = arith.xori %or3A_3515, %add3A_3508 : vector<128x128xi32>
    %add3A_3517 = arith.addi %add3A_3508, %xor3A_3516 : vector<128x128xi32>
    %shift_left3A_3518 = arith.constant 26 : i32
    %shift_left3A_3519 = vector.broadcast %shift_left3A_3518 : i32 to vector<128x128xi32>
    %shift_left3A_3520 = arith.shli %xor3A_3516, %shift_left3A_3519 : vector<128x128xi32>
    %shift_right_logical3A_3521 = arith.constant 6 : i32
    %shift_right_logical3A_3522 = vector.broadcast %shift_right_logical3A_3521 : i32 to vector<128x128xi32>
    %shift_right_logical3A_3523 = arith.shrui %xor3A_3516, %shift_right_logical3A_3522 : vector<128x128xi32>
    %or3A_3524 = arith.ori %shift_left3A_3520, %shift_right_logical3A_3523 : vector<128x128xi32>
    %xor3A_3525 = arith.xori %or3A_3524, %add3A_3517 : vector<128x128xi32>
    %add3A_3526 = arith.addi %add3A_3517, %xor3A_3525 : vector<128x128xi32>
    %shift_left3A_3527 = arith.constant 6 : i32
    %shift_left3A_3528 = vector.broadcast %shift_left3A_3527 : i32 to vector<128x128xi32>
    %shift_left3A_3529 = arith.shli %xor3A_3525, %shift_left3A_3528 : vector<128x128xi32>
    %shift_right_logical3A_3530 = arith.constant 26 : i32
    %shift_right_logical3A_3531 = vector.broadcast %shift_right_logical3A_3530 : i32 to vector<128x128xi32>
    %shift_right_logical3A_3532 = arith.shrui %xor3A_3525, %shift_right_logical3A_3531 : vector<128x128xi32>
    %or3A_3533 = arith.ori %shift_left3A_3529, %shift_right_logical3A_3532 : vector<128x128xi32>
    %xor3A_3534 = arith.xori %or3A_3533, %add3A_3526 : vector<128x128xi32>
    %add3A_3535 = arith.constant 466689008 : i32
    %add3A_3536 = vector.broadcast %add3A_3535 : i32 to vector<128x128xi32>
    %add3A_3537 = arith.addi %add3A_3526, %add3A_3536 : vector<128x128xi32>
    %add3A_3538 = arith.constant 5 : i32
    %add3A_3539 = vector.broadcast %add3A_3538 : i32 to vector<128x128xi32>
    %add3A_3540 = arith.addi %xor3A_3534, %add3A_3539 : vector<128x128xi32>
    %xor3A_3541 = arith.xori %add3A_3537, %add3A_3540 : vector<128x128xi32>
    %shift_right_logical3A_3542 = arith.constant 9 : i32
    %shift_right_logical3A_3543 = vector.broadcast %shift_right_logical3A_3542 : i32 to vector<128x128xi32>
    %shift_right_logical3A_3544 = arith.shrui %xor3A_3541, %shift_right_logical3A_3543 : vector<128x128xi32>
    %or3A_3545 = arith.constant 1065353216 : i32
    %or3A_3546 = vector.broadcast %or3A_3545 : i32 to vector<128x128xi32>
    %or3A_3547 = arith.ori %shift_right_logical3A_3544, %or3A_3546 : vector<128x128xi32>
    %bitcast_convert_type3A_3548 = tpu.bitcast %or3A_3547 : vector<128x128xi32> -> vector<128x128xf32>
    %sub3A_3549 = arith.constant 1.000000e+00 : f32
    %sub3A_3550 = vector.broadcast %sub3A_3549 : f32 to vector<128x128xf32>
    %sub3A_3551 = arith.subf %bitcast_convert_type3A_3548, %sub3A_3550 : vector<128x128xf32>
    %max3A_3552 = arith.constant 1.17549435E-38 : f32
    %max3A_3553 = vector.broadcast %max3A_3552 : f32 to vector<128x128xf32>
    %max3A_3554 = arith.maximumf %max3A_3553, %sub3A_3551 : vector<128x128xf32>
    %log3A_3555 = math.log %max3A_3554 : vector<128x128xf32>
    %neg3A_3556 = arith.constant 0.000000e+00 : f32
    %neg3A_3557 = vector.broadcast %neg3A_3556 : f32 to vector<128x128xf32>
    %neg3A_3558 = arith.subf %neg3A_3557, %log3A_3555 : vector<128x128xf32>
    %log3A_3559 = math.log %neg3A_3558 : vector<128x128xf32>
    %neg3A_3560 = arith.constant 0.000000e+00 : f32
    %neg3A_3561 = vector.broadcast %neg3A_3560 : f32 to vector<128x128xf32>
    %neg3A_3562 = arith.subf %neg3A_3561, %log3A_3559 : vector<128x128xf32>
    %add3A_3563 = arith.addf %concatenate3A, %neg3A_3562 : vector<128x128xf32>
    %reduce_max3A_3564 = arith.constant dense<0xFF800000> : vector<128xf32>
    %reduce_max3A_3565 = vector.multi_reduction <maximumf>, %add3A_3563, %reduce_max3A_3564 [0] : vector<128x128xf32> to vector<128xf32>
    %broadcast_in_dim3A_3566 = vector.shape_cast %reduce_max3A_3565 : vector<128xf32> to vector<1x128xf32>
    %squeeze3A_3567 = vector.shape_cast %broadcast_in_dim3A_3566 : vector<1x128xf32> to vector<128xf32>
    %broadcast_in_dim3A_3568 = vector.shape_cast %squeeze3A_3567 : vector<128xf32> to vector<1x128xf32>
    %eq3A_3569 = vector.broadcast %broadcast_in_dim3A_3568 : vector<1x128xf32> to vector<128x128xf32>
    %eq3A_3570 = arith.cmpf oeq, %add3A_3563, %eq3A_3569 : vector<128x128xf32>
    %jit3A_3571 = arith.constant 1073741824 : i32
    %broadcast_in_dim3A_3572 = vector.broadcast %jit3A_3571 : i32 to vector<128x128xi32>
    %select_n3A_3573 = arith.select %eq3A_3570, %add3A_24, %broadcast_in_dim3A_3572 : vector<128x128xi1>, vector<128x128xi32>
    %reduce_min3A_3574 = arith.constant dense<2147483647> : vector<128xi32>
    %reduce_min3A_3575 = vector.multi_reduction <minsi>, %select_n3A_3573, %reduce_min3A_3574 [0] : vector<128x128xi32> to vector<128xi32>
    %broadcast_in_dim3A_3576 = vector.shape_cast %reduce_min3A_3575 : vector<128xi32> to vector<1x128xi32>
    %squeeze3A_3577 = vector.shape_cast %broadcast_in_dim3A_3576 : vector<1x128xi32> to vector<128xi32>
    %get3A_3578 = arith.constant 12 : index
    %get3A_3579 = arith.constant 0 : index
    %get3A_3580 = vector.load %arg5[%get3A_3578, %get3A_3579] : memref<16x128xf32, #tpu.memory_space<vmem>>, vector<1x128xf32>
    %get3A_3581 = vector.shape_cast %get3A_3580 : vector<1x128xf32> to vector<128xf32>
    %get3A_3582 = arith.constant 12 : index
    %get3A_3583 = arith.constant 0 : index
    %get3A_3584 = vector.load %arg6[%get3A_3582, %get3A_3583] : memref<16x128xi32, #tpu.memory_space<vmem>>, vector<1x128xi32>
    %get3A_3585 = vector.shape_cast %get3A_3584 : vector<1x128xi32> to vector<128xi32>
    %gt3A_3586 = arith.cmpf ogt, %squeeze3A_3567, %get3A_3581 : vector<128xf32>
    %or3A_3587 = vector.broadcast %eq3A_36 : i1 to vector<128xi1>
    %or3A_3588 = arith.ori %or3A_3587, %gt3A_3586 : vector<128xi1>
    %select_n3A_3589 = arith.select %or3A_3588, %squeeze3A_3567, %get3A_3581 : vector<128xi1>, vector<128xf32>
    %swap3A_3590 = arith.constant 12 : index
    %swap3A_3591 = arith.constant 0 : index
    %swap3A_3592 = vector.load %arg5[%swap3A_3590, %swap3A_3591] : memref<16x128xf32, #tpu.memory_space<vmem>>, vector<1x128xf32>
    %swap3A_3593 = vector.shape_cast %swap3A_3592 : vector<1x128xf32> to vector<128xf32>
    %swap3A_3594 = vector.shape_cast %select_n3A_3589 : vector<128xf32> to vector<1x128xf32>
    tpu.vector_store %arg5[%swap3A_3590, %swap3A_3591], %swap3A_3594 {strides = array<i32>} : memref<16x128xf32, #tpu.memory_space<vmem>>, vector<1x128xf32>,
    %select_n3A_3595 = arith.select %or3A_3588, %squeeze3A_3577, %get3A_3585 : vector<128xi1>, vector<128xi32>
    %swap3A_3596 = arith.constant 12 : index
    %swap3A_3597 = arith.constant 0 : index
    %swap3A_3598 = vector.load %arg6[%swap3A_3596, %swap3A_3597] : memref<16x128xi32, #tpu.memory_space<vmem>>, vector<1x128xi32>
    %swap3A_3599 = vector.shape_cast %swap3A_3598 : vector<1x128xi32> to vector<128xi32>
    %swap3A_3600 = vector.shape_cast %select_n3A_3595 : vector<128xi32> to vector<1x128xi32>
    tpu.vector_store %arg6[%swap3A_3596, %swap3A_3597], %swap3A_3600 {strides = array<i32>} : memref<16x128xi32, #tpu.memory_space<vmem>>, vector<1x128xi32>,
    %add3A_3601 = arith.constant 54525952 : i32
    %add3A_3602 = vector.broadcast %add3A_3601 : i32 to vector<128x128xi32>
    %add3A_3603 = arith.addi %add3A_35, %add3A_3602 : vector<128x128xi32>
    %add3A_3604 = arith.constant 42 : i32
    %add3A_3605 = vector.broadcast %add3A_3604 : i32 to vector<128x128xi32>
    %add3A_3606 = arith.addi %add3A_3603, %add3A_3605 : vector<128x128xi32>
    %shift_left3A_3607 = arith.constant 13 : i32
    %shift_left3A_3608 = vector.broadcast %shift_left3A_3607 : i32 to vector<128x128xi32>
    %shift_left3A_3609 = arith.shli %add3A_3606, %shift_left3A_3608 : vector<128x128xi32>
    %shift_right_logical3A_3610 = arith.constant 19 : i32
    %shift_right_logical3A_3611 = vector.broadcast %shift_right_logical3A_3610 : i32 to vector<128x128xi32>
    %shift_right_logical3A_3612 = arith.shrui %add3A_3606, %shift_right_logical3A_3611 : vector<128x128xi32>
    %or3A_3613 = arith.ori %shift_left3A_3609, %shift_right_logical3A_3612 : vector<128x128xi32>
    %xor3A_3614 = arith.xori %or3A_3613, %add3A_3606 : vector<128x128xi32>
    %add3A_3615 = arith.addi %add3A_3606, %xor3A_3614 : vector<128x128xi32>
    %shift_left3A_3616 = arith.constant 15 : i32
    %shift_left3A_3617 = vector.broadcast %shift_left3A_3616 : i32 to vector<128x128xi32>
    %shift_left3A_3618 = arith.shli %xor3A_3614, %shift_left3A_3617 : vector<128x128xi32>
    %shift_right_logical3A_3619 = arith.constant 17 : i32
    %shift_right_logical3A_3620 = vector.broadcast %shift_right_logical3A_3619 : i32 to vector<128x128xi32>
    %shift_right_logical3A_3621 = arith.shrui %xor3A_3614, %shift_right_logical3A_3620 : vector<128x128xi32>
    %or3A_3622 = arith.ori %shift_left3A_3618, %shift_right_logical3A_3621 : vector<128x128xi32>
    %xor3A_3623 = arith.xori %or3A_3622, %add3A_3615 : vector<128x128xi32>
    %add3A_3624 = arith.addi %add3A_3615, %xor3A_3623 : vector<128x128xi32>
    %shift_left3A_3625 = arith.constant 26 : i32
    %shift_left3A_3626 = vector.broadcast %shift_left3A_3625 : i32 to vector<128x128xi32>
    %shift_left3A_3627 = arith.shli %xor3A_3623, %shift_left3A_3626 : vector<128x128xi32>
    %shift_right_logical3A_3628 = arith.constant 6 : i32
    %shift_right_logical3A_3629 = vector.broadcast %shift_right_logical3A_3628 : i32 to vector<128x128xi32>
    %shift_right_logical3A_3630 = arith.shrui %xor3A_3623, %shift_right_logical3A_3629 : vector<128x128xi32>
    %or3A_3631 = arith.ori %shift_left3A_3627, %shift_right_logical3A_3630 : vector<128x128xi32>
    %xor3A_3632 = arith.xori %or3A_3631, %add3A_3624 : vector<128x128xi32>
    %add3A_3633 = arith.addi %add3A_3624, %xor3A_3632 : vector<128x128xi32>
    %shift_left3A_3634 = arith.constant 6 : i32
    %shift_left3A_3635 = vector.broadcast %shift_left3A_3634 : i32 to vector<128x128xi32>
    %shift_left3A_3636 = arith.shli %xor3A_3632, %shift_left3A_3635 : vector<128x128xi32>
    %shift_right_logical3A_3637 = arith.constant 26 : i32
    %shift_right_logical3A_3638 = vector.broadcast %shift_right_logical3A_3637 : i32 to vector<128x128xi32>
    %shift_right_logical3A_3639 = arith.shrui %xor3A_3632, %shift_right_logical3A_3638 : vector<128x128xi32>
    %or3A_3640 = arith.ori %shift_left3A_3636, %shift_right_logical3A_3639 : vector<128x128xi32>
    %xor3A_3641 = arith.xori %or3A_3640, %add3A_3633 : vector<128x128xi32>
    %add3A_3642 = arith.constant 42 : i32
    %add3A_3643 = vector.broadcast %add3A_3642 : i32 to vector<128x128xi32>
    %add3A_3644 = arith.addi %add3A_3633, %add3A_3643 : vector<128x128xi32>
    %add3A_3645 = arith.constant 466689009 : i32
    %add3A_3646 = vector.broadcast %add3A_3645 : i32 to vector<128x128xi32>
    %add3A_3647 = arith.addi %xor3A_3641, %add3A_3646 : vector<128x128xi32>
    %add3A_3648 = arith.addi %add3A_3644, %add3A_3647 : vector<128x128xi32>
    %shift_left3A_3649 = arith.constant 17 : i32
    %shift_left3A_3650 = vector.broadcast %shift_left3A_3649 : i32 to vector<128x128xi32>
    %shift_left3A_3651 = arith.shli %add3A_3647, %shift_left3A_3650 : vector<128x128xi32>
    %shift_right_logical3A_3652 = arith.constant 15 : i32
    %shift_right_logical3A_3653 = vector.broadcast %shift_right_logical3A_3652 : i32 to vector<128x128xi32>
    %shift_right_logical3A_3654 = arith.shrui %add3A_3647, %shift_right_logical3A_3653 : vector<128x128xi32>
    %or3A_3655 = arith.ori %shift_left3A_3651, %shift_right_logical3A_3654 : vector<128x128xi32>
    %xor3A_3656 = arith.xori %or3A_3655, %add3A_3648 : vector<128x128xi32>
    %add3A_3657 = arith.addi %add3A_3648, %xor3A_3656 : vector<128x128xi32>
    %shift_left3A_3658 = arith.constant 29 : i32
    %shift_left3A_3659 = vector.broadcast %shift_left3A_3658 : i32 to vector<128x128xi32>
    %shift_left3A_3660 = arith.shli %xor3A_3656, %shift_left3A_3659 : vector<128x128xi32>
    %shift_right_logical3A_3661 = arith.constant 3 : i32
    %shift_right_logical3A_3662 = vector.broadcast %shift_right_logical3A_3661 : i32 to vector<128x128xi32>
    %shift_right_logical3A_3663 = arith.shrui %xor3A_3656, %shift_right_logical3A_3662 : vector<128x128xi32>
    %or3A_3664 = arith.ori %shift_left3A_3660, %shift_right_logical3A_3663 : vector<128x128xi32>
    %xor3A_3665 = arith.xori %or3A_3664, %add3A_3657 : vector<128x128xi32>
    %add3A_3666 = arith.addi %add3A_3657, %xor3A_3665 : vector<128x128xi32>
    %shift_left3A_3667 = arith.constant 16 : i32
    %shift_left3A_3668 = vector.broadcast %shift_left3A_3667 : i32 to vector<128x128xi32>
    %shift_left3A_3669 = arith.shli %xor3A_3665, %shift_left3A_3668 : vector<128x128xi32>
    %shift_right_logical3A_3670 = arith.constant 16 : i32
    %shift_right_logical3A_3671 = vector.broadcast %shift_right_logical3A_3670 : i32 to vector<128x128xi32>
    %shift_right_logical3A_3672 = arith.shrui %xor3A_3665, %shift_right_logical3A_3671 : vector<128x128xi32>
    %or3A_3673 = arith.ori %shift_left3A_3669, %shift_right_logical3A_3672 : vector<128x128xi32>
    %xor3A_3674 = arith.xori %or3A_3673, %add3A_3666 : vector<128x128xi32>
    %add3A_3675 = arith.addi %add3A_3666, %xor3A_3674 : vector<128x128xi32>
    %shift_left3A_3676 = arith.constant 24 : i32
    %shift_left3A_3677 = vector.broadcast %shift_left3A_3676 : i32 to vector<128x128xi32>
    %shift_left3A_3678 = arith.shli %xor3A_3674, %shift_left3A_3677 : vector<128x128xi32>
    %shift_right_logical3A_3679 = arith.constant 8 : i32
    %shift_right_logical3A_3680 = vector.broadcast %shift_right_logical3A_3679 : i32 to vector<128x128xi32>
    %shift_right_logical3A_3681 = arith.shrui %xor3A_3674, %shift_right_logical3A_3680 : vector<128x128xi32>
    %or3A_3682 = arith.ori %shift_left3A_3678, %shift_right_logical3A_3681 : vector<128x128xi32>
    %xor3A_3683 = arith.xori %or3A_3682, %add3A_3675 : vector<128x128xi32>
    %add3A_3684 = arith.constant 466689008 : i32
    %add3A_3685 = vector.broadcast %add3A_3684 : i32 to vector<128x128xi32>
    %add3A_3686 = arith.addi %add3A_3675, %add3A_3685 : vector<128x128xi32>
    %add3A_3687 = arith.constant 2 : i32
    %add3A_3688 = vector.broadcast %add3A_3687 : i32 to vector<128x128xi32>
    %add3A_3689 = arith.addi %xor3A_3683, %add3A_3688 : vector<128x128xi32>
    %add3A_3690 = arith.addi %add3A_3686, %add3A_3689 : vector<128x128xi32>
    %shift_left3A_3691 = arith.constant 13 : i32
    %shift_left3A_3692 = vector.broadcast %shift_left3A_3691 : i32 to vector<128x128xi32>
    %shift_left3A_3693 = arith.shli %add3A_3689, %shift_left3A_3692 : vector<128x128xi32>
    %shift_right_logical3A_3694 = arith.constant 19 : i32
    %shift_right_logical3A_3695 = vector.broadcast %shift_right_logical3A_3694 : i32 to vector<128x128xi32>
    %shift_right_logical3A_3696 = arith.shrui %add3A_3689, %shift_right_logical3A_3695 : vector<128x128xi32>
    %or3A_3697 = arith.ori %shift_left3A_3693, %shift_right_logical3A_3696 : vector<128x128xi32>
    %xor3A_3698 = arith.xori %or3A_3697, %add3A_3690 : vector<128x128xi32>
    %add3A_3699 = arith.addi %add3A_3690, %xor3A_3698 : vector<128x128xi32>
    %shift_left3A_3700 = arith.constant 15 : i32
    %shift_left3A_3701 = vector.broadcast %shift_left3A_3700 : i32 to vector<128x128xi32>
    %shift_left3A_3702 = arith.shli %xor3A_3698, %shift_left3A_3701 : vector<128x128xi32>
    %shift_right_logical3A_3703 = arith.constant 17 : i32
    %shift_right_logical3A_3704 = vector.broadcast %shift_right_logical3A_3703 : i32 to vector<128x128xi32>
    %shift_right_logical3A_3705 = arith.shrui %xor3A_3698, %shift_right_logical3A_3704 : vector<128x128xi32>
    %or3A_3706 = arith.ori %shift_left3A_3702, %shift_right_logical3A_3705 : vector<128x128xi32>
    %xor3A_3707 = arith.xori %or3A_3706, %add3A_3699 : vector<128x128xi32>
    %add3A_3708 = arith.addi %add3A_3699, %xor3A_3707 : vector<128x128xi32>
    %shift_left3A_3709 = arith.constant 26 : i32
    %shift_left3A_3710 = vector.broadcast %shift_left3A_3709 : i32 to vector<128x128xi32>
    %shift_left3A_3711 = arith.shli %xor3A_3707, %shift_left3A_3710 : vector<128x128xi32>
    %shift_right_logical3A_3712 = arith.constant 6 : i32
    %shift_right_logical3A_3713 = vector.broadcast %shift_right_logical3A_3712 : i32 to vector<128x128xi32>
    %shift_right_logical3A_3714 = arith.shrui %xor3A_3707, %shift_right_logical3A_3713 : vector<128x128xi32>
    %or3A_3715 = arith.ori %shift_left3A_3711, %shift_right_logical3A_3714 : vector<128x128xi32>
    %xor3A_3716 = arith.xori %or3A_3715, %add3A_3708 : vector<128x128xi32>
    %add3A_3717 = arith.addi %add3A_3708, %xor3A_3716 : vector<128x128xi32>
    %shift_left3A_3718 = arith.constant 6 : i32
    %shift_left3A_3719 = vector.broadcast %shift_left3A_3718 : i32 to vector<128x128xi32>
    %shift_left3A_3720 = arith.shli %xor3A_3716, %shift_left3A_3719 : vector<128x128xi32>
    %shift_right_logical3A_3721 = arith.constant 26 : i32
    %shift_right_logical3A_3722 = vector.broadcast %shift_right_logical3A_3721 : i32 to vector<128x128xi32>
    %shift_right_logical3A_3723 = arith.shrui %xor3A_3716, %shift_right_logical3A_3722 : vector<128x128xi32>
    %or3A_3724 = arith.ori %shift_left3A_3720, %shift_right_logical3A_3723 : vector<128x128xi32>
    %xor3A_3725 = arith.xori %or3A_3724, %add3A_3717 : vector<128x128xi32>
    %add3A_3726 = arith.constant 0 : i32
    %add3A_3727 = vector.broadcast %add3A_3726 : i32 to vector<128x128xi32>
    %add3A_3728 = arith.addi %add3A_3717, %add3A_3727 : vector<128x128xi32>
    %add3A_3729 = arith.constant 45 : i32
    %add3A_3730 = vector.broadcast %add3A_3729 : i32 to vector<128x128xi32>
    %add3A_3731 = arith.addi %xor3A_3725, %add3A_3730 : vector<128x128xi32>
    %add3A_3732 = arith.addi %add3A_3728, %add3A_3731 : vector<128x128xi32>
    %shift_left3A_3733 = arith.constant 17 : i32
    %shift_left3A_3734 = vector.broadcast %shift_left3A_3733 : i32 to vector<128x128xi32>
    %shift_left3A_3735 = arith.shli %add3A_3731, %shift_left3A_3734 : vector<128x128xi32>
    %shift_right_logical3A_3736 = arith.constant 15 : i32
    %shift_right_logical3A_3737 = vector.broadcast %shift_right_logical3A_3736 : i32 to vector<128x128xi32>
    %shift_right_logical3A_3738 = arith.shrui %add3A_3731, %shift_right_logical3A_3737 : vector<128x128xi32>
    %or3A_3739 = arith.ori %shift_left3A_3735, %shift_right_logical3A_3738 : vector<128x128xi32>
    %xor3A_3740 = arith.xori %or3A_3739, %add3A_3732 : vector<128x128xi32>
    %add3A_3741 = arith.addi %add3A_3732, %xor3A_3740 : vector<128x128xi32>
    %shift_left3A_3742 = arith.constant 29 : i32
    %shift_left3A_3743 = vector.broadcast %shift_left3A_3742 : i32 to vector<128x128xi32>
    %shift_left3A_3744 = arith.shli %xor3A_3740, %shift_left3A_3743 : vector<128x128xi32>
    %shift_right_logical3A_3745 = arith.constant 3 : i32
    %shift_right_logical3A_3746 = vector.broadcast %shift_right_logical3A_3745 : i32 to vector<128x128xi32>
    %shift_right_logical3A_3747 = arith.shrui %xor3A_3740, %shift_right_logical3A_3746 : vector<128x128xi32>
    %or3A_3748 = arith.ori %shift_left3A_3744, %shift_right_logical3A_3747 : vector<128x128xi32>
    %xor3A_3749 = arith.xori %or3A_3748, %add3A_3741 : vector<128x128xi32>
    %add3A_3750 = arith.addi %add3A_3741, %xor3A_3749 : vector<128x128xi32>
    %shift_left3A_3751 = arith.constant 16 : i32
    %shift_left3A_3752 = vector.broadcast %shift_left3A_3751 : i32 to vector<128x128xi32>
    %shift_left3A_3753 = arith.shli %xor3A_3749, %shift_left3A_3752 : vector<128x128xi32>
    %shift_right_logical3A_3754 = arith.constant 16 : i32
    %shift_right_logical3A_3755 = vector.broadcast %shift_right_logical3A_3754 : i32 to vector<128x128xi32>
    %shift_right_logical3A_3756 = arith.shrui %xor3A_3749, %shift_right_logical3A_3755 : vector<128x128xi32>
    %or3A_3757 = arith.ori %shift_left3A_3753, %shift_right_logical3A_3756 : vector<128x128xi32>
    %xor3A_3758 = arith.xori %or3A_3757, %add3A_3750 : vector<128x128xi32>
    %add3A_3759 = arith.addi %add3A_3750, %xor3A_3758 : vector<128x128xi32>
    %shift_left3A_3760 = arith.constant 24 : i32
    %shift_left3A_3761 = vector.broadcast %shift_left3A_3760 : i32 to vector<128x128xi32>
    %shift_left3A_3762 = arith.shli %xor3A_3758, %shift_left3A_3761 : vector<128x128xi32>
    %shift_right_logical3A_3763 = arith.constant 8 : i32
    %shift_right_logical3A_3764 = vector.broadcast %shift_right_logical3A_3763 : i32 to vector<128x128xi32>
    %shift_right_logical3A_3765 = arith.shrui %xor3A_3758, %shift_right_logical3A_3764 : vector<128x128xi32>
    %or3A_3766 = arith.ori %shift_left3A_3762, %shift_right_logical3A_3765 : vector<128x128xi32>
    %xor3A_3767 = arith.xori %or3A_3766, %add3A_3759 : vector<128x128xi32>
    %add3A_3768 = arith.constant 42 : i32
    %add3A_3769 = vector.broadcast %add3A_3768 : i32 to vector<128x128xi32>
    %add3A_3770 = arith.addi %add3A_3759, %add3A_3769 : vector<128x128xi32>
    %add3A_3771 = arith.constant 466689012 : i32
    %add3A_3772 = vector.broadcast %add3A_3771 : i32 to vector<128x128xi32>
    %add3A_3773 = arith.addi %xor3A_3767, %add3A_3772 : vector<128x128xi32>
    %add3A_3774 = arith.addi %add3A_3770, %add3A_3773 : vector<128x128xi32>
    %shift_left3A_3775 = arith.constant 13 : i32
    %shift_left3A_3776 = vector.broadcast %shift_left3A_3775 : i32 to vector<128x128xi32>
    %shift_left3A_3777 = arith.shli %add3A_3773, %shift_left3A_3776 : vector<128x128xi32>
    %shift_right_logical3A_3778 = arith.constant 19 : i32
    %shift_right_logical3A_3779 = vector.broadcast %shift_right_logical3A_3778 : i32 to vector<128x128xi32>
    %shift_right_logical3A_3780 = arith.shrui %add3A_3773, %shift_right_logical3A_3779 : vector<128x128xi32>
    %or3A_3781 = arith.ori %shift_left3A_3777, %shift_right_logical3A_3780 : vector<128x128xi32>
    %xor3A_3782 = arith.xori %or3A_3781, %add3A_3774 : vector<128x128xi32>
    %add3A_3783 = arith.addi %add3A_3774, %xor3A_3782 : vector<128x128xi32>
    %shift_left3A_3784 = arith.constant 15 : i32
    %shift_left3A_3785 = vector.broadcast %shift_left3A_3784 : i32 to vector<128x128xi32>
    %shift_left3A_3786 = arith.shli %xor3A_3782, %shift_left3A_3785 : vector<128x128xi32>
    %shift_right_logical3A_3787 = arith.constant 17 : i32
    %shift_right_logical3A_3788 = vector.broadcast %shift_right_logical3A_3787 : i32 to vector<128x128xi32>
    %shift_right_logical3A_3789 = arith.shrui %xor3A_3782, %shift_right_logical3A_3788 : vector<128x128xi32>
    %or3A_3790 = arith.ori %shift_left3A_3786, %shift_right_logical3A_3789 : vector<128x128xi32>
    %xor3A_3791 = arith.xori %or3A_3790, %add3A_3783 : vector<128x128xi32>
    %add3A_3792 = arith.addi %add3A_3783, %xor3A_3791 : vector<128x128xi32>
    %shift_left3A_3793 = arith.constant 26 : i32
    %shift_left3A_3794 = vector.broadcast %shift_left3A_3793 : i32 to vector<128x128xi32>
    %shift_left3A_3795 = arith.shli %xor3A_3791, %shift_left3A_3794 : vector<128x128xi32>
    %shift_right_logical3A_3796 = arith.constant 6 : i32
    %shift_right_logical3A_3797 = vector.broadcast %shift_right_logical3A_3796 : i32 to vector<128x128xi32>
    %shift_right_logical3A_3798 = arith.shrui %xor3A_3791, %shift_right_logical3A_3797 : vector<128x128xi32>
    %or3A_3799 = arith.ori %shift_left3A_3795, %shift_right_logical3A_3798 : vector<128x128xi32>
    %xor3A_3800 = arith.xori %or3A_3799, %add3A_3792 : vector<128x128xi32>
    %add3A_3801 = arith.addi %add3A_3792, %xor3A_3800 : vector<128x128xi32>
    %shift_left3A_3802 = arith.constant 6 : i32
    %shift_left3A_3803 = vector.broadcast %shift_left3A_3802 : i32 to vector<128x128xi32>
    %shift_left3A_3804 = arith.shli %xor3A_3800, %shift_left3A_3803 : vector<128x128xi32>
    %shift_right_logical3A_3805 = arith.constant 26 : i32
    %shift_right_logical3A_3806 = vector.broadcast %shift_right_logical3A_3805 : i32 to vector<128x128xi32>
    %shift_right_logical3A_3807 = arith.shrui %xor3A_3800, %shift_right_logical3A_3806 : vector<128x128xi32>
    %or3A_3808 = arith.ori %shift_left3A_3804, %shift_right_logical3A_3807 : vector<128x128xi32>
    %xor3A_3809 = arith.xori %or3A_3808, %add3A_3801 : vector<128x128xi32>
    %add3A_3810 = arith.constant 466689008 : i32
    %add3A_3811 = vector.broadcast %add3A_3810 : i32 to vector<128x128xi32>
    %add3A_3812 = arith.addi %add3A_3801, %add3A_3811 : vector<128x128xi32>
    %add3A_3813 = arith.constant 5 : i32
    %add3A_3814 = vector.broadcast %add3A_3813 : i32 to vector<128x128xi32>
    %add3A_3815 = arith.addi %xor3A_3809, %add3A_3814 : vector<128x128xi32>
    %xor3A_3816 = arith.xori %add3A_3812, %add3A_3815 : vector<128x128xi32>
    %shift_right_logical3A_3817 = arith.constant 9 : i32
    %shift_right_logical3A_3818 = vector.broadcast %shift_right_logical3A_3817 : i32 to vector<128x128xi32>
    %shift_right_logical3A_3819 = arith.shrui %xor3A_3816, %shift_right_logical3A_3818 : vector<128x128xi32>
    %or3A_3820 = arith.constant 1065353216 : i32
    %or3A_3821 = vector.broadcast %or3A_3820 : i32 to vector<128x128xi32>
    %or3A_3822 = arith.ori %shift_right_logical3A_3819, %or3A_3821 : vector<128x128xi32>
    %bitcast_convert_type3A_3823 = tpu.bitcast %or3A_3822 : vector<128x128xi32> -> vector<128x128xf32>
    %sub3A_3824 = arith.constant 1.000000e+00 : f32
    %sub3A_3825 = vector.broadcast %sub3A_3824 : f32 to vector<128x128xf32>
    %sub3A_3826 = arith.subf %bitcast_convert_type3A_3823, %sub3A_3825 : vector<128x128xf32>
    %max3A_3827 = arith.constant 1.17549435E-38 : f32
    %max3A_3828 = vector.broadcast %max3A_3827 : f32 to vector<128x128xf32>
    %max3A_3829 = arith.maximumf %max3A_3828, %sub3A_3826 : vector<128x128xf32>
    %log3A_3830 = math.log %max3A_3829 : vector<128x128xf32>
    %neg3A_3831 = arith.constant 0.000000e+00 : f32
    %neg3A_3832 = vector.broadcast %neg3A_3831 : f32 to vector<128x128xf32>
    %neg3A_3833 = arith.subf %neg3A_3832, %log3A_3830 : vector<128x128xf32>
    %log3A_3834 = math.log %neg3A_3833 : vector<128x128xf32>
    %neg3A_3835 = arith.constant 0.000000e+00 : f32
    %neg3A_3836 = vector.broadcast %neg3A_3835 : f32 to vector<128x128xf32>
    %neg3A_3837 = arith.subf %neg3A_3836, %log3A_3834 : vector<128x128xf32>
    %add3A_3838 = arith.addf %concatenate3A, %neg3A_3837 : vector<128x128xf32>
    %reduce_max3A_3839 = arith.constant dense<0xFF800000> : vector<128xf32>
    %reduce_max3A_3840 = vector.multi_reduction <maximumf>, %add3A_3838, %reduce_max3A_3839 [0] : vector<128x128xf32> to vector<128xf32>
    %broadcast_in_dim3A_3841 = vector.shape_cast %reduce_max3A_3840 : vector<128xf32> to vector<1x128xf32>
    %squeeze3A_3842 = vector.shape_cast %broadcast_in_dim3A_3841 : vector<1x128xf32> to vector<128xf32>
    %broadcast_in_dim3A_3843 = vector.shape_cast %squeeze3A_3842 : vector<128xf32> to vector<1x128xf32>
    %eq3A_3844 = vector.broadcast %broadcast_in_dim3A_3843 : vector<1x128xf32> to vector<128x128xf32>
    %eq3A_3845 = arith.cmpf oeq, %add3A_3838, %eq3A_3844 : vector<128x128xf32>
    %jit3A_3846 = arith.constant 1073741824 : i32
    %broadcast_in_dim3A_3847 = vector.broadcast %jit3A_3846 : i32 to vector<128x128xi32>
    %select_n3A_3848 = arith.select %eq3A_3845, %add3A_24, %broadcast_in_dim3A_3847 : vector<128x128xi1>, vector<128x128xi32>
    %reduce_min3A_3849 = arith.constant dense<2147483647> : vector<128xi32>
    %reduce_min3A_3850 = vector.multi_reduction <minsi>, %select_n3A_3848, %reduce_min3A_3849 [0] : vector<128x128xi32> to vector<128xi32>
    %broadcast_in_dim3A_3851 = vector.shape_cast %reduce_min3A_3850 : vector<128xi32> to vector<1x128xi32>
    %squeeze3A_3852 = vector.shape_cast %broadcast_in_dim3A_3851 : vector<1x128xi32> to vector<128xi32>
    %get3A_3853 = arith.constant 13 : index
    %get3A_3854 = arith.constant 0 : index
    %get3A_3855 = vector.load %arg5[%get3A_3853, %get3A_3854] : memref<16x128xf32, #tpu.memory_space<vmem>>, vector<1x128xf32>
    %get3A_3856 = vector.shape_cast %get3A_3855 : vector<1x128xf32> to vector<128xf32>
    %get3A_3857 = arith.constant 13 : index
    %get3A_3858 = arith.constant 0 : index
    %get3A_3859 = vector.load %arg6[%get3A_3857, %get3A_3858] : memref<16x128xi32, #tpu.memory_space<vmem>>, vector<1x128xi32>
    %get3A_3860 = vector.shape_cast %get3A_3859 : vector<1x128xi32> to vector<128xi32>
    %gt3A_3861 = arith.cmpf ogt, %squeeze3A_3842, %get3A_3856 : vector<128xf32>
    %or3A_3862 = vector.broadcast %eq3A_36 : i1 to vector<128xi1>
    %or3A_3863 = arith.ori %or3A_3862, %gt3A_3861 : vector<128xi1>
    %select_n3A_3864 = arith.select %or3A_3863, %squeeze3A_3842, %get3A_3856 : vector<128xi1>, vector<128xf32>
    %swap3A_3865 = arith.constant 13 : index
    %swap3A_3866 = arith.constant 0 : index
    %swap3A_3867 = vector.load %arg5[%swap3A_3865, %swap3A_3866] : memref<16x128xf32, #tpu.memory_space<vmem>>, vector<1x128xf32>
    %swap3A_3868 = vector.shape_cast %swap3A_3867 : vector<1x128xf32> to vector<128xf32>
    %swap3A_3869 = vector.shape_cast %select_n3A_3864 : vector<128xf32> to vector<1x128xf32>
    tpu.vector_store %arg5[%swap3A_3865, %swap3A_3866], %swap3A_3869 {strides = array<i32>} : memref<16x128xf32, #tpu.memory_space<vmem>>, vector<1x128xf32>,
    %select_n3A_3870 = arith.select %or3A_3863, %squeeze3A_3852, %get3A_3860 : vector<128xi1>, vector<128xi32>
    %swap3A_3871 = arith.constant 13 : index
    %swap3A_3872 = arith.constant 0 : index
    %swap3A_3873 = vector.load %arg6[%swap3A_3871, %swap3A_3872] : memref<16x128xi32, #tpu.memory_space<vmem>>, vector<1x128xi32>
    %swap3A_3874 = vector.shape_cast %swap3A_3873 : vector<1x128xi32> to vector<128xi32>
    %swap3A_3875 = vector.shape_cast %select_n3A_3870 : vector<128xi32> to vector<1x128xi32>
    tpu.vector_store %arg6[%swap3A_3871, %swap3A_3872], %swap3A_3875 {strides = array<i32>} : memref<16x128xi32, #tpu.memory_space<vmem>>, vector<1x128xi32>,
    %add3A_3876 = arith.constant 58720256 : i32
    %add3A_3877 = vector.broadcast %add3A_3876 : i32 to vector<128x128xi32>
    %add3A_3878 = arith.addi %add3A_35, %add3A_3877 : vector<128x128xi32>
    %add3A_3879 = arith.constant 42 : i32
    %add3A_3880 = vector.broadcast %add3A_3879 : i32 to vector<128x128xi32>
    %add3A_3881 = arith.addi %add3A_3878, %add3A_3880 : vector<128x128xi32>
    %shift_left3A_3882 = arith.constant 13 : i32
    %shift_left3A_3883 = vector.broadcast %shift_left3A_3882 : i32 to vector<128x128xi32>
    %shift_left3A_3884 = arith.shli %add3A_3881, %shift_left3A_3883 : vector<128x128xi32>
    %shift_right_logical3A_3885 = arith.constant 19 : i32
    %shift_right_logical3A_3886 = vector.broadcast %shift_right_logical3A_3885 : i32 to vector<128x128xi32>
    %shift_right_logical3A_3887 = arith.shrui %add3A_3881, %shift_right_logical3A_3886 : vector<128x128xi32>
    %or3A_3888 = arith.ori %shift_left3A_3884, %shift_right_logical3A_3887 : vector<128x128xi32>
    %xor3A_3889 = arith.xori %or3A_3888, %add3A_3881 : vector<128x128xi32>
    %add3A_3890 = arith.addi %add3A_3881, %xor3A_3889 : vector<128x128xi32>
    %shift_left3A_3891 = arith.constant 15 : i32
    %shift_left3A_3892 = vector.broadcast %shift_left3A_3891 : i32 to vector<128x128xi32>
    %shift_left3A_3893 = arith.shli %xor3A_3889, %shift_left3A_3892 : vector<128x128xi32>
    %shift_right_logical3A_3894 = arith.constant 17 : i32
    %shift_right_logical3A_3895 = vector.broadcast %shift_right_logical3A_3894 : i32 to vector<128x128xi32>
    %shift_right_logical3A_3896 = arith.shrui %xor3A_3889, %shift_right_logical3A_3895 : vector<128x128xi32>
    %or3A_3897 = arith.ori %shift_left3A_3893, %shift_right_logical3A_3896 : vector<128x128xi32>
    %xor3A_3898 = arith.xori %or3A_3897, %add3A_3890 : vector<128x128xi32>
    %add3A_3899 = arith.addi %add3A_3890, %xor3A_3898 : vector<128x128xi32>
    %shift_left3A_3900 = arith.constant 26 : i32
    %shift_left3A_3901 = vector.broadcast %shift_left3A_3900 : i32 to vector<128x128xi32>
    %shift_left3A_3902 = arith.shli %xor3A_3898, %shift_left3A_3901 : vector<128x128xi32>
    %shift_right_logical3A_3903 = arith.constant 6 : i32
    %shift_right_logical3A_3904 = vector.broadcast %shift_right_logical3A_3903 : i32 to vector<128x128xi32>
    %shift_right_logical3A_3905 = arith.shrui %xor3A_3898, %shift_right_logical3A_3904 : vector<128x128xi32>
    %or3A_3906 = arith.ori %shift_left3A_3902, %shift_right_logical3A_3905 : vector<128x128xi32>
    %xor3A_3907 = arith.xori %or3A_3906, %add3A_3899 : vector<128x128xi32>
    %add3A_3908 = arith.addi %add3A_3899, %xor3A_3907 : vector<128x128xi32>
    %shift_left3A_3909 = arith.constant 6 : i32
    %shift_left3A_3910 = vector.broadcast %shift_left3A_3909 : i32 to vector<128x128xi32>
    %shift_left3A_3911 = arith.shli %xor3A_3907, %shift_left3A_3910 : vector<128x128xi32>
    %shift_right_logical3A_3912 = arith.constant 26 : i32
    %shift_right_logical3A_3913 = vector.broadcast %shift_right_logical3A_3912 : i32 to vector<128x128xi32>
    %shift_right_logical3A_3914 = arith.shrui %xor3A_3907, %shift_right_logical3A_3913 : vector<128x128xi32>
    %or3A_3915 = arith.ori %shift_left3A_3911, %shift_right_logical3A_3914 : vector<128x128xi32>
    %xor3A_3916 = arith.xori %or3A_3915, %add3A_3908 : vector<128x128xi32>
    %add3A_3917 = arith.constant 42 : i32
    %add3A_3918 = vector.broadcast %add3A_3917 : i32 to vector<128x128xi32>
    %add3A_3919 = arith.addi %add3A_3908, %add3A_3918 : vector<128x128xi32>
    %add3A_3920 = arith.constant 466689009 : i32
    %add3A_3921 = vector.broadcast %add3A_3920 : i32 to vector<128x128xi32>
    %add3A_3922 = arith.addi %xor3A_3916, %add3A_3921 : vector<128x128xi32>
    %add3A_3923 = arith.addi %add3A_3919, %add3A_3922 : vector<128x128xi32>
    %shift_left3A_3924 = arith.constant 17 : i32
    %shift_left3A_3925 = vector.broadcast %shift_left3A_3924 : i32 to vector<128x128xi32>
    %shift_left3A_3926 = arith.shli %add3A_3922, %shift_left3A_3925 : vector<128x128xi32>
    %shift_right_logical3A_3927 = arith.constant 15 : i32
    %shift_right_logical3A_3928 = vector.broadcast %shift_right_logical3A_3927 : i32 to vector<128x128xi32>
    %shift_right_logical3A_3929 = arith.shrui %add3A_3922, %shift_right_logical3A_3928 : vector<128x128xi32>
    %or3A_3930 = arith.ori %shift_left3A_3926, %shift_right_logical3A_3929 : vector<128x128xi32>
    %xor3A_3931 = arith.xori %or3A_3930, %add3A_3923 : vector<128x128xi32>
    %add3A_3932 = arith.addi %add3A_3923, %xor3A_3931 : vector<128x128xi32>
    %shift_left3A_3933 = arith.constant 29 : i32
    %shift_left3A_3934 = vector.broadcast %shift_left3A_3933 : i32 to vector<128x128xi32>
    %shift_left3A_3935 = arith.shli %xor3A_3931, %shift_left3A_3934 : vector<128x128xi32>
    %shift_right_logical3A_3936 = arith.constant 3 : i32
    %shift_right_logical3A_3937 = vector.broadcast %shift_right_logical3A_3936 : i32 to vector<128x128xi32>
    %shift_right_logical3A_3938 = arith.shrui %xor3A_3931, %shift_right_logical3A_3937 : vector<128x128xi32>
    %or3A_3939 = arith.ori %shift_left3A_3935, %shift_right_logical3A_3938 : vector<128x128xi32>
    %xor3A_3940 = arith.xori %or3A_3939, %add3A_3932 : vector<128x128xi32>
    %add3A_3941 = arith.addi %add3A_3932, %xor3A_3940 : vector<128x128xi32>
    %shift_left3A_3942 = arith.constant 16 : i32
    %shift_left3A_3943 = vector.broadcast %shift_left3A_3942 : i32 to vector<128x128xi32>
    %shift_left3A_3944 = arith.shli %xor3A_3940, %shift_left3A_3943 : vector<128x128xi32>
    %shift_right_logical3A_3945 = arith.constant 16 : i32
    %shift_right_logical3A_3946 = vector.broadcast %shift_right_logical3A_3945 : i32 to vector<128x128xi32>
    %shift_right_logical3A_3947 = arith.shrui %xor3A_3940, %shift_right_logical3A_3946 : vector<128x128xi32>
    %or3A_3948 = arith.ori %shift_left3A_3944, %shift_right_logical3A_3947 : vector<128x128xi32>
    %xor3A_3949 = arith.xori %or3A_3948, %add3A_3941 : vector<128x128xi32>
    %add3A_3950 = arith.addi %add3A_3941, %xor3A_3949 : vector<128x128xi32>
    %shift_left3A_3951 = arith.constant 24 : i32
    %shift_left3A_3952 = vector.broadcast %shift_left3A_3951 : i32 to vector<128x128xi32>
    %shift_left3A_3953 = arith.shli %xor3A_3949, %shift_left3A_3952 : vector<128x128xi32>
    %shift_right_logical3A_3954 = arith.constant 8 : i32
    %shift_right_logical3A_3955 = vector.broadcast %shift_right_logical3A_3954 : i32 to vector<128x128xi32>
    %shift_right_logical3A_3956 = arith.shrui %xor3A_3949, %shift_right_logical3A_3955 : vector<128x128xi32>
    %or3A_3957 = arith.ori %shift_left3A_3953, %shift_right_logical3A_3956 : vector<128x128xi32>
    %xor3A_3958 = arith.xori %or3A_3957, %add3A_3950 : vector<128x128xi32>
    %add3A_3959 = arith.constant 466689008 : i32
    %add3A_3960 = vector.broadcast %add3A_3959 : i32 to vector<128x128xi32>
    %add3A_3961 = arith.addi %add3A_3950, %add3A_3960 : vector<128x128xi32>
    %add3A_3962 = arith.constant 2 : i32
    %add3A_3963 = vector.broadcast %add3A_3962 : i32 to vector<128x128xi32>
    %add3A_3964 = arith.addi %xor3A_3958, %add3A_3963 : vector<128x128xi32>
    %add3A_3965 = arith.addi %add3A_3961, %add3A_3964 : vector<128x128xi32>
    %shift_left3A_3966 = arith.constant 13 : i32
    %shift_left3A_3967 = vector.broadcast %shift_left3A_3966 : i32 to vector<128x128xi32>
    %shift_left3A_3968 = arith.shli %add3A_3964, %shift_left3A_3967 : vector<128x128xi32>
    %shift_right_logical3A_3969 = arith.constant 19 : i32
    %shift_right_logical3A_3970 = vector.broadcast %shift_right_logical3A_3969 : i32 to vector<128x128xi32>
    %shift_right_logical3A_3971 = arith.shrui %add3A_3964, %shift_right_logical3A_3970 : vector<128x128xi32>
    %or3A_3972 = arith.ori %shift_left3A_3968, %shift_right_logical3A_3971 : vector<128x128xi32>
    %xor3A_3973 = arith.xori %or3A_3972, %add3A_3965 : vector<128x128xi32>
    %add3A_3974 = arith.addi %add3A_3965, %xor3A_3973 : vector<128x128xi32>
    %shift_left3A_3975 = arith.constant 15 : i32
    %shift_left3A_3976 = vector.broadcast %shift_left3A_3975 : i32 to vector<128x128xi32>
    %shift_left3A_3977 = arith.shli %xor3A_3973, %shift_left3A_3976 : vector<128x128xi32>
    %shift_right_logical3A_3978 = arith.constant 17 : i32
    %shift_right_logical3A_3979 = vector.broadcast %shift_right_logical3A_3978 : i32 to vector<128x128xi32>
    %shift_right_logical3A_3980 = arith.shrui %xor3A_3973, %shift_right_logical3A_3979 : vector<128x128xi32>
    %or3A_3981 = arith.ori %shift_left3A_3977, %shift_right_logical3A_3980 : vector<128x128xi32>
    %xor3A_3982 = arith.xori %or3A_3981, %add3A_3974 : vector<128x128xi32>
    %add3A_3983 = arith.addi %add3A_3974, %xor3A_3982 : vector<128x128xi32>
    %shift_left3A_3984 = arith.constant 26 : i32
    %shift_left3A_3985 = vector.broadcast %shift_left3A_3984 : i32 to vector<128x128xi32>
    %shift_left3A_3986 = arith.shli %xor3A_3982, %shift_left3A_3985 : vector<128x128xi32>
    %shift_right_logical3A_3987 = arith.constant 6 : i32
    %shift_right_logical3A_3988 = vector.broadcast %shift_right_logical3A_3987 : i32 to vector<128x128xi32>
    %shift_right_logical3A_3989 = arith.shrui %xor3A_3982, %shift_right_logical3A_3988 : vector<128x128xi32>
    %or3A_3990 = arith.ori %shift_left3A_3986, %shift_right_logical3A_3989 : vector<128x128xi32>
    %xor3A_3991 = arith.xori %or3A_3990, %add3A_3983 : vector<128x128xi32>
    %add3A_3992 = arith.addi %add3A_3983, %xor3A_3991 : vector<128x128xi32>
    %shift_left3A_3993 = arith.constant 6 : i32
    %shift_left3A_3994 = vector.broadcast %shift_left3A_3993 : i32 to vector<128x128xi32>
    %shift_left3A_3995 = arith.shli %xor3A_3991, %shift_left3A_3994 : vector<128x128xi32>
    %shift_right_logical3A_3996 = arith.constant 26 : i32
    %shift_right_logical3A_3997 = vector.broadcast %shift_right_logical3A_3996 : i32 to vector<128x128xi32>
    %shift_right_logical3A_3998 = arith.shrui %xor3A_3991, %shift_right_logical3A_3997 : vector<128x128xi32>
    %or3A_3999 = arith.ori %shift_left3A_3995, %shift_right_logical3A_3998 : vector<128x128xi32>
    %xor3A_4000 = arith.xori %or3A_3999, %add3A_3992 : vector<128x128xi32>
    %add3A_4001 = arith.constant 0 : i32
    %add3A_4002 = vector.broadcast %add3A_4001 : i32 to vector<128x128xi32>
    %add3A_4003 = arith.addi %add3A_3992, %add3A_4002 : vector<128x128xi32>
    %add3A_4004 = arith.constant 45 : i32
    %add3A_4005 = vector.broadcast %add3A_4004 : i32 to vector<128x128xi32>
    %add3A_4006 = arith.addi %xor3A_4000, %add3A_4005 : vector<128x128xi32>
    %add3A_4007 = arith.addi %add3A_4003, %add3A_4006 : vector<128x128xi32>
    %shift_left3A_4008 = arith.constant 17 : i32
    %shift_left3A_4009 = vector.broadcast %shift_left3A_4008 : i32 to vector<128x128xi32>
    %shift_left3A_4010 = arith.shli %add3A_4006, %shift_left3A_4009 : vector<128x128xi32>
    %shift_right_logical3A_4011 = arith.constant 15 : i32
    %shift_right_logical3A_4012 = vector.broadcast %shift_right_logical3A_4011 : i32 to vector<128x128xi32>
    %shift_right_logical3A_4013 = arith.shrui %add3A_4006, %shift_right_logical3A_4012 : vector<128x128xi32>
    %or3A_4014 = arith.ori %shift_left3A_4010, %shift_right_logical3A_4013 : vector<128x128xi32>
    %xor3A_4015 = arith.xori %or3A_4014, %add3A_4007 : vector<128x128xi32>
    %add3A_4016 = arith.addi %add3A_4007, %xor3A_4015 : vector<128x128xi32>
    %shift_left3A_4017 = arith.constant 29 : i32
    %shift_left3A_4018 = vector.broadcast %shift_left3A_4017 : i32 to vector<128x128xi32>
    %shift_left3A_4019 = arith.shli %xor3A_4015, %shift_left3A_4018 : vector<128x128xi32>
    %shift_right_logical3A_4020 = arith.constant 3 : i32
    %shift_right_logical3A_4021 = vector.broadcast %shift_right_logical3A_4020 : i32 to vector<128x128xi32>
    %shift_right_logical3A_4022 = arith.shrui %xor3A_4015, %shift_right_logical3A_4021 : vector<128x128xi32>
    %or3A_4023 = arith.ori %shift_left3A_4019, %shift_right_logical3A_4022 : vector<128x128xi32>
    %xor3A_4024 = arith.xori %or3A_4023, %add3A_4016 : vector<128x128xi32>
    %add3A_4025 = arith.addi %add3A_4016, %xor3A_4024 : vector<128x128xi32>
    %shift_left3A_4026 = arith.constant 16 : i32
    %shift_left3A_4027 = vector.broadcast %shift_left3A_4026 : i32 to vector<128x128xi32>
    %shift_left3A_4028 = arith.shli %xor3A_4024, %shift_left3A_4027 : vector<128x128xi32>
    %shift_right_logical3A_4029 = arith.constant 16 : i32
    %shift_right_logical3A_4030 = vector.broadcast %shift_right_logical3A_4029 : i32 to vector<128x128xi32>
    %shift_right_logical3A_4031 = arith.shrui %xor3A_4024, %shift_right_logical3A_4030 : vector<128x128xi32>
    %or3A_4032 = arith.ori %shift_left3A_4028, %shift_right_logical3A_4031 : vector<128x128xi32>
    %xor3A_4033 = arith.xori %or3A_4032, %add3A_4025 : vector<128x128xi32>
    %add3A_4034 = arith.addi %add3A_4025, %xor3A_4033 : vector<128x128xi32>
    %shift_left3A_4035 = arith.constant 24 : i32
    %shift_left3A_4036 = vector.broadcast %shift_left3A_4035 : i32 to vector<128x128xi32>
    %shift_left3A_4037 = arith.shli %xor3A_4033, %shift_left3A_4036 : vector<128x128xi32>
    %shift_right_logical3A_4038 = arith.constant 8 : i32
    %shift_right_logical3A_4039 = vector.broadcast %shift_right_logical3A_4038 : i32 to vector<128x128xi32>
    %shift_right_logical3A_4040 = arith.shrui %xor3A_4033, %shift_right_logical3A_4039 : vector<128x128xi32>
    %or3A_4041 = arith.ori %shift_left3A_4037, %shift_right_logical3A_4040 : vector<128x128xi32>
    %xor3A_4042 = arith.xori %or3A_4041, %add3A_4034 : vector<128x128xi32>
    %add3A_4043 = arith.constant 42 : i32
    %add3A_4044 = vector.broadcast %add3A_4043 : i32 to vector<128x128xi32>
    %add3A_4045 = arith.addi %add3A_4034, %add3A_4044 : vector<128x128xi32>
    %add3A_4046 = arith.constant 466689012 : i32
    %add3A_4047 = vector.broadcast %add3A_4046 : i32 to vector<128x128xi32>
    %add3A_4048 = arith.addi %xor3A_4042, %add3A_4047 : vector<128x128xi32>
    %add3A_4049 = arith.addi %add3A_4045, %add3A_4048 : vector<128x128xi32>
    %shift_left3A_4050 = arith.constant 13 : i32
    %shift_left3A_4051 = vector.broadcast %shift_left3A_4050 : i32 to vector<128x128xi32>
    %shift_left3A_4052 = arith.shli %add3A_4048, %shift_left3A_4051 : vector<128x128xi32>
    %shift_right_logical3A_4053 = arith.constant 19 : i32
    %shift_right_logical3A_4054 = vector.broadcast %shift_right_logical3A_4053 : i32 to vector<128x128xi32>
    %shift_right_logical3A_4055 = arith.shrui %add3A_4048, %shift_right_logical3A_4054 : vector<128x128xi32>
    %or3A_4056 = arith.ori %shift_left3A_4052, %shift_right_logical3A_4055 : vector<128x128xi32>
    %xor3A_4057 = arith.xori %or3A_4056, %add3A_4049 : vector<128x128xi32>
    %add3A_4058 = arith.addi %add3A_4049, %xor3A_4057 : vector<128x128xi32>
    %shift_left3A_4059 = arith.constant 15 : i32
    %shift_left3A_4060 = vector.broadcast %shift_left3A_4059 : i32 to vector<128x128xi32>
    %shift_left3A_4061 = arith.shli %xor3A_4057, %shift_left3A_4060 : vector<128x128xi32>
    %shift_right_logical3A_4062 = arith.constant 17 : i32
    %shift_right_logical3A_4063 = vector.broadcast %shift_right_logical3A_4062 : i32 to vector<128x128xi32>
    %shift_right_logical3A_4064 = arith.shrui %xor3A_4057, %shift_right_logical3A_4063 : vector<128x128xi32>
    %or3A_4065 = arith.ori %shift_left3A_4061, %shift_right_logical3A_4064 : vector<128x128xi32>
    %xor3A_4066 = arith.xori %or3A_4065, %add3A_4058 : vector<128x128xi32>
    %add3A_4067 = arith.addi %add3A_4058, %xor3A_4066 : vector<128x128xi32>
    %shift_left3A_4068 = arith.constant 26 : i32
    %shift_left3A_4069 = vector.broadcast %shift_left3A_4068 : i32 to vector<128x128xi32>
    %shift_left3A_4070 = arith.shli %xor3A_4066, %shift_left3A_4069 : vector<128x128xi32>
    %shift_right_logical3A_4071 = arith.constant 6 : i32
    %shift_right_logical3A_4072 = vector.broadcast %shift_right_logical3A_4071 : i32 to vector<128x128xi32>
    %shift_right_logical3A_4073 = arith.shrui %xor3A_4066, %shift_right_logical3A_4072 : vector<128x128xi32>
    %or3A_4074 = arith.ori %shift_left3A_4070, %shift_right_logical3A_4073 : vector<128x128xi32>
    %xor3A_4075 = arith.xori %or3A_4074, %add3A_4067 : vector<128x128xi32>
    %add3A_4076 = arith.addi %add3A_4067, %xor3A_4075 : vector<128x128xi32>
    %shift_left3A_4077 = arith.constant 6 : i32
    %shift_left3A_4078 = vector.broadcast %shift_left3A_4077 : i32 to vector<128x128xi32>
    %shift_left3A_4079 = arith.shli %xor3A_4075, %shift_left3A_4078 : vector<128x128xi32>
    %shift_right_logical3A_4080 = arith.constant 26 : i32
    %shift_right_logical3A_4081 = vector.broadcast %shift_right_logical3A_4080 : i32 to vector<128x128xi32>
    %shift_right_logical3A_4082 = arith.shrui %xor3A_4075, %shift_right_logical3A_4081 : vector<128x128xi32>
    %or3A_4083 = arith.ori %shift_left3A_4079, %shift_right_logical3A_4082 : vector<128x128xi32>
    %xor3A_4084 = arith.xori %or3A_4083, %add3A_4076 : vector<128x128xi32>
    %add3A_4085 = arith.constant 466689008 : i32
    %add3A_4086 = vector.broadcast %add3A_4085 : i32 to vector<128x128xi32>
    %add3A_4087 = arith.addi %add3A_4076, %add3A_4086 : vector<128x128xi32>
    %add3A_4088 = arith.constant 5 : i32
    %add3A_4089 = vector.broadcast %add3A_4088 : i32 to vector<128x128xi32>
    %add3A_4090 = arith.addi %xor3A_4084, %add3A_4089 : vector<128x128xi32>
    %xor3A_4091 = arith.xori %add3A_4087, %add3A_4090 : vector<128x128xi32>
    %shift_right_logical3A_4092 = arith.constant 9 : i32
    %shift_right_logical3A_4093 = vector.broadcast %shift_right_logical3A_4092 : i32 to vector<128x128xi32>
    %shift_right_logical3A_4094 = arith.shrui %xor3A_4091, %shift_right_logical3A_4093 : vector<128x128xi32>
    %or3A_4095 = arith.constant 1065353216 : i32
    %or3A_4096 = vector.broadcast %or3A_4095 : i32 to vector<128x128xi32>
    %or3A_4097 = arith.ori %shift_right_logical3A_4094, %or3A_4096 : vector<128x128xi32>
    %bitcast_convert_type3A_4098 = tpu.bitcast %or3A_4097 : vector<128x128xi32> -> vector<128x128xf32>
    %sub3A_4099 = arith.constant 1.000000e+00 : f32
    %sub3A_4100 = vector.broadcast %sub3A_4099 : f32 to vector<128x128xf32>
    %sub3A_4101 = arith.subf %bitcast_convert_type3A_4098, %sub3A_4100 : vector<128x128xf32>
    %max3A_4102 = arith.constant 1.17549435E-38 : f32
    %max3A_4103 = vector.broadcast %max3A_4102 : f32 to vector<128x128xf32>
    %max3A_4104 = arith.maximumf %max3A_4103, %sub3A_4101 : vector<128x128xf32>
    %log3A_4105 = math.log %max3A_4104 : vector<128x128xf32>
    %neg3A_4106 = arith.constant 0.000000e+00 : f32
    %neg3A_4107 = vector.broadcast %neg3A_4106 : f32 to vector<128x128xf32>
    %neg3A_4108 = arith.subf %neg3A_4107, %log3A_4105 : vector<128x128xf32>
    %log3A_4109 = math.log %neg3A_4108 : vector<128x128xf32>
    %neg3A_4110 = arith.constant 0.000000e+00 : f32
    %neg3A_4111 = vector.broadcast %neg3A_4110 : f32 to vector<128x128xf32>
    %neg3A_4112 = arith.subf %neg3A_4111, %log3A_4109 : vector<128x128xf32>
    %add3A_4113 = arith.addf %concatenate3A, %neg3A_4112 : vector<128x128xf32>
    %reduce_max3A_4114 = arith.constant dense<0xFF800000> : vector<128xf32>
    %reduce_max3A_4115 = vector.multi_reduction <maximumf>, %add3A_4113, %reduce_max3A_4114 [0] : vector<128x128xf32> to vector<128xf32>
    %broadcast_in_dim3A_4116 = vector.shape_cast %reduce_max3A_4115 : vector<128xf32> to vector<1x128xf32>
    %squeeze3A_4117 = vector.shape_cast %broadcast_in_dim3A_4116 : vector<1x128xf32> to vector<128xf32>
    %broadcast_in_dim3A_4118 = vector.shape_cast %squeeze3A_4117 : vector<128xf32> to vector<1x128xf32>
    %eq3A_4119 = vector.broadcast %broadcast_in_dim3A_4118 : vector<1x128xf32> to vector<128x128xf32>
    %eq3A_4120 = arith.cmpf oeq, %add3A_4113, %eq3A_4119 : vector<128x128xf32>
    %jit3A_4121 = arith.constant 1073741824 : i32
    %broadcast_in_dim3A_4122 = vector.broadcast %jit3A_4121 : i32 to vector<128x128xi32>
    %select_n3A_4123 = arith.select %eq3A_4120, %add3A_24, %broadcast_in_dim3A_4122 : vector<128x128xi1>, vector<128x128xi32>
    %reduce_min3A_4124 = arith.constant dense<2147483647> : vector<128xi32>
    %reduce_min3A_4125 = vector.multi_reduction <minsi>, %select_n3A_4123, %reduce_min3A_4124 [0] : vector<128x128xi32> to vector<128xi32>
    %broadcast_in_dim3A_4126 = vector.shape_cast %reduce_min3A_4125 : vector<128xi32> to vector<1x128xi32>
    %squeeze3A_4127 = vector.shape_cast %broadcast_in_dim3A_4126 : vector<1x128xi32> to vector<128xi32>
    %get3A_4128 = arith.constant 14 : index
    %get3A_4129 = arith.constant 0 : index
    %get3A_4130 = vector.load %arg5[%get3A_4128, %get3A_4129] : memref<16x128xf32, #tpu.memory_space<vmem>>, vector<1x128xf32>
    %get3A_4131 = vector.shape_cast %get3A_4130 : vector<1x128xf32> to vector<128xf32>
    %get3A_4132 = arith.constant 14 : index
    %get3A_4133 = arith.constant 0 : index
    %get3A_4134 = vector.load %arg6[%get3A_4132, %get3A_4133] : memref<16x128xi32, #tpu.memory_space<vmem>>, vector<1x128xi32>
    %get3A_4135 = vector.shape_cast %get3A_4134 : vector<1x128xi32> to vector<128xi32>
    %gt3A_4136 = arith.cmpf ogt, %squeeze3A_4117, %get3A_4131 : vector<128xf32>
    %or3A_4137 = vector.broadcast %eq3A_36 : i1 to vector<128xi1>
    %or3A_4138 = arith.ori %or3A_4137, %gt3A_4136 : vector<128xi1>
    %select_n3A_4139 = arith.select %or3A_4138, %squeeze3A_4117, %get3A_4131 : vector<128xi1>, vector<128xf32>
    %swap3A_4140 = arith.constant 14 : index
    %swap3A_4141 = arith.constant 0 : index
    %swap3A_4142 = vector.load %arg5[%swap3A_4140, %swap3A_4141] : memref<16x128xf32, #tpu.memory_space<vmem>>, vector<1x128xf32>
    %swap3A_4143 = vector.shape_cast %swap3A_4142 : vector<1x128xf32> to vector<128xf32>
    %swap3A_4144 = vector.shape_cast %select_n3A_4139 : vector<128xf32> to vector<1x128xf32>
    tpu.vector_store %arg5[%swap3A_4140, %swap3A_4141], %swap3A_4144 {strides = array<i32>} : memref<16x128xf32, #tpu.memory_space<vmem>>, vector<1x128xf32>,
    %select_n3A_4145 = arith.select %or3A_4138, %squeeze3A_4127, %get3A_4135 : vector<128xi1>, vector<128xi32>
    %swap3A_4146 = arith.constant 14 : index
    %swap3A_4147 = arith.constant 0 : index
    %swap3A_4148 = vector.load %arg6[%swap3A_4146, %swap3A_4147] : memref<16x128xi32, #tpu.memory_space<vmem>>, vector<1x128xi32>
    %swap3A_4149 = vector.shape_cast %swap3A_4148 : vector<1x128xi32> to vector<128xi32>
    %swap3A_4150 = vector.shape_cast %select_n3A_4145 : vector<128xi32> to vector<1x128xi32>
    tpu.vector_store %arg6[%swap3A_4146, %swap3A_4147], %swap3A_4150 {strides = array<i32>} : memref<16x128xi32, #tpu.memory_space<vmem>>, vector<1x128xi32>,
    %add3A_4151 = arith.constant 62914560 : i32
    %add3A_4152 = vector.broadcast %add3A_4151 : i32 to vector<128x128xi32>
    %add3A_4153 = arith.addi %add3A_35, %add3A_4152 : vector<128x128xi32>
    %add3A_4154 = arith.constant 42 : i32
    %add3A_4155 = vector.broadcast %add3A_4154 : i32 to vector<128x128xi32>
    %add3A_4156 = arith.addi %add3A_4153, %add3A_4155 : vector<128x128xi32>
    %shift_left3A_4157 = arith.constant 13 : i32
    %shift_left3A_4158 = vector.broadcast %shift_left3A_4157 : i32 to vector<128x128xi32>
    %shift_left3A_4159 = arith.shli %add3A_4156, %shift_left3A_4158 : vector<128x128xi32>
    %shift_right_logical3A_4160 = arith.constant 19 : i32
    %shift_right_logical3A_4161 = vector.broadcast %shift_right_logical3A_4160 : i32 to vector<128x128xi32>
    %shift_right_logical3A_4162 = arith.shrui %add3A_4156, %shift_right_logical3A_4161 : vector<128x128xi32>
    %or3A_4163 = arith.ori %shift_left3A_4159, %shift_right_logical3A_4162 : vector<128x128xi32>
    %xor3A_4164 = arith.xori %or3A_4163, %add3A_4156 : vector<128x128xi32>
    %add3A_4165 = arith.addi %add3A_4156, %xor3A_4164 : vector<128x128xi32>
    %shift_left3A_4166 = arith.constant 15 : i32
    %shift_left3A_4167 = vector.broadcast %shift_left3A_4166 : i32 to vector<128x128xi32>
    %shift_left3A_4168 = arith.shli %xor3A_4164, %shift_left3A_4167 : vector<128x128xi32>
    %shift_right_logical3A_4169 = arith.constant 17 : i32
    %shift_right_logical3A_4170 = vector.broadcast %shift_right_logical3A_4169 : i32 to vector<128x128xi32>
    %shift_right_logical3A_4171 = arith.shrui %xor3A_4164, %shift_right_logical3A_4170 : vector<128x128xi32>
    %or3A_4172 = arith.ori %shift_left3A_4168, %shift_right_logical3A_4171 : vector<128x128xi32>
    %xor3A_4173 = arith.xori %or3A_4172, %add3A_4165 : vector<128x128xi32>
    %add3A_4174 = arith.addi %add3A_4165, %xor3A_4173 : vector<128x128xi32>
    %shift_left3A_4175 = arith.constant 26 : i32
    %shift_left3A_4176 = vector.broadcast %shift_left3A_4175 : i32 to vector<128x128xi32>
    %shift_left3A_4177 = arith.shli %xor3A_4173, %shift_left3A_4176 : vector<128x128xi32>
    %shift_right_logical3A_4178 = arith.constant 6 : i32
    %shift_right_logical3A_4179 = vector.broadcast %shift_right_logical3A_4178 : i32 to vector<128x128xi32>
    %shift_right_logical3A_4180 = arith.shrui %xor3A_4173, %shift_right_logical3A_4179 : vector<128x128xi32>
    %or3A_4181 = arith.ori %shift_left3A_4177, %shift_right_logical3A_4180 : vector<128x128xi32>
    %xor3A_4182 = arith.xori %or3A_4181, %add3A_4174 : vector<128x128xi32>
    %add3A_4183 = arith.addi %add3A_4174, %xor3A_4182 : vector<128x128xi32>
    %shift_left3A_4184 = arith.constant 6 : i32
    %shift_left3A_4185 = vector.broadcast %shift_left3A_4184 : i32 to vector<128x128xi32>
    %shift_left3A_4186 = arith.shli %xor3A_4182, %shift_left3A_4185 : vector<128x128xi32>
    %shift_right_logical3A_4187 = arith.constant 26 : i32
    %shift_right_logical3A_4188 = vector.broadcast %shift_right_logical3A_4187 : i32 to vector<128x128xi32>
    %shift_right_logical3A_4189 = arith.shrui %xor3A_4182, %shift_right_logical3A_4188 : vector<128x128xi32>
    %or3A_4190 = arith.ori %shift_left3A_4186, %shift_right_logical3A_4189 : vector<128x128xi32>
    %xor3A_4191 = arith.xori %or3A_4190, %add3A_4183 : vector<128x128xi32>
    %add3A_4192 = arith.constant 42 : i32
    %add3A_4193 = vector.broadcast %add3A_4192 : i32 to vector<128x128xi32>
    %add3A_4194 = arith.addi %add3A_4183, %add3A_4193 : vector<128x128xi32>
    %add3A_4195 = arith.constant 466689009 : i32
    %add3A_4196 = vector.broadcast %add3A_4195 : i32 to vector<128x128xi32>
    %add3A_4197 = arith.addi %xor3A_4191, %add3A_4196 : vector<128x128xi32>
    %add3A_4198 = arith.addi %add3A_4194, %add3A_4197 : vector<128x128xi32>
    %shift_left3A_4199 = arith.constant 17 : i32
    %shift_left3A_4200 = vector.broadcast %shift_left3A_4199 : i32 to vector<128x128xi32>
    %shift_left3A_4201 = arith.shli %add3A_4197, %shift_left3A_4200 : vector<128x128xi32>
    %shift_right_logical3A_4202 = arith.constant 15 : i32
    %shift_right_logical3A_4203 = vector.broadcast %shift_right_logical3A_4202 : i32 to vector<128x128xi32>
    %shift_right_logical3A_4204 = arith.shrui %add3A_4197, %shift_right_logical3A_4203 : vector<128x128xi32>
    %or3A_4205 = arith.ori %shift_left3A_4201, %shift_right_logical3A_4204 : vector<128x128xi32>
    %xor3A_4206 = arith.xori %or3A_4205, %add3A_4198 : vector<128x128xi32>
    %add3A_4207 = arith.addi %add3A_4198, %xor3A_4206 : vector<128x128xi32>
    %shift_left3A_4208 = arith.constant 29 : i32
    %shift_left3A_4209 = vector.broadcast %shift_left3A_4208 : i32 to vector<128x128xi32>
    %shift_left3A_4210 = arith.shli %xor3A_4206, %shift_left3A_4209 : vector<128x128xi32>
    %shift_right_logical3A_4211 = arith.constant 3 : i32
    %shift_right_logical3A_4212 = vector.broadcast %shift_right_logical3A_4211 : i32 to vector<128x128xi32>
    %shift_right_logical3A_4213 = arith.shrui %xor3A_4206, %shift_right_logical3A_4212 : vector<128x128xi32>
    %or3A_4214 = arith.ori %shift_left3A_4210, %shift_right_logical3A_4213 : vector<128x128xi32>
    %xor3A_4215 = arith.xori %or3A_4214, %add3A_4207 : vector<128x128xi32>
    %add3A_4216 = arith.addi %add3A_4207, %xor3A_4215 : vector<128x128xi32>
    %shift_left3A_4217 = arith.constant 16 : i32
    %shift_left3A_4218 = vector.broadcast %shift_left3A_4217 : i32 to vector<128x128xi32>
    %shift_left3A_4219 = arith.shli %xor3A_4215, %shift_left3A_4218 : vector<128x128xi32>
    %shift_right_logical3A_4220 = arith.constant 16 : i32
    %shift_right_logical3A_4221 = vector.broadcast %shift_right_logical3A_4220 : i32 to vector<128x128xi32>
    %shift_right_logical3A_4222 = arith.shrui %xor3A_4215, %shift_right_logical3A_4221 : vector<128x128xi32>
    %or3A_4223 = arith.ori %shift_left3A_4219, %shift_right_logical3A_4222 : vector<128x128xi32>
    %xor3A_4224 = arith.xori %or3A_4223, %add3A_4216 : vector<128x128xi32>
    %add3A_4225 = arith.addi %add3A_4216, %xor3A_4224 : vector<128x128xi32>
    %shift_left3A_4226 = arith.constant 24 : i32
    %shift_left3A_4227 = vector.broadcast %shift_left3A_4226 : i32 to vector<128x128xi32>
    %shift_left3A_4228 = arith.shli %xor3A_4224, %shift_left3A_4227 : vector<128x128xi32>
    %shift_right_logical3A_4229 = arith.constant 8 : i32
    %shift_right_logical3A_4230 = vector.broadcast %shift_right_logical3A_4229 : i32 to vector<128x128xi32>
    %shift_right_logical3A_4231 = arith.shrui %xor3A_4224, %shift_right_logical3A_4230 : vector<128x128xi32>
    %or3A_4232 = arith.ori %shift_left3A_4228, %shift_right_logical3A_4231 : vector<128x128xi32>
    %xor3A_4233 = arith.xori %or3A_4232, %add3A_4225 : vector<128x128xi32>
    %add3A_4234 = arith.constant 466689008 : i32
    %add3A_4235 = vector.broadcast %add3A_4234 : i32 to vector<128x128xi32>
    %add3A_4236 = arith.addi %add3A_4225, %add3A_4235 : vector<128x128xi32>
    %add3A_4237 = arith.constant 2 : i32
    %add3A_4238 = vector.broadcast %add3A_4237 : i32 to vector<128x128xi32>
    %add3A_4239 = arith.addi %xor3A_4233, %add3A_4238 : vector<128x128xi32>
    %add3A_4240 = arith.addi %add3A_4236, %add3A_4239 : vector<128x128xi32>
    %shift_left3A_4241 = arith.constant 13 : i32
    %shift_left3A_4242 = vector.broadcast %shift_left3A_4241 : i32 to vector<128x128xi32>
    %shift_left3A_4243 = arith.shli %add3A_4239, %shift_left3A_4242 : vector<128x128xi32>
    %shift_right_logical3A_4244 = arith.constant 19 : i32
    %shift_right_logical3A_4245 = vector.broadcast %shift_right_logical3A_4244 : i32 to vector<128x128xi32>
    %shift_right_logical3A_4246 = arith.shrui %add3A_4239, %shift_right_logical3A_4245 : vector<128x128xi32>
    %or3A_4247 = arith.ori %shift_left3A_4243, %shift_right_logical3A_4246 : vector<128x128xi32>
    %xor3A_4248 = arith.xori %or3A_4247, %add3A_4240 : vector<128x128xi32>
    %add3A_4249 = arith.addi %add3A_4240, %xor3A_4248 : vector<128x128xi32>
    %shift_left3A_4250 = arith.constant 15 : i32
    %shift_left3A_4251 = vector.broadcast %shift_left3A_4250 : i32 to vector<128x128xi32>
    %shift_left3A_4252 = arith.shli %xor3A_4248, %shift_left3A_4251 : vector<128x128xi32>
    %shift_right_logical3A_4253 = arith.constant 17 : i32
    %shift_right_logical3A_4254 = vector.broadcast %shift_right_logical3A_4253 : i32 to vector<128x128xi32>
    %shift_right_logical3A_4255 = arith.shrui %xor3A_4248, %shift_right_logical3A_4254 : vector<128x128xi32>
    %or3A_4256 = arith.ori %shift_left3A_4252, %shift_right_logical3A_4255 : vector<128x128xi32>
    %xor3A_4257 = arith.xori %or3A_4256, %add3A_4249 : vector<128x128xi32>
    %add3A_4258 = arith.addi %add3A_4249, %xor3A_4257 : vector<128x128xi32>
    %shift_left3A_4259 = arith.constant 26 : i32
    %shift_left3A_4260 = vector.broadcast %shift_left3A_4259 : i32 to vector<128x128xi32>
    %shift_left3A_4261 = arith.shli %xor3A_4257, %shift_left3A_4260 : vector<128x128xi32>
    %shift_right_logical3A_4262 = arith.constant 6 : i32
    %shift_right_logical3A_4263 = vector.broadcast %shift_right_logical3A_4262 : i32 to vector<128x128xi32>
    %shift_right_logical3A_4264 = arith.shrui %xor3A_4257, %shift_right_logical3A_4263 : vector<128x128xi32>
    %or3A_4265 = arith.ori %shift_left3A_4261, %shift_right_logical3A_4264 : vector<128x128xi32>
    %xor3A_4266 = arith.xori %or3A_4265, %add3A_4258 : vector<128x128xi32>
    %add3A_4267 = arith.addi %add3A_4258, %xor3A_4266 : vector<128x128xi32>
    %shift_left3A_4268 = arith.constant 6 : i32
    %shift_left3A_4269 = vector.broadcast %shift_left3A_4268 : i32 to vector<128x128xi32>
    %shift_left3A_4270 = arith.shli %xor3A_4266, %shift_left3A_4269 : vector<128x128xi32>
    %shift_right_logical3A_4271 = arith.constant 26 : i32
    %shift_right_logical3A_4272 = vector.broadcast %shift_right_logical3A_4271 : i32 to vector<128x128xi32>
    %shift_right_logical3A_4273 = arith.shrui %xor3A_4266, %shift_right_logical3A_4272 : vector<128x128xi32>
    %or3A_4274 = arith.ori %shift_left3A_4270, %shift_right_logical3A_4273 : vector<128x128xi32>
    %xor3A_4275 = arith.xori %or3A_4274, %add3A_4267 : vector<128x128xi32>
    %add3A_4276 = arith.constant 0 : i32
    %add3A_4277 = vector.broadcast %add3A_4276 : i32 to vector<128x128xi32>
    %add3A_4278 = arith.addi %add3A_4267, %add3A_4277 : vector<128x128xi32>
    %add3A_4279 = arith.constant 45 : i32
    %add3A_4280 = vector.broadcast %add3A_4279 : i32 to vector<128x128xi32>
    %add3A_4281 = arith.addi %xor3A_4275, %add3A_4280 : vector<128x128xi32>
    %add3A_4282 = arith.addi %add3A_4278, %add3A_4281 : vector<128x128xi32>
    %shift_left3A_4283 = arith.constant 17 : i32
    %shift_left3A_4284 = vector.broadcast %shift_left3A_4283 : i32 to vector<128x128xi32>
    %shift_left3A_4285 = arith.shli %add3A_4281, %shift_left3A_4284 : vector<128x128xi32>
    %shift_right_logical3A_4286 = arith.constant 15 : i32
    %shift_right_logical3A_4287 = vector.broadcast %shift_right_logical3A_4286 : i32 to vector<128x128xi32>
    %shift_right_logical3A_4288 = arith.shrui %add3A_4281, %shift_right_logical3A_4287 : vector<128x128xi32>
    %or3A_4289 = arith.ori %shift_left3A_4285, %shift_right_logical3A_4288 : vector<128x128xi32>
    %xor3A_4290 = arith.xori %or3A_4289, %add3A_4282 : vector<128x128xi32>
    %add3A_4291 = arith.addi %add3A_4282, %xor3A_4290 : vector<128x128xi32>
    %shift_left3A_4292 = arith.constant 29 : i32
    %shift_left3A_4293 = vector.broadcast %shift_left3A_4292 : i32 to vector<128x128xi32>
    %shift_left3A_4294 = arith.shli %xor3A_4290, %shift_left3A_4293 : vector<128x128xi32>
    %shift_right_logical3A_4295 = arith.constant 3 : i32
    %shift_right_logical3A_4296 = vector.broadcast %shift_right_logical3A_4295 : i32 to vector<128x128xi32>
    %shift_right_logical3A_4297 = arith.shrui %xor3A_4290, %shift_right_logical3A_4296 : vector<128x128xi32>
    %or3A_4298 = arith.ori %shift_left3A_4294, %shift_right_logical3A_4297 : vector<128x128xi32>
    %xor3A_4299 = arith.xori %or3A_4298, %add3A_4291 : vector<128x128xi32>
    %add3A_4300 = arith.addi %add3A_4291, %xor3A_4299 : vector<128x128xi32>
    %shift_left3A_4301 = arith.constant 16 : i32
    %shift_left3A_4302 = vector.broadcast %shift_left3A_4301 : i32 to vector<128x128xi32>
    %shift_left3A_4303 = arith.shli %xor3A_4299, %shift_left3A_4302 : vector<128x128xi32>
    %shift_right_logical3A_4304 = arith.constant 16 : i32
    %shift_right_logical3A_4305 = vector.broadcast %shift_right_logical3A_4304 : i32 to vector<128x128xi32>
    %shift_right_logical3A_4306 = arith.shrui %xor3A_4299, %shift_right_logical3A_4305 : vector<128x128xi32>
    %or3A_4307 = arith.ori %shift_left3A_4303, %shift_right_logical3A_4306 : vector<128x128xi32>
    %xor3A_4308 = arith.xori %or3A_4307, %add3A_4300 : vector<128x128xi32>
    %add3A_4309 = arith.addi %add3A_4300, %xor3A_4308 : vector<128x128xi32>
    %shift_left3A_4310 = arith.constant 24 : i32
    %shift_left3A_4311 = vector.broadcast %shift_left3A_4310 : i32 to vector<128x128xi32>
    %shift_left3A_4312 = arith.shli %xor3A_4308, %shift_left3A_4311 : vector<128x128xi32>
    %shift_right_logical3A_4313 = arith.constant 8 : i32
    %shift_right_logical3A_4314 = vector.broadcast %shift_right_logical3A_4313 : i32 to vector<128x128xi32>
    %shift_right_logical3A_4315 = arith.shrui %xor3A_4308, %shift_right_logical3A_4314 : vector<128x128xi32>
    %or3A_4316 = arith.ori %shift_left3A_4312, %shift_right_logical3A_4315 : vector<128x128xi32>
    %xor3A_4317 = arith.xori %or3A_4316, %add3A_4309 : vector<128x128xi32>
    %add3A_4318 = arith.constant 42 : i32
    %add3A_4319 = vector.broadcast %add3A_4318 : i32 to vector<128x128xi32>
    %add3A_4320 = arith.addi %add3A_4309, %add3A_4319 : vector<128x128xi32>
    %add3A_4321 = arith.constant 466689012 : i32
    %add3A_4322 = vector.broadcast %add3A_4321 : i32 to vector<128x128xi32>
    %add3A_4323 = arith.addi %xor3A_4317, %add3A_4322 : vector<128x128xi32>
    %add3A_4324 = arith.addi %add3A_4320, %add3A_4323 : vector<128x128xi32>
    %shift_left3A_4325 = arith.constant 13 : i32
    %shift_left3A_4326 = vector.broadcast %shift_left3A_4325 : i32 to vector<128x128xi32>
    %shift_left3A_4327 = arith.shli %add3A_4323, %shift_left3A_4326 : vector<128x128xi32>
    %shift_right_logical3A_4328 = arith.constant 19 : i32
    %shift_right_logical3A_4329 = vector.broadcast %shift_right_logical3A_4328 : i32 to vector<128x128xi32>
    %shift_right_logical3A_4330 = arith.shrui %add3A_4323, %shift_right_logical3A_4329 : vector<128x128xi32>
    %or3A_4331 = arith.ori %shift_left3A_4327, %shift_right_logical3A_4330 : vector<128x128xi32>
    %xor3A_4332 = arith.xori %or3A_4331, %add3A_4324 : vector<128x128xi32>
    %add3A_4333 = arith.addi %add3A_4324, %xor3A_4332 : vector<128x128xi32>
    %shift_left3A_4334 = arith.constant 15 : i32
    %shift_left3A_4335 = vector.broadcast %shift_left3A_4334 : i32 to vector<128x128xi32>
    %shift_left3A_4336 = arith.shli %xor3A_4332, %shift_left3A_4335 : vector<128x128xi32>
    %shift_right_logical3A_4337 = arith.constant 17 : i32
    %shift_right_logical3A_4338 = vector.broadcast %shift_right_logical3A_4337 : i32 to vector<128x128xi32>
    %shift_right_logical3A_4339 = arith.shrui %xor3A_4332, %shift_right_logical3A_4338 : vector<128x128xi32>
    %or3A_4340 = arith.ori %shift_left3A_4336, %shift_right_logical3A_4339 : vector<128x128xi32>
    %xor3A_4341 = arith.xori %or3A_4340, %add3A_4333 : vector<128x128xi32>
    %add3A_4342 = arith.addi %add3A_4333, %xor3A_4341 : vector<128x128xi32>
    %shift_left3A_4343 = arith.constant 26 : i32
    %shift_left3A_4344 = vector.broadcast %shift_left3A_4343 : i32 to vector<128x128xi32>
    %shift_left3A_4345 = arith.shli %xor3A_4341, %shift_left3A_4344 : vector<128x128xi32>
    %shift_right_logical3A_4346 = arith.constant 6 : i32
    %shift_right_logical3A_4347 = vector.broadcast %shift_right_logical3A_4346 : i32 to vector<128x128xi32>
    %shift_right_logical3A_4348 = arith.shrui %xor3A_4341, %shift_right_logical3A_4347 : vector<128x128xi32>
    %or3A_4349 = arith.ori %shift_left3A_4345, %shift_right_logical3A_4348 : vector<128x128xi32>
    %xor3A_4350 = arith.xori %or3A_4349, %add3A_4342 : vector<128x128xi32>
    %add3A_4351 = arith.addi %add3A_4342, %xor3A_4350 : vector<128x128xi32>
    %shift_left3A_4352 = arith.constant 6 : i32
    %shift_left3A_4353 = vector.broadcast %shift_left3A_4352 : i32 to vector<128x128xi32>
    %shift_left3A_4354 = arith.shli %xor3A_4350, %shift_left3A_4353 : vector<128x128xi32>
    %shift_right_logical3A_4355 = arith.constant 26 : i32
    %shift_right_logical3A_4356 = vector.broadcast %shift_right_logical3A_4355 : i32 to vector<128x128xi32>
    %shift_right_logical3A_4357 = arith.shrui %xor3A_4350, %shift_right_logical3A_4356 : vector<128x128xi32>
    %or3A_4358 = arith.ori %shift_left3A_4354, %shift_right_logical3A_4357 : vector<128x128xi32>
    %xor3A_4359 = arith.xori %or3A_4358, %add3A_4351 : vector<128x128xi32>
    %add3A_4360 = arith.constant 466689008 : i32
    %add3A_4361 = vector.broadcast %add3A_4360 : i32 to vector<128x128xi32>
    %add3A_4362 = arith.addi %add3A_4351, %add3A_4361 : vector<128x128xi32>
    %add3A_4363 = arith.constant 5 : i32
    %add3A_4364 = vector.broadcast %add3A_4363 : i32 to vector<128x128xi32>
    %add3A_4365 = arith.addi %xor3A_4359, %add3A_4364 : vector<128x128xi32>
    %xor3A_4366 = arith.xori %add3A_4362, %add3A_4365 : vector<128x128xi32>
    %shift_right_logical3A_4367 = arith.constant 9 : i32
    %shift_right_logical3A_4368 = vector.broadcast %shift_right_logical3A_4367 : i32 to vector<128x128xi32>
    %shift_right_logical3A_4369 = arith.shrui %xor3A_4366, %shift_right_logical3A_4368 : vector<128x128xi32>
    %or3A_4370 = arith.constant 1065353216 : i32
    %or3A_4371 = vector.broadcast %or3A_4370 : i32 to vector<128x128xi32>
    %or3A_4372 = arith.ori %shift_right_logical3A_4369, %or3A_4371 : vector<128x128xi32>
    %bitcast_convert_type3A_4373 = tpu.bitcast %or3A_4372 : vector<128x128xi32> -> vector<128x128xf32>
    %sub3A_4374 = arith.constant 1.000000e+00 : f32
    %sub3A_4375 = vector.broadcast %sub3A_4374 : f32 to vector<128x128xf32>
    %sub3A_4376 = arith.subf %bitcast_convert_type3A_4373, %sub3A_4375 : vector<128x128xf32>
    %max3A_4377 = arith.constant 1.17549435E-38 : f32
    %max3A_4378 = vector.broadcast %max3A_4377 : f32 to vector<128x128xf32>
    %max3A_4379 = arith.maximumf %max3A_4378, %sub3A_4376 : vector<128x128xf32>
    %log3A_4380 = math.log %max3A_4379 : vector<128x128xf32>
    %neg3A_4381 = arith.constant 0.000000e+00 : f32
    %neg3A_4382 = vector.broadcast %neg3A_4381 : f32 to vector<128x128xf32>
    %neg3A_4383 = arith.subf %neg3A_4382, %log3A_4380 : vector<128x128xf32>
    %log3A_4384 = math.log %neg3A_4383 : vector<128x128xf32>
    %neg3A_4385 = arith.constant 0.000000e+00 : f32
    %neg3A_4386 = vector.broadcast %neg3A_4385 : f32 to vector<128x128xf32>
    %neg3A_4387 = arith.subf %neg3A_4386, %log3A_4384 : vector<128x128xf32>
    %add3A_4388 = arith.addf %concatenate3A, %neg3A_4387 : vector<128x128xf32>
    %reduce_max3A_4389 = arith.constant dense<0xFF800000> : vector<128xf32>
    %reduce_max3A_4390 = vector.multi_reduction <maximumf>, %add3A_4388, %reduce_max3A_4389 [0] : vector<128x128xf32> to vector<128xf32>
    %broadcast_in_dim3A_4391 = vector.shape_cast %reduce_max3A_4390 : vector<128xf32> to vector<1x128xf32>
    %squeeze3A_4392 = vector.shape_cast %broadcast_in_dim3A_4391 : vector<1x128xf32> to vector<128xf32>
    %broadcast_in_dim3A_4393 = vector.shape_cast %squeeze3A_4392 : vector<128xf32> to vector<1x128xf32>
    %eq3A_4394 = vector.broadcast %broadcast_in_dim3A_4393 : vector<1x128xf32> to vector<128x128xf32>
    %eq3A_4395 = arith.cmpf oeq, %add3A_4388, %eq3A_4394 : vector<128x128xf32>
    %jit3A_4396 = arith.constant 1073741824 : i32
    %broadcast_in_dim3A_4397 = vector.broadcast %jit3A_4396 : i32 to vector<128x128xi32>
    %select_n3A_4398 = arith.select %eq3A_4395, %add3A_24, %broadcast_in_dim3A_4397 : vector<128x128xi1>, vector<128x128xi32>
    %reduce_min3A_4399 = arith.constant dense<2147483647> : vector<128xi32>
    %reduce_min3A_4400 = vector.multi_reduction <minsi>, %select_n3A_4398, %reduce_min3A_4399 [0] : vector<128x128xi32> to vector<128xi32>
    %broadcast_in_dim3A_4401 = vector.shape_cast %reduce_min3A_4400 : vector<128xi32> to vector<1x128xi32>
    %squeeze3A_4402 = vector.shape_cast %broadcast_in_dim3A_4401 : vector<1x128xi32> to vector<128xi32>
    %get3A_4403 = arith.constant 15 : index
    %get3A_4404 = arith.constant 0 : index
    %get3A_4405 = vector.load %arg5[%get3A_4403, %get3A_4404] : memref<16x128xf32, #tpu.memory_space<vmem>>, vector<1x128xf32>
    %get3A_4406 = vector.shape_cast %get3A_4405 : vector<1x128xf32> to vector<128xf32>
    %get3A_4407 = arith.constant 15 : index
    %get3A_4408 = arith.constant 0 : index
    %get3A_4409 = vector.load %arg6[%get3A_4407, %get3A_4408] : memref<16x128xi32, #tpu.memory_space<vmem>>, vector<1x128xi32>
    %get3A_4410 = vector.shape_cast %get3A_4409 : vector<1x128xi32> to vector<128xi32>
    %gt3A_4411 = arith.cmpf ogt, %squeeze3A_4392, %get3A_4406 : vector<128xf32>
    %or3A_4412 = vector.broadcast %eq3A_36 : i1 to vector<128xi1>
    %or3A_4413 = arith.ori %or3A_4412, %gt3A_4411 : vector<128xi1>
    %select_n3A_4414 = arith.select %or3A_4413, %squeeze3A_4392, %get3A_4406 : vector<128xi1>, vector<128xf32>
    %swap3A_4415 = arith.constant 15 : index
    %swap3A_4416 = arith.constant 0 : index
    %swap3A_4417 = vector.load %arg5[%swap3A_4415, %swap3A_4416] : memref<16x128xf32, #tpu.memory_space<vmem>>, vector<1x128xf32>
    %swap3A_4418 = vector.shape_cast %swap3A_4417 : vector<1x128xf32> to vector<128xf32>
    %swap3A_4419 = vector.shape_cast %select_n3A_4414 : vector<128xf32> to vector<1x128xf32>
    tpu.vector_store %arg5[%swap3A_4415, %swap3A_4416], %swap3A_4419 {strides = array<i32>} : memref<16x128xf32, #tpu.memory_space<vmem>>, vector<1x128xf32>,
    %select_n3A_4420 = arith.select %or3A_4413, %squeeze3A_4402, %get3A_4410 : vector<128xi1>, vector<128xi32>
    %swap3A_4421 = arith.constant 15 : index
    %swap3A_4422 = arith.constant 0 : index
    %swap3A_4423 = vector.load %arg6[%swap3A_4421, %swap3A_4422] : memref<16x128xi32, #tpu.memory_space<vmem>>, vector<1x128xi32>
    %swap3A_4424 = vector.shape_cast %swap3A_4423 : vector<1x128xi32> to vector<128xi32>
    %swap3A_4425 = vector.shape_cast %select_n3A_4420 : vector<128xi32> to vector<1x128xi32>
    tpu.vector_store %arg6[%swap3A_4421, %swap3A_4422], %swap3A_4425 {strides = array<i32>} : memref<16x128xi32, #tpu.memory_space<vmem>>, vector<1x128xi32>,
    %eq3A_4426 = arith.constant 255 : i32
    %eq3A_4427 = arith.cmpi eq, %arg0, %eq3A_4426 : i32
    %convert_element_type3A_4428 = arith.extui %eq3A_4427 : i1 to i32
    %cond3A = arith.constant 0 : i32
    %cond3A_4429 = arith.cmpi ne, %convert_element_type3A_4428, %cond3A : i32
    scf.if %cond3A_4429 {
      %get3A_4430 = arith.constant 0 : index
      %get3A_4431 = arith.constant 0 : index
      %get3A_4432 = vector.load %arg6[%get3A_4430, %get3A_4431] : memref<16x128xi32, #tpu.memory_space<vmem>>, vector<16x128xi32>
      %iota3A_4433 = tpu.iota {dimensions = array<i32: 1>} : vector<16x128xi32>
      %and3A_4434 = arith.constant 63 : i32
      %and3A_4435 = vector.broadcast %and3A_4434 : i32 to vector<16x128xi32>
      %and3A_4436 = arith.andi %iota3A_4433, %and3A_4435 : vector<16x128xi32>
      %shift_left3A_4437 = arith.constant 15 : i32
      %shift_left3A_4438 = vector.broadcast %shift_left3A_4437 : i32 to vector<16x128xi32>
      %shift_left3A_4439 = arith.shli %and3A_4436, %shift_left3A_4438 : vector<16x128xi32>
      %add3A_4440 = arith.addi %get3A_4432, %shift_left3A_4439 : vector<16x128xi32>
      %shift_right_logical3A_4441 = arith.constant 3 : i32
      %shift_right_logical3A_4442 = vector.broadcast %shift_right_logical3A_4441 : i32 to vector<16x128xi32>
      %shift_right_logical3A_4443 = arith.shrui %add3A_4440, %shift_right_logical3A_4442 : vector<16x128xi32>
      %swap3A_4444 = arith.constant 0 : index
      %swap3A_4445 = arith.constant 0 : index
      %swap3A_4446 = vector.load %arg3[%swap3A_4444, %swap3A_4445] : memref<16x128xi32, #tpu.memory_space<vmem>>, vector<16x128xi32>
      tpu.vector_store %arg3[%swap3A_4444, %swap3A_4445], %shift_right_logical3A_4443 {strides = array<i32>} : memref<16x128xi32, #tpu.memory_space<vmem>>, vector<16x128xi32>,
      %and3A_4447 = arith.constant 7 : i32
      %and3A_4448 = vector.broadcast %and3A_4447 : i32 to vector<16x128xi32>
      %and3A_4449 = arith.andi %add3A_4440, %and3A_4448 : vector<16x128xi32>
      %swap3A_4450 = arith.constant 0 : index
      %swap3A_4451 = arith.constant 0 : index
      %swap3A_4452 = vector.load %arg4[%swap3A_4450, %swap3A_4451] : memref<16x128xi32, #tpu.memory_space<vmem>>, vector<16x128xi32>
      tpu.vector_store %arg4[%swap3A_4450, %swap3A_4451], %and3A_4449 {strides = array<i32>} : memref<16x128xi32, #tpu.memory_space<vmem>>, vector<16x128xi32>,
    } else {
    }
    return
  }
  func.func @transform_0(%arg0: i32) -> (i32, i32) {
    %c0_i32 = arith.constant 0 : i32
    %c0_i32_0 = arith.constant 0 : i32
    return %c0_i32, %arg0 : i32, i32
  }
  func.func @transform_1(%arg0: i32) -> (i32, i32) {
    %c0_i32 = arith.constant 0 : i32
    %c0_i32_0 = arith.constant 0 : i32
    %c0_i32_1 = arith.constant 0 : i32
    return %c0_i32, %c0_i32_0 : i32, i32
  }
  func.func @transform_2(%arg0: i32) -> (i32, i32) {
    %c0_i32 = arith.constant 0 : i32
    %c0_i32_0 = arith.constant 0 : i32
    %c0_i32_1 = arith.constant 0 : i32
    return %c0_i32, %c0_i32_0 : i32, i32
  }
  func.func @transform_3(%arg0: i32) -> (i32, i32) {
    %c0_i32 = arith.constant 0 : i32
    %c0_i32_0 = arith.constant 0 : i32
    %c0_i32_1 = arith.constant 0 : i32
    return %c0_i32, %c0_i32_0 : i32, i32
  }
}

module attributes {stable_mosaic.version = 14 : i64} {
  func.func @_extract_body(%arg0: memref<2048x128xf32, #tpu.memory_space<vmem>>, %arg1: memref<2048x1xi32, #tpu.memory_space<vmem>>, %arg2: memref<2048x16xf32, #tpu.memory_space<vmem>>) attributes {dimension_semantics = [], scalar_prefetch = 0 : i64, scratch_operands = 0 : i64, tpu.core_type = #tpu.core_type<tc>} {
    %get3A = arith.constant 0 : index
    %get3A_0 = arith.constant 0 : index
    %get3A_1 = vector.load %arg0[%get3A, %get3A_0] : memref<2048x128xf32, #tpu.memory_space<vmem>>, vector<2048x128xf32>
    %get3A_2 = arith.constant 0 : index
    %get3A_3 = arith.constant 0 : index
    %get3A_4 = vector.load %arg1[%get3A_2, %get3A_3] : memref<2048x1xi32, #tpu.memory_space<vmem>>, vector<2048x1xi32>
    %broadcast_in_dim3A = arith.constant 0.000000e+00 : f32
    %broadcast_in_dim3A_5 = vector.broadcast %broadcast_in_dim3A : f32 to vector<2048x16xf32>
    %slice3A = vector.extract_strided_slice %get3A_1 {offsets = [0, 0], sizes = [2048, 16], strides = [1, 1]} : vector<2048x128xf32> to vector<2048x16xf32>
    %eq3A = arith.constant 0 : i32
    %eq3A_6 = vector.broadcast %eq3A : i32 to vector<2048x1xi32>
    %eq3A_7 = arith.cmpi eq, %get3A_4, %eq3A_6 : vector<2048x1xi32>
    %broadcast_in_dim3A_8 = vector.shape_cast %eq3A_7 : vector<2048x1xi1> to vector<2048x1xi1>
    %broadcast_in_dim3A_9 = vector.broadcast %broadcast_in_dim3A_8 : vector<2048x1xi1> to vector<2048x16xi1>
    %select_n3A = arith.select %broadcast_in_dim3A_9, %slice3A, %broadcast_in_dim3A_5 : vector<2048x16xi1>, vector<2048x16xf32>
    %slice3A_10 = vector.extract_strided_slice %get3A_1 {offsets = [0, 16], sizes = [2048, 16], strides = [1, 1]} : vector<2048x128xf32> to vector<2048x16xf32>
    %eq3A_11 = arith.constant 1 : i32
    %eq3A_12 = vector.broadcast %eq3A_11 : i32 to vector<2048x1xi32>
    %eq3A_13 = arith.cmpi eq, %get3A_4, %eq3A_12 : vector<2048x1xi32>
    %broadcast_in_dim3A_14 = vector.shape_cast %eq3A_13 : vector<2048x1xi1> to vector<2048x1xi1>
    %broadcast_in_dim3A_15 = vector.broadcast %broadcast_in_dim3A_14 : vector<2048x1xi1> to vector<2048x16xi1>
    %select_n3A_16 = arith.select %broadcast_in_dim3A_15, %slice3A_10, %select_n3A : vector<2048x16xi1>, vector<2048x16xf32>
    %slice3A_17 = vector.extract_strided_slice %get3A_1 {offsets = [0, 32], sizes = [2048, 16], strides = [1, 1]} : vector<2048x128xf32> to vector<2048x16xf32>
    %eq3A_18 = arith.constant 2 : i32
    %eq3A_19 = vector.broadcast %eq3A_18 : i32 to vector<2048x1xi32>
    %eq3A_20 = arith.cmpi eq, %get3A_4, %eq3A_19 : vector<2048x1xi32>
    %broadcast_in_dim3A_21 = vector.shape_cast %eq3A_20 : vector<2048x1xi1> to vector<2048x1xi1>
    %broadcast_in_dim3A_22 = vector.broadcast %broadcast_in_dim3A_21 : vector<2048x1xi1> to vector<2048x16xi1>
    %select_n3A_23 = arith.select %broadcast_in_dim3A_22, %slice3A_17, %select_n3A_16 : vector<2048x16xi1>, vector<2048x16xf32>
    %slice3A_24 = vector.extract_strided_slice %get3A_1 {offsets = [0, 48], sizes = [2048, 16], strides = [1, 1]} : vector<2048x128xf32> to vector<2048x16xf32>
    %eq3A_25 = arith.constant 3 : i32
    %eq3A_26 = vector.broadcast %eq3A_25 : i32 to vector<2048x1xi32>
    %eq3A_27 = arith.cmpi eq, %get3A_4, %eq3A_26 : vector<2048x1xi32>
    %broadcast_in_dim3A_28 = vector.shape_cast %eq3A_27 : vector<2048x1xi1> to vector<2048x1xi1>
    %broadcast_in_dim3A_29 = vector.broadcast %broadcast_in_dim3A_28 : vector<2048x1xi1> to vector<2048x16xi1>
    %select_n3A_30 = arith.select %broadcast_in_dim3A_29, %slice3A_24, %select_n3A_23 : vector<2048x16xi1>, vector<2048x16xf32>
    %slice3A_31 = vector.extract_strided_slice %get3A_1 {offsets = [0, 64], sizes = [2048, 16], strides = [1, 1]} : vector<2048x128xf32> to vector<2048x16xf32>
    %eq3A_32 = arith.constant 4 : i32
    %eq3A_33 = vector.broadcast %eq3A_32 : i32 to vector<2048x1xi32>
    %eq3A_34 = arith.cmpi eq, %get3A_4, %eq3A_33 : vector<2048x1xi32>
    %broadcast_in_dim3A_35 = vector.shape_cast %eq3A_34 : vector<2048x1xi1> to vector<2048x1xi1>
    %broadcast_in_dim3A_36 = vector.broadcast %broadcast_in_dim3A_35 : vector<2048x1xi1> to vector<2048x16xi1>
    %select_n3A_37 = arith.select %broadcast_in_dim3A_36, %slice3A_31, %select_n3A_30 : vector<2048x16xi1>, vector<2048x16xf32>
    %slice3A_38 = vector.extract_strided_slice %get3A_1 {offsets = [0, 80], sizes = [2048, 16], strides = [1, 1]} : vector<2048x128xf32> to vector<2048x16xf32>
    %eq3A_39 = arith.constant 5 : i32
    %eq3A_40 = vector.broadcast %eq3A_39 : i32 to vector<2048x1xi32>
    %eq3A_41 = arith.cmpi eq, %get3A_4, %eq3A_40 : vector<2048x1xi32>
    %broadcast_in_dim3A_42 = vector.shape_cast %eq3A_41 : vector<2048x1xi1> to vector<2048x1xi1>
    %broadcast_in_dim3A_43 = vector.broadcast %broadcast_in_dim3A_42 : vector<2048x1xi1> to vector<2048x16xi1>
    %select_n3A_44 = arith.select %broadcast_in_dim3A_43, %slice3A_38, %select_n3A_37 : vector<2048x16xi1>, vector<2048x16xf32>
    %slice3A_45 = vector.extract_strided_slice %get3A_1 {offsets = [0, 96], sizes = [2048, 16], strides = [1, 1]} : vector<2048x128xf32> to vector<2048x16xf32>
    %eq3A_46 = arith.constant 6 : i32
    %eq3A_47 = vector.broadcast %eq3A_46 : i32 to vector<2048x1xi32>
    %eq3A_48 = arith.cmpi eq, %get3A_4, %eq3A_47 : vector<2048x1xi32>
    %broadcast_in_dim3A_49 = vector.shape_cast %eq3A_48 : vector<2048x1xi1> to vector<2048x1xi1>
    %broadcast_in_dim3A_50 = vector.broadcast %broadcast_in_dim3A_49 : vector<2048x1xi1> to vector<2048x16xi1>
    %select_n3A_51 = arith.select %broadcast_in_dim3A_50, %slice3A_45, %select_n3A_44 : vector<2048x16xi1>, vector<2048x16xf32>
    %slice3A_52 = vector.extract_strided_slice %get3A_1 {offsets = [0, 112], sizes = [2048, 16], strides = [1, 1]} : vector<2048x128xf32> to vector<2048x16xf32>
    %eq3A_53 = arith.constant 7 : i32
    %eq3A_54 = vector.broadcast %eq3A_53 : i32 to vector<2048x1xi32>
    %eq3A_55 = arith.cmpi eq, %get3A_4, %eq3A_54 : vector<2048x1xi32>
    %broadcast_in_dim3A_56 = vector.shape_cast %eq3A_55 : vector<2048x1xi1> to vector<2048x1xi1>
    %broadcast_in_dim3A_57 = vector.broadcast %broadcast_in_dim3A_56 : vector<2048x1xi1> to vector<2048x16xi1>
    %select_n3A_58 = arith.select %broadcast_in_dim3A_57, %slice3A_52, %select_n3A_51 : vector<2048x16xi1>, vector<2048x16xf32>
    %swap3A = arith.constant 0 : index
    %swap3A_59 = arith.constant 0 : index
    %swap3A_60 = vector.load %arg2[%swap3A, %swap3A_59] : memref<2048x16xf32, #tpu.memory_space<vmem>>, vector<2048x16xf32>
    tpu.vector_store %arg2[%swap3A, %swap3A_59], %select_n3A_58 {strides = array<i32>} : memref<2048x16xf32, #tpu.memory_space<vmem>>, vector<2048x16xf32>,
    return
  }
}

</mosaic_0001>

<sc_bundles>
// kernel: kernel.5.cloned.1.call-start
scs
__scs_entry_jumppad:
0x0: {  	(pc) =	sbr.rel $0x88, $3  }
0x1: {  	(tag) =	ssettag $0x0;
	lr =	simm.s32 $0x1  }
0x2: {  	[smem:$0x3F9F] =	sst lr;
	_ =	strace $0xD0000000  }
0x3: {  	_ = 	snop  }
0x4: {  	_ = 	snop  }
0x5: {  	_ = 	snop  }
0x6: {  	_ = 	snop  }
0x7: {  	_ = 	snop  }
__scs_overlays_trampoline_lowered:
0x8: {  	[smem:$0x3FAE] =	sst s0  }
0x9: {  	[smem:$0x3FAF] =	sst s1  }
0xa: {  	[smem:$0x3FB0] =	sst s2  }
0xb: {  	[smem:$0x3FB1] =	sst s3  }
0xc: {  	[smem:$0x3FB2] =	sst s4  }
0xd: {  	[smem:$0x3FB3] =	sst s5  }
0xe: {  	[smem:$0x3FB4] =	sst s6  }
0xf: {  	[smem:$0x3FB5] =	sst s7  }
0x10: {  	[smem:$0x3FB6] =	sst s8  }
0x11: {  	[smem:$0x3FB7] =	sst s9;
	s0 =	simm.s32 @!p0 $0x0  }
0x12: {  	s1 =	sld [smem:$0x3F9D];
	s0 =	simm.s32 @p0 $0x1  }
0x13: {  	[smem:$0x3FB8] =	sst s0;
	s0 =	simm.s32 @!p1 $0x0  }
0x14: {  	s2 =	sld [smem:$0x3F9C];
	s0 =	simm.s32 @p1 $0x1  }
0x15: {  	[smem:$0x3FB9] =	sst s0;
	s0 =	simm.s32 @!p2 $0x0  }
0x16: {  	s3 =	sld [smem:$0x3FDB];
	s0 =	simm.s32 @p2 $0x1  }
0x17: {  	s4 =	simm.s32 $0x1BF5;
	[smem:$0x3FBB] =	sst s0  }
0x18: {  	s0 =	sld [smem:$0x3F9E];
	_ =	swait.ge [sflag:s4], $0x0  }
0x19: {  	s7 =	sld [smem:$0x3F9F]  }
0x1a: {  	s8 =	sadd.s32 $0xFFFFE003, lr  }
0x1b: {  	s9 =	sadd.s32 $0xFFFFFEF7, lr;
	s5 =	simm.s32 $0xFFFFFFFF;
	p2 =	slt.u32 s8, $0xFFFFF086  }
0x1c: {  	p1 =	slt.u32 s9, $0xF7A;
	s5 =	simm.s32 @!p2 $0x0  }
0x1d: {  	s5 =	simm.s32 @p1 $0x1;
	p0 =	seq.s32 s7, s2  }
0x1e: {  	s7 =	smul.u32 @!p0 $0xF7A, s2;
	p2 =	seq.s32 @!p0 s5, $0x0  }
0x1f: {  	s9 =	smul.u32 $0xF7A, s1;
	s8 =	simm.s32 @!p0 $0x1BF5;
	p2 =	por !p2, p0  }
0x20: {  	[sflag:s8] =	ssyncset.s32 @!p0 $0xFFFFF086;
	s6 =	sadd.s32 @!p0 s3, s7;
	s7 =	simm.s32 @!p0 $0x108  }
0x21: {  	s3 =	sadd.s32 s3, s9;
	s6 =	sadd.s32 @!p0 $0x88, s6;
	s7 =	simm.s32 @p2 $0x1082  }
0x22: {  	[simem:s7], [sflag:s8] =	dma.local @!p0 [hbm:s6], $0xF7A  }
0x23: {  	s9 =	sor.u32 $0xD0000000, s2;
	s6 =	simm.s32 $0x108;
	_ =	swait.ge @!p0 [sflag:s8], $0x0  }
0x24: {  	s3 =	sadd.s32 $0x88, s3;
	s6 =	simm.s32 @!p1 $0x1082;
	[sflag:s4] =	ssyncset.s32 $0xFFFFF086  }
0x25: {  	[simem:s6], [sflag:s4] =	dma.local [hbm:s3], $0xF7A  }
0x26: {  	[smem:$0x3F9F] =	sst s1;
	(tag) =	ssettag s2;
	_ =	strace s9  }
0x27: {  	s1 =	sld [smem:$0x3FAF]  }
0x28: {  	s2 =	sld [smem:$0x3FB0]  }
0x29: {  	s4 =	sld [smem:$0x3FB2]  }
0x2a: {  	p0 =	seq.s32 s5, $0x0;
	s5 =	sld [smem:$0x3FB3]  }
0x2b: {  	s6 =	sld [smem:$0x3FB4]  }
0x2c: {  	s7 =	sld [smem:$0x3FB5]  }
0x2d: {  	s3 =	simm.s32 $0x108;
	s8 =	sld [smem:$0x3FB6]  }
0x2e: {  	s3 =	simm.s32 @!p0 $0x1082;
	s9 =	sld [smem:$0x3FB7]  }
0x2f: {  	lr =	sadd.s32 s0, s3;
	s0 =	sld [smem:$0x3FAE]  }
0x30: {  	s3 =	sld [smem:$0x3FB1]  }
0x31: {  	[smem:$0x3FBA] =	sst s10  }
0x32: {  	s10 =	sld [smem:$0x3FB8];
	_ =	sdelay $0x3  }
0x33: {  	p0 =	seq.s32 s10, $0x1;
	s10 =	sld [smem:$0x3FBA];
	_ =	sdelay $0x3  }
0x34: {  	[smem:$0x3FBA] =	sst s10  }
0x35: {  	s10 =	sld [smem:$0x3FB9];
	_ =	sdelay $0x3  }
0x36: {  	p1 =	seq.s32 s10, $0x1;
	s10 =	sld [smem:$0x3FBA];
	_ =	sdelay $0x3  }
0x37: {  	[smem:$0x3FBA] =	sst s10  }
0x38: {  	s10 =	sld [smem:$0x3FBB]  }
0x39: {  	_ = 	snop;
	(pc) =	sbr.ind lr, $3  }
0x3a: {  	_ = 	snop  }
0x3b: {  	_ = 	snop  }
0x3c: {  	p2 =	seq.s32 s10, $0x1;
	s10 =	sld [smem:$0x3FBA]  }
0x3d: {  	_ =	shalt  }
0x3e: {  	_ =	shalt  }
0x3f: {  	_ =	shalt  }
0x40: {  	_ =	shalt  }
0x41: {  	_ =	shalt  }
0x42: {  	_ =	shalt  }
0x43: {  	_ =	shalt  }
0x44: {  	_ =	shalt  }
0x45: {  	_ =	shalt  }
0x46: {  	_ =	shalt  }
0x47: {  	_ =	shalt  }
0x48: {  	_ =	shalt  }
0x49: {  	_ =	shalt  }
0x4a: {  	_ =	shalt  }
0x4b: {  	_ =	shalt  }
0x4c: {  	_ =	shalt  }
0x4d: {  	_ =	shalt  }
0x4e: {  	_ =	shalt  }
0x4f: {  	_ =	shalt  }
0x50: {  	_ =	shalt  }
0x51: {  	_ =	shalt  }
0x52: {  	_ =	shalt  }
0x53: {  	_ =	shalt  }
0x54: {  	_ =	shalt  }
0x55: {  	_ =	shalt  }
0x56: {  	_ =	shalt  }
0x57: {  	_ =	shalt  }
0x58: {  	_ =	shalt  }
0x59: {  	_ =	shalt  }
0x5a: {  	_ =	shalt  }
0x5b: {  	_ =	shalt  }
0x5c: {  	_ =	shalt  }
0x5d: {  	_ =	shalt  }
0x5e: {  	_ =	shalt  }
0x5f: {  	_ =	shalt  }
0x60: {  	_ =	shalt  }
0x61: {  	_ =	shalt  }
0x62: {  	_ =	shalt  }
0x63: {  	_ =	shalt  }
0x64: {  	_ =	shalt  }
0x65: {  	_ =	shalt  }
0x66: {  	_ =	shalt  }
0x67: {  	_ =	shalt  }
0x68: {  	_ =	shalt  }
0x69: {  	_ =	shalt  }
0x6a: {  	_ =	shalt  }
0x6b: {  	_ =	shalt  }
0x6c: {  	_ =	shalt  }
0x6d: {  	_ =	shalt  }
0x6e: {  	_ =	shalt  }
0x6f: {  	_ =	shalt  }
0x70: {  	_ =	shalt  }
0x71: {  	_ =	shalt  }
0x72: {  	_ =	shalt  }
0x73: {  	_ =	shalt  }
0x74: {  	_ =	shalt  }
0x75: {  	_ =	shalt  }
0x76: {  	_ =	shalt  }
0x77: {  	_ =	shalt  }
0x78: {  	_ =	shalt  }
0x79: {  	_ =	shalt  }
0x7a: {  	_ =	shalt  }
0x7b: {  	_ =	shalt  }
0x7c: {  	_ =	shalt  }
0x7d: {  	_ =	shalt  }
0x7e: {  	_ =	shalt  }
0x7f: {  	_ =	shalt  }
0x80: {  	_ =	shalt  }
0x81: {  	_ =	shalt  }
0x82: {  	_ =	shalt  }
0x83: {  	_ =	shalt  }
0x84: {  	_ =	shalt  }
0x85: {  	_ =	shalt  }
0x86: {  	_ =	shalt  }
0x87: {  	_ =	shalt  }
.Lfunc_end0:
.L_simem_size_0:
called_computation_lowered:
.L_overlay_start_0:
0x88: {  	s2 =	sld [smem:$0x3FD9]  }
0x89: {  	s3 =	sld [smem:$0x3FFE];
	_ =	sdelay $0x1  }
0x8a: {  	s1 =	srdreg.scid  }
0x8b: {  	s0 =	sand.u32 $0x1, s1  }
0x8c: {  	s17 =	sshll.u32 s0, $0xA;
	s2 =	sadd.s32 s3, s2  }
0x8d: {  	s2 =	sadd.s32 s2, s17  }
0x8e: {  	[smem:$0x3FC6] =	sst s2  }
0x8f: {  	_ = 	snop  }
0x90: {  	s2 =	sld [smem:$0x3FD0];
	(tm) =	ssettm $0x1  }
0x91: {  	s18 =	sld [smem:$0x3FFB];
	_ =	sdelay $0x3  }
0x92: {  	_ =	strace s18  }
0x93: {  	s3 =	sld [smem:$0x3FFC];
	_ =	sdelay $0x3  }
0x94: {  	_ =	strace s3  }
0x95: {  	s3 =	sld [smem:$0x3FFD];
	_ =	sdelay $0x3  }
0x96: {  	_ =	strace s3  }
0x97: {  	_ =	strace $0x8FFFFFFF  }
0x98: {  	s19 =	sld [smem:$0x3FDB];
	_ =	sdelay $0x1  }
0x99: {  	s4 =	simm.s32 $_scs_section_size  }
0x9a: {  	s5 =	simm.s32 $_size__tile_overlayer_lowered;
	s6 =	simm.s32 $_tile_overlayer_lowered  }
0x9b: {  	s22 =	simm.s32 $0x1BFF;
	s21 =	sshll.u32 s6, $0x1;
	s3 =	sadd.s32 s4, s19  }
0x9c: {  	s7 =	simm.s32 $0x0;
	s20 =	sshll.u32 s5, $0x1;
	s5 =	sadd.s32 s21, s3  }
0x9d: {  	[timem:s7], [sflag:s22] =	dma.local [hbm:s5], s20  }
0x9e: {  	_ =	swait.ge [sflag:s22], s20  }
0x9f: {  	s4 =	ssub.s32 $0x0, s20;
	[sflag:s22] =	ssyncset.done $0x0  }
0xa0: {  	[sflag:s22] =	ssyncadd.s32 s4;
	_ =	sdelay $0x1  }
0xa1: {  	s23 =	simm.s32 $0x1B8B  }
0xa2: {  	_ =	swait.ge [sflag:s23], $0x1  }
0xa3: {  	[sflag:s23] =	ssyncset.done $0x0  }
0xa4: {  	s25 =	simm.s32 $0x1B8E;
	s24 =	sld [smem:$0x3FFE];
	[sflag:s23] =	ssyncadd.s32 $0xFFFFFFFF  }
0xa5: {  	s26 =	simm.s32 $execute0_lowered;
	[smem:$0x3FD2] =	sst s25  }
0xa6: {  	s5 =	sshll.u32 s26, $0x1;
	_ =	strace $0x80000046;
	[dreg:$0x1] =	wrdreg $0xFFFFFFFF  }
0xa7: {  	s28 =	simm.s32 $_size_execute0_lowered;
	s3 =	sadd.s32 s3, s5;
	[dreg:$0x0] =	wrdreg $0x0  }
0xa8: {  	s5 =	sshll.u32 s28, $0x1;
	[dreg:$0x2] =	wrdreg s3  }
0xa9: {  	[dreg:$0x3] =	wrdreg s5  }
0xaa: {  	[dreg:$0x4] =	wrdreg $0xC0  }
0xab: {  	_ =	task [dreg:s7], $0x5FFFF  }
0xac: {  	[dreg:$0x1] =	wrdreg $0xFFFFFFFF  }
0xad: {  	[dreg:$0x0] =	wrdreg $0x60  }
0xae: {  	[dreg:$0x2] =	wrdreg s24  }
0xaf: {  	[dreg:$0x3] =	wrdreg s2  }
0xb0: {  	[dreg:$0x4] =	wrdreg $0x9  }
0xb1: {  	_ =	task.clear_ibuf [dreg:s7], $0x5FFFF;
	_ =	strace $0x90000046  }
0xb2: {  	s29 =	simm.s32 $0x9;
	_ =	strace $0x80000048  }
0xb3: {  	_ =	swait.ge [sflag:s29], $0x1  }
0xb4: {  	[sflag:s29] =	ssyncadd.s32 $0xFFFFFFFF  }
0xb5: {  	_ =	strace $0x90000048  }
0xb6: {  	_ =	sfence  }
0xb7: {  	s30 =	sld [smem:$0x0];
	_ =	sdelay $0x2  }
0xb8: {  	s31 =	sshll.u32 s1, $0xD;
	s1 =	sshrl.u32 s1, $0x2  }
0xb9: {  	s3 =	sand.u32 $0x4000, s31;
	s1 =	sadd.s32 s1, s30  }
0xba: {  	s0 =	sor.u32 s3, s0;
	s1 =	sshll.u32 s1, $0x11  }
0xbb: {  	s0 =	sor.u32 s1, s0  }
0xbc: {  	s0 =	sadd.s32 $0x8F2B, s0  }
0xbd: {  	[sflag:s0] =	ssyncadd.remote.s32 $0x1  }
0xbe: {  	_ =	sfence.sel $0xFFFF  }
0xbf: {  	[dreg:$0x0] =	wrdreg $0xFFFFFFFF;
	(pc) =	sbr.abs _section_cstart, $3  }
0xc0: {  	[dreg:$0x1] =	wrdreg $0xFFFFFFFF  }
0xc1: {  	_ =	task.clear_ibuf [dreg:s7], $0x2FFFF;
	_ =	strace $0x9FFFFFFF  }
0xc2: {  	(tm) =	ssettm $0x7FFFFFFF  }
0xc3: {  	_ =	shalt  }
tec
execute0_lowered:
.L_overlay_start_1:
0x0: {  	(tag) =	ssettag $0x1  }
0x1: {  	s1 =	srdreg.scid;
	s9 =	rddreg [dreg:$0x0]  }
0x2: {  	s0 =	stileid.u32;
	s3 =	rddreg [dreg:$0x1]  }
0x3: {  	s2 =	simm.s32 $0x0;
	s7 =	simm.s32 $0x80;
	s6 =	sand.u32 $0x1, s1  }
0x4: {  	s4 =	sshll.u32 s0, $0x7;
	s1 =	rddreg [dreg:$0x2];
	s5 =	sshll.u32 s6, $0x6  }
0x5: {  	s8 =	simm.s32 $0x1;
	[smem:$0x7FF] =	sst s2;
	s10 =	sor.u32 s5, s4  }
0x6: {  	_ =	strace $0x80000047;
	s11 =	ssub.s32 $0x2, s6;
	s4 =	sshrl.u32 s10, $0x3  }
0x7: {  	s6 =	simm.s32 $0x40;
	s4 =	sadd.s32 s3, s4;
	s3 =	simm.s32 $0x2  }
0x8: {  	[tilespmem:s2], [sflag:$0x2] =	stream.linear.gather [hbm4b:s4+s2], $0x40, $0x38;
	[tilespmem:$0x2080] =	vst v63  }
0x9: {  	s5 =	sadd.s32 $0x2801800, s9;
	s12 =	sshrl.u32 s11, $0x1;
	_ =	swait.ge [sflag:s3], $0x40  }
0xa: {  	s10 =	sshll.u32 s10, $0x4;
	s31 =	ssub.s32 s11, s12;
	[sflag:s3] =	ssyncset.done $0x0  }
0xb: {  	s9 =	sadd.s32 s10, s9;
	s10 =	smax.u32 s31, $0x1;
	[sflag:s3] =	ssyncadd.s32 $0xFFFFFFC0  }
0xc: {  	[tilespmem:s7], [sflag:$0x1] =	stream.indirect.gather [hbm4b:s5+s6], $0x80, s2, s6, $0xb8;
	[tilespmem:$0x2080] =	vst v63  }
0xd: {  	p0 =	sne.s32 s10, $0x1;
	_ =	swait.ge [sflag:s8], $0x2000  }
.Ltmp0:
0xe: {  	[sflag:s8] =	ssyncset.done $0x0;
	(pc) =	sbr.rel @!p0 .LBB2_2-.Ltmp0, $4  }
0xf: {  	s9 =	sadd.s32 $0x1400, s9;
	[sflag:s8] =	ssyncadd.s32 $0xFFFFE000  }
0x10: {  	[hbm4b:s9+s2] =	stream.linear.scatter [tilespmem:s7], [sflag:$0x2], $0x2000, $0x38;
	[tilespmem:$0x2080] =	vst v63  }
0x11: {  	_ =	swait.ge [sflag:s3], $0x2000  }
0x12: {  	s10 =	sadd.s32 $0xFFFFFFFF, s10;
	[sflag:s3] =	ssyncset.done $0x0  }
.LBB2_1:
0x13: {  	p0 =	sne.s32 s10, $0x1;
	s10 =	sadd.s32 $0xFFFFFFFF, s10;
	[sflag:s3] =	ssyncadd.s32 $0xFFFFE000  }
0x14: {  	[tilespmem:s2], [sflag:$0x2] =	stream.linear.gather [hbm4b:s4+s2], $0x40, $0x38;
	[tilespmem:$0x2080] =	vst v63  }
0x15: {  	_ =	swait.ge [sflag:s3], $0x40  }
0x16: {  	[sflag:s3] =	ssyncset.done $0x0  }
0x17: {  	[sflag:s3] =	ssyncadd.s32 $0xFFFFFFC0  }
0x18: {  	[tilespmem:s7], [sflag:$0x1] =	stream.indirect.gather [hbm4b:s5+s6], $0x80, s2, s6, $0xb8;
	[tilespmem:$0x2080] =	vst v63  }
0x19: {  	_ =	swait.ge [sflag:s8], $0x2000  }
.Ltmp1:
0x1a: {  	[sflag:s8] =	ssyncset.done $0x0;
	(pc) =	sbr.rel @p0 .LBB2_1-.Ltmp1, $4  }
0x1b: {  	[sflag:s8] =	ssyncadd.s32 $0xFFFFE000  }
0x1c: {  	[hbm4b:s9+s2] =	stream.linear.scatter [tilespmem:s7], [sflag:$0x2], $0x2000, $0x38;
	[tilespmem:$0x2080] =	vst v63  }
0x1d: {  	_ =	swait.ge [sflag:s3], $0x2000  }
0x1e: {  	[sflag:s3] =	ssyncset.done $0x0  }
.LBB2_2:
0x1f: {  	[sflag:s3] =	ssyncadd.s32 $0xFFFFE000  }
0x20: {  	_ =	sfence.sel $0x180000  }
0x21: {  	[bflag:$0x0] =	sbarrier.arrive $0xFFFF  }
0x22: {  	p0 =	sne.s32 s0, $0x0;
	_ =	strace $0x90000047  }
0x23: {  	s0 =	sadd.s32 @!p0 $0x100000, s1;
	[bflag:$0x2] =	sbarrier.arrive $0xFFFF  }
0x24: {  	[sflag:s0] =	ssyncadd.tile.s32 @!p0 $0x1;
	_ =	shalt  }
.Lfunc_end2:
_tile_overlayer_lowered:
.L_overlay_start_2:
0x25: {  	(tag) =	ssettag $0x2  }
0x26: {  	s0 =	rddreg [dreg:$0x0];
	s2 =	stileid.u32  }
0x27: {  	s1 =	rddreg [dreg:$0x1];
	p0 =	sne.s32 s2, $0x0  }
0x28: {  	s3 =	rddreg [dreg:$0x2];
	[bflag:$0x3] =	sbarrier.arrive $0xFFFF;
	s2 =	simm.s32 @!p0 $0x1C02  }
0x29: {  	[timem:s3], [sflag:s2] =	dma.local @!p0 [hbm:s0], s1  }
0x2a: {  	s0 =	simm.s32 @!p0 $0x2  }
0x2b: {  	_ =	swait.ge @!p0 [sflag:s0], s1  }
0x2c: {  	s1 =	ssub.s32 @!p0 $0x0, s1;
	[sflag:s0] =	ssyncset.done @!p0 $0x0  }
0x2d: {  	[sflag:s0] =	ssyncadd.s32 @!p0 s1  }
0x2e: {  	[bflag:$0x3] =	sbarrier.arrive $0xFFFF  }
0x2f: {  	_ =	shalt  }

</sc_bundles>
